<compile_context>
chip_gen: v7x
topology: tpu7x:2x2x1
jax: 0.10.2.dev20260603
libtpu: 0.0.44.dev20260713+nightly
codegen_flags: <defaults>
</compile_context>

<pallas_src>
import functools

import jax
import jax.numpy as jnp
from jax import lax
from jax.experimental import pallas as pl
from jax.experimental.pallas import tpu as pltpu
from jax.experimental.pallas import tpu_sc as plsc

F32 = jnp.float32

_N = 10000
_E = 320000
_H = 128
_HH = _H // 2
_G = 64

_NC = 2
_NS = 16
_NW = _NC * _NS
_CH = 128
_EP = 327680
_EPT = _EP // _NW
_NCHUNK = _EPT // _CH
_NP = _N + 16
_NH = _N + 16
_RPT = 640
_RCH = 160


def _dot_t(a, w):
    return lax.dot_general(a.astype(jnp.bfloat16), w.astype(jnp.bfloat16),
                           (((1,), (1,)), ((), ())),
                           preferred_element_type=F32)



_NB = 4


def _fill(ref, rows, cols, val):
    groups = cols // 16

    def body(i, c):
        ref[i // groups, pl.ds((i % groups) * 16, 16)] = jnp.full((16,), val, F32)
        return c

    lax.fori_loop(0, rows * groups, body, 0)


def _sc_agg_body(with_counts, *refs):
    if with_counts:
        (u0_hbm, u1_hbm, e_hbm,
         s_out, cnt_out,
         src_blk, dst_blk, zbuf, hist, acc_sp,
         *rest) = refs
    else:
        (u0_hbm, u1_hbm, e_hbm,
         s_out,
         src_blk, dst_blk, zbuf, acc_sp, *rest) = refs
    rows_v = rest[:_NB]
    gsem = rest[_NB:2 * _NB]
    ssem = rest[2 * _NB:3 * _NB]
    csem = rest[3 * _NB:]

    cid = lax.axis_index("c")
    sid = lax.axis_index("s")
    w = cid * _NS + sid
    nck = jnp.clip((_E // _CH) - w * _NCHUNK, _NB, _NCHUNK)
    my_rows = pl.ds(jnp.minimum(sid * _RPT, _N - _RPT), _RPT)

    start_row = jnp.minimum(sid * _RPT, _N - _RPT)

    pltpu.sync_copy(e_hbm.at[0, pl.ds(w * _NCHUNK, _NCHUNK)], src_blk)
    pltpu.sync_copy(e_hbm.at[1, pl.ds(w * _NCHUNK, _NCHUNK)], dst_blk)
    if with_counts:
        def zh(i, c):
            hist[pl.ds(i * 16, 16)] = jnp.zeros((16,), F32)
            return c
        lax.fori_loop(0, _NH // 16, zh, 0)

    for h, u_hbm in ((0, u0_hbm), (1, u1_hbm)):
        count_pass = with_counts and h == 0
        _fill(zbuf, _RCH, _HH, 0.0)
        for k in range(_RPT // _RCH):
            pltpu.sync_copy(zbuf, acc_sp.at[pl.ds(start_row + k * _RCH, _RCH)])
        plsc.subcore_barrier()

        def wait_gather(b):
            pltpu.make_async_copy(u_hbm.at[pl.ds(0, _CH)], rows_v[b],
                                  gsem[b]).wait()

        def start_gather(b, i):
            pltpu.async_copy(u_hbm.at[src_blk.at[i]], rows_v[b], gsem[b])

        def scatter(b, i):
            if count_pass:
                pltpu.async_copy(rows_v[b], acc_sp.at[dst_blk.at[i]], ssem[b],
                                 add=True)
                for g in range(_CH // 16):
                    v = dst_blk[i, pl.ds(g * 16, 16)]
                    cnts, last = plsc.scan_count(v)
                    plsc.addupdate_scatter(hist, [v], cnts.astype(F32),
                                           mask=last)
                pltpu.make_async_copy(rows_v[b], acc_sp.at[pl.ds(0, _CH)],
                                      ssem[b]).wait()
            else:
                pltpu.sync_copy(rows_v[b], acc_sp.at[dst_blk.at[i]], add=True)

        for b in range(_NB):
            start_gather(b, b)

        def window(win, carry):
            for b in range(_NB):
                i = win * _NB + b
                wait_gather(b)
                scatter(b, i)
                start_gather(b, i + _NB)
            return carry

        lax.fori_loop(0, nck // _NB - 1, window, 0)
        for b in range(_NB):
            i = nck - _NB + b
            wait_gather(b)
            scatter(b, i)
        plsc.subcore_barrier()

        for k in range(_RPT // _RCH):
            rows_k = pl.ds(start_row + k * _RCH, _RCH)
            pltpu.sync_copy(acc_sp.at[rows_k], zbuf)
            pltpu.sync_copy(zbuf, s_out.at[cid, rows_k, pl.ds(h * _HH, _HH)])
        if count_pass:
            pltpu.sync_copy(hist.at[pl.ds(0, _N)], cnt_out.at[w])


def _make_sc_agg(with_counts):
    mesh = plsc.VectorSubcoreMesh(core_axis_name="c", subcore_axis_name="s",
                                  num_cores=_NC, num_subcores=_NS)
    out_type = [jax.ShapeDtypeStruct((_NC, _N, _H), F32)]
    scratch = [
        pltpu.VMEM((_NCHUNK, _CH), jnp.int32),
        pltpu.VMEM((_NCHUNK, _CH), jnp.int32),
        pltpu.VMEM((_RCH, _HH), F32),
    ]
    if with_counts:
        out_type.append(jax.ShapeDtypeStruct((_NW, _N), F32))
        scratch.append(pltpu.VMEM((_NH,), F32))
    scratch.append(pltpu.VMEM_SHARED((_NP, _HH), F32))
    scratch += [pltpu.VMEM((_CH, _HH), F32) for _ in range(_NB)]
    scratch += [pltpu.SemaphoreType.DMA for _ in range(3 * _NB)]

    return pl.kernel(
        functools.partial(_sc_agg_body, with_counts),
        out_type=tuple(out_type),
        mesh=mesh,
        scratch_types=scratch,
        compiler_params=pltpu.CompilerParams(use_tc_tiling_on_sc=False,
                                             needs_layout_passes=False),
    )



def _proj_body(x_ref, wrel_ref, wroot_ref, b_ref, u0_ref, u1_ref, r_ref):
    xb = x_ref[...]
    u = _dot_t(xb, wrel_ref[...])
    u0_ref[...] = u[:, :_HH]
    u1_ref[...] = u[:, _HH:]
    r_ref[...] = _dot_t(xb, wroot_ref[...]) + b_ref[...]


def _combine(s_ref, c_ref, r_ref):
    ssum = s_ref[0] + s_ref[1]
    csum = jnp.sum(c_ref[...], axis=0)
    inv = 1.0 / jnp.maximum(csum, 1.0)
    return jnp.maximum(ssum * inv[:, None] + r_ref[...], 0.0)


def _mid_body(s_ref, c16_ref, r_ref, wrel_ref, wroot_ref, b_ref,
              u0_ref, u1_ref, r2_ref):
    h = _combine(s_ref, c16_ref, r_ref)
    u = _dot_t(h, wrel_ref[...])
    u0_ref[...] = u[:, :_HH]
    u1_ref[...] = u[:, _HH:]
    r2_ref[...] = _dot_t(h, wroot_ref[...]) + b_ref[...]


def _pool_body(s_ref, c16_ref, r_ref, batch_ref, wcls_ref, bcls_ref, out_ref):
    h = _combine(s_ref, c16_ref, r_ref)
    gid = lax.broadcasted_iota(jnp.int32, (_G, _N), 0)
    mask = (batch_ref[...] == gid).astype(F32)
    seg = lax.dot_general(mask.astype(jnp.bfloat16), h.astype(jnp.bfloat16),
                          (((1,), (0,)), ((), ())),
                          preferred_element_type=F32)
    cnt = jnp.sum(mask, axis=1)
    pooled = seg / jnp.maximum(cnt, 1.0)[:, None]
    out_ref[...] = _dot_t(pooled, wcls_ref[...]) + bcls_ref[...]


_ROWS_BLK = 2000


def _proj_call(x, wrel, wroot, b):
    n = x.shape[0]
    grid = n // _ROWS_BLK
    full = pl.BlockSpec((_H, _H), lambda i: (0, 0))
    rows = pl.BlockSpec((_ROWS_BLK, _H), lambda i: (i, 0))
    rows_h = pl.BlockSpec((_ROWS_BLK, _HH), lambda i: (i, 0))
    return pl.pallas_call(
        _proj_body,
        grid=(grid,),
        in_specs=[rows, full, full, pl.BlockSpec((1, _H), lambda i: (0, 0))],
        out_specs=[rows_h, rows_h, rows],
        out_shape=[jax.ShapeDtypeStruct((n, _HH), F32)] * 2
        + [jax.ShapeDtypeStruct((n, _H), F32)],
    )(x, wrel, wroot, b)


def _mid_call(s_part, c16, r, wrel, wroot, b):
    return pl.pallas_call(
        _mid_body,
        out_shape=[jax.ShapeDtypeStruct((_N, _HH), F32)] * 2
        + [jax.ShapeDtypeStruct((_N, _H), F32)],
    )(s_part, c16, r, wrel, wroot, b)


def _pool_call(s_part, c16, r, batch2d, wcls, bcls):
    return pl.pallas_call(
        _pool_body,
        out_shape=jax.ShapeDtypeStruct((_G, _H), F32),
    )(s_part, c16, r, batch2d, wcls, bcls)




def kernel(x, edge_index, batch, W_rel1, b_rel1, W_root1,
           W_rel2, b_rel2, W_root2, W_cls, b_cls):
    npad = _EP - _E
    pad = jnp.concatenate(
        [jnp.zeros((1, npad), jnp.int32),
         jnp.full((1, npad), _N, jnp.int32)], axis=0)
    epad = jnp.concatenate([edge_index, pad], axis=1)
    epad = epad.reshape(2, _EP // _CH, _CH)
    batch2d = batch.reshape(1, _N)

    sc_agg1 = _make_sc_agg(True)
    sc_agg2 = _make_sc_agg(False)

    u0, u1, r1 = _proj_call(x, W_rel1, W_root1, b_rel1.reshape(1, _H))
    s1, c16 = sc_agg1(u0, u1, epad)
    v0, v1, r2 = _mid_call(s1, c16, r1, W_rel2, W_root2, b_rel2.reshape(1, _H))
    s2 = sc_agg2(v0, v1, epad)
    if isinstance(s2, (tuple, list)):
        s2 = s2[0]
    return _pool_call(s2, c16, r2, batch2d, W_cls, b_cls.reshape(1, _H))

# --- scband reference (transcript-rebuilt; emitter-appended) ---
"""Pipeline reference for scband-homo-gnn-graph-conv-39977555591469 (READ-ONLY COPY).

The authoritative reference and input builder live on the scoring server;
editing this copy changes nothing except your own understanding.
"""

import jax, jax.numpy as jnp
import numpy as np

N = 10000
E = 320000
H = 128
G = 64


def setup_inputs(seed: int = 0) -> dict:
    key = jax.random.key(seed)
    ks = jax.random.split(key, 12)
    x = jax.random.normal(ks[0], (N, H), dtype=jnp.float32)
    edge_index = jax.random.randint(ks[1], (2, E), 0, N, dtype=jnp.int32)
    batch = jnp.sort(jax.random.randint(ks[2], (N,), 0, G, dtype=jnp.int32))
    scale = 1.0 / np.sqrt(H)
    W_rel1 = jax.random.normal(ks[3], (H, H), dtype=jnp.float32) * scale
    b_rel1 = jnp.zeros((H,), dtype=jnp.float32)
    W_root1 = jax.random.normal(ks[4], (H, H), dtype=jnp.float32) * scale
    W_rel2 = jax.random.normal(ks[5], (H, H), dtype=jnp.float32) * scale
    b_rel2 = jnp.zeros((H,), dtype=jnp.float32)
    W_root2 = jax.random.normal(ks[6], (H, H), dtype=jnp.float32) * scale
    W_cls = jax.random.normal(ks[7], (H, H), dtype=jnp.float32) * scale
    b_cls = jnp.zeros((H,), dtype=jnp.float32)
    return {
        "x": x,
        "edge_index": edge_index,
        "batch": batch,
        "W_rel1": W_rel1,
        "b_rel1": b_rel1,
        "W_root1": W_root1,
        "W_rel2": W_rel2,
        "b_rel2": b_rel2,
        "W_root2": W_root2,
        "W_cls": W_cls,
        "b_cls": b_cls,
    }


def reference(x, edge_index, batch, W_rel1, b_rel1, W_root1, W_rel2, b_rel2, W_root2, W_cls, b_cls):
    # PyG GraphConv with aggr='mean': out_i = W_rel @ mean_{j in N(i)} x_j + b_rel + W_root @ x_i
    # Dropout is identity in eval/inference mode.
    src = edge_index[0]
    dst = edge_index[1]

    def graph_conv(h, W_rel, b_rel, W_root):
        msgs = h[src]  # gather src features [E, H]
        summed = jax.ops.segment_sum(msgs, dst, num_segments=N)
        cnt = jax.ops.segment_sum(jnp.ones((E,), dtype=h.dtype), dst, num_segments=N)
        mean = summed / jnp.clip(cnt, 1.0)[:, None]
        return mean @ W_rel.T + b_rel + h @ W_root.T

    h = graph_conv(x, W_rel1, b_rel1, W_root1)
    h = jax.nn.relu(h)
    h = graph_conv(h, W_rel2, b_rel2, W_root2)
    h = jax.nn.relu(h)

    # global_mean_pool over graph ids
    s = jax.ops.segment_sum(h, batch, num_segments=G)
    c = jax.ops.segment_sum(jnp.ones((N,), dtype=h.dtype), batch, num_segments=G)
    pooled = s / jnp.clip(c, 1.0)[:, None]

    out = pooled @ W_cls.T + b_cls
    return out

if __name__ == "__main__":
    import jax
    _d = setup_inputs()
    print(jax.jit(kernel)(*tuple(_d.values())))

</pallas_src>

<mosaic_0001>
#map = affine_map<(d0, d1) -> (0, 0)>
#map1 = affine_map<(d0, d1) -> (0, 0, 0)>
module attributes {stable_mosaic.version = 14 : i64} {
  func.func @_sc_agg_body(%arg0: i32, %arg1: i32, %arg2: memref<10000x64xf32, #tpu.memory_space<hbm>>, %arg3: memref<10000x64xf32, #tpu.memory_space<hbm>>, %arg4: memref<2x2560x128xi32, #tpu.memory_space<hbm>>, %arg5: memref<2x10000x128xf32, #tpu.memory_space<hbm>>, %arg6: memref<32x10000xf32, #tpu.memory_space<hbm>>, %arg7: memref<80x128xi32, #tpu.memory_space<vmem>>, %arg8: memref<80x128xi32, #tpu.memory_space<vmem>>, %arg9: memref<160x64xf32, #tpu.memory_space<vmem>>, %arg10: memref<10016xf32, #tpu.memory_space<vmem>>, %arg11: memref<10016x64xf32, #tpu.memory_space<vmem_shared>>, %arg12: memref<128x64xf32, #tpu.memory_space<vmem>>, %arg13: memref<128x64xf32, #tpu.memory_space<vmem>>, %arg14: memref<128x64xf32, #tpu.memory_space<vmem>>, %arg15: memref<128x64xf32, #tpu.memory_space<vmem>>, %arg16: memref<!tpu.dma_semaphore, #tpu.memory_space<semaphore_mem>>, %arg17: memref<!tpu.dma_semaphore, #tpu.memory_space<semaphore_mem>>, %arg18: memref<!tpu.dma_semaphore, #tpu.memory_space<semaphore_mem>>, %arg19: memref<!tpu.dma_semaphore, #tpu.memory_space<semaphore_mem>>, %arg20: memref<!tpu.dma_semaphore, #tpu.memory_space<semaphore_mem>>, %arg21: memref<!tpu.dma_semaphore, #tpu.memory_space<semaphore_mem>>, %arg22: memref<!tpu.dma_semaphore, #tpu.memory_space<semaphore_mem>>, %arg23: memref<!tpu.dma_semaphore, #tpu.memory_space<semaphore_mem>>, %arg24: memref<!tpu.dma_semaphore, #tpu.memory_space<semaphore_mem>>, %arg25: memref<!tpu.dma_semaphore, #tpu.memory_space<semaphore_mem>>, %arg26: memref<!tpu.dma_semaphore, #tpu.memory_space<semaphore_mem>>, %arg27: memref<!tpu.dma_semaphore, #tpu.memory_space<semaphore_mem>>) attributes {dimension_semantics = [#tpu.dimension_semantics<core_parallel>, #tpu.dimension_semantics<subcore_parallel>], iteration_bounds = array<i64: 2, 16>, scalar_prefetch = 0 : i64, scratch_operands = 21 : i64, tpu.core_type = #tpu.core_type<sc_vector_subcore>, window_params = [{transform_indices = #map}, {transform_indices = #map}, {transform_indices = #map1}, {transform_indices = #map1}, {transform_indices = #map}]} {
    %mul3A = arith.constant 16 : i32
    %mul3A_0 = arith.muli %arg0, %mul3A : i32
    %add3A = arith.addi %mul3A_0, %arg1 : i32
    %mul3A_1 = arith.constant 80 : i32
    %mul3A_2 = arith.muli %add3A, %mul3A_1 : i32
    %sub3A = arith.constant 2500 : i32
    %sub3A_3 = arith.subi %sub3A, %mul3A_2 : i32
    %jit3A = arith.constant 4 : i32
    %jit3A_4 = arith.constant 80 : i32
    %max3A = arith.maxsi %jit3A, %sub3A_3 : i32
    %min3A = arith.minsi %jit3A_4, %max3A : i32
    %mul3A_5 = arith.constant 640 : i32
    %mul3A_6 = arith.muli %arg1, %mul3A_5 : i32
    %min3A_7 = arith.constant 9360 : i32
    %min3A_8 = arith.minsi %mul3A_6, %min3A_7 : i32
    %mul3A_9 = arith.constant 640 : i32
    %mul3A_10 = arith.muli %arg1, %mul3A_9 : i32
    %min3A_11 = arith.constant 9360 : i32
    %min3A_12 = arith.minsi %mul3A_10, %min3A_11 : i32
    %mul3A_13 = arith.constant 80 : i32
    %mul3A_14 = arith.muli %add3A, %mul3A_13 : i32
    %run_scoped3A = arith.constant 0 : i32
    "tpu.region"() ({
      %run_scoped3A_569 = tpu.sem_alloc : memref<!tpu.dma_semaphore, #tpu.memory_space<semaphore_mem>>
      %dma_start3A_570 = arith.constant 0 : i32
      %dma_start3A_571 = tpu.memref_slice %arg4[%run_scoped3A, %mul3A_14, %dma_start3A_570] : memref<2x2560x128xi32, #tpu.memory_space<hbm>> -> memref<1x80x128xi32, #tpu.memory_space<hbm>>
      %dma_start3A_572 = tpu.memref_squeeze %dma_start3A_571 : memref<1x80x128xi32, #tpu.memory_space<hbm>> -> memref<80x128xi32, #tpu.memory_space<hbm>>
      %dma_start3A_573 = arith.constant 0 : i32
      %dma_start3A_574 = tpu.memref_slice %arg4[%run_scoped3A, %mul3A_14, %dma_start3A_573] : memref<2x2560x128xi32, #tpu.memory_space<hbm>> -> memref<1x80x128xi32, #tpu.memory_space<hbm>>
      %dma_start3A_575 = tpu.memref_squeeze %dma_start3A_574 : memref<1x80x128xi32, #tpu.memory_space<hbm>> -> memref<80x128xi32, #tpu.memory_space<hbm>>
      tpu.enqueue_dma source(%dma_start3A_575 : memref<80x128xi32, #tpu.memory_space<hbm>>) target(%arg7 : memref<80x128xi32, #tpu.memory_space<vmem>>) target_semaphore(%run_scoped3A_569 : memref<!tpu.dma_semaphore, #tpu.memory_space<semaphore_mem>>)
      %dma_wait3A_576 = arith.constant 0 : i32
      %dma_wait3A_577 = tpu.memref_slice %arg4[%run_scoped3A, %mul3A_14, %dma_wait3A_576] : memref<2x2560x128xi32, #tpu.memory_space<hbm>> -> memref<1x80x128xi32, #tpu.memory_space<hbm>>
      %dma_wait3A_578 = tpu.memref_squeeze %dma_wait3A_577 : memref<1x80x128xi32, #tpu.memory_space<hbm>> -> memref<80x128xi32, #tpu.memory_space<hbm>>
      %dma_wait3A_579 = arith.constant 0 : i32
      %dma_wait3A_580 = tpu.memref_slice %arg4[%run_scoped3A, %mul3A_14, %dma_wait3A_579] : memref<2x2560x128xi32, #tpu.memory_space<hbm>> -> memref<1x80x128xi32, #tpu.memory_space<hbm>>
      %dma_wait3A_581 = tpu.memref_squeeze %dma_wait3A_580 : memref<1x80x128xi32, #tpu.memory_space<hbm>> -> memref<80x128xi32, #tpu.memory_space<hbm>>
      tpu.wait_dma2 semaphore(%run_scoped3A_569 : memref<!tpu.dma_semaphore, #tpu.memory_space<semaphore_mem>>) src(%dma_wait3A_581 : memref<80x128xi32, #tpu.memory_space<hbm>>) dst(%arg7 : memref<80x128xi32, #tpu.memory_space<vmem>>)
      tpu.yield
    }) : () -> ()
    %mul3A_15 = arith.constant 80 : i32
    %mul3A_16 = arith.muli %add3A, %mul3A_15 : i32
    %run_scoped3A_17 = arith.constant 1 : i32
    "tpu.region"() ({
      %run_scoped3A_569 = tpu.sem_alloc : memref<!tpu.dma_semaphore, #tpu.memory_space<semaphore_mem>>
      %dma_start3A_570 = arith.constant 0 : i32
      %dma_start3A_571 = tpu.memref_slice %arg4[%run_scoped3A_17, %mul3A_16, %dma_start3A_570] : memref<2x2560x128xi32, #tpu.memory_space<hbm>> -> memref<1x80x128xi32, #tpu.memory_space<hbm>>
      %dma_start3A_572 = tpu.memref_squeeze %dma_start3A_571 : memref<1x80x128xi32, #tpu.memory_space<hbm>> -> memref<80x128xi32, #tpu.memory_space<hbm>>
      %dma_start3A_573 = arith.constant 0 : i32
      %dma_start3A_574 = tpu.memref_slice %arg4[%run_scoped3A_17, %mul3A_16, %dma_start3A_573] : memref<2x2560x128xi32, #tpu.memory_space<hbm>> -> memref<1x80x128xi32, #tpu.memory_space<hbm>>
      %dma_start3A_575 = tpu.memref_squeeze %dma_start3A_574 : memref<1x80x128xi32, #tpu.memory_space<hbm>> -> memref<80x128xi32, #tpu.memory_space<hbm>>
      tpu.enqueue_dma source(%dma_start3A_575 : memref<80x128xi32, #tpu.memory_space<hbm>>) target(%arg8 : memref<80x128xi32, #tpu.memory_space<vmem>>) target_semaphore(%run_scoped3A_569 : memref<!tpu.dma_semaphore, #tpu.memory_space<semaphore_mem>>)
      %dma_wait3A_576 = arith.constant 0 : i32
      %dma_wait3A_577 = tpu.memref_slice %arg4[%run_scoped3A_17, %mul3A_16, %dma_wait3A_576] : memref<2x2560x128xi32, #tpu.memory_space<hbm>> -> memref<1x80x128xi32, #tpu.memory_space<hbm>>
      %dma_wait3A_578 = tpu.memref_squeeze %dma_wait3A_577 : memref<1x80x128xi32, #tpu.memory_space<hbm>> -> memref<80x128xi32, #tpu.memory_space<hbm>>
      %dma_wait3A_579 = arith.constant 0 : i32
      %dma_wait3A_580 = tpu.memref_slice %arg4[%run_scoped3A_17, %mul3A_16, %dma_wait3A_579] : memref<2x2560x128xi32, #tpu.memory_space<hbm>> -> memref<1x80x128xi32, #tpu.memory_space<hbm>>
      %dma_wait3A_581 = tpu.memref_squeeze %dma_wait3A_580 : memref<1x80x128xi32, #tpu.memory_space<hbm>> -> memref<80x128xi32, #tpu.memory_space<hbm>>
      tpu.wait_dma2 semaphore(%run_scoped3A_569 : memref<!tpu.dma_semaphore, #tpu.memory_space<semaphore_mem>>) src(%dma_wait3A_581 : memref<80x128xi32, #tpu.memory_space<hbm>>) dst(%arg8 : memref<80x128xi32, #tpu.memory_space<vmem>>)
      tpu.yield
    }) : () -> ()
    %scan3A = arith.constant 0 : i32
    %scan3A_18 = arith.constant 0 : i32
    %scan3A_19 = arith.constant 626 : i32
    %scan3A_20 = arith.addi %scan3A_18, %scan3A_19 : i32
    %scan3A_21 = arith.constant 1 : i32
    scf.for %scan3A_569 = %scan3A_18 to %scan3A_20 step %scan3A_21  : i32 {
      %broadcast_in_dim3A_570 = arith.constant 0.000000e+00 : f32
      %broadcast_in_dim3A_571 = vector.broadcast %broadcast_in_dim3A_570 : f32 to vector<16xf32>
      %mul3A_572 = arith.constant 16 : i32
      %mul3A_573 = arith.muli %scan3A_569, %mul3A_572 : i32
      %swap3A = arith.index_cast %mul3A_573 : i32 to index
      %swap3A_574 = tpu.vector_load %arg10[%swap3A] {strides = array<i32>} : memref<10016xf32, #tpu.memory_space<vmem>>, vector<16xf32>,
      tpu.vector_store %arg10[%swap3A], %broadcast_in_dim3A_571 {strides = array<i32>} : memref<10016xf32, #tpu.memory_space<vmem>>, vector<16xf32>,
    }
    %scan3A_22 = arith.constant 626 : i32
    %scan3A_23 = arith.constant 0 : i32
    %scan3A_24 = arith.constant 0 : i32
    %scan3A_25 = arith.constant 640 : i32
    %scan3A_26 = arith.addi %scan3A_24, %scan3A_25 : i32
    %scan3A_27 = arith.constant 1 : i32
    scf.for %scan3A_569 = %scan3A_24 to %scan3A_26 step %scan3A_27  : i32 {
      %broadcast_in_dim3A_570 = arith.constant 0.000000e+00 : f32
      %broadcast_in_dim3A_571 = vector.broadcast %broadcast_in_dim3A_570 : f32 to vector<16xf32>
      %jit3A_572 = arith.constant 4 : i32
      %div3A_573 = arith.divsi %scan3A_569, %jit3A_572 : i32
      %sign3A_574 = arith.constant 0 : i32
      %sign3A_575 = arith.cmpi sgt, %scan3A_569, %sign3A_574 : i32
      %sign3A_576 = arith.extui %sign3A_575 : i1 to i32
      %sign3A_577 = arith.constant 0 : i32
      %sign3A_578 = arith.cmpi slt, %scan3A_569, %sign3A_577 : i32
      %sign3A_579 = arith.extui %sign3A_578 : i1 to i32
      %sign3A_580 = arith.subi %sign3A_576, %sign3A_579 : i32
      %sign3A_581 = arith.constant 0 : i32
      %sign3A_582 = arith.cmpi sgt, %jit3A_572, %sign3A_581 : i32
      %sign3A_583 = arith.extui %sign3A_582 : i1 to i32
      %sign3A_584 = arith.constant 0 : i32
      %sign3A_585 = arith.cmpi slt, %jit3A_572, %sign3A_584 : i32
      %sign3A_586 = arith.extui %sign3A_585 : i1 to i32
      %sign3A_587 = arith.subi %sign3A_583, %sign3A_586 : i32
      %ne3A_588 = arith.cmpi ne, %sign3A_580, %sign3A_587 : i32
      %rem3A_589 = arith.remsi %scan3A_569, %jit3A_572 : i32
      %ne3A_590 = arith.constant 0 : i32
      %ne3A_591 = arith.cmpi ne, %rem3A_589, %ne3A_590 : i32
      %and3A_592 = arith.andi %ne3A_588, %ne3A_591 : i1
      %sub3A_593 = arith.constant 1 : i32
      %sub3A_594 = arith.subi %div3A_573, %sub3A_593 : i32
      %select_n3A_595 = arith.select %and3A_592, %sub3A_594, %div3A_573 : i32
      %jit3A_596 = arith.constant 4 : i32
      %eq3A = arith.constant 0 : i32
      %eq3A_597 = arith.cmpi eq, %jit3A_596, %eq3A : i32
      %jit3A_598 = arith.constant 1 : i32
      %select_n3A_599 = arith.select %eq3A_597, %jit3A_598, %jit3A_596 : i32
      %rem3A_600 = arith.remsi %scan3A_569, %select_n3A_599 : i32
      %ne3A_601 = arith.constant 0 : i32
      %ne3A_602 = arith.cmpi ne, %rem3A_600, %ne3A_601 : i32
      %lt3A = arith.constant 0 : i32
      %lt3A_603 = arith.cmpi slt, %rem3A_600, %lt3A : i32
      %lt3A_604 = arith.constant 0 : i32
      %lt3A_605 = arith.cmpi slt, %select_n3A_599, %lt3A_604 : i32
      %ne3A_606 = arith.xori %lt3A_603, %lt3A_605 : i1
      %and3A_607 = arith.andi %ne3A_606, %ne3A_602 : i1
      %add3A_608 = arith.addi %rem3A_600, %select_n3A_599 : i32
      %select_n3A_609 = arith.select %and3A_607, %add3A_608, %rem3A_600 : i32
      %mul3A_610 = arith.constant 16 : i32
      %mul3A_611 = arith.muli %select_n3A_609, %mul3A_610 : i32
      %swap3A = arith.index_cast %select_n3A_595 : i32 to index
      %swap3A_612 = arith.index_cast %mul3A_611 : i32 to index
      %swap3A_613 = tpu.vector_load %arg9[%swap3A, %swap3A_612] {strides = array<i32>} : memref<160x64xf32, #tpu.memory_space<vmem>>, vector<16xf32>,
      tpu.vector_store %arg9[%swap3A, %swap3A_612], %broadcast_in_dim3A_571 {strides = array<i32>} : memref<160x64xf32, #tpu.memory_space<vmem>>, vector<16xf32>,
    }
    %scan3A_28 = arith.constant 640 : i32
    %add3A_29 = arith.constant 0 : i32
    %add3A_30 = arith.addi %min3A_12, %add3A_29 : i32
    "tpu.region"() ({
      %run_scoped3A_569 = tpu.sem_alloc : memref<!tpu.dma_semaphore, #tpu.memory_space<semaphore_mem>>
      %dma_start3A_570 = arith.constant 0 : i32
      %dma_start3A_571 = tpu.memref_slice %arg11[%add3A_30, %dma_start3A_570] : memref<10016x64xf32, #tpu.memory_space<vmem_shared>> -> memref<160x64xf32, #tpu.memory_space<vmem_shared>>
      %dma_start3A_572 = arith.constant 0 : i32
      %dma_start3A_573 = tpu.memref_slice %arg11[%add3A_30, %dma_start3A_572] : memref<10016x64xf32, #tpu.memory_space<vmem_shared>> -> memref<160x64xf32, #tpu.memory_space<vmem_shared>>
      tpu.enqueue_dma source(%arg9 : memref<160x64xf32, #tpu.memory_space<vmem>>) target(%dma_start3A_573 : memref<160x64xf32, #tpu.memory_space<vmem_shared>>) target_semaphore(%run_scoped3A_569 : memref<!tpu.dma_semaphore, #tpu.memory_space<semaphore_mem>>)
      %dma_wait3A_574 = arith.constant 0 : i32
      %dma_wait3A_575 = tpu.memref_slice %arg11[%add3A_30, %dma_wait3A_574] : memref<10016x64xf32, #tpu.memory_space<vmem_shared>> -> memref<160x64xf32, #tpu.memory_space<vmem_shared>>
      %dma_wait3A_576 = arith.constant 0 : i32
      %dma_wait3A_577 = tpu.memref_slice %arg11[%add3A_30, %dma_wait3A_576] : memref<10016x64xf32, #tpu.memory_space<vmem_shared>> -> memref<160x64xf32, #tpu.memory_space<vmem_shared>>
      tpu.wait_dma2 semaphore(%run_scoped3A_569 : memref<!tpu.dma_semaphore, #tpu.memory_space<semaphore_mem>>) src(%arg9 : memref<160x64xf32, #tpu.memory_space<vmem>>) dst(%dma_wait3A_577 : memref<160x64xf32, #tpu.memory_space<vmem_shared>>)
      tpu.yield
    }) : () -> ()
    %add3A_31 = arith.constant 160 : i32
    %add3A_32 = arith.addi %min3A_12, %add3A_31 : i32
    "tpu.region"() ({
      %run_scoped3A_569 = tpu.sem_alloc : memref<!tpu.dma_semaphore, #tpu.memory_space<semaphore_mem>>
      %dma_start3A_570 = arith.constant 0 : i32
      %dma_start3A_571 = tpu.memref_slice %arg11[%add3A_32, %dma_start3A_570] : memref<10016x64xf32, #tpu.memory_space<vmem_shared>> -> memref<160x64xf32, #tpu.memory_space<vmem_shared>>
      %dma_start3A_572 = arith.constant 0 : i32
      %dma_start3A_573 = tpu.memref_slice %arg11[%add3A_32, %dma_start3A_572] : memref<10016x64xf32, #tpu.memory_space<vmem_shared>> -> memref<160x64xf32, #tpu.memory_space<vmem_shared>>
      tpu.enqueue_dma source(%arg9 : memref<160x64xf32, #tpu.memory_space<vmem>>) target(%dma_start3A_573 : memref<160x64xf32, #tpu.memory_space<vmem_shared>>) target_semaphore(%run_scoped3A_569 : memref<!tpu.dma_semaphore, #tpu.memory_space<semaphore_mem>>)
      %dma_wait3A_574 = arith.constant 0 : i32
      %dma_wait3A_575 = tpu.memref_slice %arg11[%add3A_32, %dma_wait3A_574] : memref<10016x64xf32, #tpu.memory_space<vmem_shared>> -> memref<160x64xf32, #tpu.memory_space<vmem_shared>>
      %dma_wait3A_576 = arith.constant 0 : i32
      %dma_wait3A_577 = tpu.memref_slice %arg11[%add3A_32, %dma_wait3A_576] : memref<10016x64xf32, #tpu.memory_space<vmem_shared>> -> memref<160x64xf32, #tpu.memory_space<vmem_shared>>
      tpu.wait_dma2 semaphore(%run_scoped3A_569 : memref<!tpu.dma_semaphore, #tpu.memory_space<semaphore_mem>>) src(%arg9 : memref<160x64xf32, #tpu.memory_space<vmem>>) dst(%dma_wait3A_577 : memref<160x64xf32, #tpu.memory_space<vmem_shared>>)
      tpu.yield
    }) : () -> ()
    %add3A_33 = arith.constant 320 : i32
    %add3A_34 = arith.addi %min3A_12, %add3A_33 : i32
    "tpu.region"() ({
      %run_scoped3A_569 = tpu.sem_alloc : memref<!tpu.dma_semaphore, #tpu.memory_space<semaphore_mem>>
      %dma_start3A_570 = arith.constant 0 : i32
      %dma_start3A_571 = tpu.memref_slice %arg11[%add3A_34, %dma_start3A_570] : memref<10016x64xf32, #tpu.memory_space<vmem_shared>> -> memref<160x64xf32, #tpu.memory_space<vmem_shared>>
      %dma_start3A_572 = arith.constant 0 : i32
      %dma_start3A_573 = tpu.memref_slice %arg11[%add3A_34, %dma_start3A_572] : memref<10016x64xf32, #tpu.memory_space<vmem_shared>> -> memref<160x64xf32, #tpu.memory_space<vmem_shared>>
      tpu.enqueue_dma source(%arg9 : memref<160x64xf32, #tpu.memory_space<vmem>>) target(%dma_start3A_573 : memref<160x64xf32, #tpu.memory_space<vmem_shared>>) target_semaphore(%run_scoped3A_569 : memref<!tpu.dma_semaphore, #tpu.memory_space<semaphore_mem>>)
      %dma_wait3A_574 = arith.constant 0 : i32
      %dma_wait3A_575 = tpu.memref_slice %arg11[%add3A_34, %dma_wait3A_574] : memref<10016x64xf32, #tpu.memory_space<vmem_shared>> -> memref<160x64xf32, #tpu.memory_space<vmem_shared>>
      %dma_wait3A_576 = arith.constant 0 : i32
      %dma_wait3A_577 = tpu.memref_slice %arg11[%add3A_34, %dma_wait3A_576] : memref<10016x64xf32, #tpu.memory_space<vmem_shared>> -> memref<160x64xf32, #tpu.memory_space<vmem_shared>>
      tpu.wait_dma2 semaphore(%run_scoped3A_569 : memref<!tpu.dma_semaphore, #tpu.memory_space<semaphore_mem>>) src(%arg9 : memref<160x64xf32, #tpu.memory_space<vmem>>) dst(%dma_wait3A_577 : memref<160x64xf32, #tpu.memory_space<vmem_shared>>)
      tpu.yield
    }) : () -> ()
    %add3A_35 = arith.constant 480 : i32
    %add3A_36 = arith.addi %min3A_12, %add3A_35 : i32
    "tpu.region"() ({
      %run_scoped3A_569 = tpu.sem_alloc : memref<!tpu.dma_semaphore, #tpu.memory_space<semaphore_mem>>
      %dma_start3A_570 = arith.constant 0 : i32
      %dma_start3A_571 = tpu.memref_slice %arg11[%add3A_36, %dma_start3A_570] : memref<10016x64xf32, #tpu.memory_space<vmem_shared>> -> memref<160x64xf32, #tpu.memory_space<vmem_shared>>
      %dma_start3A_572 = arith.constant 0 : i32
      %dma_start3A_573 = tpu.memref_slice %arg11[%add3A_36, %dma_start3A_572] : memref<10016x64xf32, #tpu.memory_space<vmem_shared>> -> memref<160x64xf32, #tpu.memory_space<vmem_shared>>
      tpu.enqueue_dma source(%arg9 : memref<160x64xf32, #tpu.memory_space<vmem>>) target(%dma_start3A_573 : memref<160x64xf32, #tpu.memory_space<vmem_shared>>) target_semaphore(%run_scoped3A_569 : memref<!tpu.dma_semaphore, #tpu.memory_space<semaphore_mem>>)
      %dma_wait3A_574 = arith.constant 0 : i32
      %dma_wait3A_575 = tpu.memref_slice %arg11[%add3A_36, %dma_wait3A_574] : memref<10016x64xf32, #tpu.memory_space<vmem_shared>> -> memref<160x64xf32, #tpu.memory_space<vmem_shared>>
      %dma_wait3A_576 = arith.constant 0 : i32
      %dma_wait3A_577 = tpu.memref_slice %arg11[%add3A_36, %dma_wait3A_576] : memref<10016x64xf32, #tpu.memory_space<vmem_shared>> -> memref<160x64xf32, #tpu.memory_space<vmem_shared>>
      tpu.wait_dma2 semaphore(%run_scoped3A_569 : memref<!tpu.dma_semaphore, #tpu.memory_space<semaphore_mem>>) src(%arg9 : memref<160x64xf32, #tpu.memory_space<vmem>>) dst(%dma_wait3A_577 : memref<160x64xf32, #tpu.memory_space<vmem_shared>>)
      tpu.yield
    }) : () -> ()
    %barrier3A = arith.constant 0 : index
    tpu.barrier barrier_id(%barrier3A)
    %dma_start3A = arith.constant 0 : i32
    %dma_start3A_37 = arith.constant 0 : i32
    %dma_start3A_38 = tpu.memref_slice %arg7[%dma_start3A, %dma_start3A_37] : memref<80x128xi32, #tpu.memory_space<vmem>> -> memref<1x128xi32, #tpu.memory_space<vmem>>
    %dma_start3A_39 = tpu.memref_squeeze %dma_start3A_38 : memref<1x128xi32, #tpu.memory_space<vmem>> -> memref<128xi32, #tpu.memory_space<vmem>>
    %dma_start3A_40 = arith.constant 0 : i32
    %dma_start3A_41 = arith.constant 0 : i32
    %dma_start3A_42 = tpu.memref_slice %arg2[%dma_start3A_40, %dma_start3A_41] : memref<10000x64xf32, #tpu.memory_space<hbm>> -> memref<10000x64xf32, #tpu.memory_space<hbm>>
    tpu.enqueue_indirect_dma source(%dma_start3A_42 : memref<10000x64xf32, #tpu.memory_space<hbm>>) target(%arg12 : memref<128x64xf32, #tpu.memory_space<vmem>>) offsets(%dma_start3A_39 : memref<128xi32, #tpu.memory_space<vmem>>) semaphore(%arg16 : memref<!tpu.dma_semaphore, #tpu.memory_space<semaphore_mem>>)
    %dma_start3A_43 = arith.constant 1 : i32
    %dma_start3A_44 = arith.constant 0 : i32
    %dma_start3A_45 = tpu.memref_slice %arg7[%dma_start3A_43, %dma_start3A_44] : memref<80x128xi32, #tpu.memory_space<vmem>> -> memref<1x128xi32, #tpu.memory_space<vmem>>
    %dma_start3A_46 = tpu.memref_squeeze %dma_start3A_45 : memref<1x128xi32, #tpu.memory_space<vmem>> -> memref<128xi32, #tpu.memory_space<vmem>>
    %dma_start3A_47 = arith.constant 0 : i32
    %dma_start3A_48 = arith.constant 0 : i32
    %dma_start3A_49 = tpu.memref_slice %arg2[%dma_start3A_47, %dma_start3A_48] : memref<10000x64xf32, #tpu.memory_space<hbm>> -> memref<10000x64xf32, #tpu.memory_space<hbm>>
    tpu.enqueue_indirect_dma source(%dma_start3A_49 : memref<10000x64xf32, #tpu.memory_space<hbm>>) target(%arg13 : memref<128x64xf32, #tpu.memory_space<vmem>>) offsets(%dma_start3A_46 : memref<128xi32, #tpu.memory_space<vmem>>) semaphore(%arg17 : memref<!tpu.dma_semaphore, #tpu.memory_space<semaphore_mem>>)
    %dma_start3A_50 = arith.constant 2 : i32
    %dma_start3A_51 = arith.constant 0 : i32
    %dma_start3A_52 = tpu.memref_slice %arg7[%dma_start3A_50, %dma_start3A_51] : memref<80x128xi32, #tpu.memory_space<vmem>> -> memref<1x128xi32, #tpu.memory_space<vmem>>
    %dma_start3A_53 = tpu.memref_squeeze %dma_start3A_52 : memref<1x128xi32, #tpu.memory_space<vmem>> -> memref<128xi32, #tpu.memory_space<vmem>>
    %dma_start3A_54 = arith.constant 0 : i32
    %dma_start3A_55 = arith.constant 0 : i32
    %dma_start3A_56 = tpu.memref_slice %arg2[%dma_start3A_54, %dma_start3A_55] : memref<10000x64xf32, #tpu.memory_space<hbm>> -> memref<10000x64xf32, #tpu.memory_space<hbm>>
    tpu.enqueue_indirect_dma source(%dma_start3A_56 : memref<10000x64xf32, #tpu.memory_space<hbm>>) target(%arg14 : memref<128x64xf32, #tpu.memory_space<vmem>>) offsets(%dma_start3A_53 : memref<128xi32, #tpu.memory_space<vmem>>) semaphore(%arg18 : memref<!tpu.dma_semaphore, #tpu.memory_space<semaphore_mem>>)
    %dma_start3A_57 = arith.constant 3 : i32
    %dma_start3A_58 = arith.constant 0 : i32
    %dma_start3A_59 = tpu.memref_slice %arg7[%dma_start3A_57, %dma_start3A_58] : memref<80x128xi32, #tpu.memory_space<vmem>> -> memref<1x128xi32, #tpu.memory_space<vmem>>
    %dma_start3A_60 = tpu.memref_squeeze %dma_start3A_59 : memref<1x128xi32, #tpu.memory_space<vmem>> -> memref<128xi32, #tpu.memory_space<vmem>>
    %dma_start3A_61 = arith.constant 0 : i32
    %dma_start3A_62 = arith.constant 0 : i32
    %dma_start3A_63 = tpu.memref_slice %arg2[%dma_start3A_61, %dma_start3A_62] : memref<10000x64xf32, #tpu.memory_space<hbm>> -> memref<10000x64xf32, #tpu.memory_space<hbm>>
    tpu.enqueue_indirect_dma source(%dma_start3A_63 : memref<10000x64xf32, #tpu.memory_space<hbm>>) target(%arg15 : memref<128x64xf32, #tpu.memory_space<vmem>>) offsets(%dma_start3A_60 : memref<128xi32, #tpu.memory_space<vmem>>) semaphore(%arg19 : memref<!tpu.dma_semaphore, #tpu.memory_space<semaphore_mem>>)
    %jit3A_64 = arith.constant 4 : i32
    %div3A = arith.divsi %min3A, %jit3A_64 : i32
    %sign3A = arith.constant 0 : i32
    %sign3A_65 = arith.cmpi sgt, %min3A, %sign3A : i32
    %sign3A_66 = arith.extui %sign3A_65 : i1 to i32
    %sign3A_67 = arith.constant 0 : i32
    %sign3A_68 = arith.cmpi slt, %min3A, %sign3A_67 : i32
    %sign3A_69 = arith.extui %sign3A_68 : i1 to i32
    %sign3A_70 = arith.subi %sign3A_66, %sign3A_69 : i32
    %sign3A_71 = arith.constant 0 : i32
    %sign3A_72 = arith.cmpi sgt, %jit3A_64, %sign3A_71 : i32
    %sign3A_73 = arith.extui %sign3A_72 : i1 to i32
    %sign3A_74 = arith.constant 0 : i32
    %sign3A_75 = arith.cmpi slt, %jit3A_64, %sign3A_74 : i32
    %sign3A_76 = arith.extui %sign3A_75 : i1 to i32
    %sign3A_77 = arith.subi %sign3A_73, %sign3A_76 : i32
    %ne3A = arith.cmpi ne, %sign3A_70, %sign3A_77 : i32
    %rem3A = arith.remsi %min3A, %jit3A_64 : i32
    %ne3A_78 = arith.constant 0 : i32
    %ne3A_79 = arith.cmpi ne, %rem3A, %ne3A_78 : i32
    %and3A = arith.andi %ne3A, %ne3A_79 : i1
    %sub3A_80 = arith.constant 1 : i32
    %sub3A_81 = arith.subi %div3A, %sub3A_80 : i32
    %select_n3A = arith.select %and3A, %sub3A_81, %div3A : i32
    %sub3A_82 = arith.constant 1 : i32
    %sub3A_83 = arith.subi %select_n3A, %sub3A_82 : i32
    %while3A = arith.constant 0 : i32
    %while3A_84 = arith.constant 0 : i32
    %while3A_85 = arith.subi %sub3A_83, %while3A_84 : i32
    %while3A_86 = arith.addi %while3A_84, %while3A_85 : i32
    %while3A_87 = arith.constant 1 : i32
    %while3A_88 = arith.divsi %while3A_85, %while3A_87 : i32
    %while3A_89 = arith.muli %while3A_88, %while3A_87 : i32
    %while3A_90 = arith.addi %while3A_84, %while3A_89 : i32
    %while3A_91 = arith.constant 1 : i32
    scf.for %while3A_569 = %while3A_84 to %while3A_90 step %while3A_91  : i32 {
      %mul3A_570 = arith.constant 4 : i32
      %mul3A_571 = arith.muli %while3A_569, %mul3A_570 : i32
      %add3A_572 = arith.constant 0 : i32
      %add3A_573 = arith.addi %mul3A_571, %add3A_572 : i32
      %dma_wait3A_574 = arith.constant 0 : i32
      %dma_wait3A_575 = arith.constant 0 : i32
      %dma_wait3A_576 = tpu.memref_slice %arg2[%dma_wait3A_574, %dma_wait3A_575] : memref<10000x64xf32, #tpu.memory_space<hbm>> -> memref<128x64xf32, #tpu.memory_space<hbm>>
      %dma_wait3A_577 = arith.constant 0 : i32
      %dma_wait3A_578 = arith.constant 0 : i32
      %dma_wait3A_579 = tpu.memref_slice %arg2[%dma_wait3A_577, %dma_wait3A_578] : memref<10000x64xf32, #tpu.memory_space<hbm>> -> memref<128x64xf32, #tpu.memory_space<hbm>>
      tpu.wait_dma2 semaphore(%arg16 : memref<!tpu.dma_semaphore, #tpu.memory_space<semaphore_mem>>) src(%dma_wait3A_579 : memref<128x64xf32, #tpu.memory_space<hbm>>) dst(%arg12 : memref<128x64xf32, #tpu.memory_space<vmem>>)
      %dma_start3A_580 = arith.constant 0 : i32
      %dma_start3A_581 = tpu.memref_slice %arg8[%add3A_573, %dma_start3A_580] : memref<80x128xi32, #tpu.memory_space<vmem>> -> memref<1x128xi32, #tpu.memory_space<vmem>>
      %dma_start3A_582 = tpu.memref_squeeze %dma_start3A_581 : memref<1x128xi32, #tpu.memory_space<vmem>> -> memref<128xi32, #tpu.memory_space<vmem>>
      %dma_start3A_583 = arith.constant 0 : i32
      %dma_start3A_584 = arith.constant 0 : i32
      %dma_start3A_585 = tpu.memref_slice %arg11[%dma_start3A_583, %dma_start3A_584] : memref<10016x64xf32, #tpu.memory_space<vmem_shared>> -> memref<10016x64xf32, #tpu.memory_space<vmem_shared>>
      tpu.enqueue_indirect_dma source(%arg12 : memref<128x64xf32, #tpu.memory_space<vmem>>) target(%dma_start3A_585 : memref<10016x64xf32, #tpu.memory_space<vmem_shared>>) offsets(%dma_start3A_582 : memref<128xi32, #tpu.memory_space<vmem>>) semaphore(%arg20 : memref<!tpu.dma_semaphore, #tpu.memory_space<semaphore_mem>>) {add = true}
      %get3A_586 = arith.index_cast %add3A_573 : i32 to index
      %get3A_587 = arith.constant 0 : index
      %get3A_588 = tpu.vector_load %arg8[%get3A_586, %get3A_587] {strides = array<i32>} : memref<80x128xi32, #tpu.memory_space<vmem>>, vector<16xi32>,
      %broadcast_in_dim3A_589 = arith.constant true
      %broadcast_in_dim3A_590 = vector.broadcast %broadcast_in_dim3A_589 : i1 to vector<16xi1>
      %unique3A_591, %unique3A_592 = tpu.scan_count mask(%broadcast_in_dim3A_590 : vector<16xi1>) value(%get3A_588 : vector<16xi32>) : vector<16xi1>, vector<16xi32>
      %convert_element_type3A_593 = arith.sitofp %unique3A_592 : vector<16xi32> to vector<16xf32>
      tpu.vector_store_idx %arg10[%get3A_588], %convert_element_type3A_593 masked %unique3A_591 {add = true} : memref<10016xf32, #tpu.memory_space<vmem>>[vector<16xi32>], vector<16xf32>, vector<16xi1>
      %get3A_594 = arith.index_cast %add3A_573 : i32 to index
      %get3A_595 = arith.constant 16 : index
      %get3A_596 = tpu.vector_load %arg8[%get3A_594, %get3A_595] {strides = array<i32>} : memref<80x128xi32, #tpu.memory_space<vmem>>, vector<16xi32>,
      %broadcast_in_dim3A_597 = arith.constant true
      %broadcast_in_dim3A_598 = vector.broadcast %broadcast_in_dim3A_597 : i1 to vector<16xi1>
      %unique3A_599, %unique3A_600 = tpu.scan_count mask(%broadcast_in_dim3A_598 : vector<16xi1>) value(%get3A_596 : vector<16xi32>) : vector<16xi1>, vector<16xi32>
      %convert_element_type3A_601 = arith.sitofp %unique3A_600 : vector<16xi32> to vector<16xf32>
      tpu.vector_store_idx %arg10[%get3A_596], %convert_element_type3A_601 masked %unique3A_599 {add = true} : memref<10016xf32, #tpu.memory_space<vmem>>[vector<16xi32>], vector<16xf32>, vector<16xi1>
      %get3A_602 = arith.index_cast %add3A_573 : i32 to index
      %get3A_603 = arith.constant 32 : index
      %get3A_604 = tpu.vector_load %arg8[%get3A_602, %get3A_603] {strides = array<i32>} : memref<80x128xi32, #tpu.memory_space<vmem>>, vector<16xi32>,
      %broadcast_in_dim3A_605 = arith.constant true
      %broadcast_in_dim3A_606 = vector.broadcast %broadcast_in_dim3A_605 : i1 to vector<16xi1>
      %unique3A_607, %unique3A_608 = tpu.scan_count mask(%broadcast_in_dim3A_606 : vector<16xi1>) value(%get3A_604 : vector<16xi32>) : vector<16xi1>, vector<16xi32>
      %convert_element_type3A_609 = arith.sitofp %unique3A_608 : vector<16xi32> to vector<16xf32>
      tpu.vector_store_idx %arg10[%get3A_604], %convert_element_type3A_609 masked %unique3A_607 {add = true} : memref<10016xf32, #tpu.memory_space<vmem>>[vector<16xi32>], vector<16xf32>, vector<16xi1>
      %get3A_610 = arith.index_cast %add3A_573 : i32 to index
      %get3A_611 = arith.constant 48 : index
      %get3A_612 = tpu.vector_load %arg8[%get3A_610, %get3A_611] {strides = array<i32>} : memref<80x128xi32, #tpu.memory_space<vmem>>, vector<16xi32>,
      %broadcast_in_dim3A_613 = arith.constant true
      %broadcast_in_dim3A_614 = vector.broadcast %broadcast_in_dim3A_613 : i1 to vector<16xi1>
      %unique3A_615, %unique3A_616 = tpu.scan_count mask(%broadcast_in_dim3A_614 : vector<16xi1>) value(%get3A_612 : vector<16xi32>) : vector<16xi1>, vector<16xi32>
      %convert_element_type3A_617 = arith.sitofp %unique3A_616 : vector<16xi32> to vector<16xf32>
      tpu.vector_store_idx %arg10[%get3A_612], %convert_element_type3A_617 masked %unique3A_615 {add = true} : memref<10016xf32, #tpu.memory_space<vmem>>[vector<16xi32>], vector<16xf32>, vector<16xi1>
      %get3A_618 = arith.index_cast %add3A_573 : i32 to index
      %get3A_619 = arith.constant 64 : index
      %get3A_620 = tpu.vector_load %arg8[%get3A_618, %get3A_619] {strides = array<i32>} : memref<80x128xi32, #tpu.memory_space<vmem>>, vector<16xi32>,
      %broadcast_in_dim3A_621 = arith.constant true
      %broadcast_in_dim3A_622 = vector.broadcast %broadcast_in_dim3A_621 : i1 to vector<16xi1>
      %unique3A_623, %unique3A_624 = tpu.scan_count mask(%broadcast_in_dim3A_622 : vector<16xi1>) value(%get3A_620 : vector<16xi32>) : vector<16xi1>, vector<16xi32>
      %convert_element_type3A_625 = arith.sitofp %unique3A_624 : vector<16xi32> to vector<16xf32>
      tpu.vector_store_idx %arg10[%get3A_620], %convert_element_type3A_625 masked %unique3A_623 {add = true} : memref<10016xf32, #tpu.memory_space<vmem>>[vector<16xi32>], vector<16xf32>, vector<16xi1>
      %get3A_626 = arith.index_cast %add3A_573 : i32 to index
      %get3A_627 = arith.constant 80 : index
      %get3A_628 = tpu.vector_load %arg8[%get3A_626, %get3A_627] {strides = array<i32>} : memref<80x128xi32, #tpu.memory_space<vmem>>, vector<16xi32>,
      %broadcast_in_dim3A_629 = arith.constant true
      %broadcast_in_dim3A_630 = vector.broadcast %broadcast_in_dim3A_629 : i1 to vector<16xi1>
      %unique3A_631, %unique3A_632 = tpu.scan_count mask(%broadcast_in_dim3A_630 : vector<16xi1>) value(%get3A_628 : vector<16xi32>) : vector<16xi1>, vector<16xi32>
      %convert_element_type3A_633 = arith.sitofp %unique3A_632 : vector<16xi32> to vector<16xf32>
      tpu.vector_store_idx %arg10[%get3A_628], %convert_element_type3A_633 masked %unique3A_631 {add = true} : memref<10016xf32, #tpu.memory_space<vmem>>[vector<16xi32>], vector<16xf32>, vector<16xi1>
      %get3A_634 = arith.index_cast %add3A_573 : i32 to index
      %get3A_635 = arith.constant 96 : index
      %get3A_636 = tpu.vector_load %arg8[%get3A_634, %get3A_635] {strides = array<i32>} : memref<80x128xi32, #tpu.memory_space<vmem>>, vector<16xi32>,
      %broadcast_in_dim3A_637 = arith.constant true
      %broadcast_in_dim3A_638 = vector.broadcast %broadcast_in_dim3A_637 : i1 to vector<16xi1>
      %unique3A_639, %unique3A_640 = tpu.scan_count mask(%broadcast_in_dim3A_638 : vector<16xi1>) value(%get3A_636 : vector<16xi32>) : vector<16xi1>, vector<16xi32>
      %convert_element_type3A_641 = arith.sitofp %unique3A_640 : vector<16xi32> to vector<16xf32>
      tpu.vector_store_idx %arg10[%get3A_636], %convert_element_type3A_641 masked %unique3A_639 {add = true} : memref<10016xf32, #tpu.memory_space<vmem>>[vector<16xi32>], vector<16xf32>, vector<16xi1>
      %get3A_642 = arith.index_cast %add3A_573 : i32 to index
      %get3A_643 = arith.constant 112 : index
      %get3A_644 = tpu.vector_load %arg8[%get3A_642, %get3A_643] {strides = array<i32>} : memref<80x128xi32, #tpu.memory_space<vmem>>, vector<16xi32>,
      %broadcast_in_dim3A_645 = arith.constant true
      %broadcast_in_dim3A_646 = vector.broadcast %broadcast_in_dim3A_645 : i1 to vector<16xi1>
      %unique3A_647, %unique3A_648 = tpu.scan_count mask(%broadcast_in_dim3A_646 : vector<16xi1>) value(%get3A_644 : vector<16xi32>) : vector<16xi1>, vector<16xi32>
      %convert_element_type3A_649 = arith.sitofp %unique3A_648 : vector<16xi32> to vector<16xf32>
      tpu.vector_store_idx %arg10[%get3A_644], %convert_element_type3A_649 masked %unique3A_647 {add = true} : memref<10016xf32, #tpu.memory_space<vmem>>[vector<16xi32>], vector<16xf32>, vector<16xi1>
      %dma_wait3A_650 = arith.constant 0 : i32
      %dma_wait3A_651 = arith.constant 0 : i32
      %dma_wait3A_652 = tpu.memref_slice %arg11[%dma_wait3A_650, %dma_wait3A_651] : memref<10016x64xf32, #tpu.memory_space<vmem_shared>> -> memref<128x64xf32, #tpu.memory_space<vmem_shared>>
      %dma_wait3A_653 = arith.constant 0 : i32
      %dma_wait3A_654 = arith.constant 0 : i32
      %dma_wait3A_655 = tpu.memref_slice %arg11[%dma_wait3A_653, %dma_wait3A_654] : memref<10016x64xf32, #tpu.memory_space<vmem_shared>> -> memref<128x64xf32, #tpu.memory_space<vmem_shared>>
      tpu.wait_dma2 semaphore(%arg20 : memref<!tpu.dma_semaphore, #tpu.memory_space<semaphore_mem>>) src(%arg12 : memref<128x64xf32, #tpu.memory_space<vmem>>) dst(%dma_wait3A_655 : memref<128x64xf32, #tpu.memory_space<vmem_shared>>)
      %add3A_656 = arith.constant 4 : i32
      %add3A_657 = arith.addi %add3A_573, %add3A_656 : i32
      %dma_start3A_658 = arith.constant 0 : i32
      %dma_start3A_659 = tpu.memref_slice %arg7[%add3A_657, %dma_start3A_658] : memref<80x128xi32, #tpu.memory_space<vmem>> -> memref<1x128xi32, #tpu.memory_space<vmem>>
      %dma_start3A_660 = tpu.memref_squeeze %dma_start3A_659 : memref<1x128xi32, #tpu.memory_space<vmem>> -> memref<128xi32, #tpu.memory_space<vmem>>
      %dma_start3A_661 = arith.constant 0 : i32
      %dma_start3A_662 = arith.constant 0 : i32
      %dma_start3A_663 = tpu.memref_slice %arg2[%dma_start3A_661, %dma_start3A_662] : memref<10000x64xf32, #tpu.memory_space<hbm>> -> memref<10000x64xf32, #tpu.memory_space<hbm>>
      tpu.enqueue_indirect_dma source(%dma_start3A_663 : memref<10000x64xf32, #tpu.memory_space<hbm>>) target(%arg12 : memref<128x64xf32, #tpu.memory_space<vmem>>) offsets(%dma_start3A_660 : memref<128xi32, #tpu.memory_space<vmem>>) semaphore(%arg16 : memref<!tpu.dma_semaphore, #tpu.memory_space<semaphore_mem>>)
      %mul3A_664 = arith.constant 4 : i32
      %mul3A_665 = arith.muli %while3A_569, %mul3A_664 : i32
      %add3A_666 = arith.constant 1 : i32
      %add3A_667 = arith.addi %mul3A_665, %add3A_666 : i32
      %dma_wait3A_668 = arith.constant 0 : i32
      %dma_wait3A_669 = arith.constant 0 : i32
      %dma_wait3A_670 = tpu.memref_slice %arg2[%dma_wait3A_668, %dma_wait3A_669] : memref<10000x64xf32, #tpu.memory_space<hbm>> -> memref<128x64xf32, #tpu.memory_space<hbm>>
      %dma_wait3A_671 = arith.constant 0 : i32
      %dma_wait3A_672 = arith.constant 0 : i32
      %dma_wait3A_673 = tpu.memref_slice %arg2[%dma_wait3A_671, %dma_wait3A_672] : memref<10000x64xf32, #tpu.memory_space<hbm>> -> memref<128x64xf32, #tpu.memory_space<hbm>>
      tpu.wait_dma2 semaphore(%arg17 : memref<!tpu.dma_semaphore, #tpu.memory_space<semaphore_mem>>) src(%dma_wait3A_673 : memref<128x64xf32, #tpu.memory_space<hbm>>) dst(%arg13 : memref<128x64xf32, #tpu.memory_space<vmem>>)
      %dma_start3A_674 = arith.constant 0 : i32
      %dma_start3A_675 = tpu.memref_slice %arg8[%add3A_667, %dma_start3A_674] : memref<80x128xi32, #tpu.memory_space<vmem>> -> memref<1x128xi32, #tpu.memory_space<vmem>>
      %dma_start3A_676 = tpu.memref_squeeze %dma_start3A_675 : memref<1x128xi32, #tpu.memory_space<vmem>> -> memref<128xi32, #tpu.memory_space<vmem>>
      %dma_start3A_677 = arith.constant 0 : i32
      %dma_start3A_678 = arith.constant 0 : i32
      %dma_start3A_679 = tpu.memref_slice %arg11[%dma_start3A_677, %dma_start3A_678] : memref<10016x64xf32, #tpu.memory_space<vmem_shared>> -> memref<10016x64xf32, #tpu.memory_space<vmem_shared>>
      tpu.enqueue_indirect_dma source(%arg13 : memref<128x64xf32, #tpu.memory_space<vmem>>) target(%dma_start3A_679 : memref<10016x64xf32, #tpu.memory_space<vmem_shared>>) offsets(%dma_start3A_676 : memref<128xi32, #tpu.memory_space<vmem>>) semaphore(%arg21 : memref<!tpu.dma_semaphore, #tpu.memory_space<semaphore_mem>>) {add = true}
      %get3A_680 = arith.index_cast %add3A_667 : i32 to index
      %get3A_681 = arith.constant 0 : index
      %get3A_682 = tpu.vector_load %arg8[%get3A_680, %get3A_681] {strides = array<i32>} : memref<80x128xi32, #tpu.memory_space<vmem>>, vector<16xi32>,
      %broadcast_in_dim3A_683 = arith.constant true
      %broadcast_in_dim3A_684 = vector.broadcast %broadcast_in_dim3A_683 : i1 to vector<16xi1>
      %unique3A_685, %unique3A_686 = tpu.scan_count mask(%broadcast_in_dim3A_684 : vector<16xi1>) value(%get3A_682 : vector<16xi32>) : vector<16xi1>, vector<16xi32>
      %convert_element_type3A_687 = arith.sitofp %unique3A_686 : vector<16xi32> to vector<16xf32>
      tpu.vector_store_idx %arg10[%get3A_682], %convert_element_type3A_687 masked %unique3A_685 {add = true} : memref<10016xf32, #tpu.memory_space<vmem>>[vector<16xi32>], vector<16xf32>, vector<16xi1>
      %get3A_688 = arith.index_cast %add3A_667 : i32 to index
      %get3A_689 = arith.constant 16 : index
      %get3A_690 = tpu.vector_load %arg8[%get3A_688, %get3A_689] {strides = array<i32>} : memref<80x128xi32, #tpu.memory_space<vmem>>, vector<16xi32>,
      %broadcast_in_dim3A_691 = arith.constant true
      %broadcast_in_dim3A_692 = vector.broadcast %broadcast_in_dim3A_691 : i1 to vector<16xi1>
      %unique3A_693, %unique3A_694 = tpu.scan_count mask(%broadcast_in_dim3A_692 : vector<16xi1>) value(%get3A_690 : vector<16xi32>) : vector<16xi1>, vector<16xi32>
      %convert_element_type3A_695 = arith.sitofp %unique3A_694 : vector<16xi32> to vector<16xf32>
      tpu.vector_store_idx %arg10[%get3A_690], %convert_element_type3A_695 masked %unique3A_693 {add = true} : memref<10016xf32, #tpu.memory_space<vmem>>[vector<16xi32>], vector<16xf32>, vector<16xi1>
      %get3A_696 = arith.index_cast %add3A_667 : i32 to index
      %get3A_697 = arith.constant 32 : index
      %get3A_698 = tpu.vector_load %arg8[%get3A_696, %get3A_697] {strides = array<i32>} : memref<80x128xi32, #tpu.memory_space<vmem>>, vector<16xi32>,
      %broadcast_in_dim3A_699 = arith.constant true
      %broadcast_in_dim3A_700 = vector.broadcast %broadcast_in_dim3A_699 : i1 to vector<16xi1>
      %unique3A_701, %unique3A_702 = tpu.scan_count mask(%broadcast_in_dim3A_700 : vector<16xi1>) value(%get3A_698 : vector<16xi32>) : vector<16xi1>, vector<16xi32>
      %convert_element_type3A_703 = arith.sitofp %unique3A_702 : vector<16xi32> to vector<16xf32>
      tpu.vector_store_idx %arg10[%get3A_698], %convert_element_type3A_703 masked %unique3A_701 {add = true} : memref<10016xf32, #tpu.memory_space<vmem>>[vector<16xi32>], vector<16xf32>, vector<16xi1>
      %get3A_704 = arith.index_cast %add3A_667 : i32 to index
      %get3A_705 = arith.constant 48 : index
      %get3A_706 = tpu.vector_load %arg8[%get3A_704, %get3A_705] {strides = array<i32>} : memref<80x128xi32, #tpu.memory_space<vmem>>, vector<16xi32>,
      %broadcast_in_dim3A_707 = arith.constant true
      %broadcast_in_dim3A_708 = vector.broadcast %broadcast_in_dim3A_707 : i1 to vector<16xi1>
      %unique3A_709, %unique3A_710 = tpu.scan_count mask(%broadcast_in_dim3A_708 : vector<16xi1>) value(%get3A_706 : vector<16xi32>) : vector<16xi1>, vector<16xi32>
      %convert_element_type3A_711 = arith.sitofp %unique3A_710 : vector<16xi32> to vector<16xf32>
      tpu.vector_store_idx %arg10[%get3A_706], %convert_element_type3A_711 masked %unique3A_709 {add = true} : memref<10016xf32, #tpu.memory_space<vmem>>[vector<16xi32>], vector<16xf32>, vector<16xi1>
      %get3A_712 = arith.index_cast %add3A_667 : i32 to index
      %get3A_713 = arith.constant 64 : index
      %get3A_714 = tpu.vector_load %arg8[%get3A_712, %get3A_713] {strides = array<i32>} : memref<80x128xi32, #tpu.memory_space<vmem>>, vector<16xi32>,
      %broadcast_in_dim3A_715 = arith.constant true
      %broadcast_in_dim3A_716 = vector.broadcast %broadcast_in_dim3A_715 : i1 to vector<16xi1>
      %unique3A_717, %unique3A_718 = tpu.scan_count mask(%broadcast_in_dim3A_716 : vector<16xi1>) value(%get3A_714 : vector<16xi32>) : vector<16xi1>, vector<16xi32>
      %convert_element_type3A_719 = arith.sitofp %unique3A_718 : vector<16xi32> to vector<16xf32>
      tpu.vector_store_idx %arg10[%get3A_714], %convert_element_type3A_719 masked %unique3A_717 {add = true} : memref<10016xf32, #tpu.memory_space<vmem>>[vector<16xi32>], vector<16xf32>, vector<16xi1>
      %get3A_720 = arith.index_cast %add3A_667 : i32 to index
      %get3A_721 = arith.constant 80 : index
      %get3A_722 = tpu.vector_load %arg8[%get3A_720, %get3A_721] {strides = array<i32>} : memref<80x128xi32, #tpu.memory_space<vmem>>, vector<16xi32>,
      %broadcast_in_dim3A_723 = arith.constant true
      %broadcast_in_dim3A_724 = vector.broadcast %broadcast_in_dim3A_723 : i1 to vector<16xi1>
      %unique3A_725, %unique3A_726 = tpu.scan_count mask(%broadcast_in_dim3A_724 : vector<16xi1>) value(%get3A_722 : vector<16xi32>) : vector<16xi1>, vector<16xi32>
      %convert_element_type3A_727 = arith.sitofp %unique3A_726 : vector<16xi32> to vector<16xf32>
      tpu.vector_store_idx %arg10[%get3A_722], %convert_element_type3A_727 masked %unique3A_725 {add = true} : memref<10016xf32, #tpu.memory_space<vmem>>[vector<16xi32>], vector<16xf32>, vector<16xi1>
      %get3A_728 = arith.index_cast %add3A_667 : i32 to index
      %get3A_729 = arith.constant 96 : index
      %get3A_730 = tpu.vector_load %arg8[%get3A_728, %get3A_729] {strides = array<i32>} : memref<80x128xi32, #tpu.memory_space<vmem>>, vector<16xi32>,
      %broadcast_in_dim3A_731 = arith.constant true
      %broadcast_in_dim3A_732 = vector.broadcast %broadcast_in_dim3A_731 : i1 to vector<16xi1>
      %unique3A_733, %unique3A_734 = tpu.scan_count mask(%broadcast_in_dim3A_732 : vector<16xi1>) value(%get3A_730 : vector<16xi32>) : vector<16xi1>, vector<16xi32>
      %convert_element_type3A_735 = arith.sitofp %unique3A_734 : vector<16xi32> to vector<16xf32>
      tpu.vector_store_idx %arg10[%get3A_730], %convert_element_type3A_735 masked %unique3A_733 {add = true} : memref<10016xf32, #tpu.memory_space<vmem>>[vector<16xi32>], vector<16xf32>, vector<16xi1>
      %get3A_736 = arith.index_cast %add3A_667 : i32 to index
      %get3A_737 = arith.constant 112 : index
      %get3A_738 = tpu.vector_load %arg8[%get3A_736, %get3A_737] {strides = array<i32>} : memref<80x128xi32, #tpu.memory_space<vmem>>, vector<16xi32>,
      %broadcast_in_dim3A_739 = arith.constant true
      %broadcast_in_dim3A_740 = vector.broadcast %broadcast_in_dim3A_739 : i1 to vector<16xi1>
      %unique3A_741, %unique3A_742 = tpu.scan_count mask(%broadcast_in_dim3A_740 : vector<16xi1>) value(%get3A_738 : vector<16xi32>) : vector<16xi1>, vector<16xi32>
      %convert_element_type3A_743 = arith.sitofp %unique3A_742 : vector<16xi32> to vector<16xf32>
      tpu.vector_store_idx %arg10[%get3A_738], %convert_element_type3A_743 masked %unique3A_741 {add = true} : memref<10016xf32, #tpu.memory_space<vmem>>[vector<16xi32>], vector<16xf32>, vector<16xi1>
      %dma_wait3A_744 = arith.constant 0 : i32
      %dma_wait3A_745 = arith.constant 0 : i32
      %dma_wait3A_746 = tpu.memref_slice %arg11[%dma_wait3A_744, %dma_wait3A_745] : memref<10016x64xf32, #tpu.memory_space<vmem_shared>> -> memref<128x64xf32, #tpu.memory_space<vmem_shared>>
      %dma_wait3A_747 = arith.constant 0 : i32
      %dma_wait3A_748 = arith.constant 0 : i32
      %dma_wait3A_749 = tpu.memref_slice %arg11[%dma_wait3A_747, %dma_wait3A_748] : memref<10016x64xf32, #tpu.memory_space<vmem_shared>> -> memref<128x64xf32, #tpu.memory_space<vmem_shared>>
      tpu.wait_dma2 semaphore(%arg21 : memref<!tpu.dma_semaphore, #tpu.memory_space<semaphore_mem>>) src(%arg13 : memref<128x64xf32, #tpu.memory_space<vmem>>) dst(%dma_wait3A_749 : memref<128x64xf32, #tpu.memory_space<vmem_shared>>)
      %add3A_750 = arith.constant 4 : i32
      %add3A_751 = arith.addi %add3A_667, %add3A_750 : i32
      %dma_start3A_752 = arith.constant 0 : i32
      %dma_start3A_753 = tpu.memref_slice %arg7[%add3A_751, %dma_start3A_752] : memref<80x128xi32, #tpu.memory_space<vmem>> -> memref<1x128xi32, #tpu.memory_space<vmem>>
      %dma_start3A_754 = tpu.memref_squeeze %dma_start3A_753 : memref<1x128xi32, #tpu.memory_space<vmem>> -> memref<128xi32, #tpu.memory_space<vmem>>
      %dma_start3A_755 = arith.constant 0 : i32
      %dma_start3A_756 = arith.constant 0 : i32
      %dma_start3A_757 = tpu.memref_slice %arg2[%dma_start3A_755, %dma_start3A_756] : memref<10000x64xf32, #tpu.memory_space<hbm>> -> memref<10000x64xf32, #tpu.memory_space<hbm>>
      tpu.enqueue_indirect_dma source(%dma_start3A_757 : memref<10000x64xf32, #tpu.memory_space<hbm>>) target(%arg13 : memref<128x64xf32, #tpu.memory_space<vmem>>) offsets(%dma_start3A_754 : memref<128xi32, #tpu.memory_space<vmem>>) semaphore(%arg17 : memref<!tpu.dma_semaphore, #tpu.memory_space<semaphore_mem>>)
      %mul3A_758 = arith.constant 4 : i32
      %mul3A_759 = arith.muli %while3A_569, %mul3A_758 : i32
      %add3A_760 = arith.constant 2 : i32
      %add3A_761 = arith.addi %mul3A_759, %add3A_760 : i32
      %dma_wait3A_762 = arith.constant 0 : i32
      %dma_wait3A_763 = arith.constant 0 : i32
      %dma_wait3A_764 = tpu.memref_slice %arg2[%dma_wait3A_762, %dma_wait3A_763] : memref<10000x64xf32, #tpu.memory_space<hbm>> -> memref<128x64xf32, #tpu.memory_space<hbm>>
      %dma_wait3A_765 = arith.constant 0 : i32
      %dma_wait3A_766 = arith.constant 0 : i32
      %dma_wait3A_767 = tpu.memref_slice %arg2[%dma_wait3A_765, %dma_wait3A_766] : memref<10000x64xf32, #tpu.memory_space<hbm>> -> memref<128x64xf32, #tpu.memory_space<hbm>>
      tpu.wait_dma2 semaphore(%arg18 : memref<!tpu.dma_semaphore, #tpu.memory_space<semaphore_mem>>) src(%dma_wait3A_767 : memref<128x64xf32, #tpu.memory_space<hbm>>) dst(%arg14 : memref<128x64xf32, #tpu.memory_space<vmem>>)
      %dma_start3A_768 = arith.constant 0 : i32
      %dma_start3A_769 = tpu.memref_slice %arg8[%add3A_761, %dma_start3A_768] : memref<80x128xi32, #tpu.memory_space<vmem>> -> memref<1x128xi32, #tpu.memory_space<vmem>>
      %dma_start3A_770 = tpu.memref_squeeze %dma_start3A_769 : memref<1x128xi32, #tpu.memory_space<vmem>> -> memref<128xi32, #tpu.memory_space<vmem>>
      %dma_start3A_771 = arith.constant 0 : i32
      %dma_start3A_772 = arith.constant 0 : i32
      %dma_start3A_773 = tpu.memref_slice %arg11[%dma_start3A_771, %dma_start3A_772] : memref<10016x64xf32, #tpu.memory_space<vmem_shared>> -> memref<10016x64xf32, #tpu.memory_space<vmem_shared>>
      tpu.enqueue_indirect_dma source(%arg14 : memref<128x64xf32, #tpu.memory_space<vmem>>) target(%dma_start3A_773 : memref<10016x64xf32, #tpu.memory_space<vmem_shared>>) offsets(%dma_start3A_770 : memref<128xi32, #tpu.memory_space<vmem>>) semaphore(%arg22 : memref<!tpu.dma_semaphore, #tpu.memory_space<semaphore_mem>>) {add = true}
      %get3A_774 = arith.index_cast %add3A_761 : i32 to index
      %get3A_775 = arith.constant 0 : index
      %get3A_776 = tpu.vector_load %arg8[%get3A_774, %get3A_775] {strides = array<i32>} : memref<80x128xi32, #tpu.memory_space<vmem>>, vector<16xi32>,
      %broadcast_in_dim3A_777 = arith.constant true
      %broadcast_in_dim3A_778 = vector.broadcast %broadcast_in_dim3A_777 : i1 to vector<16xi1>
      %unique3A_779, %unique3A_780 = tpu.scan_count mask(%broadcast_in_dim3A_778 : vector<16xi1>) value(%get3A_776 : vector<16xi32>) : vector<16xi1>, vector<16xi32>
      %convert_element_type3A_781 = arith.sitofp %unique3A_780 : vector<16xi32> to vector<16xf32>
      tpu.vector_store_idx %arg10[%get3A_776], %convert_element_type3A_781 masked %unique3A_779 {add = true} : memref<10016xf32, #tpu.memory_space<vmem>>[vector<16xi32>], vector<16xf32>, vector<16xi1>
      %get3A_782 = arith.index_cast %add3A_761 : i32 to index
      %get3A_783 = arith.constant 16 : index
      %get3A_784 = tpu.vector_load %arg8[%get3A_782, %get3A_783] {strides = array<i32>} : memref<80x128xi32, #tpu.memory_space<vmem>>, vector<16xi32>,
      %broadcast_in_dim3A_785 = arith.constant true
      %broadcast_in_dim3A_786 = vector.broadcast %broadcast_in_dim3A_785 : i1 to vector<16xi1>
      %unique3A_787, %unique3A_788 = tpu.scan_count mask(%broadcast_in_dim3A_786 : vector<16xi1>) value(%get3A_784 : vector<16xi32>) : vector<16xi1>, vector<16xi32>
      %convert_element_type3A_789 = arith.sitofp %unique3A_788 : vector<16xi32> to vector<16xf32>
      tpu.vector_store_idx %arg10[%get3A_784], %convert_element_type3A_789 masked %unique3A_787 {add = true} : memref<10016xf32, #tpu.memory_space<vmem>>[vector<16xi32>], vector<16xf32>, vector<16xi1>
      %get3A_790 = arith.index_cast %add3A_761 : i32 to index
      %get3A_791 = arith.constant 32 : index
      %get3A_792 = tpu.vector_load %arg8[%get3A_790, %get3A_791] {strides = array<i32>} : memref<80x128xi32, #tpu.memory_space<vmem>>, vector<16xi32>,
      %broadcast_in_dim3A_793 = arith.constant true
      %broadcast_in_dim3A_794 = vector.broadcast %broadcast_in_dim3A_793 : i1 to vector<16xi1>
      %unique3A_795, %unique3A_796 = tpu.scan_count mask(%broadcast_in_dim3A_794 : vector<16xi1>) value(%get3A_792 : vector<16xi32>) : vector<16xi1>, vector<16xi32>
      %convert_element_type3A_797 = arith.sitofp %unique3A_796 : vector<16xi32> to vector<16xf32>
      tpu.vector_store_idx %arg10[%get3A_792], %convert_element_type3A_797 masked %unique3A_795 {add = true} : memref<10016xf32, #tpu.memory_space<vmem>>[vector<16xi32>], vector<16xf32>, vector<16xi1>
      %get3A_798 = arith.index_cast %add3A_761 : i32 to index
      %get3A_799 = arith.constant 48 : index
      %get3A_800 = tpu.vector_load %arg8[%get3A_798, %get3A_799] {strides = array<i32>} : memref<80x128xi32, #tpu.memory_space<vmem>>, vector<16xi32>,
      %broadcast_in_dim3A_801 = arith.constant true
      %broadcast_in_dim3A_802 = vector.broadcast %broadcast_in_dim3A_801 : i1 to vector<16xi1>
      %unique3A_803, %unique3A_804 = tpu.scan_count mask(%broadcast_in_dim3A_802 : vector<16xi1>) value(%get3A_800 : vector<16xi32>) : vector<16xi1>, vector<16xi32>
      %convert_element_type3A_805 = arith.sitofp %unique3A_804 : vector<16xi32> to vector<16xf32>
      tpu.vector_store_idx %arg10[%get3A_800], %convert_element_type3A_805 masked %unique3A_803 {add = true} : memref<10016xf32, #tpu.memory_space<vmem>>[vector<16xi32>], vector<16xf32>, vector<16xi1>
      %get3A_806 = arith.index_cast %add3A_761 : i32 to index
      %get3A_807 = arith.constant 64 : index
      %get3A_808 = tpu.vector_load %arg8[%get3A_806, %get3A_807] {strides = array<i32>} : memref<80x128xi32, #tpu.memory_space<vmem>>, vector<16xi32>,
      %broadcast_in_dim3A_809 = arith.constant true
      %broadcast_in_dim3A_810 = vector.broadcast %broadcast_in_dim3A_809 : i1 to vector<16xi1>
      %unique3A_811, %unique3A_812 = tpu.scan_count mask(%broadcast_in_dim3A_810 : vector<16xi1>) value(%get3A_808 : vector<16xi32>) : vector<16xi1>, vector<16xi32>
      %convert_element_type3A_813 = arith.sitofp %unique3A_812 : vector<16xi32> to vector<16xf32>
      tpu.vector_store_idx %arg10[%get3A_808], %convert_element_type3A_813 masked %unique3A_811 {add = true} : memref<10016xf32, #tpu.memory_space<vmem>>[vector<16xi32>], vector<16xf32>, vector<16xi1>
      %get3A_814 = arith.index_cast %add3A_761 : i32 to index
      %get3A_815 = arith.constant 80 : index
      %get3A_816 = tpu.vector_load %arg8[%get3A_814, %get3A_815] {strides = array<i32>} : memref<80x128xi32, #tpu.memory_space<vmem>>, vector<16xi32>,
      %broadcast_in_dim3A_817 = arith.constant true
      %broadcast_in_dim3A_818 = vector.broadcast %broadcast_in_dim3A_817 : i1 to vector<16xi1>
      %unique3A_819, %unique3A_820 = tpu.scan_count mask(%broadcast_in_dim3A_818 : vector<16xi1>) value(%get3A_816 : vector<16xi32>) : vector<16xi1>, vector<16xi32>
      %convert_element_type3A_821 = arith.sitofp %unique3A_820 : vector<16xi32> to vector<16xf32>
      tpu.vector_store_idx %arg10[%get3A_816], %convert_element_type3A_821 masked %unique3A_819 {add = true} : memref<10016xf32, #tpu.memory_space<vmem>>[vector<16xi32>], vector<16xf32>, vector<16xi1>
      %get3A_822 = arith.index_cast %add3A_761 : i32 to index
      %get3A_823 = arith.constant 96 : index
      %get3A_824 = tpu.vector_load %arg8[%get3A_822, %get3A_823] {strides = array<i32>} : memref<80x128xi32, #tpu.memory_space<vmem>>, vector<16xi32>,
      %broadcast_in_dim3A_825 = arith.constant true
      %broadcast_in_dim3A_826 = vector.broadcast %broadcast_in_dim3A_825 : i1 to vector<16xi1>
      %unique3A_827, %unique3A_828 = tpu.scan_count mask(%broadcast_in_dim3A_826 : vector<16xi1>) value(%get3A_824 : vector<16xi32>) : vector<16xi1>, vector<16xi32>
      %convert_element_type3A_829 = arith.sitofp %unique3A_828 : vector<16xi32> to vector<16xf32>
      tpu.vector_store_idx %arg10[%get3A_824], %convert_element_type3A_829 masked %unique3A_827 {add = true} : memref<10016xf32, #tpu.memory_space<vmem>>[vector<16xi32>], vector<16xf32>, vector<16xi1>
      %get3A_830 = arith.index_cast %add3A_761 : i32 to index
      %get3A_831 = arith.constant 112 : index
      %get3A_832 = tpu.vector_load %arg8[%get3A_830, %get3A_831] {strides = array<i32>} : memref<80x128xi32, #tpu.memory_space<vmem>>, vector<16xi32>,
      %broadcast_in_dim3A_833 = arith.constant true
      %broadcast_in_dim3A_834 = vector.broadcast %broadcast_in_dim3A_833 : i1 to vector<16xi1>
      %unique3A_835, %unique3A_836 = tpu.scan_count mask(%broadcast_in_dim3A_834 : vector<16xi1>) value(%get3A_832 : vector<16xi32>) : vector<16xi1>, vector<16xi32>
      %convert_element_type3A_837 = arith.sitofp %unique3A_836 : vector<16xi32> to vector<16xf32>
      tpu.vector_store_idx %arg10[%get3A_832], %convert_element_type3A_837 masked %unique3A_835 {add = true} : memref<10016xf32, #tpu.memory_space<vmem>>[vector<16xi32>], vector<16xf32>, vector<16xi1>
      %dma_wait3A_838 = arith.constant 0 : i32
      %dma_wait3A_839 = arith.constant 0 : i32
      %dma_wait3A_840 = tpu.memref_slice %arg11[%dma_wait3A_838, %dma_wait3A_839] : memref<10016x64xf32, #tpu.memory_space<vmem_shared>> -> memref<128x64xf32, #tpu.memory_space<vmem_shared>>
      %dma_wait3A_841 = arith.constant 0 : i32
      %dma_wait3A_842 = arith.constant 0 : i32
      %dma_wait3A_843 = tpu.memref_slice %arg11[%dma_wait3A_841, %dma_wait3A_842] : memref<10016x64xf32, #tpu.memory_space<vmem_shared>> -> memref<128x64xf32, #tpu.memory_space<vmem_shared>>
      tpu.wait_dma2 semaphore(%arg22 : memref<!tpu.dma_semaphore, #tpu.memory_space<semaphore_mem>>) src(%arg14 : memref<128x64xf32, #tpu.memory_space<vmem>>) dst(%dma_wait3A_843 : memref<128x64xf32, #tpu.memory_space<vmem_shared>>)
      %add3A_844 = arith.constant 4 : i32
      %add3A_845 = arith.addi %add3A_761, %add3A_844 : i32
      %dma_start3A_846 = arith.constant 0 : i32
      %dma_start3A_847 = tpu.memref_slice %arg7[%add3A_845, %dma_start3A_846] : memref<80x128xi32, #tpu.memory_space<vmem>> -> memref<1x128xi32, #tpu.memory_space<vmem>>
      %dma_start3A_848 = tpu.memref_squeeze %dma_start3A_847 : memref<1x128xi32, #tpu.memory_space<vmem>> -> memref<128xi32, #tpu.memory_space<vmem>>
      %dma_start3A_849 = arith.constant 0 : i32
      %dma_start3A_850 = arith.constant 0 : i32
      %dma_start3A_851 = tpu.memref_slice %arg2[%dma_start3A_849, %dma_start3A_850] : memref<10000x64xf32, #tpu.memory_space<hbm>> -> memref<10000x64xf32, #tpu.memory_space<hbm>>
      tpu.enqueue_indirect_dma source(%dma_start3A_851 : memref<10000x64xf32, #tpu.memory_space<hbm>>) target(%arg14 : memref<128x64xf32, #tpu.memory_space<vmem>>) offsets(%dma_start3A_848 : memref<128xi32, #tpu.memory_space<vmem>>) semaphore(%arg18 : memref<!tpu.dma_semaphore, #tpu.memory_space<semaphore_mem>>)
      %mul3A_852 = arith.constant 4 : i32
      %mul3A_853 = arith.muli %while3A_569, %mul3A_852 : i32
      %add3A_854 = arith.constant 3 : i32
      %add3A_855 = arith.addi %mul3A_853, %add3A_854 : i32
      %dma_wait3A_856 = arith.constant 0 : i32
      %dma_wait3A_857 = arith.constant 0 : i32
      %dma_wait3A_858 = tpu.memref_slice %arg2[%dma_wait3A_856, %dma_wait3A_857] : memref<10000x64xf32, #tpu.memory_space<hbm>> -> memref<128x64xf32, #tpu.memory_space<hbm>>
      %dma_wait3A_859 = arith.constant 0 : i32
      %dma_wait3A_860 = arith.constant 0 : i32
      %dma_wait3A_861 = tpu.memref_slice %arg2[%dma_wait3A_859, %dma_wait3A_860] : memref<10000x64xf32, #tpu.memory_space<hbm>> -> memref<128x64xf32, #tpu.memory_space<hbm>>
      tpu.wait_dma2 semaphore(%arg19 : memref<!tpu.dma_semaphore, #tpu.memory_space<semaphore_mem>>) src(%dma_wait3A_861 : memref<128x64xf32, #tpu.memory_space<hbm>>) dst(%arg15 : memref<128x64xf32, #tpu.memory_space<vmem>>)
      %dma_start3A_862 = arith.constant 0 : i32
      %dma_start3A_863 = tpu.memref_slice %arg8[%add3A_855, %dma_start3A_862] : memref<80x128xi32, #tpu.memory_space<vmem>> -> memref<1x128xi32, #tpu.memory_space<vmem>>
      %dma_start3A_864 = tpu.memref_squeeze %dma_start3A_863 : memref<1x128xi32, #tpu.memory_space<vmem>> -> memref<128xi32, #tpu.memory_space<vmem>>
      %dma_start3A_865 = arith.constant 0 : i32
      %dma_start3A_866 = arith.constant 0 : i32
      %dma_start3A_867 = tpu.memref_slice %arg11[%dma_start3A_865, %dma_start3A_866] : memref<10016x64xf32, #tpu.memory_space<vmem_shared>> -> memref<10016x64xf32, #tpu.memory_space<vmem_shared>>
      tpu.enqueue_indirect_dma source(%arg15 : memref<128x64xf32, #tpu.memory_space<vmem>>) target(%dma_start3A_867 : memref<10016x64xf32, #tpu.memory_space<vmem_shared>>) offsets(%dma_start3A_864 : memref<128xi32, #tpu.memory_space<vmem>>) semaphore(%arg23 : memref<!tpu.dma_semaphore, #tpu.memory_space<semaphore_mem>>) {add = true}
      %get3A_868 = arith.index_cast %add3A_855 : i32 to index
      %get3A_869 = arith.constant 0 : index
      %get3A_870 = tpu.vector_load %arg8[%get3A_868, %get3A_869] {strides = array<i32>} : memref<80x128xi32, #tpu.memory_space<vmem>>, vector<16xi32>,
      %broadcast_in_dim3A_871 = arith.constant true
      %broadcast_in_dim3A_872 = vector.broadcast %broadcast_in_dim3A_871 : i1 to vector<16xi1>
      %unique3A_873, %unique3A_874 = tpu.scan_count mask(%broadcast_in_dim3A_872 : vector<16xi1>) value(%get3A_870 : vector<16xi32>) : vector<16xi1>, vector<16xi32>
      %convert_element_type3A_875 = arith.sitofp %unique3A_874 : vector<16xi32> to vector<16xf32>
      tpu.vector_store_idx %arg10[%get3A_870], %convert_element_type3A_875 masked %unique3A_873 {add = true} : memref<10016xf32, #tpu.memory_space<vmem>>[vector<16xi32>], vector<16xf32>, vector<16xi1>
      %get3A_876 = arith.index_cast %add3A_855 : i32 to index
      %get3A_877 = arith.constant 16 : index
      %get3A_878 = tpu.vector_load %arg8[%get3A_876, %get3A_877] {strides = array<i32>} : memref<80x128xi32, #tpu.memory_space<vmem>>, vector<16xi32>,
      %broadcast_in_dim3A_879 = arith.constant true
      %broadcast_in_dim3A_880 = vector.broadcast %broadcast_in_dim3A_879 : i1 to vector<16xi1>
      %unique3A_881, %unique3A_882 = tpu.scan_count mask(%broadcast_in_dim3A_880 : vector<16xi1>) value(%get3A_878 : vector<16xi32>) : vector<16xi1>, vector<16xi32>
      %convert_element_type3A_883 = arith.sitofp %unique3A_882 : vector<16xi32> to vector<16xf32>
      tpu.vector_store_idx %arg10[%get3A_878], %convert_element_type3A_883 masked %unique3A_881 {add = true} : memref<10016xf32, #tpu.memory_space<vmem>>[vector<16xi32>], vector<16xf32>, vector<16xi1>
      %get3A_884 = arith.index_cast %add3A_855 : i32 to index
      %get3A_885 = arith.constant 32 : index
      %get3A_886 = tpu.vector_load %arg8[%get3A_884, %get3A_885] {strides = array<i32>} : memref<80x128xi32, #tpu.memory_space<vmem>>, vector<16xi32>,
      %broadcast_in_dim3A_887 = arith.constant true
      %broadcast_in_dim3A_888 = vector.broadcast %broadcast_in_dim3A_887 : i1 to vector<16xi1>
      %unique3A_889, %unique3A_890 = tpu.scan_count mask(%broadcast_in_dim3A_888 : vector<16xi1>) value(%get3A_886 : vector<16xi32>) : vector<16xi1>, vector<16xi32>
      %convert_element_type3A_891 = arith.sitofp %unique3A_890 : vector<16xi32> to vector<16xf32>
      tpu.vector_store_idx %arg10[%get3A_886], %convert_element_type3A_891 masked %unique3A_889 {add = true} : memref<10016xf32, #tpu.memory_space<vmem>>[vector<16xi32>], vector<16xf32>, vector<16xi1>
      %get3A_892 = arith.index_cast %add3A_855 : i32 to index
      %get3A_893 = arith.constant 48 : index
      %get3A_894 = tpu.vector_load %arg8[%get3A_892, %get3A_893] {strides = array<i32>} : memref<80x128xi32, #tpu.memory_space<vmem>>, vector<16xi32>,
      %broadcast_in_dim3A_895 = arith.constant true
      %broadcast_in_dim3A_896 = vector.broadcast %broadcast_in_dim3A_895 : i1 to vector<16xi1>
      %unique3A_897, %unique3A_898 = tpu.scan_count mask(%broadcast_in_dim3A_896 : vector<16xi1>) value(%get3A_894 : vector<16xi32>) : vector<16xi1>, vector<16xi32>
      %convert_element_type3A_899 = arith.sitofp %unique3A_898 : vector<16xi32> to vector<16xf32>
      tpu.vector_store_idx %arg10[%get3A_894], %convert_element_type3A_899 masked %unique3A_897 {add = true} : memref<10016xf32, #tpu.memory_space<vmem>>[vector<16xi32>], vector<16xf32>, vector<16xi1>
      %get3A_900 = arith.index_cast %add3A_855 : i32 to index
      %get3A_901 = arith.constant 64 : index
      %get3A_902 = tpu.vector_load %arg8[%get3A_900, %get3A_901] {strides = array<i32>} : memref<80x128xi32, #tpu.memory_space<vmem>>, vector<16xi32>,
      %broadcast_in_dim3A_903 = arith.constant true
      %broadcast_in_dim3A_904 = vector.broadcast %broadcast_in_dim3A_903 : i1 to vector<16xi1>
      %unique3A_905, %unique3A_906 = tpu.scan_count mask(%broadcast_in_dim3A_904 : vector<16xi1>) value(%get3A_902 : vector<16xi32>) : vector<16xi1>, vector<16xi32>
      %convert_element_type3A_907 = arith.sitofp %unique3A_906 : vector<16xi32> to vector<16xf32>
      tpu.vector_store_idx %arg10[%get3A_902], %convert_element_type3A_907 masked %unique3A_905 {add = true} : memref<10016xf32, #tpu.memory_space<vmem>>[vector<16xi32>], vector<16xf32>, vector<16xi1>
      %get3A_908 = arith.index_cast %add3A_855 : i32 to index
      %get3A_909 = arith.constant 80 : index
      %get3A_910 = tpu.vector_load %arg8[%get3A_908, %get3A_909] {strides = array<i32>} : memref<80x128xi32, #tpu.memory_space<vmem>>, vector<16xi32>,
      %broadcast_in_dim3A_911 = arith.constant true
      %broadcast_in_dim3A_912 = vector.broadcast %broadcast_in_dim3A_911 : i1 to vector<16xi1>
      %unique3A_913, %unique3A_914 = tpu.scan_count mask(%broadcast_in_dim3A_912 : vector<16xi1>) value(%get3A_910 : vector<16xi32>) : vector<16xi1>, vector<16xi32>
      %convert_element_type3A_915 = arith.sitofp %unique3A_914 : vector<16xi32> to vector<16xf32>
      tpu.vector_store_idx %arg10[%get3A_910], %convert_element_type3A_915 masked %unique3A_913 {add = true} : memref<10016xf32, #tpu.memory_space<vmem>>[vector<16xi32>], vector<16xf32>, vector<16xi1>
      %get3A_916 = arith.index_cast %add3A_855 : i32 to index
      %get3A_917 = arith.constant 96 : index
      %get3A_918 = tpu.vector_load %arg8[%get3A_916, %get3A_917] {strides = array<i32>} : memref<80x128xi32, #tpu.memory_space<vmem>>, vector<16xi32>,
      %broadcast_in_dim3A_919 = arith.constant true
      %broadcast_in_dim3A_920 = vector.broadcast %broadcast_in_dim3A_919 : i1 to vector<16xi1>
      %unique3A_921, %unique3A_922 = tpu.scan_count mask(%broadcast_in_dim3A_920 : vector<16xi1>) value(%get3A_918 : vector<16xi32>) : vector<16xi1>, vector<16xi32>
      %convert_element_type3A_923 = arith.sitofp %unique3A_922 : vector<16xi32> to vector<16xf32>
      tpu.vector_store_idx %arg10[%get3A_918], %convert_element_type3A_923 masked %unique3A_921 {add = true} : memref<10016xf32, #tpu.memory_space<vmem>>[vector<16xi32>], vector<16xf32>, vector<16xi1>
      %get3A_924 = arith.index_cast %add3A_855 : i32 to index
      %get3A_925 = arith.constant 112 : index
      %get3A_926 = tpu.vector_load %arg8[%get3A_924, %get3A_925] {strides = array<i32>} : memref<80x128xi32, #tpu.memory_space<vmem>>, vector<16xi32>,
      %broadcast_in_dim3A_927 = arith.constant true
      %broadcast_in_dim3A_928 = vector.broadcast %broadcast_in_dim3A_927 : i1 to vector<16xi1>
      %unique3A_929, %unique3A_930 = tpu.scan_count mask(%broadcast_in_dim3A_928 : vector<16xi1>) value(%get3A_926 : vector<16xi32>) : vector<16xi1>, vector<16xi32>
      %convert_element_type3A_931 = arith.sitofp %unique3A_930 : vector<16xi32> to vector<16xf32>
      tpu.vector_store_idx %arg10[%get3A_926], %convert_element_type3A_931 masked %unique3A_929 {add = true} : memref<10016xf32, #tpu.memory_space<vmem>>[vector<16xi32>], vector<16xf32>, vector<16xi1>
      %dma_wait3A_932 = arith.constant 0 : i32
      %dma_wait3A_933 = arith.constant 0 : i32
      %dma_wait3A_934 = tpu.memref_slice %arg11[%dma_wait3A_932, %dma_wait3A_933] : memref<10016x64xf32, #tpu.memory_space<vmem_shared>> -> memref<128x64xf32, #tpu.memory_space<vmem_shared>>
      %dma_wait3A_935 = arith.constant 0 : i32
      %dma_wait3A_936 = arith.constant 0 : i32
      %dma_wait3A_937 = tpu.memref_slice %arg11[%dma_wait3A_935, %dma_wait3A_936] : memref<10016x64xf32, #tpu.memory_space<vmem_shared>> -> memref<128x64xf32, #tpu.memory_space<vmem_shared>>
      tpu.wait_dma2 semaphore(%arg23 : memref<!tpu.dma_semaphore, #tpu.memory_space<semaphore_mem>>) src(%arg15 : memref<128x64xf32, #tpu.memory_space<vmem>>) dst(%dma_wait3A_937 : memref<128x64xf32, #tpu.memory_space<vmem_shared>>)
      %add3A_938 = arith.constant 4 : i32
      %add3A_939 = arith.addi %add3A_855, %add3A_938 : i32
      %dma_start3A_940 = arith.constant 0 : i32
      %dma_start3A_941 = tpu.memref_slice %arg7[%add3A_939, %dma_start3A_940] : memref<80x128xi32, #tpu.memory_space<vmem>> -> memref<1x128xi32, #tpu.memory_space<vmem>>
      %dma_start3A_942 = tpu.memref_squeeze %dma_start3A_941 : memref<1x128xi32, #tpu.memory_space<vmem>> -> memref<128xi32, #tpu.memory_space<vmem>>
      %dma_start3A_943 = arith.constant 0 : i32
      %dma_start3A_944 = arith.constant 0 : i32
      %dma_start3A_945 = tpu.memref_slice %arg2[%dma_start3A_943, %dma_start3A_944] : memref<10000x64xf32, #tpu.memory_space<hbm>> -> memref<10000x64xf32, #tpu.memory_space<hbm>>
      tpu.enqueue_indirect_dma source(%dma_start3A_945 : memref<10000x64xf32, #tpu.memory_space<hbm>>) target(%arg15 : memref<128x64xf32, #tpu.memory_space<vmem>>) offsets(%dma_start3A_942 : memref<128xi32, #tpu.memory_space<vmem>>) semaphore(%arg19 : memref<!tpu.dma_semaphore, #tpu.memory_space<semaphore_mem>>)
    }
    %while3A_92 = arith.constant 1 : i32
    scf.for %while3A_569 = %while3A_90 to %while3A_86 step %while3A_92  : i32 {
      %mul3A_570 = arith.constant 4 : i32
      %mul3A_571 = arith.muli %while3A_569, %mul3A_570 : i32
      %add3A_572 = arith.constant 0 : i32
      %add3A_573 = arith.addi %mul3A_571, %add3A_572 : i32
      %dma_wait3A_574 = arith.constant 0 : i32
      %dma_wait3A_575 = arith.constant 0 : i32
      %dma_wait3A_576 = tpu.memref_slice %arg2[%dma_wait3A_574, %dma_wait3A_575] : memref<10000x64xf32, #tpu.memory_space<hbm>> -> memref<128x64xf32, #tpu.memory_space<hbm>>
      %dma_wait3A_577 = arith.constant 0 : i32
      %dma_wait3A_578 = arith.constant 0 : i32
      %dma_wait3A_579 = tpu.memref_slice %arg2[%dma_wait3A_577, %dma_wait3A_578] : memref<10000x64xf32, #tpu.memory_space<hbm>> -> memref<128x64xf32, #tpu.memory_space<hbm>>
      tpu.wait_dma2 semaphore(%arg16 : memref<!tpu.dma_semaphore, #tpu.memory_space<semaphore_mem>>) src(%dma_wait3A_579 : memref<128x64xf32, #tpu.memory_space<hbm>>) dst(%arg12 : memref<128x64xf32, #tpu.memory_space<vmem>>)
      %dma_start3A_580 = arith.constant 0 : i32
      %dma_start3A_581 = tpu.memref_slice %arg8[%add3A_573, %dma_start3A_580] : memref<80x128xi32, #tpu.memory_space<vmem>> -> memref<1x128xi32, #tpu.memory_space<vmem>>
      %dma_start3A_582 = tpu.memref_squeeze %dma_start3A_581 : memref<1x128xi32, #tpu.memory_space<vmem>> -> memref<128xi32, #tpu.memory_space<vmem>>
      %dma_start3A_583 = arith.constant 0 : i32
      %dma_start3A_584 = arith.constant 0 : i32
      %dma_start3A_585 = tpu.memref_slice %arg11[%dma_start3A_583, %dma_start3A_584] : memref<10016x64xf32, #tpu.memory_space<vmem_shared>> -> memref<10016x64xf32, #tpu.memory_space<vmem_shared>>
      tpu.enqueue_indirect_dma source(%arg12 : memref<128x64xf32, #tpu.memory_space<vmem>>) target(%dma_start3A_585 : memref<10016x64xf32, #tpu.memory_space<vmem_shared>>) offsets(%dma_start3A_582 : memref<128xi32, #tpu.memory_space<vmem>>) semaphore(%arg20 : memref<!tpu.dma_semaphore, #tpu.memory_space<semaphore_mem>>) {add = true}
      %get3A_586 = arith.index_cast %add3A_573 : i32 to index
      %get3A_587 = arith.constant 0 : index
      %get3A_588 = tpu.vector_load %arg8[%get3A_586, %get3A_587] {strides = array<i32>} : memref<80x128xi32, #tpu.memory_space<vmem>>, vector<16xi32>,
      %broadcast_in_dim3A_589 = arith.constant true
      %broadcast_in_dim3A_590 = vector.broadcast %broadcast_in_dim3A_589 : i1 to vector<16xi1>
      %unique3A_591, %unique3A_592 = tpu.scan_count mask(%broadcast_in_dim3A_590 : vector<16xi1>) value(%get3A_588 : vector<16xi32>) : vector<16xi1>, vector<16xi32>
      %convert_element_type3A_593 = arith.sitofp %unique3A_592 : vector<16xi32> to vector<16xf32>
      tpu.vector_store_idx %arg10[%get3A_588], %convert_element_type3A_593 masked %unique3A_591 {add = true} : memref<10016xf32, #tpu.memory_space<vmem>>[vector<16xi32>], vector<16xf32>, vector<16xi1>
      %get3A_594 = arith.index_cast %add3A_573 : i32 to index
      %get3A_595 = arith.constant 16 : index
      %get3A_596 = tpu.vector_load %arg8[%get3A_594, %get3A_595] {strides = array<i32>} : memref<80x128xi32, #tpu.memory_space<vmem>>, vector<16xi32>,
      %broadcast_in_dim3A_597 = arith.constant true
      %broadcast_in_dim3A_598 = vector.broadcast %broadcast_in_dim3A_597 : i1 to vector<16xi1>
      %unique3A_599, %unique3A_600 = tpu.scan_count mask(%broadcast_in_dim3A_598 : vector<16xi1>) value(%get3A_596 : vector<16xi32>) : vector<16xi1>, vector<16xi32>
      %convert_element_type3A_601 = arith.sitofp %unique3A_600 : vector<16xi32> to vector<16xf32>
      tpu.vector_store_idx %arg10[%get3A_596], %convert_element_type3A_601 masked %unique3A_599 {add = true} : memref<10016xf32, #tpu.memory_space<vmem>>[vector<16xi32>], vector<16xf32>, vector<16xi1>
      %get3A_602 = arith.index_cast %add3A_573 : i32 to index
      %get3A_603 = arith.constant 32 : index
      %get3A_604 = tpu.vector_load %arg8[%get3A_602, %get3A_603] {strides = array<i32>} : memref<80x128xi32, #tpu.memory_space<vmem>>, vector<16xi32>,
      %broadcast_in_dim3A_605 = arith.constant true
      %broadcast_in_dim3A_606 = vector.broadcast %broadcast_in_dim3A_605 : i1 to vector<16xi1>
      %unique3A_607, %unique3A_608 = tpu.scan_count mask(%broadcast_in_dim3A_606 : vector<16xi1>) value(%get3A_604 : vector<16xi32>) : vector<16xi1>, vector<16xi32>
      %convert_element_type3A_609 = arith.sitofp %unique3A_608 : vector<16xi32> to vector<16xf32>
      tpu.vector_store_idx %arg10[%get3A_604], %convert_element_type3A_609 masked %unique3A_607 {add = true} : memref<10016xf32, #tpu.memory_space<vmem>>[vector<16xi32>], vector<16xf32>, vector<16xi1>
      %get3A_610 = arith.index_cast %add3A_573 : i32 to index
      %get3A_611 = arith.constant 48 : index
      %get3A_612 = tpu.vector_load %arg8[%get3A_610, %get3A_611] {strides = array<i32>} : memref<80x128xi32, #tpu.memory_space<vmem>>, vector<16xi32>,
      %broadcast_in_dim3A_613 = arith.constant true
      %broadcast_in_dim3A_614 = vector.broadcast %broadcast_in_dim3A_613 : i1 to vector<16xi1>
      %unique3A_615, %unique3A_616 = tpu.scan_count mask(%broadcast_in_dim3A_614 : vector<16xi1>) value(%get3A_612 : vector<16xi32>) : vector<16xi1>, vector<16xi32>
      %convert_element_type3A_617 = arith.sitofp %unique3A_616 : vector<16xi32> to vector<16xf32>
      tpu.vector_store_idx %arg10[%get3A_612], %convert_element_type3A_617 masked %unique3A_615 {add = true} : memref<10016xf32, #tpu.memory_space<vmem>>[vector<16xi32>], vector<16xf32>, vector<16xi1>
      %get3A_618 = arith.index_cast %add3A_573 : i32 to index
      %get3A_619 = arith.constant 64 : index
      %get3A_620 = tpu.vector_load %arg8[%get3A_618, %get3A_619] {strides = array<i32>} : memref<80x128xi32, #tpu.memory_space<vmem>>, vector<16xi32>,
      %broadcast_in_dim3A_621 = arith.constant true
      %broadcast_in_dim3A_622 = vector.broadcast %broadcast_in_dim3A_621 : i1 to vector<16xi1>
      %unique3A_623, %unique3A_624 = tpu.scan_count mask(%broadcast_in_dim3A_622 : vector<16xi1>) value(%get3A_620 : vector<16xi32>) : vector<16xi1>, vector<16xi32>
      %convert_element_type3A_625 = arith.sitofp %unique3A_624 : vector<16xi32> to vector<16xf32>
      tpu.vector_store_idx %arg10[%get3A_620], %convert_element_type3A_625 masked %unique3A_623 {add = true} : memref<10016xf32, #tpu.memory_space<vmem>>[vector<16xi32>], vector<16xf32>, vector<16xi1>
      %get3A_626 = arith.index_cast %add3A_573 : i32 to index
      %get3A_627 = arith.constant 80 : index
      %get3A_628 = tpu.vector_load %arg8[%get3A_626, %get3A_627] {strides = array<i32>} : memref<80x128xi32, #tpu.memory_space<vmem>>, vector<16xi32>,
      %broadcast_in_dim3A_629 = arith.constant true
      %broadcast_in_dim3A_630 = vector.broadcast %broadcast_in_dim3A_629 : i1 to vector<16xi1>
      %unique3A_631, %unique3A_632 = tpu.scan_count mask(%broadcast_in_dim3A_630 : vector<16xi1>) value(%get3A_628 : vector<16xi32>) : vector<16xi1>, vector<16xi32>
      %convert_element_type3A_633 = arith.sitofp %unique3A_632 : vector<16xi32> to vector<16xf32>
      tpu.vector_store_idx %arg10[%get3A_628], %convert_element_type3A_633 masked %unique3A_631 {add = true} : memref<10016xf32, #tpu.memory_space<vmem>>[vector<16xi32>], vector<16xf32>, vector<16xi1>
      %get3A_634 = arith.index_cast %add3A_573 : i32 to index
      %get3A_635 = arith.constant 96 : index
      %get3A_636 = tpu.vector_load %arg8[%get3A_634, %get3A_635] {strides = array<i32>} : memref<80x128xi32, #tpu.memory_space<vmem>>, vector<16xi32>,
      %broadcast_in_dim3A_637 = arith.constant true
      %broadcast_in_dim3A_638 = vector.broadcast %broadcast_in_dim3A_637 : i1 to vector<16xi1>
      %unique3A_639, %unique3A_640 = tpu.scan_count mask(%broadcast_in_dim3A_638 : vector<16xi1>) value(%get3A_636 : vector<16xi32>) : vector<16xi1>, vector<16xi32>
      %convert_element_type3A_641 = arith.sitofp %unique3A_640 : vector<16xi32> to vector<16xf32>
      tpu.vector_store_idx %arg10[%get3A_636], %convert_element_type3A_641 masked %unique3A_639 {add = true} : memref<10016xf32, #tpu.memory_space<vmem>>[vector<16xi32>], vector<16xf32>, vector<16xi1>
      %get3A_642 = arith.index_cast %add3A_573 : i32 to index
      %get3A_643 = arith.constant 112 : index
      %get3A_644 = tpu.vector_load %arg8[%get3A_642, %get3A_643] {strides = array<i32>} : memref<80x128xi32, #tpu.memory_space<vmem>>, vector<16xi32>,
      %broadcast_in_dim3A_645 = arith.constant true
      %broadcast_in_dim3A_646 = vector.broadcast %broadcast_in_dim3A_645 : i1 to vector<16xi1>
      %unique3A_647, %unique3A_648 = tpu.scan_count mask(%broadcast_in_dim3A_646 : vector<16xi1>) value(%get3A_644 : vector<16xi32>) : vector<16xi1>, vector<16xi32>
      %convert_element_type3A_649 = arith.sitofp %unique3A_648 : vector<16xi32> to vector<16xf32>
      tpu.vector_store_idx %arg10[%get3A_644], %convert_element_type3A_649 masked %unique3A_647 {add = true} : memref<10016xf32, #tpu.memory_space<vmem>>[vector<16xi32>], vector<16xf32>, vector<16xi1>
      %dma_wait3A_650 = arith.constant 0 : i32
      %dma_wait3A_651 = arith.constant 0 : i32
      %dma_wait3A_652 = tpu.memref_slice %arg11[%dma_wait3A_650, %dma_wait3A_651] : memref<10016x64xf32, #tpu.memory_space<vmem_shared>> -> memref<128x64xf32, #tpu.memory_space<vmem_shared>>
      %dma_wait3A_653 = arith.constant 0 : i32
      %dma_wait3A_654 = arith.constant 0 : i32
      %dma_wait3A_655 = tpu.memref_slice %arg11[%dma_wait3A_653, %dma_wait3A_654] : memref<10016x64xf32, #tpu.memory_space<vmem_shared>> -> memref<128x64xf32, #tpu.memory_space<vmem_shared>>
      tpu.wait_dma2 semaphore(%arg20 : memref<!tpu.dma_semaphore, #tpu.memory_space<semaphore_mem>>) src(%arg12 : memref<128x64xf32, #tpu.memory_space<vmem>>) dst(%dma_wait3A_655 : memref<128x64xf32, #tpu.memory_space<vmem_shared>>)
      %add3A_656 = arith.constant 4 : i32
      %add3A_657 = arith.addi %add3A_573, %add3A_656 : i32
      %dma_start3A_658 = arith.constant 0 : i32
      %dma_start3A_659 = tpu.memref_slice %arg7[%add3A_657, %dma_start3A_658] : memref<80x128xi32, #tpu.memory_space<vmem>> -> memref<1x128xi32, #tpu.memory_space<vmem>>
      %dma_start3A_660 = tpu.memref_squeeze %dma_start3A_659 : memref<1x128xi32, #tpu.memory_space<vmem>> -> memref<128xi32, #tpu.memory_space<vmem>>
      %dma_start3A_661 = arith.constant 0 : i32
      %dma_start3A_662 = arith.constant 0 : i32
      %dma_start3A_663 = tpu.memref_slice %arg2[%dma_start3A_661, %dma_start3A_662] : memref<10000x64xf32, #tpu.memory_space<hbm>> -> memref<10000x64xf32, #tpu.memory_space<hbm>>
      tpu.enqueue_indirect_dma source(%dma_start3A_663 : memref<10000x64xf32, #tpu.memory_space<hbm>>) target(%arg12 : memref<128x64xf32, #tpu.memory_space<vmem>>) offsets(%dma_start3A_660 : memref<128xi32, #tpu.memory_space<vmem>>) semaphore(%arg16 : memref<!tpu.dma_semaphore, #tpu.memory_space<semaphore_mem>>)
      %mul3A_664 = arith.constant 4 : i32
      %mul3A_665 = arith.muli %while3A_569, %mul3A_664 : i32
      %add3A_666 = arith.constant 1 : i32
      %add3A_667 = arith.addi %mul3A_665, %add3A_666 : i32
      %dma_wait3A_668 = arith.constant 0 : i32
      %dma_wait3A_669 = arith.constant 0 : i32
      %dma_wait3A_670 = tpu.memref_slice %arg2[%dma_wait3A_668, %dma_wait3A_669] : memref<10000x64xf32, #tpu.memory_space<hbm>> -> memref<128x64xf32, #tpu.memory_space<hbm>>
      %dma_wait3A_671 = arith.constant 0 : i32
      %dma_wait3A_672 = arith.constant 0 : i32
      %dma_wait3A_673 = tpu.memref_slice %arg2[%dma_wait3A_671, %dma_wait3A_672] : memref<10000x64xf32, #tpu.memory_space<hbm>> -> memref<128x64xf32, #tpu.memory_space<hbm>>
      tpu.wait_dma2 semaphore(%arg17 : memref<!tpu.dma_semaphore, #tpu.memory_space<semaphore_mem>>) src(%dma_wait3A_673 : memref<128x64xf32, #tpu.memory_space<hbm>>) dst(%arg13 : memref<128x64xf32, #tpu.memory_space<vmem>>)
      %dma_start3A_674 = arith.constant 0 : i32
      %dma_start3A_675 = tpu.memref_slice %arg8[%add3A_667, %dma_start3A_674] : memref<80x128xi32, #tpu.memory_space<vmem>> -> memref<1x128xi32, #tpu.memory_space<vmem>>
      %dma_start3A_676 = tpu.memref_squeeze %dma_start3A_675 : memref<1x128xi32, #tpu.memory_space<vmem>> -> memref<128xi32, #tpu.memory_space<vmem>>
      %dma_start3A_677 = arith.constant 0 : i32
      %dma_start3A_678 = arith.constant 0 : i32
      %dma_start3A_679 = tpu.memref_slice %arg11[%dma_start3A_677, %dma_start3A_678] : memref<10016x64xf32, #tpu.memory_space<vmem_shared>> -> memref<10016x64xf32, #tpu.memory_space<vmem_shared>>
      tpu.enqueue_indirect_dma source(%arg13 : memref<128x64xf32, #tpu.memory_space<vmem>>) target(%dma_start3A_679 : memref<10016x64xf32, #tpu.memory_space<vmem_shared>>) offsets(%dma_start3A_676 : memref<128xi32, #tpu.memory_space<vmem>>) semaphore(%arg21 : memref<!tpu.dma_semaphore, #tpu.memory_space<semaphore_mem>>) {add = true}
      %get3A_680 = arith.index_cast %add3A_667 : i32 to index
      %get3A_681 = arith.constant 0 : index
      %get3A_682 = tpu.vector_load %arg8[%get3A_680, %get3A_681] {strides = array<i32>} : memref<80x128xi32, #tpu.memory_space<vmem>>, vector<16xi32>,
      %broadcast_in_dim3A_683 = arith.constant true
      %broadcast_in_dim3A_684 = vector.broadcast %broadcast_in_dim3A_683 : i1 to vector<16xi1>
      %unique3A_685, %unique3A_686 = tpu.scan_count mask(%broadcast_in_dim3A_684 : vector<16xi1>) value(%get3A_682 : vector<16xi32>) : vector<16xi1>, vector<16xi32>
      %convert_element_type3A_687 = arith.sitofp %unique3A_686 : vector<16xi32> to vector<16xf32>
      tpu.vector_store_idx %arg10[%get3A_682], %convert_element_type3A_687 masked %unique3A_685 {add = true} : memref<10016xf32, #tpu.memory_space<vmem>>[vector<16xi32>], vector<16xf32>, vector<16xi1>
      %get3A_688 = arith.index_cast %add3A_667 : i32 to index
      %get3A_689 = arith.constant 16 : index
      %get3A_690 = tpu.vector_load %arg8[%get3A_688, %get3A_689] {strides = array<i32>} : memref<80x128xi32, #tpu.memory_space<vmem>>, vector<16xi32>,
      %broadcast_in_dim3A_691 = arith.constant true
      %broadcast_in_dim3A_692 = vector.broadcast %broadcast_in_dim3A_691 : i1 to vector<16xi1>
      %unique3A_693, %unique3A_694 = tpu.scan_count mask(%broadcast_in_dim3A_692 : vector<16xi1>) value(%get3A_690 : vector<16xi32>) : vector<16xi1>, vector<16xi32>
      %convert_element_type3A_695 = arith.sitofp %unique3A_694 : vector<16xi32> to vector<16xf32>
      tpu.vector_store_idx %arg10[%get3A_690], %convert_element_type3A_695 masked %unique3A_693 {add = true} : memref<10016xf32, #tpu.memory_space<vmem>>[vector<16xi32>], vector<16xf32>, vector<16xi1>
      %get3A_696 = arith.index_cast %add3A_667 : i32 to index
      %get3A_697 = arith.constant 32 : index
      %get3A_698 = tpu.vector_load %arg8[%get3A_696, %get3A_697] {strides = array<i32>} : memref<80x128xi32, #tpu.memory_space<vmem>>, vector<16xi32>,
      %broadcast_in_dim3A_699 = arith.constant true
      %broadcast_in_dim3A_700 = vector.broadcast %broadcast_in_dim3A_699 : i1 to vector<16xi1>
      %unique3A_701, %unique3A_702 = tpu.scan_count mask(%broadcast_in_dim3A_700 : vector<16xi1>) value(%get3A_698 : vector<16xi32>) : vector<16xi1>, vector<16xi32>
      %convert_element_type3A_703 = arith.sitofp %unique3A_702 : vector<16xi32> to vector<16xf32>
      tpu.vector_store_idx %arg10[%get3A_698], %convert_element_type3A_703 masked %unique3A_701 {add = true} : memref<10016xf32, #tpu.memory_space<vmem>>[vector<16xi32>], vector<16xf32>, vector<16xi1>
      %get3A_704 = arith.index_cast %add3A_667 : i32 to index
      %get3A_705 = arith.constant 48 : index
      %get3A_706 = tpu.vector_load %arg8[%get3A_704, %get3A_705] {strides = array<i32>} : memref<80x128xi32, #tpu.memory_space<vmem>>, vector<16xi32>,
      %broadcast_in_dim3A_707 = arith.constant true
      %broadcast_in_dim3A_708 = vector.broadcast %broadcast_in_dim3A_707 : i1 to vector<16xi1>
      %unique3A_709, %unique3A_710 = tpu.scan_count mask(%broadcast_in_dim3A_708 : vector<16xi1>) value(%get3A_706 : vector<16xi32>) : vector<16xi1>, vector<16xi32>
      %convert_element_type3A_711 = arith.sitofp %unique3A_710 : vector<16xi32> to vector<16xf32>
      tpu.vector_store_idx %arg10[%get3A_706], %convert_element_type3A_711 masked %unique3A_709 {add = true} : memref<10016xf32, #tpu.memory_space<vmem>>[vector<16xi32>], vector<16xf32>, vector<16xi1>
      %get3A_712 = arith.index_cast %add3A_667 : i32 to index
      %get3A_713 = arith.constant 64 : index
      %get3A_714 = tpu.vector_load %arg8[%get3A_712, %get3A_713] {strides = array<i32>} : memref<80x128xi32, #tpu.memory_space<vmem>>, vector<16xi32>,
      %broadcast_in_dim3A_715 = arith.constant true
      %broadcast_in_dim3A_716 = vector.broadcast %broadcast_in_dim3A_715 : i1 to vector<16xi1>
      %unique3A_717, %unique3A_718 = tpu.scan_count mask(%broadcast_in_dim3A_716 : vector<16xi1>) value(%get3A_714 : vector<16xi32>) : vector<16xi1>, vector<16xi32>
      %convert_element_type3A_719 = arith.sitofp %unique3A_718 : vector<16xi32> to vector<16xf32>
      tpu.vector_store_idx %arg10[%get3A_714], %convert_element_type3A_719 masked %unique3A_717 {add = true} : memref<10016xf32, #tpu.memory_space<vmem>>[vector<16xi32>], vector<16xf32>, vector<16xi1>
      %get3A_720 = arith.index_cast %add3A_667 : i32 to index
      %get3A_721 = arith.constant 80 : index
      %get3A_722 = tpu.vector_load %arg8[%get3A_720, %get3A_721] {strides = array<i32>} : memref<80x128xi32, #tpu.memory_space<vmem>>, vector<16xi32>,
      %broadcast_in_dim3A_723 = arith.constant true
      %broadcast_in_dim3A_724 = vector.broadcast %broadcast_in_dim3A_723 : i1 to vector<16xi1>
      %unique3A_725, %unique3A_726 = tpu.scan_count mask(%broadcast_in_dim3A_724 : vector<16xi1>) value(%get3A_722 : vector<16xi32>) : vector<16xi1>, vector<16xi32>
      %convert_element_type3A_727 = arith.sitofp %unique3A_726 : vector<16xi32> to vector<16xf32>
      tpu.vector_store_idx %arg10[%get3A_722], %convert_element_type3A_727 masked %unique3A_725 {add = true} : memref<10016xf32, #tpu.memory_space<vmem>>[vector<16xi32>], vector<16xf32>, vector<16xi1>
      %get3A_728 = arith.index_cast %add3A_667 : i32 to index
      %get3A_729 = arith.constant 96 : index
      %get3A_730 = tpu.vector_load %arg8[%get3A_728, %get3A_729] {strides = array<i32>} : memref<80x128xi32, #tpu.memory_space<vmem>>, vector<16xi32>,
      %broadcast_in_dim3A_731 = arith.constant true
      %broadcast_in_dim3A_732 = vector.broadcast %broadcast_in_dim3A_731 : i1 to vector<16xi1>
      %unique3A_733, %unique3A_734 = tpu.scan_count mask(%broadcast_in_dim3A_732 : vector<16xi1>) value(%get3A_730 : vector<16xi32>) : vector<16xi1>, vector<16xi32>
      %convert_element_type3A_735 = arith.sitofp %unique3A_734 : vector<16xi32> to vector<16xf32>
      tpu.vector_store_idx %arg10[%get3A_730], %convert_element_type3A_735 masked %unique3A_733 {add = true} : memref<10016xf32, #tpu.memory_space<vmem>>[vector<16xi32>], vector<16xf32>, vector<16xi1>
      %get3A_736 = arith.index_cast %add3A_667 : i32 to index
      %get3A_737 = arith.constant 112 : index
      %get3A_738 = tpu.vector_load %arg8[%get3A_736, %get3A_737] {strides = array<i32>} : memref<80x128xi32, #tpu.memory_space<vmem>>, vector<16xi32>,
      %broadcast_in_dim3A_739 = arith.constant true
      %broadcast_in_dim3A_740 = vector.broadcast %broadcast_in_dim3A_739 : i1 to vector<16xi1>
      %unique3A_741, %unique3A_742 = tpu.scan_count mask(%broadcast_in_dim3A_740 : vector<16xi1>) value(%get3A_738 : vector<16xi32>) : vector<16xi1>, vector<16xi32>
      %convert_element_type3A_743 = arith.sitofp %unique3A_742 : vector<16xi32> to vector<16xf32>
      tpu.vector_store_idx %arg10[%get3A_738], %convert_element_type3A_743 masked %unique3A_741 {add = true} : memref<10016xf32, #tpu.memory_space<vmem>>[vector<16xi32>], vector<16xf32>, vector<16xi1>
      %dma_wait3A_744 = arith.constant 0 : i32
      %dma_wait3A_745 = arith.constant 0 : i32
      %dma_wait3A_746 = tpu.memref_slice %arg11[%dma_wait3A_744, %dma_wait3A_745] : memref<10016x64xf32, #tpu.memory_space<vmem_shared>> -> memref<128x64xf32, #tpu.memory_space<vmem_shared>>
      %dma_wait3A_747 = arith.constant 0 : i32
      %dma_wait3A_748 = arith.constant 0 : i32
      %dma_wait3A_749 = tpu.memref_slice %arg11[%dma_wait3A_747, %dma_wait3A_748] : memref<10016x64xf32, #tpu.memory_space<vmem_shared>> -> memref<128x64xf32, #tpu.memory_space<vmem_shared>>
      tpu.wait_dma2 semaphore(%arg21 : memref<!tpu.dma_semaphore, #tpu.memory_space<semaphore_mem>>) src(%arg13 : memref<128x64xf32, #tpu.memory_space<vmem>>) dst(%dma_wait3A_749 : memref<128x64xf32, #tpu.memory_space<vmem_shared>>)
      %add3A_750 = arith.constant 4 : i32
      %add3A_751 = arith.addi %add3A_667, %add3A_750 : i32
      %dma_start3A_752 = arith.constant 0 : i32
      %dma_start3A_753 = tpu.memref_slice %arg7[%add3A_751, %dma_start3A_752] : memref<80x128xi32, #tpu.memory_space<vmem>> -> memref<1x128xi32, #tpu.memory_space<vmem>>
      %dma_start3A_754 = tpu.memref_squeeze %dma_start3A_753 : memref<1x128xi32, #tpu.memory_space<vmem>> -> memref<128xi32, #tpu.memory_space<vmem>>
      %dma_start3A_755 = arith.constant 0 : i32
      %dma_start3A_756 = arith.constant 0 : i32
      %dma_start3A_757 = tpu.memref_slice %arg2[%dma_start3A_755, %dma_start3A_756] : memref<10000x64xf32, #tpu.memory_space<hbm>> -> memref<10000x64xf32, #tpu.memory_space<hbm>>
      tpu.enqueue_indirect_dma source(%dma_start3A_757 : memref<10000x64xf32, #tpu.memory_space<hbm>>) target(%arg13 : memref<128x64xf32, #tpu.memory_space<vmem>>) offsets(%dma_start3A_754 : memref<128xi32, #tpu.memory_space<vmem>>) semaphore(%arg17 : memref<!tpu.dma_semaphore, #tpu.memory_space<semaphore_mem>>)
      %mul3A_758 = arith.constant 4 : i32
      %mul3A_759 = arith.muli %while3A_569, %mul3A_758 : i32
      %add3A_760 = arith.constant 2 : i32
      %add3A_761 = arith.addi %mul3A_759, %add3A_760 : i32
      %dma_wait3A_762 = arith.constant 0 : i32
      %dma_wait3A_763 = arith.constant 0 : i32
      %dma_wait3A_764 = tpu.memref_slice %arg2[%dma_wait3A_762, %dma_wait3A_763] : memref<10000x64xf32, #tpu.memory_space<hbm>> -> memref<128x64xf32, #tpu.memory_space<hbm>>
      %dma_wait3A_765 = arith.constant 0 : i32
      %dma_wait3A_766 = arith.constant 0 : i32
      %dma_wait3A_767 = tpu.memref_slice %arg2[%dma_wait3A_765, %dma_wait3A_766] : memref<10000x64xf32, #tpu.memory_space<hbm>> -> memref<128x64xf32, #tpu.memory_space<hbm>>
      tpu.wait_dma2 semaphore(%arg18 : memref<!tpu.dma_semaphore, #tpu.memory_space<semaphore_mem>>) src(%dma_wait3A_767 : memref<128x64xf32, #tpu.memory_space<hbm>>) dst(%arg14 : memref<128x64xf32, #tpu.memory_space<vmem>>)
      %dma_start3A_768 = arith.constant 0 : i32
      %dma_start3A_769 = tpu.memref_slice %arg8[%add3A_761, %dma_start3A_768] : memref<80x128xi32, #tpu.memory_space<vmem>> -> memref<1x128xi32, #tpu.memory_space<vmem>>
      %dma_start3A_770 = tpu.memref_squeeze %dma_start3A_769 : memref<1x128xi32, #tpu.memory_space<vmem>> -> memref<128xi32, #tpu.memory_space<vmem>>
      %dma_start3A_771 = arith.constant 0 : i32
      %dma_start3A_772 = arith.constant 0 : i32
      %dma_start3A_773 = tpu.memref_slice %arg11[%dma_start3A_771, %dma_start3A_772] : memref<10016x64xf32, #tpu.memory_space<vmem_shared>> -> memref<10016x64xf32, #tpu.memory_space<vmem_shared>>
      tpu.enqueue_indirect_dma source(%arg14 : memref<128x64xf32, #tpu.memory_space<vmem>>) target(%dma_start3A_773 : memref<10016x64xf32, #tpu.memory_space<vmem_shared>>) offsets(%dma_start3A_770 : memref<128xi32, #tpu.memory_space<vmem>>) semaphore(%arg22 : memref<!tpu.dma_semaphore, #tpu.memory_space<semaphore_mem>>) {add = true}
      %get3A_774 = arith.index_cast %add3A_761 : i32 to index
      %get3A_775 = arith.constant 0 : index
      %get3A_776 = tpu.vector_load %arg8[%get3A_774, %get3A_775] {strides = array<i32>} : memref<80x128xi32, #tpu.memory_space<vmem>>, vector<16xi32>,
      %broadcast_in_dim3A_777 = arith.constant true
      %broadcast_in_dim3A_778 = vector.broadcast %broadcast_in_dim3A_777 : i1 to vector<16xi1>
      %unique3A_779, %unique3A_780 = tpu.scan_count mask(%broadcast_in_dim3A_778 : vector<16xi1>) value(%get3A_776 : vector<16xi32>) : vector<16xi1>, vector<16xi32>
      %convert_element_type3A_781 = arith.sitofp %unique3A_780 : vector<16xi32> to vector<16xf32>
      tpu.vector_store_idx %arg10[%get3A_776], %convert_element_type3A_781 masked %unique3A_779 {add = true} : memref<10016xf32, #tpu.memory_space<vmem>>[vector<16xi32>], vector<16xf32>, vector<16xi1>
      %get3A_782 = arith.index_cast %add3A_761 : i32 to index
      %get3A_783 = arith.constant 16 : index
      %get3A_784 = tpu.vector_load %arg8[%get3A_782, %get3A_783] {strides = array<i32>} : memref<80x128xi32, #tpu.memory_space<vmem>>, vector<16xi32>,
      %broadcast_in_dim3A_785 = arith.constant true
      %broadcast_in_dim3A_786 = vector.broadcast %broadcast_in_dim3A_785 : i1 to vector<16xi1>
      %unique3A_787, %unique3A_788 = tpu.scan_count mask(%broadcast_in_dim3A_786 : vector<16xi1>) value(%get3A_784 : vector<16xi32>) : vector<16xi1>, vector<16xi32>
      %convert_element_type3A_789 = arith.sitofp %unique3A_788 : vector<16xi32> to vector<16xf32>
      tpu.vector_store_idx %arg10[%get3A_784], %convert_element_type3A_789 masked %unique3A_787 {add = true} : memref<10016xf32, #tpu.memory_space<vmem>>[vector<16xi32>], vector<16xf32>, vector<16xi1>
      %get3A_790 = arith.index_cast %add3A_761 : i32 to index
      %get3A_791 = arith.constant 32 : index
      %get3A_792 = tpu.vector_load %arg8[%get3A_790, %get3A_791] {strides = array<i32>} : memref<80x128xi32, #tpu.memory_space<vmem>>, vector<16xi32>,
      %broadcast_in_dim3A_793 = arith.constant true
      %broadcast_in_dim3A_794 = vector.broadcast %broadcast_in_dim3A_793 : i1 to vector<16xi1>
      %unique3A_795, %unique3A_796 = tpu.scan_count mask(%broadcast_in_dim3A_794 : vector<16xi1>) value(%get3A_792 : vector<16xi32>) : vector<16xi1>, vector<16xi32>
      %convert_element_type3A_797 = arith.sitofp %unique3A_796 : vector<16xi32> to vector<16xf32>
      tpu.vector_store_idx %arg10[%get3A_792], %convert_element_type3A_797 masked %unique3A_795 {add = true} : memref<10016xf32, #tpu.memory_space<vmem>>[vector<16xi32>], vector<16xf32>, vector<16xi1>
      %get3A_798 = arith.index_cast %add3A_761 : i32 to index
      %get3A_799 = arith.constant 48 : index
      %get3A_800 = tpu.vector_load %arg8[%get3A_798, %get3A_799] {strides = array<i32>} : memref<80x128xi32, #tpu.memory_space<vmem>>, vector<16xi32>,
      %broadcast_in_dim3A_801 = arith.constant true
      %broadcast_in_dim3A_802 = vector.broadcast %broadcast_in_dim3A_801 : i1 to vector<16xi1>
      %unique3A_803, %unique3A_804 = tpu.scan_count mask(%broadcast_in_dim3A_802 : vector<16xi1>) value(%get3A_800 : vector<16xi32>) : vector<16xi1>, vector<16xi32>
      %convert_element_type3A_805 = arith.sitofp %unique3A_804 : vector<16xi32> to vector<16xf32>
      tpu.vector_store_idx %arg10[%get3A_800], %convert_element_type3A_805 masked %unique3A_803 {add = true} : memref<10016xf32, #tpu.memory_space<vmem>>[vector<16xi32>], vector<16xf32>, vector<16xi1>
      %get3A_806 = arith.index_cast %add3A_761 : i32 to index
      %get3A_807 = arith.constant 64 : index
      %get3A_808 = tpu.vector_load %arg8[%get3A_806, %get3A_807] {strides = array<i32>} : memref<80x128xi32, #tpu.memory_space<vmem>>, vector<16xi32>,
      %broadcast_in_dim3A_809 = arith.constant true
      %broadcast_in_dim3A_810 = vector.broadcast %broadcast_in_dim3A_809 : i1 to vector<16xi1>
      %unique3A_811, %unique3A_812 = tpu.scan_count mask(%broadcast_in_dim3A_810 : vector<16xi1>) value(%get3A_808 : vector<16xi32>) : vector<16xi1>, vector<16xi32>
      %convert_element_type3A_813 = arith.sitofp %unique3A_812 : vector<16xi32> to vector<16xf32>
      tpu.vector_store_idx %arg10[%get3A_808], %convert_element_type3A_813 masked %unique3A_811 {add = true} : memref<10016xf32, #tpu.memory_space<vmem>>[vector<16xi32>], vector<16xf32>, vector<16xi1>
      %get3A_814 = arith.index_cast %add3A_761 : i32 to index
      %get3A_815 = arith.constant 80 : index
      %get3A_816 = tpu.vector_load %arg8[%get3A_814, %get3A_815] {strides = array<i32>} : memref<80x128xi32, #tpu.memory_space<vmem>>, vector<16xi32>,
      %broadcast_in_dim3A_817 = arith.constant true
      %broadcast_in_dim3A_818 = vector.broadcast %broadcast_in_dim3A_817 : i1 to vector<16xi1>
      %unique3A_819, %unique3A_820 = tpu.scan_count mask(%broadcast_in_dim3A_818 : vector<16xi1>) value(%get3A_816 : vector<16xi32>) : vector<16xi1>, vector<16xi32>
      %convert_element_type3A_821 = arith.sitofp %unique3A_820 : vector<16xi32> to vector<16xf32>
      tpu.vector_store_idx %arg10[%get3A_816], %convert_element_type3A_821 masked %unique3A_819 {add = true} : memref<10016xf32, #tpu.memory_space<vmem>>[vector<16xi32>], vector<16xf32>, vector<16xi1>
      %get3A_822 = arith.index_cast %add3A_761 : i32 to index
      %get3A_823 = arith.constant 96 : index
      %get3A_824 = tpu.vector_load %arg8[%get3A_822, %get3A_823] {strides = array<i32>} : memref<80x128xi32, #tpu.memory_space<vmem>>, vector<16xi32>,
      %broadcast_in_dim3A_825 = arith.constant true
      %broadcast_in_dim3A_826 = vector.broadcast %broadcast_in_dim3A_825 : i1 to vector<16xi1>
      %unique3A_827, %unique3A_828 = tpu.scan_count mask(%broadcast_in_dim3A_826 : vector<16xi1>) value(%get3A_824 : vector<16xi32>) : vector<16xi1>, vector<16xi32>
      %convert_element_type3A_829 = arith.sitofp %unique3A_828 : vector<16xi32> to vector<16xf32>
      tpu.vector_store_idx %arg10[%get3A_824], %convert_element_type3A_829 masked %unique3A_827 {add = true} : memref<10016xf32, #tpu.memory_space<vmem>>[vector<16xi32>], vector<16xf32>, vector<16xi1>
      %get3A_830 = arith.index_cast %add3A_761 : i32 to index
      %get3A_831 = arith.constant 112 : index
      %get3A_832 = tpu.vector_load %arg8[%get3A_830, %get3A_831] {strides = array<i32>} : memref<80x128xi32, #tpu.memory_space<vmem>>, vector<16xi32>,
      %broadcast_in_dim3A_833 = arith.constant true
      %broadcast_in_dim3A_834 = vector.broadcast %broadcast_in_dim3A_833 : i1 to vector<16xi1>
      %unique3A_835, %unique3A_836 = tpu.scan_count mask(%broadcast_in_dim3A_834 : vector<16xi1>) value(%get3A_832 : vector<16xi32>) : vector<16xi1>, vector<16xi32>
      %convert_element_type3A_837 = arith.sitofp %unique3A_836 : vector<16xi32> to vector<16xf32>
      tpu.vector_store_idx %arg10[%get3A_832], %convert_element_type3A_837 masked %unique3A_835 {add = true} : memref<10016xf32, #tpu.memory_space<vmem>>[vector<16xi32>], vector<16xf32>, vector<16xi1>
      %dma_wait3A_838 = arith.constant 0 : i32
      %dma_wait3A_839 = arith.constant 0 : i32
      %dma_wait3A_840 = tpu.memref_slice %arg11[%dma_wait3A_838, %dma_wait3A_839] : memref<10016x64xf32, #tpu.memory_space<vmem_shared>> -> memref<128x64xf32, #tpu.memory_space<vmem_shared>>
      %dma_wait3A_841 = arith.constant 0 : i32
      %dma_wait3A_842 = arith.constant 0 : i32
      %dma_wait3A_843 = tpu.memref_slice %arg11[%dma_wait3A_841, %dma_wait3A_842] : memref<10016x64xf32, #tpu.memory_space<vmem_shared>> -> memref<128x64xf32, #tpu.memory_space<vmem_shared>>
      tpu.wait_dma2 semaphore(%arg22 : memref<!tpu.dma_semaphore, #tpu.memory_space<semaphore_mem>>) src(%arg14 : memref<128x64xf32, #tpu.memory_space<vmem>>) dst(%dma_wait3A_843 : memref<128x64xf32, #tpu.memory_space<vmem_shared>>)
      %add3A_844 = arith.constant 4 : i32
      %add3A_845 = arith.addi %add3A_761, %add3A_844 : i32
      %dma_start3A_846 = arith.constant 0 : i32
      %dma_start3A_847 = tpu.memref_slice %arg7[%add3A_845, %dma_start3A_846] : memref<80x128xi32, #tpu.memory_space<vmem>> -> memref<1x128xi32, #tpu.memory_space<vmem>>
      %dma_start3A_848 = tpu.memref_squeeze %dma_start3A_847 : memref<1x128xi32, #tpu.memory_space<vmem>> -> memref<128xi32, #tpu.memory_space<vmem>>
      %dma_start3A_849 = arith.constant 0 : i32
      %dma_start3A_850 = arith.constant 0 : i32
      %dma_start3A_851 = tpu.memref_slice %arg2[%dma_start3A_849, %dma_start3A_850] : memref<10000x64xf32, #tpu.memory_space<hbm>> -> memref<10000x64xf32, #tpu.memory_space<hbm>>
      tpu.enqueue_indirect_dma source(%dma_start3A_851 : memref<10000x64xf32, #tpu.memory_space<hbm>>) target(%arg14 : memref<128x64xf32, #tpu.memory_space<vmem>>) offsets(%dma_start3A_848 : memref<128xi32, #tpu.memory_space<vmem>>) semaphore(%arg18 : memref<!tpu.dma_semaphore, #tpu.memory_space<semaphore_mem>>)
      %mul3A_852 = arith.constant 4 : i32
      %mul3A_853 = arith.muli %while3A_569, %mul3A_852 : i32
      %add3A_854 = arith.constant 3 : i32
      %add3A_855 = arith.addi %mul3A_853, %add3A_854 : i32
      %dma_wait3A_856 = arith.constant 0 : i32
      %dma_wait3A_857 = arith.constant 0 : i32
      %dma_wait3A_858 = tpu.memref_slice %arg2[%dma_wait3A_856, %dma_wait3A_857] : memref<10000x64xf32, #tpu.memory_space<hbm>> -> memref<128x64xf32, #tpu.memory_space<hbm>>
      %dma_wait3A_859 = arith.constant 0 : i32
      %dma_wait3A_860 = arith.constant 0 : i32
      %dma_wait3A_861 = tpu.memref_slice %arg2[%dma_wait3A_859, %dma_wait3A_860] : memref<10000x64xf32, #tpu.memory_space<hbm>> -> memref<128x64xf32, #tpu.memory_space<hbm>>
      tpu.wait_dma2 semaphore(%arg19 : memref<!tpu.dma_semaphore, #tpu.memory_space<semaphore_mem>>) src(%dma_wait3A_861 : memref<128x64xf32, #tpu.memory_space<hbm>>) dst(%arg15 : memref<128x64xf32, #tpu.memory_space<vmem>>)
      %dma_start3A_862 = arith.constant 0 : i32
      %dma_start3A_863 = tpu.memref_slice %arg8[%add3A_855, %dma_start3A_862] : memref<80x128xi32, #tpu.memory_space<vmem>> -> memref<1x128xi32, #tpu.memory_space<vmem>>
      %dma_start3A_864 = tpu.memref_squeeze %dma_start3A_863 : memref<1x128xi32, #tpu.memory_space<vmem>> -> memref<128xi32, #tpu.memory_space<vmem>>
      %dma_start3A_865 = arith.constant 0 : i32
      %dma_start3A_866 = arith.constant 0 : i32
      %dma_start3A_867 = tpu.memref_slice %arg11[%dma_start3A_865, %dma_start3A_866] : memref<10016x64xf32, #tpu.memory_space<vmem_shared>> -> memref<10016x64xf32, #tpu.memory_space<vmem_shared>>
      tpu.enqueue_indirect_dma source(%arg15 : memref<128x64xf32, #tpu.memory_space<vmem>>) target(%dma_start3A_867 : memref<10016x64xf32, #tpu.memory_space<vmem_shared>>) offsets(%dma_start3A_864 : memref<128xi32, #tpu.memory_space<vmem>>) semaphore(%arg23 : memref<!tpu.dma_semaphore, #tpu.memory_space<semaphore_mem>>) {add = true}
      %get3A_868 = arith.index_cast %add3A_855 : i32 to index
      %get3A_869 = arith.constant 0 : index
      %get3A_870 = tpu.vector_load %arg8[%get3A_868, %get3A_869] {strides = array<i32>} : memref<80x128xi32, #tpu.memory_space<vmem>>, vector<16xi32>,
      %broadcast_in_dim3A_871 = arith.constant true
      %broadcast_in_dim3A_872 = vector.broadcast %broadcast_in_dim3A_871 : i1 to vector<16xi1>
      %unique3A_873, %unique3A_874 = tpu.scan_count mask(%broadcast_in_dim3A_872 : vector<16xi1>) value(%get3A_870 : vector<16xi32>) : vector<16xi1>, vector<16xi32>
      %convert_element_type3A_875 = arith.sitofp %unique3A_874 : vector<16xi32> to vector<16xf32>
      tpu.vector_store_idx %arg10[%get3A_870], %convert_element_type3A_875 masked %unique3A_873 {add = true} : memref<10016xf32, #tpu.memory_space<vmem>>[vector<16xi32>], vector<16xf32>, vector<16xi1>
      %get3A_876 = arith.index_cast %add3A_855 : i32 to index
      %get3A_877 = arith.constant 16 : index
      %get3A_878 = tpu.vector_load %arg8[%get3A_876, %get3A_877] {strides = array<i32>} : memref<80x128xi32, #tpu.memory_space<vmem>>, vector<16xi32>,
      %broadcast_in_dim3A_879 = arith.constant true
      %broadcast_in_dim3A_880 = vector.broadcast %broadcast_in_dim3A_879 : i1 to vector<16xi1>
      %unique3A_881, %unique3A_882 = tpu.scan_count mask(%broadcast_in_dim3A_880 : vector<16xi1>) value(%get3A_878 : vector<16xi32>) : vector<16xi1>, vector<16xi32>
      %convert_element_type3A_883 = arith.sitofp %unique3A_882 : vector<16xi32> to vector<16xf32>
      tpu.vector_store_idx %arg10[%get3A_878], %convert_element_type3A_883 masked %unique3A_881 {add = true} : memref<10016xf32, #tpu.memory_space<vmem>>[vector<16xi32>], vector<16xf32>, vector<16xi1>
      %get3A_884 = arith.index_cast %add3A_855 : i32 to index
      %get3A_885 = arith.constant 32 : index
      %get3A_886 = tpu.vector_load %arg8[%get3A_884, %get3A_885] {strides = array<i32>} : memref<80x128xi32, #tpu.memory_space<vmem>>, vector<16xi32>,
      %broadcast_in_dim3A_887 = arith.constant true
      %broadcast_in_dim3A_888 = vector.broadcast %broadcast_in_dim3A_887 : i1 to vector<16xi1>
      %unique3A_889, %unique3A_890 = tpu.scan_count mask(%broadcast_in_dim3A_888 : vector<16xi1>) value(%get3A_886 : vector<16xi32>) : vector<16xi1>, vector<16xi32>
      %convert_element_type3A_891 = arith.sitofp %unique3A_890 : vector<16xi32> to vector<16xf32>
      tpu.vector_store_idx %arg10[%get3A_886], %convert_element_type3A_891 masked %unique3A_889 {add = true} : memref<10016xf32, #tpu.memory_space<vmem>>[vector<16xi32>], vector<16xf32>, vector<16xi1>
      %get3A_892 = arith.index_cast %add3A_855 : i32 to index
      %get3A_893 = arith.constant 48 : index
      %get3A_894 = tpu.vector_load %arg8[%get3A_892, %get3A_893] {strides = array<i32>} : memref<80x128xi32, #tpu.memory_space<vmem>>, vector<16xi32>,
      %broadcast_in_dim3A_895 = arith.constant true
      %broadcast_in_dim3A_896 = vector.broadcast %broadcast_in_dim3A_895 : i1 to vector<16xi1>
      %unique3A_897, %unique3A_898 = tpu.scan_count mask(%broadcast_in_dim3A_896 : vector<16xi1>) value(%get3A_894 : vector<16xi32>) : vector<16xi1>, vector<16xi32>
      %convert_element_type3A_899 = arith.sitofp %unique3A_898 : vector<16xi32> to vector<16xf32>
      tpu.vector_store_idx %arg10[%get3A_894], %convert_element_type3A_899 masked %unique3A_897 {add = true} : memref<10016xf32, #tpu.memory_space<vmem>>[vector<16xi32>], vector<16xf32>, vector<16xi1>
      %get3A_900 = arith.index_cast %add3A_855 : i32 to index
      %get3A_901 = arith.constant 64 : index
      %get3A_902 = tpu.vector_load %arg8[%get3A_900, %get3A_901] {strides = array<i32>} : memref<80x128xi32, #tpu.memory_space<vmem>>, vector<16xi32>,
      %broadcast_in_dim3A_903 = arith.constant true
      %broadcast_in_dim3A_904 = vector.broadcast %broadcast_in_dim3A_903 : i1 to vector<16xi1>
      %unique3A_905, %unique3A_906 = tpu.scan_count mask(%broadcast_in_dim3A_904 : vector<16xi1>) value(%get3A_902 : vector<16xi32>) : vector<16xi1>, vector<16xi32>
      %convert_element_type3A_907 = arith.sitofp %unique3A_906 : vector<16xi32> to vector<16xf32>
      tpu.vector_store_idx %arg10[%get3A_902], %convert_element_type3A_907 masked %unique3A_905 {add = true} : memref<10016xf32, #tpu.memory_space<vmem>>[vector<16xi32>], vector<16xf32>, vector<16xi1>
      %get3A_908 = arith.index_cast %add3A_855 : i32 to index
      %get3A_909 = arith.constant 80 : index
      %get3A_910 = tpu.vector_load %arg8[%get3A_908, %get3A_909] {strides = array<i32>} : memref<80x128xi32, #tpu.memory_space<vmem>>, vector<16xi32>,
      %broadcast_in_dim3A_911 = arith.constant true
      %broadcast_in_dim3A_912 = vector.broadcast %broadcast_in_dim3A_911 : i1 to vector<16xi1>
      %unique3A_913, %unique3A_914 = tpu.scan_count mask(%broadcast_in_dim3A_912 : vector<16xi1>) value(%get3A_910 : vector<16xi32>) : vector<16xi1>, vector<16xi32>
      %convert_element_type3A_915 = arith.sitofp %unique3A_914 : vector<16xi32> to vector<16xf32>
      tpu.vector_store_idx %arg10[%get3A_910], %convert_element_type3A_915 masked %unique3A_913 {add = true} : memref<10016xf32, #tpu.memory_space<vmem>>[vector<16xi32>], vector<16xf32>, vector<16xi1>
      %get3A_916 = arith.index_cast %add3A_855 : i32 to index
      %get3A_917 = arith.constant 96 : index
      %get3A_918 = tpu.vector_load %arg8[%get3A_916, %get3A_917] {strides = array<i32>} : memref<80x128xi32, #tpu.memory_space<vmem>>, vector<16xi32>,
      %broadcast_in_dim3A_919 = arith.constant true
      %broadcast_in_dim3A_920 = vector.broadcast %broadcast_in_dim3A_919 : i1 to vector<16xi1>
      %unique3A_921, %unique3A_922 = tpu.scan_count mask(%broadcast_in_dim3A_920 : vector<16xi1>) value(%get3A_918 : vector<16xi32>) : vector<16xi1>, vector<16xi32>
      %convert_element_type3A_923 = arith.sitofp %unique3A_922 : vector<16xi32> to vector<16xf32>
      tpu.vector_store_idx %arg10[%get3A_918], %convert_element_type3A_923 masked %unique3A_921 {add = true} : memref<10016xf32, #tpu.memory_space<vmem>>[vector<16xi32>], vector<16xf32>, vector<16xi1>
      %get3A_924 = arith.index_cast %add3A_855 : i32 to index
      %get3A_925 = arith.constant 112 : index
      %get3A_926 = tpu.vector_load %arg8[%get3A_924, %get3A_925] {strides = array<i32>} : memref<80x128xi32, #tpu.memory_space<vmem>>, vector<16xi32>,
      %broadcast_in_dim3A_927 = arith.constant true
      %broadcast_in_dim3A_928 = vector.broadcast %broadcast_in_dim3A_927 : i1 to vector<16xi1>
      %unique3A_929, %unique3A_930 = tpu.scan_count mask(%broadcast_in_dim3A_928 : vector<16xi1>) value(%get3A_926 : vector<16xi32>) : vector<16xi1>, vector<16xi32>
      %convert_element_type3A_931 = arith.sitofp %unique3A_930 : vector<16xi32> to vector<16xf32>
      tpu.vector_store_idx %arg10[%get3A_926], %convert_element_type3A_931 masked %unique3A_929 {add = true} : memref<10016xf32, #tpu.memory_space<vmem>>[vector<16xi32>], vector<16xf32>, vector<16xi1>
      %dma_wait3A_932 = arith.constant 0 : i32
      %dma_wait3A_933 = arith.constant 0 : i32
      %dma_wait3A_934 = tpu.memref_slice %arg11[%dma_wait3A_932, %dma_wait3A_933] : memref<10016x64xf32, #tpu.memory_space<vmem_shared>> -> memref<128x64xf32, #tpu.memory_space<vmem_shared>>
      %dma_wait3A_935 = arith.constant 0 : i32
      %dma_wait3A_936 = arith.constant 0 : i32
      %dma_wait3A_937 = tpu.memref_slice %arg11[%dma_wait3A_935, %dma_wait3A_936] : memref<10016x64xf32, #tpu.memory_space<vmem_shared>> -> memref<128x64xf32, #tpu.memory_space<vmem_shared>>
      tpu.wait_dma2 semaphore(%arg23 : memref<!tpu.dma_semaphore, #tpu.memory_space<semaphore_mem>>) src(%arg15 : memref<128x64xf32, #tpu.memory_space<vmem>>) dst(%dma_wait3A_937 : memref<128x64xf32, #tpu.memory_space<vmem_shared>>)
      %add3A_938 = arith.constant 4 : i32
      %add3A_939 = arith.addi %add3A_855, %add3A_938 : i32
      %dma_start3A_940 = arith.constant 0 : i32
      %dma_start3A_941 = tpu.memref_slice %arg7[%add3A_939, %dma_start3A_940] : memref<80x128xi32, #tpu.memory_space<vmem>> -> memref<1x128xi32, #tpu.memory_space<vmem>>
      %dma_start3A_942 = tpu.memref_squeeze %dma_start3A_941 : memref<1x128xi32, #tpu.memory_space<vmem>> -> memref<128xi32, #tpu.memory_space<vmem>>
      %dma_start3A_943 = arith.constant 0 : i32
      %dma_start3A_944 = arith.constant 0 : i32
      %dma_start3A_945 = tpu.memref_slice %arg2[%dma_start3A_943, %dma_start3A_944] : memref<10000x64xf32, #tpu.memory_space<hbm>> -> memref<10000x64xf32, #tpu.memory_space<hbm>>
      tpu.enqueue_indirect_dma source(%dma_start3A_945 : memref<10000x64xf32, #tpu.memory_space<hbm>>) target(%arg15 : memref<128x64xf32, #tpu.memory_space<vmem>>) offsets(%dma_start3A_942 : memref<128xi32, #tpu.memory_space<vmem>>) semaphore(%arg19 : memref<!tpu.dma_semaphore, #tpu.memory_space<semaphore_mem>>)
    }
    %sub3A_93 = arith.constant 4 : i32
    %sub3A_94 = arith.subi %min3A, %sub3A_93 : i32
    %add3A_95 = arith.constant 0 : i32
    %add3A_96 = arith.addi %sub3A_94, %add3A_95 : i32
    %dma_wait3A = arith.constant 0 : i32
    %dma_wait3A_97 = arith.constant 0 : i32
    %dma_wait3A_98 = tpu.memref_slice %arg2[%dma_wait3A, %dma_wait3A_97] : memref<10000x64xf32, #tpu.memory_space<hbm>> -> memref<128x64xf32, #tpu.memory_space<hbm>>
    %dma_wait3A_99 = arith.constant 0 : i32
    %dma_wait3A_100 = arith.constant 0 : i32
    %dma_wait3A_101 = tpu.memref_slice %arg2[%dma_wait3A_99, %dma_wait3A_100] : memref<10000x64xf32, #tpu.memory_space<hbm>> -> memref<128x64xf32, #tpu.memory_space<hbm>>
    tpu.wait_dma2 semaphore(%arg16 : memref<!tpu.dma_semaphore, #tpu.memory_space<semaphore_mem>>) src(%dma_wait3A_101 : memref<128x64xf32, #tpu.memory_space<hbm>>) dst(%arg12 : memref<128x64xf32, #tpu.memory_space<vmem>>)
    %dma_start3A_102 = arith.constant 0 : i32
    %dma_start3A_103 = tpu.memref_slice %arg8[%add3A_96, %dma_start3A_102] : memref<80x128xi32, #tpu.memory_space<vmem>> -> memref<1x128xi32, #tpu.memory_space<vmem>>
    %dma_start3A_104 = tpu.memref_squeeze %dma_start3A_103 : memref<1x128xi32, #tpu.memory_space<vmem>> -> memref<128xi32, #tpu.memory_space<vmem>>
    %dma_start3A_105 = arith.constant 0 : i32
    %dma_start3A_106 = arith.constant 0 : i32
    %dma_start3A_107 = tpu.memref_slice %arg11[%dma_start3A_105, %dma_start3A_106] : memref<10016x64xf32, #tpu.memory_space<vmem_shared>> -> memref<10016x64xf32, #tpu.memory_space<vmem_shared>>
    tpu.enqueue_indirect_dma source(%arg12 : memref<128x64xf32, #tpu.memory_space<vmem>>) target(%dma_start3A_107 : memref<10016x64xf32, #tpu.memory_space<vmem_shared>>) offsets(%dma_start3A_104 : memref<128xi32, #tpu.memory_space<vmem>>) semaphore(%arg20 : memref<!tpu.dma_semaphore, #tpu.memory_space<semaphore_mem>>) {add = true}
    %get3A = arith.index_cast %add3A_96 : i32 to index
    %get3A_108 = arith.constant 0 : index
    %get3A_109 = tpu.vector_load %arg8[%get3A, %get3A_108] {strides = array<i32>} : memref<80x128xi32, #tpu.memory_space<vmem>>, vector<16xi32>,
    %broadcast_in_dim3A = arith.constant true
    %broadcast_in_dim3A_110 = vector.broadcast %broadcast_in_dim3A : i1 to vector<16xi1>
    %unique3A, %unique3A_111 = tpu.scan_count mask(%broadcast_in_dim3A_110 : vector<16xi1>) value(%get3A_109 : vector<16xi32>) : vector<16xi1>, vector<16xi32>
    %convert_element_type3A = arith.sitofp %unique3A_111 : vector<16xi32> to vector<16xf32>
    tpu.vector_store_idx %arg10[%get3A_109], %convert_element_type3A masked %unique3A {add = true} : memref<10016xf32, #tpu.memory_space<vmem>>[vector<16xi32>], vector<16xf32>, vector<16xi1>
    %get3A_112 = arith.index_cast %add3A_96 : i32 to index
    %get3A_113 = arith.constant 16 : index
    %get3A_114 = tpu.vector_load %arg8[%get3A_112, %get3A_113] {strides = array<i32>} : memref<80x128xi32, #tpu.memory_space<vmem>>, vector<16xi32>,
    %broadcast_in_dim3A_115 = arith.constant true
    %broadcast_in_dim3A_116 = vector.broadcast %broadcast_in_dim3A_115 : i1 to vector<16xi1>
    %unique3A_117, %unique3A_118 = tpu.scan_count mask(%broadcast_in_dim3A_116 : vector<16xi1>) value(%get3A_114 : vector<16xi32>) : vector<16xi1>, vector<16xi32>
    %convert_element_type3A_119 = arith.sitofp %unique3A_118 : vector<16xi32> to vector<16xf32>
    tpu.vector_store_idx %arg10[%get3A_114], %convert_element_type3A_119 masked %unique3A_117 {add = true} : memref<10016xf32, #tpu.memory_space<vmem>>[vector<16xi32>], vector<16xf32>, vector<16xi1>
    %get3A_120 = arith.index_cast %add3A_96 : i32 to index
    %get3A_121 = arith.constant 32 : index
    %get3A_122 = tpu.vector_load %arg8[%get3A_120, %get3A_121] {strides = array<i32>} : memref<80x128xi32, #tpu.memory_space<vmem>>, vector<16xi32>,
    %broadcast_in_dim3A_123 = arith.constant true
    %broadcast_in_dim3A_124 = vector.broadcast %broadcast_in_dim3A_123 : i1 to vector<16xi1>
    %unique3A_125, %unique3A_126 = tpu.scan_count mask(%broadcast_in_dim3A_124 : vector<16xi1>) value(%get3A_122 : vector<16xi32>) : vector<16xi1>, vector<16xi32>
    %convert_element_type3A_127 = arith.sitofp %unique3A_126 : vector<16xi32> to vector<16xf32>
    tpu.vector_store_idx %arg10[%get3A_122], %convert_element_type3A_127 masked %unique3A_125 {add = true} : memref<10016xf32, #tpu.memory_space<vmem>>[vector<16xi32>], vector<16xf32>, vector<16xi1>
    %get3A_128 = arith.index_cast %add3A_96 : i32 to index
    %get3A_129 = arith.constant 48 : index
    %get3A_130 = tpu.vector_load %arg8[%get3A_128, %get3A_129] {strides = array<i32>} : memref<80x128xi32, #tpu.memory_space<vmem>>, vector<16xi32>,
    %broadcast_in_dim3A_131 = arith.constant true
    %broadcast_in_dim3A_132 = vector.broadcast %broadcast_in_dim3A_131 : i1 to vector<16xi1>
    %unique3A_133, %unique3A_134 = tpu.scan_count mask(%broadcast_in_dim3A_132 : vector<16xi1>) value(%get3A_130 : vector<16xi32>) : vector<16xi1>, vector<16xi32>
    %convert_element_type3A_135 = arith.sitofp %unique3A_134 : vector<16xi32> to vector<16xf32>
    tpu.vector_store_idx %arg10[%get3A_130], %convert_element_type3A_135 masked %unique3A_133 {add = true} : memref<10016xf32, #tpu.memory_space<vmem>>[vector<16xi32>], vector<16xf32>, vector<16xi1>
    %get3A_136 = arith.index_cast %add3A_96 : i32 to index
    %get3A_137 = arith.constant 64 : index
    %get3A_138 = tpu.vector_load %arg8[%get3A_136, %get3A_137] {strides = array<i32>} : memref<80x128xi32, #tpu.memory_space<vmem>>, vector<16xi32>,
    %broadcast_in_dim3A_139 = arith.constant true
    %broadcast_in_dim3A_140 = vector.broadcast %broadcast_in_dim3A_139 : i1 to vector<16xi1>
    %unique3A_141, %unique3A_142 = tpu.scan_count mask(%broadcast_in_dim3A_140 : vector<16xi1>) value(%get3A_138 : vector<16xi32>) : vector<16xi1>, vector<16xi32>
    %convert_element_type3A_143 = arith.sitofp %unique3A_142 : vector<16xi32> to vector<16xf32>
    tpu.vector_store_idx %arg10[%get3A_138], %convert_element_type3A_143 masked %unique3A_141 {add = true} : memref<10016xf32, #tpu.memory_space<vmem>>[vector<16xi32>], vector<16xf32>, vector<16xi1>
    %get3A_144 = arith.index_cast %add3A_96 : i32 to index
    %get3A_145 = arith.constant 80 : index
    %get3A_146 = tpu.vector_load %arg8[%get3A_144, %get3A_145] {strides = array<i32>} : memref<80x128xi32, #tpu.memory_space<vmem>>, vector<16xi32>,
    %broadcast_in_dim3A_147 = arith.constant true
    %broadcast_in_dim3A_148 = vector.broadcast %broadcast_in_dim3A_147 : i1 to vector<16xi1>
    %unique3A_149, %unique3A_150 = tpu.scan_count mask(%broadcast_in_dim3A_148 : vector<16xi1>) value(%get3A_146 : vector<16xi32>) : vector<16xi1>, vector<16xi32>
    %convert_element_type3A_151 = arith.sitofp %unique3A_150 : vector<16xi32> to vector<16xf32>
    tpu.vector_store_idx %arg10[%get3A_146], %convert_element_type3A_151 masked %unique3A_149 {add = true} : memref<10016xf32, #tpu.memory_space<vmem>>[vector<16xi32>], vector<16xf32>, vector<16xi1>
    %get3A_152 = arith.index_cast %add3A_96 : i32 to index
    %get3A_153 = arith.constant 96 : index
    %get3A_154 = tpu.vector_load %arg8[%get3A_152, %get3A_153] {strides = array<i32>} : memref<80x128xi32, #tpu.memory_space<vmem>>, vector<16xi32>,
    %broadcast_in_dim3A_155 = arith.constant true
    %broadcast_in_dim3A_156 = vector.broadcast %broadcast_in_dim3A_155 : i1 to vector<16xi1>
    %unique3A_157, %unique3A_158 = tpu.scan_count mask(%broadcast_in_dim3A_156 : vector<16xi1>) value(%get3A_154 : vector<16xi32>) : vector<16xi1>, vector<16xi32>
    %convert_element_type3A_159 = arith.sitofp %unique3A_158 : vector<16xi32> to vector<16xf32>
    tpu.vector_store_idx %arg10[%get3A_154], %convert_element_type3A_159 masked %unique3A_157 {add = true} : memref<10016xf32, #tpu.memory_space<vmem>>[vector<16xi32>], vector<16xf32>, vector<16xi1>
    %get3A_160 = arith.index_cast %add3A_96 : i32 to index
    %get3A_161 = arith.constant 112 : index
    %get3A_162 = tpu.vector_load %arg8[%get3A_160, %get3A_161] {strides = array<i32>} : memref<80x128xi32, #tpu.memory_space<vmem>>, vector<16xi32>,
    %broadcast_in_dim3A_163 = arith.constant true
    %broadcast_in_dim3A_164 = vector.broadcast %broadcast_in_dim3A_163 : i1 to vector<16xi1>
    %unique3A_165, %unique3A_166 = tpu.scan_count mask(%broadcast_in_dim3A_164 : vector<16xi1>) value(%get3A_162 : vector<16xi32>) : vector<16xi1>, vector<16xi32>
    %convert_element_type3A_167 = arith.sitofp %unique3A_166 : vector<16xi32> to vector<16xf32>
    tpu.vector_store_idx %arg10[%get3A_162], %convert_element_type3A_167 masked %unique3A_165 {add = true} : memref<10016xf32, #tpu.memory_space<vmem>>[vector<16xi32>], vector<16xf32>, vector<16xi1>
    %dma_wait3A_168 = arith.constant 0 : i32
    %dma_wait3A_169 = arith.constant 0 : i32
    %dma_wait3A_170 = tpu.memref_slice %arg11[%dma_wait3A_168, %dma_wait3A_169] : memref<10016x64xf32, #tpu.memory_space<vmem_shared>> -> memref<128x64xf32, #tpu.memory_space<vmem_shared>>
    %dma_wait3A_171 = arith.constant 0 : i32
    %dma_wait3A_172 = arith.constant 0 : i32
    %dma_wait3A_173 = tpu.memref_slice %arg11[%dma_wait3A_171, %dma_wait3A_172] : memref<10016x64xf32, #tpu.memory_space<vmem_shared>> -> memref<128x64xf32, #tpu.memory_space<vmem_shared>>
    tpu.wait_dma2 semaphore(%arg20 : memref<!tpu.dma_semaphore, #tpu.memory_space<semaphore_mem>>) src(%arg12 : memref<128x64xf32, #tpu.memory_space<vmem>>) dst(%dma_wait3A_173 : memref<128x64xf32, #tpu.memory_space<vmem_shared>>)
    %sub3A_174 = arith.constant 4 : i32
    %sub3A_175 = arith.subi %min3A, %sub3A_174 : i32
    %add3A_176 = arith.constant 1 : i32
    %add3A_177 = arith.addi %sub3A_175, %add3A_176 : i32
    %dma_wait3A_178 = arith.constant 0 : i32
    %dma_wait3A_179 = arith.constant 0 : i32
    %dma_wait3A_180 = tpu.memref_slice %arg2[%dma_wait3A_178, %dma_wait3A_179] : memref<10000x64xf32, #tpu.memory_space<hbm>> -> memref<128x64xf32, #tpu.memory_space<hbm>>
    %dma_wait3A_181 = arith.constant 0 : i32
    %dma_wait3A_182 = arith.constant 0 : i32
    %dma_wait3A_183 = tpu.memref_slice %arg2[%dma_wait3A_181, %dma_wait3A_182] : memref<10000x64xf32, #tpu.memory_space<hbm>> -> memref<128x64xf32, #tpu.memory_space<hbm>>
    tpu.wait_dma2 semaphore(%arg17 : memref<!tpu.dma_semaphore, #tpu.memory_space<semaphore_mem>>) src(%dma_wait3A_183 : memref<128x64xf32, #tpu.memory_space<hbm>>) dst(%arg13 : memref<128x64xf32, #tpu.memory_space<vmem>>)
    %dma_start3A_184 = arith.constant 0 : i32
    %dma_start3A_185 = tpu.memref_slice %arg8[%add3A_177, %dma_start3A_184] : memref<80x128xi32, #tpu.memory_space<vmem>> -> memref<1x128xi32, #tpu.memory_space<vmem>>
    %dma_start3A_186 = tpu.memref_squeeze %dma_start3A_185 : memref<1x128xi32, #tpu.memory_space<vmem>> -> memref<128xi32, #tpu.memory_space<vmem>>
    %dma_start3A_187 = arith.constant 0 : i32
    %dma_start3A_188 = arith.constant 0 : i32
    %dma_start3A_189 = tpu.memref_slice %arg11[%dma_start3A_187, %dma_start3A_188] : memref<10016x64xf32, #tpu.memory_space<vmem_shared>> -> memref<10016x64xf32, #tpu.memory_space<vmem_shared>>
    tpu.enqueue_indirect_dma source(%arg13 : memref<128x64xf32, #tpu.memory_space<vmem>>) target(%dma_start3A_189 : memref<10016x64xf32, #tpu.memory_space<vmem_shared>>) offsets(%dma_start3A_186 : memref<128xi32, #tpu.memory_space<vmem>>) semaphore(%arg21 : memref<!tpu.dma_semaphore, #tpu.memory_space<semaphore_mem>>) {add = true}
    %get3A_190 = arith.index_cast %add3A_177 : i32 to index
    %get3A_191 = arith.constant 0 : index
    %get3A_192 = tpu.vector_load %arg8[%get3A_190, %get3A_191] {strides = array<i32>} : memref<80x128xi32, #tpu.memory_space<vmem>>, vector<16xi32>,
    %broadcast_in_dim3A_193 = arith.constant true
    %broadcast_in_dim3A_194 = vector.broadcast %broadcast_in_dim3A_193 : i1 to vector<16xi1>
    %unique3A_195, %unique3A_196 = tpu.scan_count mask(%broadcast_in_dim3A_194 : vector<16xi1>) value(%get3A_192 : vector<16xi32>) : vector<16xi1>, vector<16xi32>
    %convert_element_type3A_197 = arith.sitofp %unique3A_196 : vector<16xi32> to vector<16xf32>
    tpu.vector_store_idx %arg10[%get3A_192], %convert_element_type3A_197 masked %unique3A_195 {add = true} : memref<10016xf32, #tpu.memory_space<vmem>>[vector<16xi32>], vector<16xf32>, vector<16xi1>
    %get3A_198 = arith.index_cast %add3A_177 : i32 to index
    %get3A_199 = arith.constant 16 : index
    %get3A_200 = tpu.vector_load %arg8[%get3A_198, %get3A_199] {strides = array<i32>} : memref<80x128xi32, #tpu.memory_space<vmem>>, vector<16xi32>,
    %broadcast_in_dim3A_201 = arith.constant true
    %broadcast_in_dim3A_202 = vector.broadcast %broadcast_in_dim3A_201 : i1 to vector<16xi1>
    %unique3A_203, %unique3A_204 = tpu.scan_count mask(%broadcast_in_dim3A_202 : vector<16xi1>) value(%get3A_200 : vector<16xi32>) : vector<16xi1>, vector<16xi32>
    %convert_element_type3A_205 = arith.sitofp %unique3A_204 : vector<16xi32> to vector<16xf32>
    tpu.vector_store_idx %arg10[%get3A_200], %convert_element_type3A_205 masked %unique3A_203 {add = true} : memref<10016xf32, #tpu.memory_space<vmem>>[vector<16xi32>], vector<16xf32>, vector<16xi1>
    %get3A_206 = arith.index_cast %add3A_177 : i32 to index
    %get3A_207 = arith.constant 32 : index
    %get3A_208 = tpu.vector_load %arg8[%get3A_206, %get3A_207] {strides = array<i32>} : memref<80x128xi32, #tpu.memory_space<vmem>>, vector<16xi32>,
    %broadcast_in_dim3A_209 = arith.constant true
    %broadcast_in_dim3A_210 = vector.broadcast %broadcast_in_dim3A_209 : i1 to vector<16xi1>
    %unique3A_211, %unique3A_212 = tpu.scan_count mask(%broadcast_in_dim3A_210 : vector<16xi1>) value(%get3A_208 : vector<16xi32>) : vector<16xi1>, vector<16xi32>
    %convert_element_type3A_213 = arith.sitofp %unique3A_212 : vector<16xi32> to vector<16xf32>
    tpu.vector_store_idx %arg10[%get3A_208], %convert_element_type3A_213 masked %unique3A_211 {add = true} : memref<10016xf32, #tpu.memory_space<vmem>>[vector<16xi32>], vector<16xf32>, vector<16xi1>
    %get3A_214 = arith.index_cast %add3A_177 : i32 to index
    %get3A_215 = arith.constant 48 : index
    %get3A_216 = tpu.vector_load %arg8[%get3A_214, %get3A_215] {strides = array<i32>} : memref<80x128xi32, #tpu.memory_space<vmem>>, vector<16xi32>,
    %broadcast_in_dim3A_217 = arith.constant true
    %broadcast_in_dim3A_218 = vector.broadcast %broadcast_in_dim3A_217 : i1 to vector<16xi1>
    %unique3A_219, %unique3A_220 = tpu.scan_count mask(%broadcast_in_dim3A_218 : vector<16xi1>) value(%get3A_216 : vector<16xi32>) : vector<16xi1>, vector<16xi32>
    %convert_element_type3A_221 = arith.sitofp %unique3A_220 : vector<16xi32> to vector<16xf32>
    tpu.vector_store_idx %arg10[%get3A_216], %convert_element_type3A_221 masked %unique3A_219 {add = true} : memref<10016xf32, #tpu.memory_space<vmem>>[vector<16xi32>], vector<16xf32>, vector<16xi1>
    %get3A_222 = arith.index_cast %add3A_177 : i32 to index
    %get3A_223 = arith.constant 64 : index
    %get3A_224 = tpu.vector_load %arg8[%get3A_222, %get3A_223] {strides = array<i32>} : memref<80x128xi32, #tpu.memory_space<vmem>>, vector<16xi32>,
    %broadcast_in_dim3A_225 = arith.constant true
    %broadcast_in_dim3A_226 = vector.broadcast %broadcast_in_dim3A_225 : i1 to vector<16xi1>
    %unique3A_227, %unique3A_228 = tpu.scan_count mask(%broadcast_in_dim3A_226 : vector<16xi1>) value(%get3A_224 : vector<16xi32>) : vector<16xi1>, vector<16xi32>
    %convert_element_type3A_229 = arith.sitofp %unique3A_228 : vector<16xi32> to vector<16xf32>
    tpu.vector_store_idx %arg10[%get3A_224], %convert_element_type3A_229 masked %unique3A_227 {add = true} : memref<10016xf32, #tpu.memory_space<vmem>>[vector<16xi32>], vector<16xf32>, vector<16xi1>
    %get3A_230 = arith.index_cast %add3A_177 : i32 to index
    %get3A_231 = arith.constant 80 : index
    %get3A_232 = tpu.vector_load %arg8[%get3A_230, %get3A_231] {strides = array<i32>} : memref<80x128xi32, #tpu.memory_space<vmem>>, vector<16xi32>,
    %broadcast_in_dim3A_233 = arith.constant true
    %broadcast_in_dim3A_234 = vector.broadcast %broadcast_in_dim3A_233 : i1 to vector<16xi1>
    %unique3A_235, %unique3A_236 = tpu.scan_count mask(%broadcast_in_dim3A_234 : vector<16xi1>) value(%get3A_232 : vector<16xi32>) : vector<16xi1>, vector<16xi32>
    %convert_element_type3A_237 = arith.sitofp %unique3A_236 : vector<16xi32> to vector<16xf32>
    tpu.vector_store_idx %arg10[%get3A_232], %convert_element_type3A_237 masked %unique3A_235 {add = true} : memref<10016xf32, #tpu.memory_space<vmem>>[vector<16xi32>], vector<16xf32>, vector<16xi1>
    %get3A_238 = arith.index_cast %add3A_177 : i32 to index
    %get3A_239 = arith.constant 96 : index
    %get3A_240 = tpu.vector_load %arg8[%get3A_238, %get3A_239] {strides = array<i32>} : memref<80x128xi32, #tpu.memory_space<vmem>>, vector<16xi32>,
    %broadcast_in_dim3A_241 = arith.constant true
    %broadcast_in_dim3A_242 = vector.broadcast %broadcast_in_dim3A_241 : i1 to vector<16xi1>
    %unique3A_243, %unique3A_244 = tpu.scan_count mask(%broadcast_in_dim3A_242 : vector<16xi1>) value(%get3A_240 : vector<16xi32>) : vector<16xi1>, vector<16xi32>
    %convert_element_type3A_245 = arith.sitofp %unique3A_244 : vector<16xi32> to vector<16xf32>
    tpu.vector_store_idx %arg10[%get3A_240], %convert_element_type3A_245 masked %unique3A_243 {add = true} : memref<10016xf32, #tpu.memory_space<vmem>>[vector<16xi32>], vector<16xf32>, vector<16xi1>
    %get3A_246 = arith.index_cast %add3A_177 : i32 to index
    %get3A_247 = arith.constant 112 : index
    %get3A_248 = tpu.vector_load %arg8[%get3A_246, %get3A_247] {strides = array<i32>} : memref<80x128xi32, #tpu.memory_space<vmem>>, vector<16xi32>,
    %broadcast_in_dim3A_249 = arith.constant true
    %broadcast_in_dim3A_250 = vector.broadcast %broadcast_in_dim3A_249 : i1 to vector<16xi1>
    %unique3A_251, %unique3A_252 = tpu.scan_count mask(%broadcast_in_dim3A_250 : vector<16xi1>) value(%get3A_248 : vector<16xi32>) : vector<16xi1>, vector<16xi32>
    %convert_element_type3A_253 = arith.sitofp %unique3A_252 : vector<16xi32> to vector<16xf32>
    tpu.vector_store_idx %arg10[%get3A_248], %convert_element_type3A_253 masked %unique3A_251 {add = true} : memref<10016xf32, #tpu.memory_space<vmem>>[vector<16xi32>], vector<16xf32>, vector<16xi1>
    %dma_wait3A_254 = arith.constant 0 : i32
    %dma_wait3A_255 = arith.constant 0 : i32
    %dma_wait3A_256 = tpu.memref_slice %arg11[%dma_wait3A_254, %dma_wait3A_255] : memref<10016x64xf32, #tpu.memory_space<vmem_shared>> -> memref<128x64xf32, #tpu.memory_space<vmem_shared>>
    %dma_wait3A_257 = arith.constant 0 : i32
    %dma_wait3A_258 = arith.constant 0 : i32
    %dma_wait3A_259 = tpu.memref_slice %arg11[%dma_wait3A_257, %dma_wait3A_258] : memref<10016x64xf32, #tpu.memory_space<vmem_shared>> -> memref<128x64xf32, #tpu.memory_space<vmem_shared>>
    tpu.wait_dma2 semaphore(%arg21 : memref<!tpu.dma_semaphore, #tpu.memory_space<semaphore_mem>>) src(%arg13 : memref<128x64xf32, #tpu.memory_space<vmem>>) dst(%dma_wait3A_259 : memref<128x64xf32, #tpu.memory_space<vmem_shared>>)
    %sub3A_260 = arith.constant 4 : i32
    %sub3A_261 = arith.subi %min3A, %sub3A_260 : i32
    %add3A_262 = arith.constant 2 : i32
    %add3A_263 = arith.addi %sub3A_261, %add3A_262 : i32
    %dma_wait3A_264 = arith.constant 0 : i32
    %dma_wait3A_265 = arith.constant 0 : i32
    %dma_wait3A_266 = tpu.memref_slice %arg2[%dma_wait3A_264, %dma_wait3A_265] : memref<10000x64xf32, #tpu.memory_space<hbm>> -> memref<128x64xf32, #tpu.memory_space<hbm>>
    %dma_wait3A_267 = arith.constant 0 : i32
    %dma_wait3A_268 = arith.constant 0 : i32
    %dma_wait3A_269 = tpu.memref_slice %arg2[%dma_wait3A_267, %dma_wait3A_268] : memref<10000x64xf32, #tpu.memory_space<hbm>> -> memref<128x64xf32, #tpu.memory_space<hbm>>
    tpu.wait_dma2 semaphore(%arg18 : memref<!tpu.dma_semaphore, #tpu.memory_space<semaphore_mem>>) src(%dma_wait3A_269 : memref<128x64xf32, #tpu.memory_space<hbm>>) dst(%arg14 : memref<128x64xf32, #tpu.memory_space<vmem>>)
    %dma_start3A_270 = arith.constant 0 : i32
    %dma_start3A_271 = tpu.memref_slice %arg8[%add3A_263, %dma_start3A_270] : memref<80x128xi32, #tpu.memory_space<vmem>> -> memref<1x128xi32, #tpu.memory_space<vmem>>
    %dma_start3A_272 = tpu.memref_squeeze %dma_start3A_271 : memref<1x128xi32, #tpu.memory_space<vmem>> -> memref<128xi32, #tpu.memory_space<vmem>>
    %dma_start3A_273 = arith.constant 0 : i32
    %dma_start3A_274 = arith.constant 0 : i32
    %dma_start3A_275 = tpu.memref_slice %arg11[%dma_start3A_273, %dma_start3A_274] : memref<10016x64xf32, #tpu.memory_space<vmem_shared>> -> memref<10016x64xf32, #tpu.memory_space<vmem_shared>>
    tpu.enqueue_indirect_dma source(%arg14 : memref<128x64xf32, #tpu.memory_space<vmem>>) target(%dma_start3A_275 : memref<10016x64xf32, #tpu.memory_space<vmem_shared>>) offsets(%dma_start3A_272 : memref<128xi32, #tpu.memory_space<vmem>>) semaphore(%arg22 : memref<!tpu.dma_semaphore, #tpu.memory_space<semaphore_mem>>) {add = true}
    %get3A_276 = arith.index_cast %add3A_263 : i32 to index
    %get3A_277 = arith.constant 0 : index
    %get3A_278 = tpu.vector_load %arg8[%get3A_276, %get3A_277] {strides = array<i32>} : memref<80x128xi32, #tpu.memory_space<vmem>>, vector<16xi32>,
    %broadcast_in_dim3A_279 = arith.constant true
    %broadcast_in_dim3A_280 = vector.broadcast %broadcast_in_dim3A_279 : i1 to vector<16xi1>
    %unique3A_281, %unique3A_282 = tpu.scan_count mask(%broadcast_in_dim3A_280 : vector<16xi1>) value(%get3A_278 : vector<16xi32>) : vector<16xi1>, vector<16xi32>
    %convert_element_type3A_283 = arith.sitofp %unique3A_282 : vector<16xi32> to vector<16xf32>
    tpu.vector_store_idx %arg10[%get3A_278], %convert_element_type3A_283 masked %unique3A_281 {add = true} : memref<10016xf32, #tpu.memory_space<vmem>>[vector<16xi32>], vector<16xf32>, vector<16xi1>
    %get3A_284 = arith.index_cast %add3A_263 : i32 to index
    %get3A_285 = arith.constant 16 : index
    %get3A_286 = tpu.vector_load %arg8[%get3A_284, %get3A_285] {strides = array<i32>} : memref<80x128xi32, #tpu.memory_space<vmem>>, vector<16xi32>,
    %broadcast_in_dim3A_287 = arith.constant true
    %broadcast_in_dim3A_288 = vector.broadcast %broadcast_in_dim3A_287 : i1 to vector<16xi1>
    %unique3A_289, %unique3A_290 = tpu.scan_count mask(%broadcast_in_dim3A_288 : vector<16xi1>) value(%get3A_286 : vector<16xi32>) : vector<16xi1>, vector<16xi32>
    %convert_element_type3A_291 = arith.sitofp %unique3A_290 : vector<16xi32> to vector<16xf32>
    tpu.vector_store_idx %arg10[%get3A_286], %convert_element_type3A_291 masked %unique3A_289 {add = true} : memref<10016xf32, #tpu.memory_space<vmem>>[vector<16xi32>], vector<16xf32>, vector<16xi1>
    %get3A_292 = arith.index_cast %add3A_263 : i32 to index
    %get3A_293 = arith.constant 32 : index
    %get3A_294 = tpu.vector_load %arg8[%get3A_292, %get3A_293] {strides = array<i32>} : memref<80x128xi32, #tpu.memory_space<vmem>>, vector<16xi32>,
    %broadcast_in_dim3A_295 = arith.constant true
    %broadcast_in_dim3A_296 = vector.broadcast %broadcast_in_dim3A_295 : i1 to vector<16xi1>
    %unique3A_297, %unique3A_298 = tpu.scan_count mask(%broadcast_in_dim3A_296 : vector<16xi1>) value(%get3A_294 : vector<16xi32>) : vector<16xi1>, vector<16xi32>
    %convert_element_type3A_299 = arith.sitofp %unique3A_298 : vector<16xi32> to vector<16xf32>
    tpu.vector_store_idx %arg10[%get3A_294], %convert_element_type3A_299 masked %unique3A_297 {add = true} : memref<10016xf32, #tpu.memory_space<vmem>>[vector<16xi32>], vector<16xf32>, vector<16xi1>
    %get3A_300 = arith.index_cast %add3A_263 : i32 to index
    %get3A_301 = arith.constant 48 : index
    %get3A_302 = tpu.vector_load %arg8[%get3A_300, %get3A_301] {strides = array<i32>} : memref<80x128xi32, #tpu.memory_space<vmem>>, vector<16xi32>,
    %broadcast_in_dim3A_303 = arith.constant true
    %broadcast_in_dim3A_304 = vector.broadcast %broadcast_in_dim3A_303 : i1 to vector<16xi1>
    %unique3A_305, %unique3A_306 = tpu.scan_count mask(%broadcast_in_dim3A_304 : vector<16xi1>) value(%get3A_302 : vector<16xi32>) : vector<16xi1>, vector<16xi32>
    %convert_element_type3A_307 = arith.sitofp %unique3A_306 : vector<16xi32> to vector<16xf32>
    tpu.vector_store_idx %arg10[%get3A_302], %convert_element_type3A_307 masked %unique3A_305 {add = true} : memref<10016xf32, #tpu.memory_space<vmem>>[vector<16xi32>], vector<16xf32>, vector<16xi1>
    %get3A_308 = arith.index_cast %add3A_263 : i32 to index
    %get3A_309 = arith.constant 64 : index
    %get3A_310 = tpu.vector_load %arg8[%get3A_308, %get3A_309] {strides = array<i32>} : memref<80x128xi32, #tpu.memory_space<vmem>>, vector<16xi32>,
    %broadcast_in_dim3A_311 = arith.constant true
    %broadcast_in_dim3A_312 = vector.broadcast %broadcast_in_dim3A_311 : i1 to vector<16xi1>
    %unique3A_313, %unique3A_314 = tpu.scan_count mask(%broadcast_in_dim3A_312 : vector<16xi1>) value(%get3A_310 : vector<16xi32>) : vector<16xi1>, vector<16xi32>
    %convert_element_type3A_315 = arith.sitofp %unique3A_314 : vector<16xi32> to vector<16xf32>
    tpu.vector_store_idx %arg10[%get3A_310], %convert_element_type3A_315 masked %unique3A_313 {add = true} : memref<10016xf32, #tpu.memory_space<vmem>>[vector<16xi32>], vector<16xf32>, vector<16xi1>
    %get3A_316 = arith.index_cast %add3A_263 : i32 to index
    %get3A_317 = arith.constant 80 : index
    %get3A_318 = tpu.vector_load %arg8[%get3A_316, %get3A_317] {strides = array<i32>} : memref<80x128xi32, #tpu.memory_space<vmem>>, vector<16xi32>,
    %broadcast_in_dim3A_319 = arith.constant true
    %broadcast_in_dim3A_320 = vector.broadcast %broadcast_in_dim3A_319 : i1 to vector<16xi1>
    %unique3A_321, %unique3A_322 = tpu.scan_count mask(%broadcast_in_dim3A_320 : vector<16xi1>) value(%get3A_318 : vector<16xi32>) : vector<16xi1>, vector<16xi32>
    %convert_element_type3A_323 = arith.sitofp %unique3A_322 : vector<16xi32> to vector<16xf32>
    tpu.vector_store_idx %arg10[%get3A_318], %convert_element_type3A_323 masked %unique3A_321 {add = true} : memref<10016xf32, #tpu.memory_space<vmem>>[vector<16xi32>], vector<16xf32>, vector<16xi1>
    %get3A_324 = arith.index_cast %add3A_263 : i32 to index
    %get3A_325 = arith.constant 96 : index
    %get3A_326 = tpu.vector_load %arg8[%get3A_324, %get3A_325] {strides = array<i32>} : memref<80x128xi32, #tpu.memory_space<vmem>>, vector<16xi32>,
    %broadcast_in_dim3A_327 = arith.constant true
    %broadcast_in_dim3A_328 = vector.broadcast %broadcast_in_dim3A_327 : i1 to vector<16xi1>
    %unique3A_329, %unique3A_330 = tpu.scan_count mask(%broadcast_in_dim3A_328 : vector<16xi1>) value(%get3A_326 : vector<16xi32>) : vector<16xi1>, vector<16xi32>
    %convert_element_type3A_331 = arith.sitofp %unique3A_330 : vector<16xi32> to vector<16xf32>
    tpu.vector_store_idx %arg10[%get3A_326], %convert_element_type3A_331 masked %unique3A_329 {add = true} : memref<10016xf32, #tpu.memory_space<vmem>>[vector<16xi32>], vector<16xf32>, vector<16xi1>
    %get3A_332 = arith.index_cast %add3A_263 : i32 to index
    %get3A_333 = arith.constant 112 : index
    %get3A_334 = tpu.vector_load %arg8[%get3A_332, %get3A_333] {strides = array<i32>} : memref<80x128xi32, #tpu.memory_space<vmem>>, vector<16xi32>,
    %broadcast_in_dim3A_335 = arith.constant true
    %broadcast_in_dim3A_336 = vector.broadcast %broadcast_in_dim3A_335 : i1 to vector<16xi1>
    %unique3A_337, %unique3A_338 = tpu.scan_count mask(%broadcast_in_dim3A_336 : vector<16xi1>) value(%get3A_334 : vector<16xi32>) : vector<16xi1>, vector<16xi32>
    %convert_element_type3A_339 = arith.sitofp %unique3A_338 : vector<16xi32> to vector<16xf32>
    tpu.vector_store_idx %arg10[%get3A_334], %convert_element_type3A_339 masked %unique3A_337 {add = true} : memref<10016xf32, #tpu.memory_space<vmem>>[vector<16xi32>], vector<16xf32>, vector<16xi1>
    %dma_wait3A_340 = arith.constant 0 : i32
    %dma_wait3A_341 = arith.constant 0 : i32
    %dma_wait3A_342 = tpu.memref_slice %arg11[%dma_wait3A_340, %dma_wait3A_341] : memref<10016x64xf32, #tpu.memory_space<vmem_shared>> -> memref<128x64xf32, #tpu.memory_space<vmem_shared>>
    %dma_wait3A_343 = arith.constant 0 : i32
    %dma_wait3A_344 = arith.constant 0 : i32
    %dma_wait3A_345 = tpu.memref_slice %arg11[%dma_wait3A_343, %dma_wait3A_344] : memref<10016x64xf32, #tpu.memory_space<vmem_shared>> -> memref<128x64xf32, #tpu.memory_space<vmem_shared>>
    tpu.wait_dma2 semaphore(%arg22 : memref<!tpu.dma_semaphore, #tpu.memory_space<semaphore_mem>>) src(%arg14 : memref<128x64xf32, #tpu.memory_space<vmem>>) dst(%dma_wait3A_345 : memref<128x64xf32, #tpu.memory_space<vmem_shared>>)
    %sub3A_346 = arith.constant 4 : i32
    %sub3A_347 = arith.subi %min3A, %sub3A_346 : i32
    %add3A_348 = arith.constant 3 : i32
    %add3A_349 = arith.addi %sub3A_347, %add3A_348 : i32
    %dma_wait3A_350 = arith.constant 0 : i32
    %dma_wait3A_351 = arith.constant 0 : i32
    %dma_wait3A_352 = tpu.memref_slice %arg2[%dma_wait3A_350, %dma_wait3A_351] : memref<10000x64xf32, #tpu.memory_space<hbm>> -> memref<128x64xf32, #tpu.memory_space<hbm>>
    %dma_wait3A_353 = arith.constant 0 : i32
    %dma_wait3A_354 = arith.constant 0 : i32
    %dma_wait3A_355 = tpu.memref_slice %arg2[%dma_wait3A_353, %dma_wait3A_354] : memref<10000x64xf32, #tpu.memory_space<hbm>> -> memref<128x64xf32, #tpu.memory_space<hbm>>
    tpu.wait_dma2 semaphore(%arg19 : memref<!tpu.dma_semaphore, #tpu.memory_space<semaphore_mem>>) src(%dma_wait3A_355 : memref<128x64xf32, #tpu.memory_space<hbm>>) dst(%arg15 : memref<128x64xf32, #tpu.memory_space<vmem>>)
    %dma_start3A_356 = arith.constant 0 : i32
    %dma_start3A_357 = tpu.memref_slice %arg8[%add3A_349, %dma_start3A_356] : memref<80x128xi32, #tpu.memory_space<vmem>> -> memref<1x128xi32, #tpu.memory_space<vmem>>
    %dma_start3A_358 = tpu.memref_squeeze %dma_start3A_357 : memref<1x128xi32, #tpu.memory_space<vmem>> -> memref<128xi32, #tpu.memory_space<vmem>>
    %dma_start3A_359 = arith.constant 0 : i32
    %dma_start3A_360 = arith.constant 0 : i32
    %dma_start3A_361 = tpu.memref_slice %arg11[%dma_start3A_359, %dma_start3A_360] : memref<10016x64xf32, #tpu.memory_space<vmem_shared>> -> memref<10016x64xf32, #tpu.memory_space<vmem_shared>>
    tpu.enqueue_indirect_dma source(%arg15 : memref<128x64xf32, #tpu.memory_space<vmem>>) target(%dma_start3A_361 : memref<10016x64xf32, #tpu.memory_space<vmem_shared>>) offsets(%dma_start3A_358 : memref<128xi32, #tpu.memory_space<vmem>>) semaphore(%arg23 : memref<!tpu.dma_semaphore, #tpu.memory_space<semaphore_mem>>) {add = true}
    %get3A_362 = arith.index_cast %add3A_349 : i32 to index
    %get3A_363 = arith.constant 0 : index
    %get3A_364 = tpu.vector_load %arg8[%get3A_362, %get3A_363] {strides = array<i32>} : memref<80x128xi32, #tpu.memory_space<vmem>>, vector<16xi32>,
    %broadcast_in_dim3A_365 = arith.constant true
    %broadcast_in_dim3A_366 = vector.broadcast %broadcast_in_dim3A_365 : i1 to vector<16xi1>
    %unique3A_367, %unique3A_368 = tpu.scan_count mask(%broadcast_in_dim3A_366 : vector<16xi1>) value(%get3A_364 : vector<16xi32>) : vector<16xi1>, vector<16xi32>
    %convert_element_type3A_369 = arith.sitofp %unique3A_368 : vector<16xi32> to vector<16xf32>
    tpu.vector_store_idx %arg10[%get3A_364], %convert_element_type3A_369 masked %unique3A_367 {add = true} : memref<10016xf32, #tpu.memory_space<vmem>>[vector<16xi32>], vector<16xf32>, vector<16xi1>
    %get3A_370 = arith.index_cast %add3A_349 : i32 to index
    %get3A_371 = arith.constant 16 : index
    %get3A_372 = tpu.vector_load %arg8[%get3A_370, %get3A_371] {strides = array<i32>} : memref<80x128xi32, #tpu.memory_space<vmem>>, vector<16xi32>,
    %broadcast_in_dim3A_373 = arith.constant true
    %broadcast_in_dim3A_374 = vector.broadcast %broadcast_in_dim3A_373 : i1 to vector<16xi1>
    %unique3A_375, %unique3A_376 = tpu.scan_count mask(%broadcast_in_dim3A_374 : vector<16xi1>) value(%get3A_372 : vector<16xi32>) : vector<16xi1>, vector<16xi32>
    %convert_element_type3A_377 = arith.sitofp %unique3A_376 : vector<16xi32> to vector<16xf32>
    tpu.vector_store_idx %arg10[%get3A_372], %convert_element_type3A_377 masked %unique3A_375 {add = true} : memref<10016xf32, #tpu.memory_space<vmem>>[vector<16xi32>], vector<16xf32>, vector<16xi1>
    %get3A_378 = arith.index_cast %add3A_349 : i32 to index
    %get3A_379 = arith.constant 32 : index
    %get3A_380 = tpu.vector_load %arg8[%get3A_378, %get3A_379] {strides = array<i32>} : memref<80x128xi32, #tpu.memory_space<vmem>>, vector<16xi32>,
    %broadcast_in_dim3A_381 = arith.constant true
    %broadcast_in_dim3A_382 = vector.broadcast %broadcast_in_dim3A_381 : i1 to vector<16xi1>
    %unique3A_383, %unique3A_384 = tpu.scan_count mask(%broadcast_in_dim3A_382 : vector<16xi1>) value(%get3A_380 : vector<16xi32>) : vector<16xi1>, vector<16xi32>
    %convert_element_type3A_385 = arith.sitofp %unique3A_384 : vector<16xi32> to vector<16xf32>
    tpu.vector_store_idx %arg10[%get3A_380], %convert_element_type3A_385 masked %unique3A_383 {add = true} : memref<10016xf32, #tpu.memory_space<vmem>>[vector<16xi32>], vector<16xf32>, vector<16xi1>
    %get3A_386 = arith.index_cast %add3A_349 : i32 to index
    %get3A_387 = arith.constant 48 : index
    %get3A_388 = tpu.vector_load %arg8[%get3A_386, %get3A_387] {strides = array<i32>} : memref<80x128xi32, #tpu.memory_space<vmem>>, vector<16xi32>,
    %broadcast_in_dim3A_389 = arith.constant true
    %broadcast_in_dim3A_390 = vector.broadcast %broadcast_in_dim3A_389 : i1 to vector<16xi1>
    %unique3A_391, %unique3A_392 = tpu.scan_count mask(%broadcast_in_dim3A_390 : vector<16xi1>) value(%get3A_388 : vector<16xi32>) : vector<16xi1>, vector<16xi32>
    %convert_element_type3A_393 = arith.sitofp %unique3A_392 : vector<16xi32> to vector<16xf32>
    tpu.vector_store_idx %arg10[%get3A_388], %convert_element_type3A_393 masked %unique3A_391 {add = true} : memref<10016xf32, #tpu.memory_space<vmem>>[vector<16xi32>], vector<16xf32>, vector<16xi1>
    %get3A_394 = arith.index_cast %add3A_349 : i32 to index
    %get3A_395 = arith.constant 64 : index
    %get3A_396 = tpu.vector_load %arg8[%get3A_394, %get3A_395] {strides = array<i32>} : memref<80x128xi32, #tpu.memory_space<vmem>>, vector<16xi32>,
    %broadcast_in_dim3A_397 = arith.constant true
    %broadcast_in_dim3A_398 = vector.broadcast %broadcast_in_dim3A_397 : i1 to vector<16xi1>
    %unique3A_399, %unique3A_400 = tpu.scan_count mask(%broadcast_in_dim3A_398 : vector<16xi1>) value(%get3A_396 : vector<16xi32>) : vector<16xi1>, vector<16xi32>
    %convert_element_type3A_401 = arith.sitofp %unique3A_400 : vector<16xi32> to vector<16xf32>
    tpu.vector_store_idx %arg10[%get3A_396], %convert_element_type3A_401 masked %unique3A_399 {add = true} : memref<10016xf32, #tpu.memory_space<vmem>>[vector<16xi32>], vector<16xf32>, vector<16xi1>
    %get3A_402 = arith.index_cast %add3A_349 : i32 to index
    %get3A_403 = arith.constant 80 : index
    %get3A_404 = tpu.vector_load %arg8[%get3A_402, %get3A_403] {strides = array<i32>} : memref<80x128xi32, #tpu.memory_space<vmem>>, vector<16xi32>,
    %broadcast_in_dim3A_405 = arith.constant true
    %broadcast_in_dim3A_406 = vector.broadcast %broadcast_in_dim3A_405 : i1 to vector<16xi1>
    %unique3A_407, %unique3A_408 = tpu.scan_count mask(%broadcast_in_dim3A_406 : vector<16xi1>) value(%get3A_404 : vector<16xi32>) : vector<16xi1>, vector<16xi32>
    %convert_element_type3A_409 = arith.sitofp %unique3A_408 : vector<16xi32> to vector<16xf32>
    tpu.vector_store_idx %arg10[%get3A_404], %convert_element_type3A_409 masked %unique3A_407 {add = true} : memref<10016xf32, #tpu.memory_space<vmem>>[vector<16xi32>], vector<16xf32>, vector<16xi1>
    %get3A_410 = arith.index_cast %add3A_349 : i32 to index
    %get3A_411 = arith.constant 96 : index
    %get3A_412 = tpu.vector_load %arg8[%get3A_410, %get3A_411] {strides = array<i32>} : memref<80x128xi32, #tpu.memory_space<vmem>>, vector<16xi32>,
    %broadcast_in_dim3A_413 = arith.constant true
    %broadcast_in_dim3A_414 = vector.broadcast %broadcast_in_dim3A_413 : i1 to vector<16xi1>
    %unique3A_415, %unique3A_416 = tpu.scan_count mask(%broadcast_in_dim3A_414 : vector<16xi1>) value(%get3A_412 : vector<16xi32>) : vector<16xi1>, vector<16xi32>
    %convert_element_type3A_417 = arith.sitofp %unique3A_416 : vector<16xi32> to vector<16xf32>
    tpu.vector_store_idx %arg10[%get3A_412], %convert_element_type3A_417 masked %unique3A_415 {add = true} : memref<10016xf32, #tpu.memory_space<vmem>>[vector<16xi32>], vector<16xf32>, vector<16xi1>
    %get3A_418 = arith.index_cast %add3A_349 : i32 to index
    %get3A_419 = arith.constant 112 : index
    %get3A_420 = tpu.vector_load %arg8[%get3A_418, %get3A_419] {strides = array<i32>} : memref<80x128xi32, #tpu.memory_space<vmem>>, vector<16xi32>,
    %broadcast_in_dim3A_421 = arith.constant true
    %broadcast_in_dim3A_422 = vector.broadcast %broadcast_in_dim3A_421 : i1 to vector<16xi1>
    %unique3A_423, %unique3A_424 = tpu.scan_count mask(%broadcast_in_dim3A_422 : vector<16xi1>) value(%get3A_420 : vector<16xi32>) : vector<16xi1>, vector<16xi32>
    %convert_element_type3A_425 = arith.sitofp %unique3A_424 : vector<16xi32> to vector<16xf32>
    tpu.vector_store_idx %arg10[%get3A_420], %convert_element_type3A_425 masked %unique3A_423 {add = true} : memref<10016xf32, #tpu.memory_space<vmem>>[vector<16xi32>], vector<16xf32>, vector<16xi1>
    %dma_wait3A_426 = arith.constant 0 : i32
    %dma_wait3A_427 = arith.constant 0 : i32
    %dma_wait3A_428 = tpu.memref_slice %arg11[%dma_wait3A_426, %dma_wait3A_427] : memref<10016x64xf32, #tpu.memory_space<vmem_shared>> -> memref<128x64xf32, #tpu.memory_space<vmem_shared>>
    %dma_wait3A_429 = arith.constant 0 : i32
    %dma_wait3A_430 = arith.constant 0 : i32
    %dma_wait3A_431 = tpu.memref_slice %arg11[%dma_wait3A_429, %dma_wait3A_430] : memref<10016x64xf32, #tpu.memory_space<vmem_shared>> -> memref<128x64xf32, #tpu.memory_space<vmem_shared>>
    tpu.wait_dma2 semaphore(%arg23 : memref<!tpu.dma_semaphore, #tpu.memory_space<semaphore_mem>>) src(%arg15 : memref<128x64xf32, #tpu.memory_space<vmem>>) dst(%dma_wait3A_431 : memref<128x64xf32, #tpu.memory_space<vmem_shared>>)
    %barrier3A_432 = arith.constant 0 : index
    tpu.barrier barrier_id(%barrier3A_432)
    %add3A_433 = arith.constant 0 : i32
    %add3A_434 = arith.addi %min3A_12, %add3A_433 : i32
    "tpu.region"() ({
      %run_scoped3A_569 = tpu.sem_alloc : memref<!tpu.dma_semaphore, #tpu.memory_space<semaphore_mem>>
      %dma_start3A_570 = arith.constant 0 : i32
      %dma_start3A_571 = tpu.memref_slice %arg11[%add3A_434, %dma_start3A_570] : memref<10016x64xf32, #tpu.memory_space<vmem_shared>> -> memref<160x64xf32, #tpu.memory_space<vmem_shared>>
      %dma_start3A_572 = arith.constant 0 : i32
      %dma_start3A_573 = tpu.memref_slice %arg11[%add3A_434, %dma_start3A_572] : memref<10016x64xf32, #tpu.memory_space<vmem_shared>> -> memref<160x64xf32, #tpu.memory_space<vmem_shared>>
      tpu.enqueue_dma source(%dma_start3A_573 : memref<160x64xf32, #tpu.memory_space<vmem_shared>>) target(%arg9 : memref<160x64xf32, #tpu.memory_space<vmem>>) target_semaphore(%run_scoped3A_569 : memref<!tpu.dma_semaphore, #tpu.memory_space<semaphore_mem>>)
      %dma_wait3A_574 = arith.constant 0 : i32
      %dma_wait3A_575 = tpu.memref_slice %arg11[%add3A_434, %dma_wait3A_574] : memref<10016x64xf32, #tpu.memory_space<vmem_shared>> -> memref<160x64xf32, #tpu.memory_space<vmem_shared>>
      %dma_wait3A_576 = arith.constant 0 : i32
      %dma_wait3A_577 = tpu.memref_slice %arg11[%add3A_434, %dma_wait3A_576] : memref<10016x64xf32, #tpu.memory_space<vmem_shared>> -> memref<160x64xf32, #tpu.memory_space<vmem_shared>>
      tpu.wait_dma2 semaphore(%run_scoped3A_569 : memref<!tpu.dma_semaphore, #tpu.memory_space<semaphore_mem>>) src(%dma_wait3A_577 : memref<160x64xf32, #tpu.memory_space<vmem_shared>>) dst(%arg9 : memref<160x64xf32, #tpu.memory_space<vmem>>)
      tpu.yield
    }) : () -> ()
    "tpu.region"() ({
      %run_scoped3A_569 = tpu.sem_alloc : memref<!tpu.dma_semaphore, #tpu.memory_space<semaphore_mem>>
      %dma_start3A_570 = arith.constant 0 : i32
      %dma_start3A_571 = tpu.memref_slice %arg5[%arg0, %add3A_434, %dma_start3A_570] : memref<2x10000x128xf32, #tpu.memory_space<hbm>> -> memref<1x160x64xf32, #tpu.memory_space<hbm>>
      %dma_start3A_572 = tpu.memref_squeeze %dma_start3A_571 : memref<1x160x64xf32, #tpu.memory_space<hbm>> -> memref<160x64xf32, #tpu.memory_space<hbm>>
      %dma_start3A_573 = arith.constant 0 : i32
      %dma_start3A_574 = tpu.memref_slice %arg5[%arg0, %add3A_434, %dma_start3A_573] : memref<2x10000x128xf32, #tpu.memory_space<hbm>> -> memref<1x160x64xf32, #tpu.memory_space<hbm>>
      %dma_start3A_575 = tpu.memref_squeeze %dma_start3A_574 : memref<1x160x64xf32, #tpu.memory_space<hbm>> -> memref<160x64xf32, #tpu.memory_space<hbm>>
      tpu.enqueue_dma source(%arg9 : memref<160x64xf32, #tpu.memory_space<vmem>>) target(%dma_start3A_575 : memref<160x64xf32, #tpu.memory_space<hbm>>) target_semaphore(%run_scoped3A_569 : memref<!tpu.dma_semaphore, #tpu.memory_space<semaphore_mem>>)
      %dma_wait3A_576 = arith.constant 0 : i32
      %dma_wait3A_577 = tpu.memref_slice %arg5[%arg0, %add3A_434, %dma_wait3A_576] : memref<2x10000x128xf32, #tpu.memory_space<hbm>> -> memref<1x160x64xf32, #tpu.memory_space<hbm>>
      %dma_wait3A_578 = tpu.memref_squeeze %dma_wait3A_577 : memref<1x160x64xf32, #tpu.memory_space<hbm>> -> memref<160x64xf32, #tpu.memory_space<hbm>>
      %dma_wait3A_579 = arith.constant 0 : i32
      %dma_wait3A_580 = tpu.memref_slice %arg5[%arg0, %add3A_434, %dma_wait3A_579] : memref<2x10000x128xf32, #tpu.memory_space<hbm>> -> memref<1x160x64xf32, #tpu.memory_space<hbm>>
      %dma_wait3A_581 = tpu.memref_squeeze %dma_wait3A_580 : memref<1x160x64xf32, #tpu.memory_space<hbm>> -> memref<160x64xf32, #tpu.memory_space<hbm>>
      tpu.wait_dma2 semaphore(%run_scoped3A_569 : memref<!tpu.dma_semaphore, #tpu.memory_space<semaphore_mem>>) src(%arg9 : memref<160x64xf32, #tpu.memory_space<vmem>>) dst(%dma_wait3A_581 : memref<160x64xf32, #tpu.memory_space<hbm>>)
      tpu.yield
    }) : () -> ()
    %add3A_435 = arith.constant 160 : i32
    %add3A_436 = arith.addi %min3A_12, %add3A_435 : i32
    "tpu.region"() ({
      %run_scoped3A_569 = tpu.sem_alloc : memref<!tpu.dma_semaphore, #tpu.memory_space<semaphore_mem>>
      %dma_start3A_570 = arith.constant 0 : i32
      %dma_start3A_571 = tpu.memref_slice %arg11[%add3A_436, %dma_start3A_570] : memref<10016x64xf32, #tpu.memory_space<vmem_shared>> -> memref<160x64xf32, #tpu.memory_space<vmem_shared>>
      %dma_start3A_572 = arith.constant 0 : i32
      %dma_start3A_573 = tpu.memref_slice %arg11[%add3A_436, %dma_start3A_572] : memref<10016x64xf32, #tpu.memory_space<vmem_shared>> -> memref<160x64xf32, #tpu.memory_space<vmem_shared>>
      tpu.enqueue_dma source(%dma_start3A_573 : memref<160x64xf32, #tpu.memory_space<vmem_shared>>) target(%arg9 : memref<160x64xf32, #tpu.memory_space<vmem>>) target_semaphore(%run_scoped3A_569 : memref<!tpu.dma_semaphore, #tpu.memory_space<semaphore_mem>>)
      %dma_wait3A_574 = arith.constant 0 : i32
      %dma_wait3A_575 = tpu.memref_slice %arg11[%add3A_436, %dma_wait3A_574] : memref<10016x64xf32, #tpu.memory_space<vmem_shared>> -> memref<160x64xf32, #tpu.memory_space<vmem_shared>>
      %dma_wait3A_576 = arith.constant 0 : i32
      %dma_wait3A_577 = tpu.memref_slice %arg11[%add3A_436, %dma_wait3A_576] : memref<10016x64xf32, #tpu.memory_space<vmem_shared>> -> memref<160x64xf32, #tpu.memory_space<vmem_shared>>
      tpu.wait_dma2 semaphore(%run_scoped3A_569 : memref<!tpu.dma_semaphore, #tpu.memory_space<semaphore_mem>>) src(%dma_wait3A_577 : memref<160x64xf32, #tpu.memory_space<vmem_shared>>) dst(%arg9 : memref<160x64xf32, #tpu.memory_space<vmem>>)
      tpu.yield
    }) : () -> ()
    "tpu.region"() ({
      %run_scoped3A_569 = tpu.sem_alloc : memref<!tpu.dma_semaphore, #tpu.memory_space<semaphore_mem>>
      %dma_start3A_570 = arith.constant 0 : i32
      %dma_start3A_571 = tpu.memref_slice %arg5[%arg0, %add3A_436, %dma_start3A_570] : memref<2x10000x128xf32, #tpu.memory_space<hbm>> -> memref<1x160x64xf32, #tpu.memory_space<hbm>>
      %dma_start3A_572 = tpu.memref_squeeze %dma_start3A_571 : memref<1x160x64xf32, #tpu.memory_space<hbm>> -> memref<160x64xf32, #tpu.memory_space<hbm>>
      %dma_start3A_573 = arith.constant 0 : i32
      %dma_start3A_574 = tpu.memref_slice %arg5[%arg0, %add3A_436, %dma_start3A_573] : memref<2x10000x128xf32, #tpu.memory_space<hbm>> -> memref<1x160x64xf32, #tpu.memory_space<hbm>>
      %dma_start3A_575 = tpu.memref_squeeze %dma_start3A_574 : memref<1x160x64xf32, #tpu.memory_space<hbm>> -> memref<160x64xf32, #tpu.memory_space<hbm>>
      tpu.enqueue_dma source(%arg9 : memref<160x64xf32, #tpu.memory_space<vmem>>) target(%dma_start3A_575 : memref<160x64xf32, #tpu.memory_space<hbm>>) target_semaphore(%run_scoped3A_569 : memref<!tpu.dma_semaphore, #tpu.memory_space<semaphore_mem>>)
      %dma_wait3A_576 = arith.constant 0 : i32
      %dma_wait3A_577 = tpu.memref_slice %arg5[%arg0, %add3A_436, %dma_wait3A_576] : memref<2x10000x128xf32, #tpu.memory_space<hbm>> -> memref<1x160x64xf32, #tpu.memory_space<hbm>>
      %dma_wait3A_578 = tpu.memref_squeeze %dma_wait3A_577 : memref<1x160x64xf32, #tpu.memory_space<hbm>> -> memref<160x64xf32, #tpu.memory_space<hbm>>
      %dma_wait3A_579 = arith.constant 0 : i32
      %dma_wait3A_580 = tpu.memref_slice %arg5[%arg0, %add3A_436, %dma_wait3A_579] : memref<2x10000x128xf32, #tpu.memory_space<hbm>> -> memref<1x160x64xf32, #tpu.memory_space<hbm>>
      %dma_wait3A_581 = tpu.memref_squeeze %dma_wait3A_580 : memref<1x160x64xf32, #tpu.memory_space<hbm>> -> memref<160x64xf32, #tpu.memory_space<hbm>>
      tpu.wait_dma2 semaphore(%run_scoped3A_569 : memref<!tpu.dma_semaphore, #tpu.memory_space<semaphore_mem>>) src(%arg9 : memref<160x64xf32, #tpu.memory_space<vmem>>) dst(%dma_wait3A_581 : memref<160x64xf32, #tpu.memory_space<hbm>>)
      tpu.yield
    }) : () -> ()
    %add3A_437 = arith.constant 320 : i32
    %add3A_438 = arith.addi %min3A_12, %add3A_437 : i32
    "tpu.region"() ({
      %run_scoped3A_569 = tpu.sem_alloc : memref<!tpu.dma_semaphore, #tpu.memory_space<semaphore_mem>>
      %dma_start3A_570 = arith.constant 0 : i32
      %dma_start3A_571 = tpu.memref_slice %arg11[%add3A_438, %dma_start3A_570] : memref<10016x64xf32, #tpu.memory_space<vmem_shared>> -> memref<160x64xf32, #tpu.memory_space<vmem_shared>>
      %dma_start3A_572 = arith.constant 0 : i32
      %dma_start3A_573 = tpu.memref_slice %arg11[%add3A_438, %dma_start3A_572] : memref<10016x64xf32, #tpu.memory_space<vmem_shared>> -> memref<160x64xf32, #tpu.memory_space<vmem_shared>>
      tpu.enqueue_dma source(%dma_start3A_573 : memref<160x64xf32, #tpu.memory_space<vmem_shared>>) target(%arg9 : memref<160x64xf32, #tpu.memory_space<vmem>>) target_semaphore(%run_scoped3A_569 : memref<!tpu.dma_semaphore, #tpu.memory_space<semaphore_mem>>)
      %dma_wait3A_574 = arith.constant 0 : i32
      %dma_wait3A_575 = tpu.memref_slice %arg11[%add3A_438, %dma_wait3A_574] : memref<10016x64xf32, #tpu.memory_space<vmem_shared>> -> memref<160x64xf32, #tpu.memory_space<vmem_shared>>
      %dma_wait3A_576 = arith.constant 0 : i32
      %dma_wait3A_577 = tpu.memref_slice %arg11[%add3A_438, %dma_wait3A_576] : memref<10016x64xf32, #tpu.memory_space<vmem_shared>> -> memref<160x64xf32, #tpu.memory_space<vmem_shared>>
      tpu.wait_dma2 semaphore(%run_scoped3A_569 : memref<!tpu.dma_semaphore, #tpu.memory_space<semaphore_mem>>) src(%dma_wait3A_577 : memref<160x64xf32, #tpu.memory_space<vmem_shared>>) dst(%arg9 : memref<160x64xf32, #tpu.memory_space<vmem>>)
      tpu.yield
    }) : () -> ()
    "tpu.region"() ({
      %run_scoped3A_569 = tpu.sem_alloc : memref<!tpu.dma_semaphore, #tpu.memory_space<semaphore_mem>>
      %dma_start3A_570 = arith.constant 0 : i32
      %dma_start3A_571 = tpu.memref_slice %arg5[%arg0, %add3A_438, %dma_start3A_570] : memref<2x10000x128xf32, #tpu.memory_space<hbm>> -> memref<1x160x64xf32, #tpu.memory_space<hbm>>
      %dma_start3A_572 = tpu.memref_squeeze %dma_start3A_571 : memref<1x160x64xf32, #tpu.memory_space<hbm>> -> memref<160x64xf32, #tpu.memory_space<hbm>>
      %dma_start3A_573 = arith.constant 0 : i32
      %dma_start3A_574 = tpu.memref_slice %arg5[%arg0, %add3A_438, %dma_start3A_573] : memref<2x10000x128xf32, #tpu.memory_space<hbm>> -> memref<1x160x64xf32, #tpu.memory_space<hbm>>
      %dma_start3A_575 = tpu.memref_squeeze %dma_start3A_574 : memref<1x160x64xf32, #tpu.memory_space<hbm>> -> memref<160x64xf32, #tpu.memory_space<hbm>>
      tpu.enqueue_dma source(%arg9 : memref<160x64xf32, #tpu.memory_space<vmem>>) target(%dma_start3A_575 : memref<160x64xf32, #tpu.memory_space<hbm>>) target_semaphore(%run_scoped3A_569 : memref<!tpu.dma_semaphore, #tpu.memory_space<semaphore_mem>>)
      %dma_wait3A_576 = arith.constant 0 : i32
      %dma_wait3A_577 = tpu.memref_slice %arg5[%arg0, %add3A_438, %dma_wait3A_576] : memref<2x10000x128xf32, #tpu.memory_space<hbm>> -> memref<1x160x64xf32, #tpu.memory_space<hbm>>
      %dma_wait3A_578 = tpu.memref_squeeze %dma_wait3A_577 : memref<1x160x64xf32, #tpu.memory_space<hbm>> -> memref<160x64xf32, #tpu.memory_space<hbm>>
      %dma_wait3A_579 = arith.constant 0 : i32
      %dma_wait3A_580 = tpu.memref_slice %arg5[%arg0, %add3A_438, %dma_wait3A_579] : memref<2x10000x128xf32, #tpu.memory_space<hbm>> -> memref<1x160x64xf32, #tpu.memory_space<hbm>>
      %dma_wait3A_581 = tpu.memref_squeeze %dma_wait3A_580 : memref<1x160x64xf32, #tpu.memory_space<hbm>> -> memref<160x64xf32, #tpu.memory_space<hbm>>
      tpu.wait_dma2 semaphore(%run_scoped3A_569 : memref<!tpu.dma_semaphore, #tpu.memory_space<semaphore_mem>>) src(%arg9 : memref<160x64xf32, #tpu.memory_space<vmem>>) dst(%dma_wait3A_581 : memref<160x64xf32, #tpu.memory_space<hbm>>)
      tpu.yield
    }) : () -> ()
    %add3A_439 = arith.constant 480 : i32
    %add3A_440 = arith.addi %min3A_12, %add3A_439 : i32
    "tpu.region"() ({
      %run_scoped3A_569 = tpu.sem_alloc : memref<!tpu.dma_semaphore, #tpu.memory_space<semaphore_mem>>
      %dma_start3A_570 = arith.constant 0 : i32
      %dma_start3A_571 = tpu.memref_slice %arg11[%add3A_440, %dma_start3A_570] : memref<10016x64xf32, #tpu.memory_space<vmem_shared>> -> memref<160x64xf32, #tpu.memory_space<vmem_shared>>
      %dma_start3A_572 = arith.constant 0 : i32
      %dma_start3A_573 = tpu.memref_slice %arg11[%add3A_440, %dma_start3A_572] : memref<10016x64xf32, #tpu.memory_space<vmem_shared>> -> memref<160x64xf32, #tpu.memory_space<vmem_shared>>
      tpu.enqueue_dma source(%dma_start3A_573 : memref<160x64xf32, #tpu.memory_space<vmem_shared>>) target(%arg9 : memref<160x64xf32, #tpu.memory_space<vmem>>) target_semaphore(%run_scoped3A_569 : memref<!tpu.dma_semaphore, #tpu.memory_space<semaphore_mem>>)
      %dma_wait3A_574 = arith.constant 0 : i32
      %dma_wait3A_575 = tpu.memref_slice %arg11[%add3A_440, %dma_wait3A_574] : memref<10016x64xf32, #tpu.memory_space<vmem_shared>> -> memref<160x64xf32, #tpu.memory_space<vmem_shared>>
      %dma_wait3A_576 = arith.constant 0 : i32
      %dma_wait3A_577 = tpu.memref_slice %arg11[%add3A_440, %dma_wait3A_576] : memref<10016x64xf32, #tpu.memory_space<vmem_shared>> -> memref<160x64xf32, #tpu.memory_space<vmem_shared>>
      tpu.wait_dma2 semaphore(%run_scoped3A_569 : memref<!tpu.dma_semaphore, #tpu.memory_space<semaphore_mem>>) src(%dma_wait3A_577 : memref<160x64xf32, #tpu.memory_space<vmem_shared>>) dst(%arg9 : memref<160x64xf32, #tpu.memory_space<vmem>>)
      tpu.yield
    }) : () -> ()
    "tpu.region"() ({
      %run_scoped3A_569 = tpu.sem_alloc : memref<!tpu.dma_semaphore, #tpu.memory_space<semaphore_mem>>
      %dma_start3A_570 = arith.constant 0 : i32
      %dma_start3A_571 = tpu.memref_slice %arg5[%arg0, %add3A_440, %dma_start3A_570] : memref<2x10000x128xf32, #tpu.memory_space<hbm>> -> memref<1x160x64xf32, #tpu.memory_space<hbm>>
      %dma_start3A_572 = tpu.memref_squeeze %dma_start3A_571 : memref<1x160x64xf32, #tpu.memory_space<hbm>> -> memref<160x64xf32, #tpu.memory_space<hbm>>
      %dma_start3A_573 = arith.constant 0 : i32
      %dma_start3A_574 = tpu.memref_slice %arg5[%arg0, %add3A_440, %dma_start3A_573] : memref<2x10000x128xf32, #tpu.memory_space<hbm>> -> memref<1x160x64xf32, #tpu.memory_space<hbm>>
      %dma_start3A_575 = tpu.memref_squeeze %dma_start3A_574 : memref<1x160x64xf32, #tpu.memory_space<hbm>> -> memref<160x64xf32, #tpu.memory_space<hbm>>
      tpu.enqueue_dma source(%arg9 : memref<160x64xf32, #tpu.memory_space<vmem>>) target(%dma_start3A_575 : memref<160x64xf32, #tpu.memory_space<hbm>>) target_semaphore(%run_scoped3A_569 : memref<!tpu.dma_semaphore, #tpu.memory_space<semaphore_mem>>)
      %dma_wait3A_576 = arith.constant 0 : i32
      %dma_wait3A_577 = tpu.memref_slice %arg5[%arg0, %add3A_440, %dma_wait3A_576] : memref<2x10000x128xf32, #tpu.memory_space<hbm>> -> memref<1x160x64xf32, #tpu.memory_space<hbm>>
      %dma_wait3A_578 = tpu.memref_squeeze %dma_wait3A_577 : memref<1x160x64xf32, #tpu.memory_space<hbm>> -> memref<160x64xf32, #tpu.memory_space<hbm>>
      %dma_wait3A_579 = arith.constant 0 : i32
      %dma_wait3A_580 = tpu.memref_slice %arg5[%arg0, %add3A_440, %dma_wait3A_579] : memref<2x10000x128xf32, #tpu.memory_space<hbm>> -> memref<1x160x64xf32, #tpu.memory_space<hbm>>
      %dma_wait3A_581 = tpu.memref_squeeze %dma_wait3A_580 : memref<1x160x64xf32, #tpu.memory_space<hbm>> -> memref<160x64xf32, #tpu.memory_space<hbm>>
      tpu.wait_dma2 semaphore(%run_scoped3A_569 : memref<!tpu.dma_semaphore, #tpu.memory_space<semaphore_mem>>) src(%arg9 : memref<160x64xf32, #tpu.memory_space<vmem>>) dst(%dma_wait3A_581 : memref<160x64xf32, #tpu.memory_space<hbm>>)
      tpu.yield
    }) : () -> ()
    "tpu.region"() ({
      %run_scoped3A_569 = tpu.sem_alloc : memref<!tpu.dma_semaphore, #tpu.memory_space<semaphore_mem>>
      %dma_start3A_570 = arith.constant 0 : i32
      %dma_start3A_571 = tpu.memref_slice %arg10[%dma_start3A_570] : memref<10016xf32, #tpu.memory_space<vmem>> -> memref<10000xf32, #tpu.memory_space<vmem>>
      %dma_start3A_572 = arith.constant 0 : i32
      %dma_start3A_573 = tpu.memref_slice %arg6[%add3A, %dma_start3A_572] : memref<32x10000xf32, #tpu.memory_space<hbm>> -> memref<1x10000xf32, #tpu.memory_space<hbm>>
      %dma_start3A_574 = tpu.memref_squeeze %dma_start3A_573 : memref<1x10000xf32, #tpu.memory_space<hbm>> -> memref<10000xf32, #tpu.memory_space<hbm>>
      %dma_start3A_575 = arith.constant 0 : i32
      %dma_start3A_576 = tpu.memref_slice %arg6[%add3A, %dma_start3A_575] : memref<32x10000xf32, #tpu.memory_space<hbm>> -> memref<1x10000xf32, #tpu.memory_space<hbm>>
      %dma_start3A_577 = tpu.memref_squeeze %dma_start3A_576 : memref<1x10000xf32, #tpu.memory_space<hbm>> -> memref<10000xf32, #tpu.memory_space<hbm>>
      %dma_start3A_578 = arith.constant 0 : i32
      %dma_start3A_579 = tpu.memref_slice %arg10[%dma_start3A_578] : memref<10016xf32, #tpu.memory_space<vmem>> -> memref<10000xf32, #tpu.memory_space<vmem>>
      tpu.enqueue_dma source(%dma_start3A_579 : memref<10000xf32, #tpu.memory_space<vmem>>) target(%dma_start3A_577 : memref<10000xf32, #tpu.memory_space<hbm>>) target_semaphore(%run_scoped3A_569 : memref<!tpu.dma_semaphore, #tpu.memory_space<semaphore_mem>>)
      %dma_wait3A_580 = arith.constant 0 : i32
      %dma_wait3A_581 = tpu.memref_slice %arg10[%dma_wait3A_580] : memref<10016xf32, #tpu.memory_space<vmem>> -> memref<10000xf32, #tpu.memory_space<vmem>>
      %dma_wait3A_582 = arith.constant 0 : i32
      %dma_wait3A_583 = tpu.memref_slice %arg6[%add3A, %dma_wait3A_582] : memref<32x10000xf32, #tpu.memory_space<hbm>> -> memref<1x10000xf32, #tpu.memory_space<hbm>>
      %dma_wait3A_584 = tpu.memref_squeeze %dma_wait3A_583 : memref<1x10000xf32, #tpu.memory_space<hbm>> -> memref<10000xf32, #tpu.memory_space<hbm>>
      %dma_wait3A_585 = arith.constant 0 : i32
      %dma_wait3A_586 = tpu.memref_slice %arg6[%add3A, %dma_wait3A_585] : memref<32x10000xf32, #tpu.memory_space<hbm>> -> memref<1x10000xf32, #tpu.memory_space<hbm>>
      %dma_wait3A_587 = tpu.memref_squeeze %dma_wait3A_586 : memref<1x10000xf32, #tpu.memory_space<hbm>> -> memref<10000xf32, #tpu.memory_space<hbm>>
      %dma_wait3A_588 = arith.constant 0 : i32
      %dma_wait3A_589 = tpu.memref_slice %arg10[%dma_wait3A_588] : memref<10016xf32, #tpu.memory_space<vmem>> -> memref<10000xf32, #tpu.memory_space<vmem>>
      tpu.wait_dma2 semaphore(%run_scoped3A_569 : memref<!tpu.dma_semaphore, #tpu.memory_space<semaphore_mem>>) src(%dma_wait3A_589 : memref<10000xf32, #tpu.memory_space<vmem>>) dst(%dma_wait3A_587 : memref<10000xf32, #tpu.memory_space<hbm>>)
      tpu.yield
    }) : () -> ()
    %scan3A_441 = arith.constant 0 : i32
    %scan3A_442 = arith.constant 0 : i32
    %scan3A_443 = arith.constant 640 : i32
    %scan3A_444 = arith.addi %scan3A_442, %scan3A_443 : i32
    %scan3A_445 = arith.constant 1 : i32
    scf.for %scan3A_569 = %scan3A_442 to %scan3A_444 step %scan3A_445  : i32 {
      %broadcast_in_dim3A_570 = arith.constant 0.000000e+00 : f32
      %broadcast_in_dim3A_571 = vector.broadcast %broadcast_in_dim3A_570 : f32 to vector<16xf32>
      %jit3A_572 = arith.constant 4 : i32
      %div3A_573 = arith.divsi %scan3A_569, %jit3A_572 : i32
      %sign3A_574 = arith.constant 0 : i32
      %sign3A_575 = arith.cmpi sgt, %scan3A_569, %sign3A_574 : i32
      %sign3A_576 = arith.extui %sign3A_575 : i1 to i32
      %sign3A_577 = arith.constant 0 : i32
      %sign3A_578 = arith.cmpi slt, %scan3A_569, %sign3A_577 : i32
      %sign3A_579 = arith.extui %sign3A_578 : i1 to i32
      %sign3A_580 = arith.subi %sign3A_576, %sign3A_579 : i32
      %sign3A_581 = arith.constant 0 : i32
      %sign3A_582 = arith.cmpi sgt, %jit3A_572, %sign3A_581 : i32
      %sign3A_583 = arith.extui %sign3A_582 : i1 to i32
      %sign3A_584 = arith.constant 0 : i32
      %sign3A_585 = arith.cmpi slt, %jit3A_572, %sign3A_584 : i32
      %sign3A_586 = arith.extui %sign3A_585 : i1 to i32
      %sign3A_587 = arith.subi %sign3A_583, %sign3A_586 : i32
      %ne3A_588 = arith.cmpi ne, %sign3A_580, %sign3A_587 : i32
      %rem3A_589 = arith.remsi %scan3A_569, %jit3A_572 : i32
      %ne3A_590 = arith.constant 0 : i32
      %ne3A_591 = arith.cmpi ne, %rem3A_589, %ne3A_590 : i32
      %and3A_592 = arith.andi %ne3A_588, %ne3A_591 : i1
      %sub3A_593 = arith.constant 1 : i32
      %sub3A_594 = arith.subi %div3A_573, %sub3A_593 : i32
      %select_n3A_595 = arith.select %and3A_592, %sub3A_594, %div3A_573 : i32
      %jit3A_596 = arith.constant 4 : i32
      %eq3A = arith.constant 0 : i32
      %eq3A_597 = arith.cmpi eq, %jit3A_596, %eq3A : i32
      %jit3A_598 = arith.constant 1 : i32
      %select_n3A_599 = arith.select %eq3A_597, %jit3A_598, %jit3A_596 : i32
      %rem3A_600 = arith.remsi %scan3A_569, %select_n3A_599 : i32
      %ne3A_601 = arith.constant 0 : i32
      %ne3A_602 = arith.cmpi ne, %rem3A_600, %ne3A_601 : i32
      %lt3A = arith.constant 0 : i32
      %lt3A_603 = arith.cmpi slt, %rem3A_600, %lt3A : i32
      %lt3A_604 = arith.constant 0 : i32
      %lt3A_605 = arith.cmpi slt, %select_n3A_599, %lt3A_604 : i32
      %ne3A_606 = arith.xori %lt3A_603, %lt3A_605 : i1
      %and3A_607 = arith.andi %ne3A_606, %ne3A_602 : i1
      %add3A_608 = arith.addi %rem3A_600, %select_n3A_599 : i32
      %select_n3A_609 = arith.select %and3A_607, %add3A_608, %rem3A_600 : i32
      %mul3A_610 = arith.constant 16 : i32
      %mul3A_611 = arith.muli %select_n3A_609, %mul3A_610 : i32
      %swap3A = arith.index_cast %select_n3A_595 : i32 to index
      %swap3A_612 = arith.index_cast %mul3A_611 : i32 to index
      %swap3A_613 = tpu.vector_load %arg9[%swap3A, %swap3A_612] {strides = array<i32>} : memref<160x64xf32, #tpu.memory_space<vmem>>, vector<16xf32>,
      tpu.vector_store %arg9[%swap3A, %swap3A_612], %broadcast_in_dim3A_571 {strides = array<i32>} : memref<160x64xf32, #tpu.memory_space<vmem>>, vector<16xf32>,
    }
    %scan3A_446 = arith.constant 640 : i32
    %add3A_447 = arith.constant 0 : i32
    %add3A_448 = arith.addi %min3A_12, %add3A_447 : i32
    "tpu.region"() ({
      %run_scoped3A_569 = tpu.sem_alloc : memref<!tpu.dma_semaphore, #tpu.memory_space<semaphore_mem>>
      %dma_start3A_570 = arith.constant 0 : i32
      %dma_start3A_571 = tpu.memref_slice %arg11[%add3A_448, %dma_start3A_570] : memref<10016x64xf32, #tpu.memory_space<vmem_shared>> -> memref<160x64xf32, #tpu.memory_space<vmem_shared>>
      %dma_start3A_572 = arith.constant 0 : i32
      %dma_start3A_573 = tpu.memref_slice %arg11[%add3A_448, %dma_start3A_572] : memref<10016x64xf32, #tpu.memory_space<vmem_shared>> -> memref<160x64xf32, #tpu.memory_space<vmem_shared>>
      tpu.enqueue_dma source(%arg9 : memref<160x64xf32, #tpu.memory_space<vmem>>) target(%dma_start3A_573 : memref<160x64xf32, #tpu.memory_space<vmem_shared>>) target_semaphore(%run_scoped3A_569 : memref<!tpu.dma_semaphore, #tpu.memory_space<semaphore_mem>>)
      %dma_wait3A_574 = arith.constant 0 : i32
      %dma_wait3A_575 = tpu.memref_slice %arg11[%add3A_448, %dma_wait3A_574] : memref<10016x64xf32, #tpu.memory_space<vmem_shared>> -> memref<160x64xf32, #tpu.memory_space<vmem_shared>>
      %dma_wait3A_576 = arith.constant 0 : i32
      %dma_wait3A_577 = tpu.memref_slice %arg11[%add3A_448, %dma_wait3A_576] : memref<10016x64xf32, #tpu.memory_space<vmem_shared>> -> memref<160x64xf32, #tpu.memory_space<vmem_shared>>
      tpu.wait_dma2 semaphore(%run_scoped3A_569 : memref<!tpu.dma_semaphore, #tpu.memory_space<semaphore_mem>>) src(%arg9 : memref<160x64xf32, #tpu.memory_space<vmem>>) dst(%dma_wait3A_577 : memref<160x64xf32, #tpu.memory_space<vmem_shared>>)
      tpu.yield
    }) : () -> ()
    %add3A_449 = arith.constant 160 : i32
    %add3A_450 = arith.addi %min3A_12, %add3A_449 : i32
    "tpu.region"() ({
      %run_scoped3A_569 = tpu.sem_alloc : memref<!tpu.dma_semaphore, #tpu.memory_space<semaphore_mem>>
      %dma_start3A_570 = arith.constant 0 : i32
      %dma_start3A_571 = tpu.memref_slice %arg11[%add3A_450, %dma_start3A_570] : memref<10016x64xf32, #tpu.memory_space<vmem_shared>> -> memref<160x64xf32, #tpu.memory_space<vmem_shared>>
      %dma_start3A_572 = arith.constant 0 : i32
      %dma_start3A_573 = tpu.memref_slice %arg11[%add3A_450, %dma_start3A_572] : memref<10016x64xf32, #tpu.memory_space<vmem_shared>> -> memref<160x64xf32, #tpu.memory_space<vmem_shared>>
      tpu.enqueue_dma source(%arg9 : memref<160x64xf32, #tpu.memory_space<vmem>>) target(%dma_start3A_573 : memref<160x64xf32, #tpu.memory_space<vmem_shared>>) target_semaphore(%run_scoped3A_569 : memref<!tpu.dma_semaphore, #tpu.memory_space<semaphore_mem>>)
      %dma_wait3A_574 = arith.constant 0 : i32
      %dma_wait3A_575 = tpu.memref_slice %arg11[%add3A_450, %dma_wait3A_574] : memref<10016x64xf32, #tpu.memory_space<vmem_shared>> -> memref<160x64xf32, #tpu.memory_space<vmem_shared>>
      %dma_wait3A_576 = arith.constant 0 : i32
      %dma_wait3A_577 = tpu.memref_slice %arg11[%add3A_450, %dma_wait3A_576] : memref<10016x64xf32, #tpu.memory_space<vmem_shared>> -> memref<160x64xf32, #tpu.memory_space<vmem_shared>>
      tpu.wait_dma2 semaphore(%run_scoped3A_569 : memref<!tpu.dma_semaphore, #tpu.memory_space<semaphore_mem>>) src(%arg9 : memref<160x64xf32, #tpu.memory_space<vmem>>) dst(%dma_wait3A_577 : memref<160x64xf32, #tpu.memory_space<vmem_shared>>)
      tpu.yield
    }) : () -> ()
    %add3A_451 = arith.constant 320 : i32
    %add3A_452 = arith.addi %min3A_12, %add3A_451 : i32
    "tpu.region"() ({
      %run_scoped3A_569 = tpu.sem_alloc : memref<!tpu.dma_semaphore, #tpu.memory_space<semaphore_mem>>
      %dma_start3A_570 = arith.constant 0 : i32
      %dma_start3A_571 = tpu.memref_slice %arg11[%add3A_452, %dma_start3A_570] : memref<10016x64xf32, #tpu.memory_space<vmem_shared>> -> memref<160x64xf32, #tpu.memory_space<vmem_shared>>
      %dma_start3A_572 = arith.constant 0 : i32
      %dma_start3A_573 = tpu.memref_slice %arg11[%add3A_452, %dma_start3A_572] : memref<10016x64xf32, #tpu.memory_space<vmem_shared>> -> memref<160x64xf32, #tpu.memory_space<vmem_shared>>
      tpu.enqueue_dma source(%arg9 : memref<160x64xf32, #tpu.memory_space<vmem>>) target(%dma_start3A_573 : memref<160x64xf32, #tpu.memory_space<vmem_shared>>) target_semaphore(%run_scoped3A_569 : memref<!tpu.dma_semaphore, #tpu.memory_space<semaphore_mem>>)
      %dma_wait3A_574 = arith.constant 0 : i32
      %dma_wait3A_575 = tpu.memref_slice %arg11[%add3A_452, %dma_wait3A_574] : memref<10016x64xf32, #tpu.memory_space<vmem_shared>> -> memref<160x64xf32, #tpu.memory_space<vmem_shared>>
      %dma_wait3A_576 = arith.constant 0 : i32
      %dma_wait3A_577 = tpu.memref_slice %arg11[%add3A_452, %dma_wait3A_576] : memref<10016x64xf32, #tpu.memory_space<vmem_shared>> -> memref<160x64xf32, #tpu.memory_space<vmem_shared>>
      tpu.wait_dma2 semaphore(%run_scoped3A_569 : memref<!tpu.dma_semaphore, #tpu.memory_space<semaphore_mem>>) src(%arg9 : memref<160x64xf32, #tpu.memory_space<vmem>>) dst(%dma_wait3A_577 : memref<160x64xf32, #tpu.memory_space<vmem_shared>>)
      tpu.yield
    }) : () -> ()
    %add3A_453 = arith.constant 480 : i32
    %add3A_454 = arith.addi %min3A_12, %add3A_453 : i32
    "tpu.region"() ({
      %run_scoped3A_569 = tpu.sem_alloc : memref<!tpu.dma_semaphore, #tpu.memory_space<semaphore_mem>>
      %dma_start3A_570 = arith.constant 0 : i32
      %dma_start3A_571 = tpu.memref_slice %arg11[%add3A_454, %dma_start3A_570] : memref<10016x64xf32, #tpu.memory_space<vmem_shared>> -> memref<160x64xf32, #tpu.memory_space<vmem_shared>>
      %dma_start3A_572 = arith.constant 0 : i32
      %dma_start3A_573 = tpu.memref_slice %arg11[%add3A_454, %dma_start3A_572] : memref<10016x64xf32, #tpu.memory_space<vmem_shared>> -> memref<160x64xf32, #tpu.memory_space<vmem_shared>>
      tpu.enqueue_dma source(%arg9 : memref<160x64xf32, #tpu.memory_space<vmem>>) target(%dma_start3A_573 : memref<160x64xf32, #tpu.memory_space<vmem_shared>>) target_semaphore(%run_scoped3A_569 : memref<!tpu.dma_semaphore, #tpu.memory_space<semaphore_mem>>)
      %dma_wait3A_574 = arith.constant 0 : i32
      %dma_wait3A_575 = tpu.memref_slice %arg11[%add3A_454, %dma_wait3A_574] : memref<10016x64xf32, #tpu.memory_space<vmem_shared>> -> memref<160x64xf32, #tpu.memory_space<vmem_shared>>
      %dma_wait3A_576 = arith.constant 0 : i32
      %dma_wait3A_577 = tpu.memref_slice %arg11[%add3A_454, %dma_wait3A_576] : memref<10016x64xf32, #tpu.memory_space<vmem_shared>> -> memref<160x64xf32, #tpu.memory_space<vmem_shared>>
      tpu.wait_dma2 semaphore(%run_scoped3A_569 : memref<!tpu.dma_semaphore, #tpu.memory_space<semaphore_mem>>) src(%arg9 : memref<160x64xf32, #tpu.memory_space<vmem>>) dst(%dma_wait3A_577 : memref<160x64xf32, #tpu.memory_space<vmem_shared>>)
      tpu.yield
    }) : () -> ()
    %barrier3A_455 = arith.constant 0 : index
    tpu.barrier barrier_id(%barrier3A_455)
    %dma_start3A_456 = arith.constant 0 : i32
    %dma_start3A_457 = arith.constant 0 : i32
    %dma_start3A_458 = tpu.memref_slice %arg7[%dma_start3A_456, %dma_start3A_457] : memref<80x128xi32, #tpu.memory_space<vmem>> -> memref<1x128xi32, #tpu.memory_space<vmem>>
    %dma_start3A_459 = tpu.memref_squeeze %dma_start3A_458 : memref<1x128xi32, #tpu.memory_space<vmem>> -> memref<128xi32, #tpu.memory_space<vmem>>
    %dma_start3A_460 = arith.constant 0 : i32
    %dma_start3A_461 = arith.constant 0 : i32
    %dma_start3A_462 = tpu.memref_slice %arg3[%dma_start3A_460, %dma_start3A_461] : memref<10000x64xf32, #tpu.memory_space<hbm>> -> memref<10000x64xf32, #tpu.memory_space<hbm>>
    tpu.enqueue_indirect_dma source(%dma_start3A_462 : memref<10000x64xf32, #tpu.memory_space<hbm>>) target(%arg12 : memref<128x64xf32, #tpu.memory_space<vmem>>) offsets(%dma_start3A_459 : memref<128xi32, #tpu.memory_space<vmem>>) semaphore(%arg16 : memref<!tpu.dma_semaphore, #tpu.memory_space<semaphore_mem>>)
    %dma_start3A_463 = arith.constant 1 : i32
    %dma_start3A_464 = arith.constant 0 : i32
    %dma_start3A_465 = tpu.memref_slice %arg7[%dma_start3A_463, %dma_start3A_464] : memref<80x128xi32, #tpu.memory_space<vmem>> -> memref<1x128xi32, #tpu.memory_space<vmem>>
    %dma_start3A_466 = tpu.memref_squeeze %dma_start3A_465 : memref<1x128xi32, #tpu.memory_space<vmem>> -> memref<128xi32, #tpu.memory_space<vmem>>
    %dma_start3A_467 = arith.constant 0 : i32
    %dma_start3A_468 = arith.constant 0 : i32
    %dma_start3A_469 = tpu.memref_slice %arg3[%dma_start3A_467, %dma_start3A_468] : memref<10000x64xf32, #tpu.memory_space<hbm>> -> memref<10000x64xf32, #tpu.memory_space<hbm>>
    tpu.enqueue_indirect_dma source(%dma_start3A_469 : memref<10000x64xf32, #tpu.memory_space<hbm>>) target(%arg13 : memref<128x64xf32, #tpu.memory_space<vmem>>) offsets(%dma_start3A_466 : memref<128xi32, #tpu.memory_space<vmem>>) semaphore(%arg17 : memref<!tpu.dma_semaphore, #tpu.memory_space<semaphore_mem>>)
    %dma_start3A_470 = arith.constant 2 : i32
    %dma_start3A_471 = arith.constant 0 : i32
    %dma_start3A_472 = tpu.memref_slice %arg7[%dma_start3A_470, %dma_start3A_471] : memref<80x128xi32, #tpu.memory_space<vmem>> -> memref<1x128xi32, #tpu.memory_space<vmem>>
    %dma_start3A_473 = tpu.memref_squeeze %dma_start3A_472 : memref<1x128xi32, #tpu.memory_space<vmem>> -> memref<128xi32, #tpu.memory_space<vmem>>
    %dma_start3A_474 = arith.constant 0 : i32
    %dma_start3A_475 = arith.constant 0 : i32
    %dma_start3A_476 = tpu.memref_slice %arg3[%dma_start3A_474, %dma_start3A_475] : memref<10000x64xf32, #tpu.memory_space<hbm>> -> memref<10000x64xf32, #tpu.memory_space<hbm>>
    tpu.enqueue_indirect_dma source(%dma_start3A_476 : memref<10000x64xf32, #tpu.memory_space<hbm>>) target(%arg14 : memref<128x64xf32, #tpu.memory_space<vmem>>) offsets(%dma_start3A_473 : memref<128xi32, #tpu.memory_space<vmem>>) semaphore(%arg18 : memref<!tpu.dma_semaphore, #tpu.memory_space<semaphore_mem>>)
    %dma_start3A_477 = arith.constant 3 : i32
    %dma_start3A_478 = arith.constant 0 : i32
    %dma_start3A_479 = tpu.memref_slice %arg7[%dma_start3A_477, %dma_start3A_478] : memref<80x128xi32, #tpu.memory_space<vmem>> -> memref<1x128xi32, #tpu.memory_space<vmem>>
    %dma_start3A_480 = tpu.memref_squeeze %dma_start3A_479 : memref<1x128xi32, #tpu.memory_space<vmem>> -> memref<128xi32, #tpu.memory_space<vmem>>
    %dma_start3A_481 = arith.constant 0 : i32
    %dma_start3A_482 = arith.constant 0 : i32
    %dma_start3A_483 = tpu.memref_slice %arg3[%dma_start3A_481, %dma_start3A_482] : memref<10000x64xf32, #tpu.memory_space<hbm>> -> memref<10000x64xf32, #tpu.memory_space<hbm>>
    tpu.enqueue_indirect_dma source(%dma_start3A_483 : memref<10000x64xf32, #tpu.memory_space<hbm>>) target(%arg15 : memref<128x64xf32, #tpu.memory_space<vmem>>) offsets(%dma_start3A_480 : memref<128xi32, #tpu.memory_space<vmem>>) semaphore(%arg19 : memref<!tpu.dma_semaphore, #tpu.memory_space<semaphore_mem>>)
    %jit3A_484 = arith.constant 4 : i32
    %div3A_485 = arith.divsi %min3A, %jit3A_484 : i32
    %sign3A_486 = arith.constant 0 : i32
    %sign3A_487 = arith.cmpi sgt, %min3A, %sign3A_486 : i32
    %sign3A_488 = arith.extui %sign3A_487 : i1 to i32
    %sign3A_489 = arith.constant 0 : i32
    %sign3A_490 = arith.cmpi slt, %min3A, %sign3A_489 : i32
    %sign3A_491 = arith.extui %sign3A_490 : i1 to i32
    %sign3A_492 = arith.subi %sign3A_488, %sign3A_491 : i32
    %sign3A_493 = arith.constant 0 : i32
    %sign3A_494 = arith.cmpi sgt, %jit3A_484, %sign3A_493 : i32
    %sign3A_495 = arith.extui %sign3A_494 : i1 to i32
    %sign3A_496 = arith.constant 0 : i32
    %sign3A_497 = arith.cmpi slt, %jit3A_484, %sign3A_496 : i32
    %sign3A_498 = arith.extui %sign3A_497 : i1 to i32
    %sign3A_499 = arith.subi %sign3A_495, %sign3A_498 : i32
    %ne3A_500 = arith.cmpi ne, %sign3A_492, %sign3A_499 : i32
    %rem3A_501 = arith.remsi %min3A, %jit3A_484 : i32
    %ne3A_502 = arith.constant 0 : i32
    %ne3A_503 = arith.cmpi ne, %rem3A_501, %ne3A_502 : i32
    %and3A_504 = arith.andi %ne3A_500, %ne3A_503 : i1
    %sub3A_505 = arith.constant 1 : i32
    %sub3A_506 = arith.subi %div3A_485, %sub3A_505 : i32
    %select_n3A_507 = arith.select %and3A_504, %sub3A_506, %div3A_485 : i32
    %sub3A_508 = arith.constant 1 : i32
    %sub3A_509 = arith.subi %select_n3A_507, %sub3A_508 : i32
    %while3A_510 = arith.constant 0 : i32
    %while3A_511 = arith.constant 0 : i32
    %while3A_512 = arith.subi %sub3A_509, %while3A_511 : i32
    %while3A_513 = arith.addi %while3A_511, %while3A_512 : i32
    %while3A_514 = arith.constant 1 : i32
    %while3A_515 = arith.divsi %while3A_512, %while3A_514 : i32
    %while3A_516 = arith.muli %while3A_515, %while3A_514 : i32
    %while3A_517 = arith.addi %while3A_511, %while3A_516 : i32
    %while3A_518 = arith.constant 1 : i32
    scf.for %while3A_569 = %while3A_511 to %while3A_517 step %while3A_518  : i32 {
      %mul3A_570 = arith.constant 4 : i32
      %mul3A_571 = arith.muli %while3A_569, %mul3A_570 : i32
      %add3A_572 = arith.constant 0 : i32
      %add3A_573 = arith.addi %mul3A_571, %add3A_572 : i32
      %dma_wait3A_574 = arith.constant 0 : i32
      %dma_wait3A_575 = arith.constant 0 : i32
      %dma_wait3A_576 = tpu.memref_slice %arg3[%dma_wait3A_574, %dma_wait3A_575] : memref<10000x64xf32, #tpu.memory_space<hbm>> -> memref<128x64xf32, #tpu.memory_space<hbm>>
      %dma_wait3A_577 = arith.constant 0 : i32
      %dma_wait3A_578 = arith.constant 0 : i32
      %dma_wait3A_579 = tpu.memref_slice %arg3[%dma_wait3A_577, %dma_wait3A_578] : memref<10000x64xf32, #tpu.memory_space<hbm>> -> memref<128x64xf32, #tpu.memory_space<hbm>>
      tpu.wait_dma2 semaphore(%arg16 : memref<!tpu.dma_semaphore, #tpu.memory_space<semaphore_mem>>) src(%dma_wait3A_579 : memref<128x64xf32, #tpu.memory_space<hbm>>) dst(%arg12 : memref<128x64xf32, #tpu.memory_space<vmem>>)
      "tpu.region"() ({
        %run_scoped3A_642 = tpu.sem_alloc : memref<!tpu.dma_semaphore, #tpu.memory_space<semaphore_mem>>
        %dma_start3A_643 = arith.constant 0 : i32
        %dma_start3A_644 = tpu.memref_slice %arg8[%add3A_573, %dma_start3A_643] : memref<80x128xi32, #tpu.memory_space<vmem>> -> memref<1x128xi32, #tpu.memory_space<vmem>>
        %dma_start3A_645 = tpu.memref_squeeze %dma_start3A_644 : memref<1x128xi32, #tpu.memory_space<vmem>> -> memref<128xi32, #tpu.memory_space<vmem>>
        %dma_start3A_646 = arith.constant 0 : i32
        %dma_start3A_647 = arith.constant 0 : i32
        %dma_start3A_648 = tpu.memref_slice %arg11[%dma_start3A_646, %dma_start3A_647] : memref<10016x64xf32, #tpu.memory_space<vmem_shared>> -> memref<10016x64xf32, #tpu.memory_space<vmem_shared>>
        tpu.enqueue_indirect_dma source(%arg12 : memref<128x64xf32, #tpu.memory_space<vmem>>) target(%dma_start3A_648 : memref<10016x64xf32, #tpu.memory_space<vmem_shared>>) offsets(%dma_start3A_645 : memref<128xi32, #tpu.memory_space<vmem>>) semaphore(%run_scoped3A_642 : memref<!tpu.dma_semaphore, #tpu.memory_space<semaphore_mem>>) {add = true}
        %dma_wait3A_649 = arith.constant 0 : i32
        %dma_wait3A_650 = tpu.memref_slice %arg8[%add3A_573, %dma_wait3A_649] : memref<80x128xi32, #tpu.memory_space<vmem>> -> memref<1x128xi32, #tpu.memory_space<vmem>>
        %dma_wait3A_651 = tpu.memref_squeeze %dma_wait3A_650 : memref<1x128xi32, #tpu.memory_space<vmem>> -> memref<128xi32, #tpu.memory_space<vmem>>
        %dma_wait3A_652 = arith.constant 0 : i32
        %dma_wait3A_653 = arith.constant 0 : i32
        %dma_wait3A_654 = tpu.memref_slice %arg11[%dma_wait3A_652, %dma_wait3A_653] : memref<10016x64xf32, #tpu.memory_space<vmem_shared>> -> memref<10016x64xf32, #tpu.memory_space<vmem_shared>>
        tpu.wait_indirect_dma semaphore(%run_scoped3A_642 : memref<!tpu.dma_semaphore, #tpu.memory_space<semaphore_mem>>) src(%arg12 : memref<128x64xf32, #tpu.memory_space<vmem>>) dst(%dma_wait3A_654 : memref<10016x64xf32, #tpu.memory_space<vmem_shared>>)
        tpu.yield
      }) : () -> ()
      %add3A_580 = arith.constant 4 : i32
      %add3A_581 = arith.addi %add3A_573, %add3A_580 : i32
      %dma_start3A_582 = arith.constant 0 : i32
      %dma_start3A_583 = tpu.memref_slice %arg7[%add3A_581, %dma_start3A_582] : memref<80x128xi32, #tpu.memory_space<vmem>> -> memref<1x128xi32, #tpu.memory_space<vmem>>
      %dma_start3A_584 = tpu.memref_squeeze %dma_start3A_583 : memref<1x128xi32, #tpu.memory_space<vmem>> -> memref<128xi32, #tpu.memory_space<vmem>>
      %dma_start3A_585 = arith.constant 0 : i32
      %dma_start3A_586 = arith.constant 0 : i32
      %dma_start3A_587 = tpu.memref_slice %arg3[%dma_start3A_585, %dma_start3A_586] : memref<10000x64xf32, #tpu.memory_space<hbm>> -> memref<10000x64xf32, #tpu.memory_space<hbm>>
      tpu.enqueue_indirect_dma source(%dma_start3A_587 : memref<10000x64xf32, #tpu.memory_space<hbm>>) target(%arg12 : memref<128x64xf32, #tpu.memory_space<vmem>>) offsets(%dma_start3A_584 : memref<128xi32, #tpu.memory_space<vmem>>) semaphore(%arg16 : memref<!tpu.dma_semaphore, #tpu.memory_space<semaphore_mem>>)
      %mul3A_588 = arith.constant 4 : i32
      %mul3A_589 = arith.muli %while3A_569, %mul3A_588 : i32
      %add3A_590 = arith.constant 1 : i32
      %add3A_591 = arith.addi %mul3A_589, %add3A_590 : i32
      %dma_wait3A_592 = arith.constant 0 : i32
      %dma_wait3A_593 = arith.constant 0 : i32
      %dma_wait3A_594 = tpu.memref_slice %arg3[%dma_wait3A_592, %dma_wait3A_593] : memref<10000x64xf32, #tpu.memory_space<hbm>> -> memref<128x64xf32, #tpu.memory_space<hbm>>
      %dma_wait3A_595 = arith.constant 0 : i32
      %dma_wait3A_596 = arith.constant 0 : i32
      %dma_wait3A_597 = tpu.memref_slice %arg3[%dma_wait3A_595, %dma_wait3A_596] : memref<10000x64xf32, #tpu.memory_space<hbm>> -> memref<128x64xf32, #tpu.memory_space<hbm>>
      tpu.wait_dma2 semaphore(%arg17 : memref<!tpu.dma_semaphore, #tpu.memory_space<semaphore_mem>>) src(%dma_wait3A_597 : memref<128x64xf32, #tpu.memory_space<hbm>>) dst(%arg13 : memref<128x64xf32, #tpu.memory_space<vmem>>)
      "tpu.region"() ({
        %run_scoped3A_642 = tpu.sem_alloc : memref<!tpu.dma_semaphore, #tpu.memory_space<semaphore_mem>>
        %dma_start3A_643 = arith.constant 0 : i32
        %dma_start3A_644 = tpu.memref_slice %arg8[%add3A_591, %dma_start3A_643] : memref<80x128xi32, #tpu.memory_space<vmem>> -> memref<1x128xi32, #tpu.memory_space<vmem>>
        %dma_start3A_645 = tpu.memref_squeeze %dma_start3A_644 : memref<1x128xi32, #tpu.memory_space<vmem>> -> memref<128xi32, #tpu.memory_space<vmem>>
        %dma_start3A_646 = arith.constant 0 : i32
        %dma_start3A_647 = arith.constant 0 : i32
        %dma_start3A_648 = tpu.memref_slice %arg11[%dma_start3A_646, %dma_start3A_647] : memref<10016x64xf32, #tpu.memory_space<vmem_shared>> -> memref<10016x64xf32, #tpu.memory_space<vmem_shared>>
        tpu.enqueue_indirect_dma source(%arg13 : memref<128x64xf32, #tpu.memory_space<vmem>>) target(%dma_start3A_648 : memref<10016x64xf32, #tpu.memory_space<vmem_shared>>) offsets(%dma_start3A_645 : memref<128xi32, #tpu.memory_space<vmem>>) semaphore(%run_scoped3A_642 : memref<!tpu.dma_semaphore, #tpu.memory_space<semaphore_mem>>) {add = true}
        %dma_wait3A_649 = arith.constant 0 : i32
        %dma_wait3A_650 = tpu.memref_slice %arg8[%add3A_591, %dma_wait3A_649] : memref<80x128xi32, #tpu.memory_space<vmem>> -> memref<1x128xi32, #tpu.memory_space<vmem>>
        %dma_wait3A_651 = tpu.memref_squeeze %dma_wait3A_650 : memref<1x128xi32, #tpu.memory_space<vmem>> -> memref<128xi32, #tpu.memory_space<vmem>>
        %dma_wait3A_652 = arith.constant 0 : i32
        %dma_wait3A_653 = arith.constant 0 : i32
        %dma_wait3A_654 = tpu.memref_slice %arg11[%dma_wait3A_652, %dma_wait3A_653] : memref<10016x64xf32, #tpu.memory_space<vmem_shared>> -> memref<10016x64xf32, #tpu.memory_space<vmem_shared>>
        tpu.wait_indirect_dma semaphore(%run_scoped3A_642 : memref<!tpu.dma_semaphore, #tpu.memory_space<semaphore_mem>>) src(%arg13 : memref<128x64xf32, #tpu.memory_space<vmem>>) dst(%dma_wait3A_654 : memref<10016x64xf32, #tpu.memory_space<vmem_shared>>)
        tpu.yield
      }) : () -> ()
      %add3A_598 = arith.constant 4 : i32
      %add3A_599 = arith.addi %add3A_591, %add3A_598 : i32
      %dma_start3A_600 = arith.constant 0 : i32
      %dma_start3A_601 = tpu.memref_slice %arg7[%add3A_599, %dma_start3A_600] : memref<80x128xi32, #tpu.memory_space<vmem>> -> memref<1x128xi32, #tpu.memory_space<vmem>>
      %dma_start3A_602 = tpu.memref_squeeze %dma_start3A_601 : memref<1x128xi32, #tpu.memory_space<vmem>> -> memref<128xi32, #tpu.memory_space<vmem>>
      %dma_start3A_603 = arith.constant 0 : i32
      %dma_start3A_604 = arith.constant 0 : i32
      %dma_start3A_605 = tpu.memref_slice %arg3[%dma_start3A_603, %dma_start3A_604] : memref<10000x64xf32, #tpu.memory_space<hbm>> -> memref<10000x64xf32, #tpu.memory_space<hbm>>
      tpu.enqueue_indirect_dma source(%dma_start3A_605 : memref<10000x64xf32, #tpu.memory_space<hbm>>) target(%arg13 : memref<128x64xf32, #tpu.memory_space<vmem>>) offsets(%dma_start3A_602 : memref<128xi32, #tpu.memory_space<vmem>>) semaphore(%arg17 : memref<!tpu.dma_semaphore, #tpu.memory_space<semaphore_mem>>)
      %mul3A_606 = arith.constant 4 : i32
      %mul3A_607 = arith.muli %while3A_569, %mul3A_606 : i32
      %add3A_608 = arith.constant 2 : i32
      %add3A_609 = arith.addi %mul3A_607, %add3A_608 : i32
      %dma_wait3A_610 = arith.constant 0 : i32
      %dma_wait3A_611 = arith.constant 0 : i32
      %dma_wait3A_612 = tpu.memref_slice %arg3[%dma_wait3A_610, %dma_wait3A_611] : memref<10000x64xf32, #tpu.memory_space<hbm>> -> memref<128x64xf32, #tpu.memory_space<hbm>>
      %dma_wait3A_613 = arith.constant 0 : i32
      %dma_wait3A_614 = arith.constant 0 : i32
      %dma_wait3A_615 = tpu.memref_slice %arg3[%dma_wait3A_613, %dma_wait3A_614] : memref<10000x64xf32, #tpu.memory_space<hbm>> -> memref<128x64xf32, #tpu.memory_space<hbm>>
      tpu.wait_dma2 semaphore(%arg18 : memref<!tpu.dma_semaphore, #tpu.memory_space<semaphore_mem>>) src(%dma_wait3A_615 : memref<128x64xf32, #tpu.memory_space<hbm>>) dst(%arg14 : memref<128x64xf32, #tpu.memory_space<vmem>>)
      "tpu.region"() ({
        %run_scoped3A_642 = tpu.sem_alloc : memref<!tpu.dma_semaphore, #tpu.memory_space<semaphore_mem>>
        %dma_start3A_643 = arith.constant 0 : i32
        %dma_start3A_644 = tpu.memref_slice %arg8[%add3A_609, %dma_start3A_643] : memref<80x128xi32, #tpu.memory_space<vmem>> -> memref<1x128xi32, #tpu.memory_space<vmem>>
        %dma_start3A_645 = tpu.memref_squeeze %dma_start3A_644 : memref<1x128xi32, #tpu.memory_space<vmem>> -> memref<128xi32, #tpu.memory_space<vmem>>
        %dma_start3A_646 = arith.constant 0 : i32
        %dma_start3A_647 = arith.constant 0 : i32
        %dma_start3A_648 = tpu.memref_slice %arg11[%dma_start3A_646, %dma_start3A_647] : memref<10016x64xf32, #tpu.memory_space<vmem_shared>> -> memref<10016x64xf32, #tpu.memory_space<vmem_shared>>
        tpu.enqueue_indirect_dma source(%arg14 : memref<128x64xf32, #tpu.memory_space<vmem>>) target(%dma_start3A_648 : memref<10016x64xf32, #tpu.memory_space<vmem_shared>>) offsets(%dma_start3A_645 : memref<128xi32, #tpu.memory_space<vmem>>) semaphore(%run_scoped3A_642 : memref<!tpu.dma_semaphore, #tpu.memory_space<semaphore_mem>>) {add = true}
        %dma_wait3A_649 = arith.constant 0 : i32
        %dma_wait3A_650 = tpu.memref_slice %arg8[%add3A_609, %dma_wait3A_649] : memref<80x128xi32, #tpu.memory_space<vmem>> -> memref<1x128xi32, #tpu.memory_space<vmem>>
        %dma_wait3A_651 = tpu.memref_squeeze %dma_wait3A_650 : memref<1x128xi32, #tpu.memory_space<vmem>> -> memref<128xi32, #tpu.memory_space<vmem>>
        %dma_wait3A_652 = arith.constant 0 : i32
        %dma_wait3A_653 = arith.constant 0 : i32
        %dma_wait3A_654 = tpu.memref_slice %arg11[%dma_wait3A_652, %dma_wait3A_653] : memref<10016x64xf32, #tpu.memory_space<vmem_shared>> -> memref<10016x64xf32, #tpu.memory_space<vmem_shared>>
        tpu.wait_indirect_dma semaphore(%run_scoped3A_642 : memref<!tpu.dma_semaphore, #tpu.memory_space<semaphore_mem>>) src(%arg14 : memref<128x64xf32, #tpu.memory_space<vmem>>) dst(%dma_wait3A_654 : memref<10016x64xf32, #tpu.memory_space<vmem_shared>>)
        tpu.yield
      }) : () -> ()
      %add3A_616 = arith.constant 4 : i32
      %add3A_617 = arith.addi %add3A_609, %add3A_616 : i32
      %dma_start3A_618 = arith.constant 0 : i32
      %dma_start3A_619 = tpu.memref_slice %arg7[%add3A_617, %dma_start3A_618] : memref<80x128xi32, #tpu.memory_space<vmem>> -> memref<1x128xi32, #tpu.memory_space<vmem>>
      %dma_start3A_620 = tpu.memref_squeeze %dma_start3A_619 : memref<1x128xi32, #tpu.memory_space<vmem>> -> memref<128xi32, #tpu.memory_space<vmem>>
      %dma_start3A_621 = arith.constant 0 : i32
      %dma_start3A_622 = arith.constant 0 : i32
      %dma_start3A_623 = tpu.memref_slice %arg3[%dma_start3A_621, %dma_start3A_622] : memref<10000x64xf32, #tpu.memory_space<hbm>> -> memref<10000x64xf32, #tpu.memory_space<hbm>>
      tpu.enqueue_indirect_dma source(%dma_start3A_623 : memref<10000x64xf32, #tpu.memory_space<hbm>>) target(%arg14 : memref<128x64xf32, #tpu.memory_space<vmem>>) offsets(%dma_start3A_620 : memref<128xi32, #tpu.memory_space<vmem>>) semaphore(%arg18 : memref<!tpu.dma_semaphore, #tpu.memory_space<semaphore_mem>>)
      %mul3A_624 = arith.constant 4 : i32
      %mul3A_625 = arith.muli %while3A_569, %mul3A_624 : i32
      %add3A_626 = arith.constant 3 : i32
      %add3A_627 = arith.addi %mul3A_625, %add3A_626 : i32
      %dma_wait3A_628 = arith.constant 0 : i32
      %dma_wait3A_629 = arith.constant 0 : i32
      %dma_wait3A_630 = tpu.memref_slice %arg3[%dma_wait3A_628, %dma_wait3A_629] : memref<10000x64xf32, #tpu.memory_space<hbm>> -> memref<128x64xf32, #tpu.memory_space<hbm>>
      %dma_wait3A_631 = arith.constant 0 : i32
      %dma_wait3A_632 = arith.constant 0 : i32
      %dma_wait3A_633 = tpu.memref_slice %arg3[%dma_wait3A_631, %dma_wait3A_632] : memref<10000x64xf32, #tpu.memory_space<hbm>> -> memref<128x64xf32, #tpu.memory_space<hbm>>
      tpu.wait_dma2 semaphore(%arg19 : memref<!tpu.dma_semaphore, #tpu.memory_space<semaphore_mem>>) src(%dma_wait3A_633 : memref<128x64xf32, #tpu.memory_space<hbm>>) dst(%arg15 : memref<128x64xf32, #tpu.memory_space<vmem>>)
      "tpu.region"() ({
        %run_scoped3A_642 = tpu.sem_alloc : memref<!tpu.dma_semaphore, #tpu.memory_space<semaphore_mem>>
        %dma_start3A_643 = arith.constant 0 : i32
        %dma_start3A_644 = tpu.memref_slice %arg8[%add3A_627, %dma_start3A_643] : memref<80x128xi32, #tpu.memory_space<vmem>> -> memref<1x128xi32, #tpu.memory_space<vmem>>
        %dma_start3A_645 = tpu.memref_squeeze %dma_start3A_644 : memref<1x128xi32, #tpu.memory_space<vmem>> -> memref<128xi32, #tpu.memory_space<vmem>>
        %dma_start3A_646 = arith.constant 0 : i32
        %dma_start3A_647 = arith.constant 0 : i32
        %dma_start3A_648 = tpu.memref_slice %arg11[%dma_start3A_646, %dma_start3A_647] : memref<10016x64xf32, #tpu.memory_space<vmem_shared>> -> memref<10016x64xf32, #tpu.memory_space<vmem_shared>>
        tpu.enqueue_indirect_dma source(%arg15 : memref<128x64xf32, #tpu.memory_space<vmem>>) target(%dma_start3A_648 : memref<10016x64xf32, #tpu.memory_space<vmem_shared>>) offsets(%dma_start3A_645 : memref<128xi32, #tpu.memory_space<vmem>>) semaphore(%run_scoped3A_642 : memref<!tpu.dma_semaphore, #tpu.memory_space<semaphore_mem>>) {add = true}
        %dma_wait3A_649 = arith.constant 0 : i32
        %dma_wait3A_650 = tpu.memref_slice %arg8[%add3A_627, %dma_wait3A_649] : memref<80x128xi32, #tpu.memory_space<vmem>> -> memref<1x128xi32, #tpu.memory_space<vmem>>
        %dma_wait3A_651 = tpu.memref_squeeze %dma_wait3A_650 : memref<1x128xi32, #tpu.memory_space<vmem>> -> memref<128xi32, #tpu.memory_space<vmem>>
        %dma_wait3A_652 = arith.constant 0 : i32
        %dma_wait3A_653 = arith.constant 0 : i32
        %dma_wait3A_654 = tpu.memref_slice %arg11[%dma_wait3A_652, %dma_wait3A_653] : memref<10016x64xf32, #tpu.memory_space<vmem_shared>> -> memref<10016x64xf32, #tpu.memory_space<vmem_shared>>
        tpu.wait_indirect_dma semaphore(%run_scoped3A_642 : memref<!tpu.dma_semaphore, #tpu.memory_space<semaphore_mem>>) src(%arg15 : memref<128x64xf32, #tpu.memory_space<vmem>>) dst(%dma_wait3A_654 : memref<10016x64xf32, #tpu.memory_space<vmem_shared>>)
        tpu.yield
      }) : () -> ()
      %add3A_634 = arith.constant 4 : i32
      %add3A_635 = arith.addi %add3A_627, %add3A_634 : i32
      %dma_start3A_636 = arith.constant 0 : i32
      %dma_start3A_637 = tpu.memref_slice %arg7[%add3A_635, %dma_start3A_636] : memref<80x128xi32, #tpu.memory_space<vmem>> -> memref<1x128xi32, #tpu.memory_space<vmem>>
      %dma_start3A_638 = tpu.memref_squeeze %dma_start3A_637 : memref<1x128xi32, #tpu.memory_space<vmem>> -> memref<128xi32, #tpu.memory_space<vmem>>
      %dma_start3A_639 = arith.constant 0 : i32
      %dma_start3A_640 = arith.constant 0 : i32
      %dma_start3A_641 = tpu.memref_slice %arg3[%dma_start3A_639, %dma_start3A_640] : memref<10000x64xf32, #tpu.memory_space<hbm>> -> memref<10000x64xf32, #tpu.memory_space<hbm>>
      tpu.enqueue_indirect_dma source(%dma_start3A_641 : memref<10000x64xf32, #tpu.memory_space<hbm>>) target(%arg15 : memref<128x64xf32, #tpu.memory_space<vmem>>) offsets(%dma_start3A_638 : memref<128xi32, #tpu.memory_space<vmem>>) semaphore(%arg19 : memref<!tpu.dma_semaphore, #tpu.memory_space<semaphore_mem>>)
    }
    %while3A_519 = arith.constant 1 : i32
    scf.for %while3A_569 = %while3A_517 to %while3A_513 step %while3A_519  : i32 {
      %mul3A_570 = arith.constant 4 : i32
      %mul3A_571 = arith.muli %while3A_569, %mul3A_570 : i32
      %add3A_572 = arith.constant 0 : i32
      %add3A_573 = arith.addi %mul3A_571, %add3A_572 : i32
      %dma_wait3A_574 = arith.constant 0 : i32
      %dma_wait3A_575 = arith.constant 0 : i32
      %dma_wait3A_576 = tpu.memref_slice %arg3[%dma_wait3A_574, %dma_wait3A_575] : memref<10000x64xf32, #tpu.memory_space<hbm>> -> memref<128x64xf32, #tpu.memory_space<hbm>>
      %dma_wait3A_577 = arith.constant 0 : i32
      %dma_wait3A_578 = arith.constant 0 : i32
      %dma_wait3A_579 = tpu.memref_slice %arg3[%dma_wait3A_577, %dma_wait3A_578] : memref<10000x64xf32, #tpu.memory_space<hbm>> -> memref<128x64xf32, #tpu.memory_space<hbm>>
      tpu.wait_dma2 semaphore(%arg16 : memref<!tpu.dma_semaphore, #tpu.memory_space<semaphore_mem>>) src(%dma_wait3A_579 : memref<128x64xf32, #tpu.memory_space<hbm>>) dst(%arg12 : memref<128x64xf32, #tpu.memory_space<vmem>>)
      "tpu.region"() ({
        %run_scoped3A_642 = tpu.sem_alloc : memref<!tpu.dma_semaphore, #tpu.memory_space<semaphore_mem>>
        %dma_start3A_643 = arith.constant 0 : i32
        %dma_start3A_644 = tpu.memref_slice %arg8[%add3A_573, %dma_start3A_643] : memref<80x128xi32, #tpu.memory_space<vmem>> -> memref<1x128xi32, #tpu.memory_space<vmem>>
        %dma_start3A_645 = tpu.memref_squeeze %dma_start3A_644 : memref<1x128xi32, #tpu.memory_space<vmem>> -> memref<128xi32, #tpu.memory_space<vmem>>
        %dma_start3A_646 = arith.constant 0 : i32
        %dma_start3A_647 = arith.constant 0 : i32
        %dma_start3A_648 = tpu.memref_slice %arg11[%dma_start3A_646, %dma_start3A_647] : memref<10016x64xf32, #tpu.memory_space<vmem_shared>> -> memref<10016x64xf32, #tpu.memory_space<vmem_shared>>
        tpu.enqueue_indirect_dma source(%arg12 : memref<128x64xf32, #tpu.memory_space<vmem>>) target(%dma_start3A_648 : memref<10016x64xf32, #tpu.memory_space<vmem_shared>>) offsets(%dma_start3A_645 : memref<128xi32, #tpu.memory_space<vmem>>) semaphore(%run_scoped3A_642 : memref<!tpu.dma_semaphore, #tpu.memory_space<semaphore_mem>>) {add = true}
        %dma_wait3A_649 = arith.constant 0 : i32
        %dma_wait3A_650 = tpu.memref_slice %arg8[%add3A_573, %dma_wait3A_649] : memref<80x128xi32, #tpu.memory_space<vmem>> -> memref<1x128xi32, #tpu.memory_space<vmem>>
        %dma_wait3A_651 = tpu.memref_squeeze %dma_wait3A_650 : memref<1x128xi32, #tpu.memory_space<vmem>> -> memref<128xi32, #tpu.memory_space<vmem>>
        %dma_wait3A_652 = arith.constant 0 : i32
        %dma_wait3A_653 = arith.constant 0 : i32
        %dma_wait3A_654 = tpu.memref_slice %arg11[%dma_wait3A_652, %dma_wait3A_653] : memref<10016x64xf32, #tpu.memory_space<vmem_shared>> -> memref<10016x64xf32, #tpu.memory_space<vmem_shared>>
        tpu.wait_indirect_dma semaphore(%run_scoped3A_642 : memref<!tpu.dma_semaphore, #tpu.memory_space<semaphore_mem>>) src(%arg12 : memref<128x64xf32, #tpu.memory_space<vmem>>) dst(%dma_wait3A_654 : memref<10016x64xf32, #tpu.memory_space<vmem_shared>>)
        tpu.yield
      }) : () -> ()
      %add3A_580 = arith.constant 4 : i32
      %add3A_581 = arith.addi %add3A_573, %add3A_580 : i32
      %dma_start3A_582 = arith.constant 0 : i32
      %dma_start3A_583 = tpu.memref_slice %arg7[%add3A_581, %dma_start3A_582] : memref<80x128xi32, #tpu.memory_space<vmem>> -> memref<1x128xi32, #tpu.memory_space<vmem>>
      %dma_start3A_584 = tpu.memref_squeeze %dma_start3A_583 : memref<1x128xi32, #tpu.memory_space<vmem>> -> memref<128xi32, #tpu.memory_space<vmem>>
      %dma_start3A_585 = arith.constant 0 : i32
      %dma_start3A_586 = arith.constant 0 : i32
      %dma_start3A_587 = tpu.memref_slice %arg3[%dma_start3A_585, %dma_start3A_586] : memref<10000x64xf32, #tpu.memory_space<hbm>> -> memref<10000x64xf32, #tpu.memory_space<hbm>>
      tpu.enqueue_indirect_dma source(%dma_start3A_587 : memref<10000x64xf32, #tpu.memory_space<hbm>>) target(%arg12 : memref<128x64xf32, #tpu.memory_space<vmem>>) offsets(%dma_start3A_584 : memref<128xi32, #tpu.memory_space<vmem>>) semaphore(%arg16 : memref<!tpu.dma_semaphore, #tpu.memory_space<semaphore_mem>>)
      %mul3A_588 = arith.constant 4 : i32
      %mul3A_589 = arith.muli %while3A_569, %mul3A_588 : i32
      %add3A_590 = arith.constant 1 : i32
      %add3A_591 = arith.addi %mul3A_589, %add3A_590 : i32
      %dma_wait3A_592 = arith.constant 0 : i32
      %dma_wait3A_593 = arith.constant 0 : i32
      %dma_wait3A_594 = tpu.memref_slice %arg3[%dma_wait3A_592, %dma_wait3A_593] : memref<10000x64xf32, #tpu.memory_space<hbm>> -> memref<128x64xf32, #tpu.memory_space<hbm>>
      %dma_wait3A_595 = arith.constant 0 : i32
      %dma_wait3A_596 = arith.constant 0 : i32
      %dma_wait3A_597 = tpu.memref_slice %arg3[%dma_wait3A_595, %dma_wait3A_596] : memref<10000x64xf32, #tpu.memory_space<hbm>> -> memref<128x64xf32, #tpu.memory_space<hbm>>
      tpu.wait_dma2 semaphore(%arg17 : memref<!tpu.dma_semaphore, #tpu.memory_space<semaphore_mem>>) src(%dma_wait3A_597 : memref<128x64xf32, #tpu.memory_space<hbm>>) dst(%arg13 : memref<128x64xf32, #tpu.memory_space<vmem>>)
      "tpu.region"() ({
        %run_scoped3A_642 = tpu.sem_alloc : memref<!tpu.dma_semaphore, #tpu.memory_space<semaphore_mem>>
        %dma_start3A_643 = arith.constant 0 : i32
        %dma_start3A_644 = tpu.memref_slice %arg8[%add3A_591, %dma_start3A_643] : memref<80x128xi32, #tpu.memory_space<vmem>> -> memref<1x128xi32, #tpu.memory_space<vmem>>
        %dma_start3A_645 = tpu.memref_squeeze %dma_start3A_644 : memref<1x128xi32, #tpu.memory_space<vmem>> -> memref<128xi32, #tpu.memory_space<vmem>>
        %dma_start3A_646 = arith.constant 0 : i32
        %dma_start3A_647 = arith.constant 0 : i32
        %dma_start3A_648 = tpu.memref_slice %arg11[%dma_start3A_646, %dma_start3A_647] : memref<10016x64xf32, #tpu.memory_space<vmem_shared>> -> memref<10016x64xf32, #tpu.memory_space<vmem_shared>>
        tpu.enqueue_indirect_dma source(%arg13 : memref<128x64xf32, #tpu.memory_space<vmem>>) target(%dma_start3A_648 : memref<10016x64xf32, #tpu.memory_space<vmem_shared>>) offsets(%dma_start3A_645 : memref<128xi32, #tpu.memory_space<vmem>>) semaphore(%run_scoped3A_642 : memref<!tpu.dma_semaphore, #tpu.memory_space<semaphore_mem>>) {add = true}
        %dma_wait3A_649 = arith.constant 0 : i32
        %dma_wait3A_650 = tpu.memref_slice %arg8[%add3A_591, %dma_wait3A_649] : memref<80x128xi32, #tpu.memory_space<vmem>> -> memref<1x128xi32, #tpu.memory_space<vmem>>
        %dma_wait3A_651 = tpu.memref_squeeze %dma_wait3A_650 : memref<1x128xi32, #tpu.memory_space<vmem>> -> memref<128xi32, #tpu.memory_space<vmem>>
        %dma_wait3A_652 = arith.constant 0 : i32
        %dma_wait3A_653 = arith.constant 0 : i32
        %dma_wait3A_654 = tpu.memref_slice %arg11[%dma_wait3A_652, %dma_wait3A_653] : memref<10016x64xf32, #tpu.memory_space<vmem_shared>> -> memref<10016x64xf32, #tpu.memory_space<vmem_shared>>
        tpu.wait_indirect_dma semaphore(%run_scoped3A_642 : memref<!tpu.dma_semaphore, #tpu.memory_space<semaphore_mem>>) src(%arg13 : memref<128x64xf32, #tpu.memory_space<vmem>>) dst(%dma_wait3A_654 : memref<10016x64xf32, #tpu.memory_space<vmem_shared>>)
        tpu.yield
      }) : () -> ()
      %add3A_598 = arith.constant 4 : i32
      %add3A_599 = arith.addi %add3A_591, %add3A_598 : i32
      %dma_start3A_600 = arith.constant 0 : i32
      %dma_start3A_601 = tpu.memref_slice %arg7[%add3A_599, %dma_start3A_600] : memref<80x128xi32, #tpu.memory_space<vmem>> -> memref<1x128xi32, #tpu.memory_space<vmem>>
      %dma_start3A_602 = tpu.memref_squeeze %dma_start3A_601 : memref<1x128xi32, #tpu.memory_space<vmem>> -> memref<128xi32, #tpu.memory_space<vmem>>
      %dma_start3A_603 = arith.constant 0 : i32
      %dma_start3A_604 = arith.constant 0 : i32
      %dma_start3A_605 = tpu.memref_slice %arg3[%dma_start3A_603, %dma_start3A_604] : memref<10000x64xf32, #tpu.memory_space<hbm>> -> memref<10000x64xf32, #tpu.memory_space<hbm>>
      tpu.enqueue_indirect_dma source(%dma_start3A_605 : memref<10000x64xf32, #tpu.memory_space<hbm>>) target(%arg13 : memref<128x64xf32, #tpu.memory_space<vmem>>) offsets(%dma_start3A_602 : memref<128xi32, #tpu.memory_space<vmem>>) semaphore(%arg17 : memref<!tpu.dma_semaphore, #tpu.memory_space<semaphore_mem>>)
      %mul3A_606 = arith.constant 4 : i32
      %mul3A_607 = arith.muli %while3A_569, %mul3A_606 : i32
      %add3A_608 = arith.constant 2 : i32
      %add3A_609 = arith.addi %mul3A_607, %add3A_608 : i32
      %dma_wait3A_610 = arith.constant 0 : i32
      %dma_wait3A_611 = arith.constant 0 : i32
      %dma_wait3A_612 = tpu.memref_slice %arg3[%dma_wait3A_610, %dma_wait3A_611] : memref<10000x64xf32, #tpu.memory_space<hbm>> -> memref<128x64xf32, #tpu.memory_space<hbm>>
      %dma_wait3A_613 = arith.constant 0 : i32
      %dma_wait3A_614 = arith.constant 0 : i32
      %dma_wait3A_615 = tpu.memref_slice %arg3[%dma_wait3A_613, %dma_wait3A_614] : memref<10000x64xf32, #tpu.memory_space<hbm>> -> memref<128x64xf32, #tpu.memory_space<hbm>>
      tpu.wait_dma2 semaphore(%arg18 : memref<!tpu.dma_semaphore, #tpu.memory_space<semaphore_mem>>) src(%dma_wait3A_615 : memref<128x64xf32, #tpu.memory_space<hbm>>) dst(%arg14 : memref<128x64xf32, #tpu.memory_space<vmem>>)
      "tpu.region"() ({
        %run_scoped3A_642 = tpu.sem_alloc : memref<!tpu.dma_semaphore, #tpu.memory_space<semaphore_mem>>
        %dma_start3A_643 = arith.constant 0 : i32
        %dma_start3A_644 = tpu.memref_slice %arg8[%add3A_609, %dma_start3A_643] : memref<80x128xi32, #tpu.memory_space<vmem>> -> memref<1x128xi32, #tpu.memory_space<vmem>>
        %dma_start3A_645 = tpu.memref_squeeze %dma_start3A_644 : memref<1x128xi32, #tpu.memory_space<vmem>> -> memref<128xi32, #tpu.memory_space<vmem>>
        %dma_start3A_646 = arith.constant 0 : i32
        %dma_start3A_647 = arith.constant 0 : i32
        %dma_start3A_648 = tpu.memref_slice %arg11[%dma_start3A_646, %dma_start3A_647] : memref<10016x64xf32, #tpu.memory_space<vmem_shared>> -> memref<10016x64xf32, #tpu.memory_space<vmem_shared>>
        tpu.enqueue_indirect_dma source(%arg14 : memref<128x64xf32, #tpu.memory_space<vmem>>) target(%dma_start3A_648 : memref<10016x64xf32, #tpu.memory_space<vmem_shared>>) offsets(%dma_start3A_645 : memref<128xi32, #tpu.memory_space<vmem>>) semaphore(%run_scoped3A_642 : memref<!tpu.dma_semaphore, #tpu.memory_space<semaphore_mem>>) {add = true}
        %dma_wait3A_649 = arith.constant 0 : i32
        %dma_wait3A_650 = tpu.memref_slice %arg8[%add3A_609, %dma_wait3A_649] : memref<80x128xi32, #tpu.memory_space<vmem>> -> memref<1x128xi32, #tpu.memory_space<vmem>>
        %dma_wait3A_651 = tpu.memref_squeeze %dma_wait3A_650 : memref<1x128xi32, #tpu.memory_space<vmem>> -> memref<128xi32, #tpu.memory_space<vmem>>
        %dma_wait3A_652 = arith.constant 0 : i32
        %dma_wait3A_653 = arith.constant 0 : i32
        %dma_wait3A_654 = tpu.memref_slice %arg11[%dma_wait3A_652, %dma_wait3A_653] : memref<10016x64xf32, #tpu.memory_space<vmem_shared>> -> memref<10016x64xf32, #tpu.memory_space<vmem_shared>>
        tpu.wait_indirect_dma semaphore(%run_scoped3A_642 : memref<!tpu.dma_semaphore, #tpu.memory_space<semaphore_mem>>) src(%arg14 : memref<128x64xf32, #tpu.memory_space<vmem>>) dst(%dma_wait3A_654 : memref<10016x64xf32, #tpu.memory_space<vmem_shared>>)
        tpu.yield
      }) : () -> ()
      %add3A_616 = arith.constant 4 : i32
      %add3A_617 = arith.addi %add3A_609, %add3A_616 : i32
      %dma_start3A_618 = arith.constant 0 : i32
      %dma_start3A_619 = tpu.memref_slice %arg7[%add3A_617, %dma_start3A_618] : memref<80x128xi32, #tpu.memory_space<vmem>> -> memref<1x128xi32, #tpu.memory_space<vmem>>
      %dma_start3A_620 = tpu.memref_squeeze %dma_start3A_619 : memref<1x128xi32, #tpu.memory_space<vmem>> -> memref<128xi32, #tpu.memory_space<vmem>>
      %dma_start3A_621 = arith.constant 0 : i32
      %dma_start3A_622 = arith.constant 0 : i32
      %dma_start3A_623 = tpu.memref_slice %arg3[%dma_start3A_621, %dma_start3A_622] : memref<10000x64xf32, #tpu.memory_space<hbm>> -> memref<10000x64xf32, #tpu.memory_space<hbm>>
      tpu.enqueue_indirect_dma source(%dma_start3A_623 : memref<10000x64xf32, #tpu.memory_space<hbm>>) target(%arg14 : memref<128x64xf32, #tpu.memory_space<vmem>>) offsets(%dma_start3A_620 : memref<128xi32, #tpu.memory_space<vmem>>) semaphore(%arg18 : memref<!tpu.dma_semaphore, #tpu.memory_space<semaphore_mem>>)
      %mul3A_624 = arith.constant 4 : i32
      %mul3A_625 = arith.muli %while3A_569, %mul3A_624 : i32
      %add3A_626 = arith.constant 3 : i32
      %add3A_627 = arith.addi %mul3A_625, %add3A_626 : i32
      %dma_wait3A_628 = arith.constant 0 : i32
      %dma_wait3A_629 = arith.constant 0 : i32
      %dma_wait3A_630 = tpu.memref_slice %arg3[%dma_wait3A_628, %dma_wait3A_629] : memref<10000x64xf32, #tpu.memory_space<hbm>> -> memref<128x64xf32, #tpu.memory_space<hbm>>
      %dma_wait3A_631 = arith.constant 0 : i32
      %dma_wait3A_632 = arith.constant 0 : i32
      %dma_wait3A_633 = tpu.memref_slice %arg3[%dma_wait3A_631, %dma_wait3A_632] : memref<10000x64xf32, #tpu.memory_space<hbm>> -> memref<128x64xf32, #tpu.memory_space<hbm>>
      tpu.wait_dma2 semaphore(%arg19 : memref<!tpu.dma_semaphore, #tpu.memory_space<semaphore_mem>>) src(%dma_wait3A_633 : memref<128x64xf32, #tpu.memory_space<hbm>>) dst(%arg15 : memref<128x64xf32, #tpu.memory_space<vmem>>)
      "tpu.region"() ({
        %run_scoped3A_642 = tpu.sem_alloc : memref<!tpu.dma_semaphore, #tpu.memory_space<semaphore_mem>>
        %dma_start3A_643 = arith.constant 0 : i32
        %dma_start3A_644 = tpu.memref_slice %arg8[%add3A_627, %dma_start3A_643] : memref<80x128xi32, #tpu.memory_space<vmem>> -> memref<1x128xi32, #tpu.memory_space<vmem>>
        %dma_start3A_645 = tpu.memref_squeeze %dma_start3A_644 : memref<1x128xi32, #tpu.memory_space<vmem>> -> memref<128xi32, #tpu.memory_space<vmem>>
        %dma_start3A_646 = arith.constant 0 : i32
        %dma_start3A_647 = arith.constant 0 : i32
        %dma_start3A_648 = tpu.memref_slice %arg11[%dma_start3A_646, %dma_start3A_647] : memref<10016x64xf32, #tpu.memory_space<vmem_shared>> -> memref<10016x64xf32, #tpu.memory_space<vmem_shared>>
        tpu.enqueue_indirect_dma source(%arg15 : memref<128x64xf32, #tpu.memory_space<vmem>>) target(%dma_start3A_648 : memref<10016x64xf32, #tpu.memory_space<vmem_shared>>) offsets(%dma_start3A_645 : memref<128xi32, #tpu.memory_space<vmem>>) semaphore(%run_scoped3A_642 : memref<!tpu.dma_semaphore, #tpu.memory_space<semaphore_mem>>) {add = true}
        %dma_wait3A_649 = arith.constant 0 : i32
        %dma_wait3A_650 = tpu.memref_slice %arg8[%add3A_627, %dma_wait3A_649] : memref<80x128xi32, #tpu.memory_space<vmem>> -> memref<1x128xi32, #tpu.memory_space<vmem>>
        %dma_wait3A_651 = tpu.memref_squeeze %dma_wait3A_650 : memref<1x128xi32, #tpu.memory_space<vmem>> -> memref<128xi32, #tpu.memory_space<vmem>>
        %dma_wait3A_652 = arith.constant 0 : i32
        %dma_wait3A_653 = arith.constant 0 : i32
        %dma_wait3A_654 = tpu.memref_slice %arg11[%dma_wait3A_652, %dma_wait3A_653] : memref<10016x64xf32, #tpu.memory_space<vmem_shared>> -> memref<10016x64xf32, #tpu.memory_space<vmem_shared>>
        tpu.wait_indirect_dma semaphore(%run_scoped3A_642 : memref<!tpu.dma_semaphore, #tpu.memory_space<semaphore_mem>>) src(%arg15 : memref<128x64xf32, #tpu.memory_space<vmem>>) dst(%dma_wait3A_654 : memref<10016x64xf32, #tpu.memory_space<vmem_shared>>)
        tpu.yield
      }) : () -> ()
      %add3A_634 = arith.constant 4 : i32
      %add3A_635 = arith.addi %add3A_627, %add3A_634 : i32
      %dma_start3A_636 = arith.constant 0 : i32
      %dma_start3A_637 = tpu.memref_slice %arg7[%add3A_635, %dma_start3A_636] : memref<80x128xi32, #tpu.memory_space<vmem>> -> memref<1x128xi32, #tpu.memory_space<vmem>>
      %dma_start3A_638 = tpu.memref_squeeze %dma_start3A_637 : memref<1x128xi32, #tpu.memory_space<vmem>> -> memref<128xi32, #tpu.memory_space<vmem>>
      %dma_start3A_639 = arith.constant 0 : i32
      %dma_start3A_640 = arith.constant 0 : i32
      %dma_start3A_641 = tpu.memref_slice %arg3[%dma_start3A_639, %dma_start3A_640] : memref<10000x64xf32, #tpu.memory_space<hbm>> -> memref<10000x64xf32, #tpu.memory_space<hbm>>
      tpu.enqueue_indirect_dma source(%dma_start3A_641 : memref<10000x64xf32, #tpu.memory_space<hbm>>) target(%arg15 : memref<128x64xf32, #tpu.memory_space<vmem>>) offsets(%dma_start3A_638 : memref<128xi32, #tpu.memory_space<vmem>>) semaphore(%arg19 : memref<!tpu.dma_semaphore, #tpu.memory_space<semaphore_mem>>)
    }
    %sub3A_520 = arith.constant 4 : i32
    %sub3A_521 = arith.subi %min3A, %sub3A_520 : i32
    %add3A_522 = arith.constant 0 : i32
    %add3A_523 = arith.addi %sub3A_521, %add3A_522 : i32
    %dma_wait3A_524 = arith.constant 0 : i32
    %dma_wait3A_525 = arith.constant 0 : i32
    %dma_wait3A_526 = tpu.memref_slice %arg3[%dma_wait3A_524, %dma_wait3A_525] : memref<10000x64xf32, #tpu.memory_space<hbm>> -> memref<128x64xf32, #tpu.memory_space<hbm>>
    %dma_wait3A_527 = arith.constant 0 : i32
    %dma_wait3A_528 = arith.constant 0 : i32
    %dma_wait3A_529 = tpu.memref_slice %arg3[%dma_wait3A_527, %dma_wait3A_528] : memref<10000x64xf32, #tpu.memory_space<hbm>> -> memref<128x64xf32, #tpu.memory_space<hbm>>
    tpu.wait_dma2 semaphore(%arg16 : memref<!tpu.dma_semaphore, #tpu.memory_space<semaphore_mem>>) src(%dma_wait3A_529 : memref<128x64xf32, #tpu.memory_space<hbm>>) dst(%arg12 : memref<128x64xf32, #tpu.memory_space<vmem>>)
    "tpu.region"() ({
      %run_scoped3A_569 = tpu.sem_alloc : memref<!tpu.dma_semaphore, #tpu.memory_space<semaphore_mem>>
      %dma_start3A_570 = arith.constant 0 : i32
      %dma_start3A_571 = tpu.memref_slice %arg8[%add3A_523, %dma_start3A_570] : memref<80x128xi32, #tpu.memory_space<vmem>> -> memref<1x128xi32, #tpu.memory_space<vmem>>
      %dma_start3A_572 = tpu.memref_squeeze %dma_start3A_571 : memref<1x128xi32, #tpu.memory_space<vmem>> -> memref<128xi32, #tpu.memory_space<vmem>>
      %dma_start3A_573 = arith.constant 0 : i32
      %dma_start3A_574 = arith.constant 0 : i32
      %dma_start3A_575 = tpu.memref_slice %arg11[%dma_start3A_573, %dma_start3A_574] : memref<10016x64xf32, #tpu.memory_space<vmem_shared>> -> memref<10016x64xf32, #tpu.memory_space<vmem_shared>>
      tpu.enqueue_indirect_dma source(%arg12 : memref<128x64xf32, #tpu.memory_space<vmem>>) target(%dma_start3A_575 : memref<10016x64xf32, #tpu.memory_space<vmem_shared>>) offsets(%dma_start3A_572 : memref<128xi32, #tpu.memory_space<vmem>>) semaphore(%run_scoped3A_569 : memref<!tpu.dma_semaphore, #tpu.memory_space<semaphore_mem>>) {add = true}
      %dma_wait3A_576 = arith.constant 0 : i32
      %dma_wait3A_577 = tpu.memref_slice %arg8[%add3A_523, %dma_wait3A_576] : memref<80x128xi32, #tpu.memory_space<vmem>> -> memref<1x128xi32, #tpu.memory_space<vmem>>
      %dma_wait3A_578 = tpu.memref_squeeze %dma_wait3A_577 : memref<1x128xi32, #tpu.memory_space<vmem>> -> memref<128xi32, #tpu.memory_space<vmem>>
      %dma_wait3A_579 = arith.constant 0 : i32
      %dma_wait3A_580 = arith.constant 0 : i32
      %dma_wait3A_581 = tpu.memref_slice %arg11[%dma_wait3A_579, %dma_wait3A_580] : memref<10016x64xf32, #tpu.memory_space<vmem_shared>> -> memref<10016x64xf32, #tpu.memory_space<vmem_shared>>
      tpu.wait_indirect_dma semaphore(%run_scoped3A_569 : memref<!tpu.dma_semaphore, #tpu.memory_space<semaphore_mem>>) src(%arg12 : memref<128x64xf32, #tpu.memory_space<vmem>>) dst(%dma_wait3A_581 : memref<10016x64xf32, #tpu.memory_space<vmem_shared>>)
      tpu.yield
    }) : () -> ()
    %sub3A_530 = arith.constant 4 : i32
    %sub3A_531 = arith.subi %min3A, %sub3A_530 : i32
    %add3A_532 = arith.constant 1 : i32
    %add3A_533 = arith.addi %sub3A_531, %add3A_532 : i32
    %dma_wait3A_534 = arith.constant 0 : i32
    %dma_wait3A_535 = arith.constant 0 : i32
    %dma_wait3A_536 = tpu.memref_slice %arg3[%dma_wait3A_534, %dma_wait3A_535] : memref<10000x64xf32, #tpu.memory_space<hbm>> -> memref<128x64xf32, #tpu.memory_space<hbm>>
    %dma_wait3A_537 = arith.constant 0 : i32
    %dma_wait3A_538 = arith.constant 0 : i32
    %dma_wait3A_539 = tpu.memref_slice %arg3[%dma_wait3A_537, %dma_wait3A_538] : memref<10000x64xf32, #tpu.memory_space<hbm>> -> memref<128x64xf32, #tpu.memory_space<hbm>>
    tpu.wait_dma2 semaphore(%arg17 : memref<!tpu.dma_semaphore, #tpu.memory_space<semaphore_mem>>) src(%dma_wait3A_539 : memref<128x64xf32, #tpu.memory_space<hbm>>) dst(%arg13 : memref<128x64xf32, #tpu.memory_space<vmem>>)
    "tpu.region"() ({
      %run_scoped3A_569 = tpu.sem_alloc : memref<!tpu.dma_semaphore, #tpu.memory_space<semaphore_mem>>
      %dma_start3A_570 = arith.constant 0 : i32
      %dma_start3A_571 = tpu.memref_slice %arg8[%add3A_533, %dma_start3A_570] : memref<80x128xi32, #tpu.memory_space<vmem>> -> memref<1x128xi32, #tpu.memory_space<vmem>>
      %dma_start3A_572 = tpu.memref_squeeze %dma_start3A_571 : memref<1x128xi32, #tpu.memory_space<vmem>> -> memref<128xi32, #tpu.memory_space<vmem>>
      %dma_start3A_573 = arith.constant 0 : i32
      %dma_start3A_574 = arith.constant 0 : i32
      %dma_start3A_575 = tpu.memref_slice %arg11[%dma_start3A_573, %dma_start3A_574] : memref<10016x64xf32, #tpu.memory_space<vmem_shared>> -> memref<10016x64xf32, #tpu.memory_space<vmem_shared>>
      tpu.enqueue_indirect_dma source(%arg13 : memref<128x64xf32, #tpu.memory_space<vmem>>) target(%dma_start3A_575 : memref<10016x64xf32, #tpu.memory_space<vmem_shared>>) offsets(%dma_start3A_572 : memref<128xi32, #tpu.memory_space<vmem>>) semaphore(%run_scoped3A_569 : memref<!tpu.dma_semaphore, #tpu.memory_space<semaphore_mem>>) {add = true}
      %dma_wait3A_576 = arith.constant 0 : i32
      %dma_wait3A_577 = tpu.memref_slice %arg8[%add3A_533, %dma_wait3A_576] : memref<80x128xi32, #tpu.memory_space<vmem>> -> memref<1x128xi32, #tpu.memory_space<vmem>>
      %dma_wait3A_578 = tpu.memref_squeeze %dma_wait3A_577 : memref<1x128xi32, #tpu.memory_space<vmem>> -> memref<128xi32, #tpu.memory_space<vmem>>
      %dma_wait3A_579 = arith.constant 0 : i32
      %dma_wait3A_580 = arith.constant 0 : i32
      %dma_wait3A_581 = tpu.memref_slice %arg11[%dma_wait3A_579, %dma_wait3A_580] : memref<10016x64xf32, #tpu.memory_space<vmem_shared>> -> memref<10016x64xf32, #tpu.memory_space<vmem_shared>>
      tpu.wait_indirect_dma semaphore(%run_scoped3A_569 : memref<!tpu.dma_semaphore, #tpu.memory_space<semaphore_mem>>) src(%arg13 : memref<128x64xf32, #tpu.memory_space<vmem>>) dst(%dma_wait3A_581 : memref<10016x64xf32, #tpu.memory_space<vmem_shared>>)
      tpu.yield
    }) : () -> ()
    %sub3A_540 = arith.constant 4 : i32
    %sub3A_541 = arith.subi %min3A, %sub3A_540 : i32
    %add3A_542 = arith.constant 2 : i32
    %add3A_543 = arith.addi %sub3A_541, %add3A_542 : i32
    %dma_wait3A_544 = arith.constant 0 : i32
    %dma_wait3A_545 = arith.constant 0 : i32
    %dma_wait3A_546 = tpu.memref_slice %arg3[%dma_wait3A_544, %dma_wait3A_545] : memref<10000x64xf32, #tpu.memory_space<hbm>> -> memref<128x64xf32, #tpu.memory_space<hbm>>
    %dma_wait3A_547 = arith.constant 0 : i32
    %dma_wait3A_548 = arith.constant 0 : i32
    %dma_wait3A_549 = tpu.memref_slice %arg3[%dma_wait3A_547, %dma_wait3A_548] : memref<10000x64xf32, #tpu.memory_space<hbm>> -> memref<128x64xf32, #tpu.memory_space<hbm>>
    tpu.wait_dma2 semaphore(%arg18 : memref<!tpu.dma_semaphore, #tpu.memory_space<semaphore_mem>>) src(%dma_wait3A_549 : memref<128x64xf32, #tpu.memory_space<hbm>>) dst(%arg14 : memref<128x64xf32, #tpu.memory_space<vmem>>)
    "tpu.region"() ({
      %run_scoped3A_569 = tpu.sem_alloc : memref<!tpu.dma_semaphore, #tpu.memory_space<semaphore_mem>>
      %dma_start3A_570 = arith.constant 0 : i32
      %dma_start3A_571 = tpu.memref_slice %arg8[%add3A_543, %dma_start3A_570] : memref<80x128xi32, #tpu.memory_space<vmem>> -> memref<1x128xi32, #tpu.memory_space<vmem>>
      %dma_start3A_572 = tpu.memref_squeeze %dma_start3A_571 : memref<1x128xi32, #tpu.memory_space<vmem>> -> memref<128xi32, #tpu.memory_space<vmem>>
      %dma_start3A_573 = arith.constant 0 : i32
      %dma_start3A_574 = arith.constant 0 : i32
      %dma_start3A_575 = tpu.memref_slice %arg11[%dma_start3A_573, %dma_start3A_574] : memref<10016x64xf32, #tpu.memory_space<vmem_shared>> -> memref<10016x64xf32, #tpu.memory_space<vmem_shared>>
      tpu.enqueue_indirect_dma source(%arg14 : memref<128x64xf32, #tpu.memory_space<vmem>>) target(%dma_start3A_575 : memref<10016x64xf32, #tpu.memory_space<vmem_shared>>) offsets(%dma_start3A_572 : memref<128xi32, #tpu.memory_space<vmem>>) semaphore(%run_scoped3A_569 : memref<!tpu.dma_semaphore, #tpu.memory_space<semaphore_mem>>) {add = true}
      %dma_wait3A_576 = arith.constant 0 : i32
      %dma_wait3A_577 = tpu.memref_slice %arg8[%add3A_543, %dma_wait3A_576] : memref<80x128xi32, #tpu.memory_space<vmem>> -> memref<1x128xi32, #tpu.memory_space<vmem>>
      %dma_wait3A_578 = tpu.memref_squeeze %dma_wait3A_577 : memref<1x128xi32, #tpu.memory_space<vmem>> -> memref<128xi32, #tpu.memory_space<vmem>>
      %dma_wait3A_579 = arith.constant 0 : i32
      %dma_wait3A_580 = arith.constant 0 : i32
      %dma_wait3A_581 = tpu.memref_slice %arg11[%dma_wait3A_579, %dma_wait3A_580] : memref<10016x64xf32, #tpu.memory_space<vmem_shared>> -> memref<10016x64xf32, #tpu.memory_space<vmem_shared>>
      tpu.wait_indirect_dma semaphore(%run_scoped3A_569 : memref<!tpu.dma_semaphore, #tpu.memory_space<semaphore_mem>>) src(%arg14 : memref<128x64xf32, #tpu.memory_space<vmem>>) dst(%dma_wait3A_581 : memref<10016x64xf32, #tpu.memory_space<vmem_shared>>)
      tpu.yield
    }) : () -> ()
    %sub3A_550 = arith.constant 4 : i32
    %sub3A_551 = arith.subi %min3A, %sub3A_550 : i32
    %add3A_552 = arith.constant 3 : i32
    %add3A_553 = arith.addi %sub3A_551, %add3A_552 : i32
    %dma_wait3A_554 = arith.constant 0 : i32
    %dma_wait3A_555 = arith.constant 0 : i32
    %dma_wait3A_556 = tpu.memref_slice %arg3[%dma_wait3A_554, %dma_wait3A_555] : memref<10000x64xf32, #tpu.memory_space<hbm>> -> memref<128x64xf32, #tpu.memory_space<hbm>>
    %dma_wait3A_557 = arith.constant 0 : i32
    %dma_wait3A_558 = arith.constant 0 : i32
    %dma_wait3A_559 = tpu.memref_slice %arg3[%dma_wait3A_557, %dma_wait3A_558] : memref<10000x64xf32, #tpu.memory_space<hbm>> -> memref<128x64xf32, #tpu.memory_space<hbm>>
    tpu.wait_dma2 semaphore(%arg19 : memref<!tpu.dma_semaphore, #tpu.memory_space<semaphore_mem>>) src(%dma_wait3A_559 : memref<128x64xf32, #tpu.memory_space<hbm>>) dst(%arg15 : memref<128x64xf32, #tpu.memory_space<vmem>>)
    "tpu.region"() ({
      %run_scoped3A_569 = tpu.sem_alloc : memref<!tpu.dma_semaphore, #tpu.memory_space<semaphore_mem>>
      %dma_start3A_570 = arith.constant 0 : i32
      %dma_start3A_571 = tpu.memref_slice %arg8[%add3A_553, %dma_start3A_570] : memref<80x128xi32, #tpu.memory_space<vmem>> -> memref<1x128xi32, #tpu.memory_space<vmem>>
      %dma_start3A_572 = tpu.memref_squeeze %dma_start3A_571 : memref<1x128xi32, #tpu.memory_space<vmem>> -> memref<128xi32, #tpu.memory_space<vmem>>
      %dma_start3A_573 = arith.constant 0 : i32
      %dma_start3A_574 = arith.constant 0 : i32
      %dma_start3A_575 = tpu.memref_slice %arg11[%dma_start3A_573, %dma_start3A_574] : memref<10016x64xf32, #tpu.memory_space<vmem_shared>> -> memref<10016x64xf32, #tpu.memory_space<vmem_shared>>
      tpu.enqueue_indirect_dma source(%arg15 : memref<128x64xf32, #tpu.memory_space<vmem>>) target(%dma_start3A_575 : memref<10016x64xf32, #tpu.memory_space<vmem_shared>>) offsets(%dma_start3A_572 : memref<128xi32, #tpu.memory_space<vmem>>) semaphore(%run_scoped3A_569 : memref<!tpu.dma_semaphore, #tpu.memory_space<semaphore_mem>>) {add = true}
      %dma_wait3A_576 = arith.constant 0 : i32
      %dma_wait3A_577 = tpu.memref_slice %arg8[%add3A_553, %dma_wait3A_576] : memref<80x128xi32, #tpu.memory_space<vmem>> -> memref<1x128xi32, #tpu.memory_space<vmem>>
      %dma_wait3A_578 = tpu.memref_squeeze %dma_wait3A_577 : memref<1x128xi32, #tpu.memory_space<vmem>> -> memref<128xi32, #tpu.memory_space<vmem>>
      %dma_wait3A_579 = arith.constant 0 : i32
      %dma_wait3A_580 = arith.constant 0 : i32
      %dma_wait3A_581 = tpu.memref_slice %arg11[%dma_wait3A_579, %dma_wait3A_580] : memref<10016x64xf32, #tpu.memory_space<vmem_shared>> -> memref<10016x64xf32, #tpu.memory_space<vmem_shared>>
      tpu.wait_indirect_dma semaphore(%run_scoped3A_569 : memref<!tpu.dma_semaphore, #tpu.memory_space<semaphore_mem>>) src(%arg15 : memref<128x64xf32, #tpu.memory_space<vmem>>) dst(%dma_wait3A_581 : memref<10016x64xf32, #tpu.memory_space<vmem_shared>>)
      tpu.yield
    }) : () -> ()
    %barrier3A_560 = arith.constant 0 : index
    tpu.barrier barrier_id(%barrier3A_560)
    %add3A_561 = arith.constant 0 : i32
    %add3A_562 = arith.addi %min3A_12, %add3A_561 : i32
    "tpu.region"() ({
      %run_scoped3A_569 = tpu.sem_alloc : memref<!tpu.dma_semaphore, #tpu.memory_space<semaphore_mem>>
      %dma_start3A_570 = arith.constant 0 : i32
      %dma_start3A_571 = tpu.memref_slice %arg11[%add3A_562, %dma_start3A_570] : memref<10016x64xf32, #tpu.memory_space<vmem_shared>> -> memref<160x64xf32, #tpu.memory_space<vmem_shared>>
      %dma_start3A_572 = arith.constant 0 : i32
      %dma_start3A_573 = tpu.memref_slice %arg11[%add3A_562, %dma_start3A_572] : memref<10016x64xf32, #tpu.memory_space<vmem_shared>> -> memref<160x64xf32, #tpu.memory_space<vmem_shared>>
      tpu.enqueue_dma source(%dma_start3A_573 : memref<160x64xf32, #tpu.memory_space<vmem_shared>>) target(%arg9 : memref<160x64xf32, #tpu.memory_space<vmem>>) target_semaphore(%run_scoped3A_569 : memref<!tpu.dma_semaphore, #tpu.memory_space<semaphore_mem>>)
      %dma_wait3A_574 = arith.constant 0 : i32
      %dma_wait3A_575 = tpu.memref_slice %arg11[%add3A_562, %dma_wait3A_574] : memref<10016x64xf32, #tpu.memory_space<vmem_shared>> -> memref<160x64xf32, #tpu.memory_space<vmem_shared>>
      %dma_wait3A_576 = arith.constant 0 : i32
      %dma_wait3A_577 = tpu.memref_slice %arg11[%add3A_562, %dma_wait3A_576] : memref<10016x64xf32, #tpu.memory_space<vmem_shared>> -> memref<160x64xf32, #tpu.memory_space<vmem_shared>>
      tpu.wait_dma2 semaphore(%run_scoped3A_569 : memref<!tpu.dma_semaphore, #tpu.memory_space<semaphore_mem>>) src(%dma_wait3A_577 : memref<160x64xf32, #tpu.memory_space<vmem_shared>>) dst(%arg9 : memref<160x64xf32, #tpu.memory_space<vmem>>)
      tpu.yield
    }) : () -> ()
    "tpu.region"() ({
      %run_scoped3A_569 = tpu.sem_alloc : memref<!tpu.dma_semaphore, #tpu.memory_space<semaphore_mem>>
      %dma_start3A_570 = arith.constant 64 : i32
      %dma_start3A_571 = tpu.memref_slice %arg5[%arg0, %add3A_562, %dma_start3A_570] : memref<2x10000x128xf32, #tpu.memory_space<hbm>> -> memref<1x160x64xf32, #tpu.memory_space<hbm>>
      %dma_start3A_572 = tpu.memref_squeeze %dma_start3A_571 : memref<1x160x64xf32, #tpu.memory_space<hbm>> -> memref<160x64xf32, #tpu.memory_space<hbm>>
      %dma_start3A_573 = arith.constant 64 : i32
      %dma_start3A_574 = tpu.memref_slice %arg5[%arg0, %add3A_562, %dma_start3A_573] : memref<2x10000x128xf32, #tpu.memory_space<hbm>> -> memref<1x160x64xf32, #tpu.memory_space<hbm>>
      %dma_start3A_575 = tpu.memref_squeeze %dma_start3A_574 : memref<1x160x64xf32, #tpu.memory_space<hbm>> -> memref<160x64xf32, #tpu.memory_space<hbm>>
      tpu.enqueue_dma source(%arg9 : memref<160x64xf32, #tpu.memory_space<vmem>>) target(%dma_start3A_575 : memref<160x64xf32, #tpu.memory_space<hbm>>) target_semaphore(%run_scoped3A_569 : memref<!tpu.dma_semaphore, #tpu.memory_space<semaphore_mem>>)
      %dma_wait3A_576 = arith.constant 64 : i32
      %dma_wait3A_577 = tpu.memref_slice %arg5[%arg0, %add3A_562, %dma_wait3A_576] : memref<2x10000x128xf32, #tpu.memory_space<hbm>> -> memref<1x160x64xf32, #tpu.memory_space<hbm>>
      %dma_wait3A_578 = tpu.memref_squeeze %dma_wait3A_577 : memref<1x160x64xf32, #tpu.memory_space<hbm>> -> memref<160x64xf32, #tpu.memory_space<hbm>>
      %dma_wait3A_579 = arith.constant 64 : i32
      %dma_wait3A_580 = tpu.memref_slice %arg5[%arg0, %add3A_562, %dma_wait3A_579] : memref<2x10000x128xf32, #tpu.memory_space<hbm>> -> memref<1x160x64xf32, #tpu.memory_space<hbm>>
      %dma_wait3A_581 = tpu.memref_squeeze %dma_wait3A_580 : memref<1x160x64xf32, #tpu.memory_space<hbm>> -> memref<160x64xf32, #tpu.memory_space<hbm>>
      tpu.wait_dma2 semaphore(%run_scoped3A_569 : memref<!tpu.dma_semaphore, #tpu.memory_space<semaphore_mem>>) src(%arg9 : memref<160x64xf32, #tpu.memory_space<vmem>>) dst(%dma_wait3A_581 : memref<160x64xf32, #tpu.memory_space<hbm>>)
      tpu.yield
    }) : () -> ()
    %add3A_563 = arith.constant 160 : i32
    %add3A_564 = arith.addi %min3A_12, %add3A_563 : i32
    "tpu.region"() ({
      %run_scoped3A_569 = tpu.sem_alloc : memref<!tpu.dma_semaphore, #tpu.memory_space<semaphore_mem>>
      %dma_start3A_570 = arith.constant 0 : i32
      %dma_start3A_571 = tpu.memref_slice %arg11[%add3A_564, %dma_start3A_570] : memref<10016x64xf32, #tpu.memory_space<vmem_shared>> -> memref<160x64xf32, #tpu.memory_space<vmem_shared>>
      %dma_start3A_572 = arith.constant 0 : i32
      %dma_start3A_573 = tpu.memref_slice %arg11[%add3A_564, %dma_start3A_572] : memref<10016x64xf32, #tpu.memory_space<vmem_shared>> -> memref<160x64xf32, #tpu.memory_space<vmem_shared>>
      tpu.enqueue_dma source(%dma_start3A_573 : memref<160x64xf32, #tpu.memory_space<vmem_shared>>) target(%arg9 : memref<160x64xf32, #tpu.memory_space<vmem>>) target_semaphore(%run_scoped3A_569 : memref<!tpu.dma_semaphore, #tpu.memory_space<semaphore_mem>>)
      %dma_wait3A_574 = arith.constant 0 : i32
      %dma_wait3A_575 = tpu.memref_slice %arg11[%add3A_564, %dma_wait3A_574] : memref<10016x64xf32, #tpu.memory_space<vmem_shared>> -> memref<160x64xf32, #tpu.memory_space<vmem_shared>>
      %dma_wait3A_576 = arith.constant 0 : i32
      %dma_wait3A_577 = tpu.memref_slice %arg11[%add3A_564, %dma_wait3A_576] : memref<10016x64xf32, #tpu.memory_space<vmem_shared>> -> memref<160x64xf32, #tpu.memory_space<vmem_shared>>
      tpu.wait_dma2 semaphore(%run_scoped3A_569 : memref<!tpu.dma_semaphore, #tpu.memory_space<semaphore_mem>>) src(%dma_wait3A_577 : memref<160x64xf32, #tpu.memory_space<vmem_shared>>) dst(%arg9 : memref<160x64xf32, #tpu.memory_space<vmem>>)
      tpu.yield
    }) : () -> ()
    "tpu.region"() ({
      %run_scoped3A_569 = tpu.sem_alloc : memref<!tpu.dma_semaphore, #tpu.memory_space<semaphore_mem>>
      %dma_start3A_570 = arith.constant 64 : i32
      %dma_start3A_571 = tpu.memref_slice %arg5[%arg0, %add3A_564, %dma_start3A_570] : memref<2x10000x128xf32, #tpu.memory_space<hbm>> -> memref<1x160x64xf32, #tpu.memory_space<hbm>>
      %dma_start3A_572 = tpu.memref_squeeze %dma_start3A_571 : memref<1x160x64xf32, #tpu.memory_space<hbm>> -> memref<160x64xf32, #tpu.memory_space<hbm>>
      %dma_start3A_573 = arith.constant 64 : i32
      %dma_start3A_574 = tpu.memref_slice %arg5[%arg0, %add3A_564, %dma_start3A_573] : memref<2x10000x128xf32, #tpu.memory_space<hbm>> -> memref<1x160x64xf32, #tpu.memory_space<hbm>>
      %dma_start3A_575 = tpu.memref_squeeze %dma_start3A_574 : memref<1x160x64xf32, #tpu.memory_space<hbm>> -> memref<160x64xf32, #tpu.memory_space<hbm>>
      tpu.enqueue_dma source(%arg9 : memref<160x64xf32, #tpu.memory_space<vmem>>) target(%dma_start3A_575 : memref<160x64xf32, #tpu.memory_space<hbm>>) target_semaphore(%run_scoped3A_569 : memref<!tpu.dma_semaphore, #tpu.memory_space<semaphore_mem>>)
      %dma_wait3A_576 = arith.constant 64 : i32
      %dma_wait3A_577 = tpu.memref_slice %arg5[%arg0, %add3A_564, %dma_wait3A_576] : memref<2x10000x128xf32, #tpu.memory_space<hbm>> -> memref<1x160x64xf32, #tpu.memory_space<hbm>>
      %dma_wait3A_578 = tpu.memref_squeeze %dma_wait3A_577 : memref<1x160x64xf32, #tpu.memory_space<hbm>> -> memref<160x64xf32, #tpu.memory_space<hbm>>
      %dma_wait3A_579 = arith.constant 64 : i32
      %dma_wait3A_580 = tpu.memref_slice %arg5[%arg0, %add3A_564, %dma_wait3A_579] : memref<2x10000x128xf32, #tpu.memory_space<hbm>> -> memref<1x160x64xf32, #tpu.memory_space<hbm>>
      %dma_wait3A_581 = tpu.memref_squeeze %dma_wait3A_580 : memref<1x160x64xf32, #tpu.memory_space<hbm>> -> memref<160x64xf32, #tpu.memory_space<hbm>>
      tpu.wait_dma2 semaphore(%run_scoped3A_569 : memref<!tpu.dma_semaphore, #tpu.memory_space<semaphore_mem>>) src(%arg9 : memref<160x64xf32, #tpu.memory_space<vmem>>) dst(%dma_wait3A_581 : memref<160x64xf32, #tpu.memory_space<hbm>>)
      tpu.yield
    }) : () -> ()
    %add3A_565 = arith.constant 320 : i32
    %add3A_566 = arith.addi %min3A_12, %add3A_565 : i32
    "tpu.region"() ({
      %run_scoped3A_569 = tpu.sem_alloc : memref<!tpu.dma_semaphore, #tpu.memory_space<semaphore_mem>>
      %dma_start3A_570 = arith.constant 0 : i32
      %dma_start3A_571 = tpu.memref_slice %arg11[%add3A_566, %dma_start3A_570] : memref<10016x64xf32, #tpu.memory_space<vmem_shared>> -> memref<160x64xf32, #tpu.memory_space<vmem_shared>>
      %dma_start3A_572 = arith.constant 0 : i32
      %dma_start3A_573 = tpu.memref_slice %arg11[%add3A_566, %dma_start3A_572] : memref<10016x64xf32, #tpu.memory_space<vmem_shared>> -> memref<160x64xf32, #tpu.memory_space<vmem_shared>>
      tpu.enqueue_dma source(%dma_start3A_573 : memref<160x64xf32, #tpu.memory_space<vmem_shared>>) target(%arg9 : memref<160x64xf32, #tpu.memory_space<vmem>>) target_semaphore(%run_scoped3A_569 : memref<!tpu.dma_semaphore, #tpu.memory_space<semaphore_mem>>)
      %dma_wait3A_574 = arith.constant 0 : i32
      %dma_wait3A_575 = tpu.memref_slice %arg11[%add3A_566, %dma_wait3A_574] : memref<10016x64xf32, #tpu.memory_space<vmem_shared>> -> memref<160x64xf32, #tpu.memory_space<vmem_shared>>
      %dma_wait3A_576 = arith.constant 0 : i32
      %dma_wait3A_577 = tpu.memref_slice %arg11[%add3A_566, %dma_wait3A_576] : memref<10016x64xf32, #tpu.memory_space<vmem_shared>> -> memref<160x64xf32, #tpu.memory_space<vmem_shared>>
      tpu.wait_dma2 semaphore(%run_scoped3A_569 : memref<!tpu.dma_semaphore, #tpu.memory_space<semaphore_mem>>) src(%dma_wait3A_577 : memref<160x64xf32, #tpu.memory_space<vmem_shared>>) dst(%arg9 : memref<160x64xf32, #tpu.memory_space<vmem>>)
      tpu.yield
    }) : () -> ()
    "tpu.region"() ({
      %run_scoped3A_569 = tpu.sem_alloc : memref<!tpu.dma_semaphore, #tpu.memory_space<semaphore_mem>>
      %dma_start3A_570 = arith.constant 64 : i32
      %dma_start3A_571 = tpu.memref_slice %arg5[%arg0, %add3A_566, %dma_start3A_570] : memref<2x10000x128xf32, #tpu.memory_space<hbm>> -> memref<1x160x64xf32, #tpu.memory_space<hbm>>
      %dma_start3A_572 = tpu.memref_squeeze %dma_start3A_571 : memref<1x160x64xf32, #tpu.memory_space<hbm>> -> memref<160x64xf32, #tpu.memory_space<hbm>>
      %dma_start3A_573 = arith.constant 64 : i32
      %dma_start3A_574 = tpu.memref_slice %arg5[%arg0, %add3A_566, %dma_start3A_573] : memref<2x10000x128xf32, #tpu.memory_space<hbm>> -> memref<1x160x64xf32, #tpu.memory_space<hbm>>
      %dma_start3A_575 = tpu.memref_squeeze %dma_start3A_574 : memref<1x160x64xf32, #tpu.memory_space<hbm>> -> memref<160x64xf32, #tpu.memory_space<hbm>>
      tpu.enqueue_dma source(%arg9 : memref<160x64xf32, #tpu.memory_space<vmem>>) target(%dma_start3A_575 : memref<160x64xf32, #tpu.memory_space<hbm>>) target_semaphore(%run_scoped3A_569 : memref<!tpu.dma_semaphore, #tpu.memory_space<semaphore_mem>>)
      %dma_wait3A_576 = arith.constant 64 : i32
      %dma_wait3A_577 = tpu.memref_slice %arg5[%arg0, %add3A_566, %dma_wait3A_576] : memref<2x10000x128xf32, #tpu.memory_space<hbm>> -> memref<1x160x64xf32, #tpu.memory_space<hbm>>
      %dma_wait3A_578 = tpu.memref_squeeze %dma_wait3A_577 : memref<1x160x64xf32, #tpu.memory_space<hbm>> -> memref<160x64xf32, #tpu.memory_space<hbm>>
      %dma_wait3A_579 = arith.constant 64 : i32
      %dma_wait3A_580 = tpu.memref_slice %arg5[%arg0, %add3A_566, %dma_wait3A_579] : memref<2x10000x128xf32, #tpu.memory_space<hbm>> -> memref<1x160x64xf32, #tpu.memory_space<hbm>>
      %dma_wait3A_581 = tpu.memref_squeeze %dma_wait3A_580 : memref<1x160x64xf32, #tpu.memory_space<hbm>> -> memref<160x64xf32, #tpu.memory_space<hbm>>
      tpu.wait_dma2 semaphore(%run_scoped3A_569 : memref<!tpu.dma_semaphore, #tpu.memory_space<semaphore_mem>>) src(%arg9 : memref<160x64xf32, #tpu.memory_space<vmem>>) dst(%dma_wait3A_581 : memref<160x64xf32, #tpu.memory_space<hbm>>)
      tpu.yield
    }) : () -> ()
    %add3A_567 = arith.constant 480 : i32
    %add3A_568 = arith.addi %min3A_12, %add3A_567 : i32
    "tpu.region"() ({
      %run_scoped3A_569 = tpu.sem_alloc : memref<!tpu.dma_semaphore, #tpu.memory_space<semaphore_mem>>
      %dma_start3A_570 = arith.constant 0 : i32
      %dma_start3A_571 = tpu.memref_slice %arg11[%add3A_568, %dma_start3A_570] : memref<10016x64xf32, #tpu.memory_space<vmem_shared>> -> memref<160x64xf32, #tpu.memory_space<vmem_shared>>
      %dma_start3A_572 = arith.constant 0 : i32
      %dma_start3A_573 = tpu.memref_slice %arg11[%add3A_568, %dma_start3A_572] : memref<10016x64xf32, #tpu.memory_space<vmem_shared>> -> memref<160x64xf32, #tpu.memory_space<vmem_shared>>
      tpu.enqueue_dma source(%dma_start3A_573 : memref<160x64xf32, #tpu.memory_space<vmem_shared>>) target(%arg9 : memref<160x64xf32, #tpu.memory_space<vmem>>) target_semaphore(%run_scoped3A_569 : memref<!tpu.dma_semaphore, #tpu.memory_space<semaphore_mem>>)
      %dma_wait3A_574 = arith.constant 0 : i32
      %dma_wait3A_575 = tpu.memref_slice %arg11[%add3A_568, %dma_wait3A_574] : memref<10016x64xf32, #tpu.memory_space<vmem_shared>> -> memref<160x64xf32, #tpu.memory_space<vmem_shared>>
      %dma_wait3A_576 = arith.constant 0 : i32
      %dma_wait3A_577 = tpu.memref_slice %arg11[%add3A_568, %dma_wait3A_576] : memref<10016x64xf32, #tpu.memory_space<vmem_shared>> -> memref<160x64xf32, #tpu.memory_space<vmem_shared>>
      tpu.wait_dma2 semaphore(%run_scoped3A_569 : memref<!tpu.dma_semaphore, #tpu.memory_space<semaphore_mem>>) src(%dma_wait3A_577 : memref<160x64xf32, #tpu.memory_space<vmem_shared>>) dst(%arg9 : memref<160x64xf32, #tpu.memory_space<vmem>>)
      tpu.yield
    }) : () -> ()
    "tpu.region"() ({
      %run_scoped3A_569 = tpu.sem_alloc : memref<!tpu.dma_semaphore, #tpu.memory_space<semaphore_mem>>
      %dma_start3A_570 = arith.constant 64 : i32
      %dma_start3A_571 = tpu.memref_slice %arg5[%arg0, %add3A_568, %dma_start3A_570] : memref<2x10000x128xf32, #tpu.memory_space<hbm>> -> memref<1x160x64xf32, #tpu.memory_space<hbm>>
      %dma_start3A_572 = tpu.memref_squeeze %dma_start3A_571 : memref<1x160x64xf32, #tpu.memory_space<hbm>> -> memref<160x64xf32, #tpu.memory_space<hbm>>
      %dma_start3A_573 = arith.constant 64 : i32
      %dma_start3A_574 = tpu.memref_slice %arg5[%arg0, %add3A_568, %dma_start3A_573] : memref<2x10000x128xf32, #tpu.memory_space<hbm>> -> memref<1x160x64xf32, #tpu.memory_space<hbm>>
      %dma_start3A_575 = tpu.memref_squeeze %dma_start3A_574 : memref<1x160x64xf32, #tpu.memory_space<hbm>> -> memref<160x64xf32, #tpu.memory_space<hbm>>
      tpu.enqueue_dma source(%arg9 : memref<160x64xf32, #tpu.memory_space<vmem>>) target(%dma_start3A_575 : memref<160x64xf32, #tpu.memory_space<hbm>>) target_semaphore(%run_scoped3A_569 : memref<!tpu.dma_semaphore, #tpu.memory_space<semaphore_mem>>)
      %dma_wait3A_576 = arith.constant 64 : i32
      %dma_wait3A_577 = tpu.memref_slice %arg5[%arg0, %add3A_568, %dma_wait3A_576] : memref<2x10000x128xf32, #tpu.memory_space<hbm>> -> memref<1x160x64xf32, #tpu.memory_space<hbm>>
      %dma_wait3A_578 = tpu.memref_squeeze %dma_wait3A_577 : memref<1x160x64xf32, #tpu.memory_space<hbm>> -> memref<160x64xf32, #tpu.memory_space<hbm>>
      %dma_wait3A_579 = arith.constant 64 : i32
      %dma_wait3A_580 = tpu.memref_slice %arg5[%arg0, %add3A_568, %dma_wait3A_579] : memref<2x10000x128xf32, #tpu.memory_space<hbm>> -> memref<1x160x64xf32, #tpu.memory_space<hbm>>
      %dma_wait3A_581 = tpu.memref_squeeze %dma_wait3A_580 : memref<1x160x64xf32, #tpu.memory_space<hbm>> -> memref<160x64xf32, #tpu.memory_space<hbm>>
      tpu.wait_dma2 semaphore(%run_scoped3A_569 : memref<!tpu.dma_semaphore, #tpu.memory_space<semaphore_mem>>) src(%arg9 : memref<160x64xf32, #tpu.memory_space<vmem>>) dst(%dma_wait3A_581 : memref<160x64xf32, #tpu.memory_space<hbm>>)
      tpu.yield
    }) : () -> ()
    return
  }
}

#map = affine_map<(d0, d1) -> (0, 0)>
#map1 = affine_map<(d0, d1) -> (0, 0, 0)>
module attributes {stable_mosaic.version = 14 : i64} {
  func.func @_sc_agg_body(%arg0: i32, %arg1: i32, %arg2: memref<10000x64xf32, #tpu.memory_space<hbm>>, %arg3: memref<10000x64xf32, #tpu.memory_space<hbm>>, %arg4: memref<2x2560x128xi32, #tpu.memory_space<hbm>>, %arg5: memref<2x10000x128xf32, #tpu.memory_space<hbm>>, %arg6: memref<80x128xi32, #tpu.memory_space<vmem>>, %arg7: memref<80x128xi32, #tpu.memory_space<vmem>>, %arg8: memref<160x64xf32, #tpu.memory_space<vmem>>, %arg9: memref<10016x64xf32, #tpu.memory_space<vmem_shared>>, %arg10: memref<128x64xf32, #tpu.memory_space<vmem>>, %arg11: memref<128x64xf32, #tpu.memory_space<vmem>>, %arg12: memref<128x64xf32, #tpu.memory_space<vmem>>, %arg13: memref<128x64xf32, #tpu.memory_space<vmem>>, %arg14: memref<!tpu.dma_semaphore, #tpu.memory_space<semaphore_mem>>, %arg15: memref<!tpu.dma_semaphore, #tpu.memory_space<semaphore_mem>>, %arg16: memref<!tpu.dma_semaphore, #tpu.memory_space<semaphore_mem>>, %arg17: memref<!tpu.dma_semaphore, #tpu.memory_space<semaphore_mem>>, %arg18: memref<!tpu.dma_semaphore, #tpu.memory_space<semaphore_mem>>, %arg19: memref<!tpu.dma_semaphore, #tpu.memory_space<semaphore_mem>>, %arg20: memref<!tpu.dma_semaphore, #tpu.memory_space<semaphore_mem>>, %arg21: memref<!tpu.dma_semaphore, #tpu.memory_space<semaphore_mem>>, %arg22: memref<!tpu.dma_semaphore, #tpu.memory_space<semaphore_mem>>, %arg23: memref<!tpu.dma_semaphore, #tpu.memory_space<semaphore_mem>>, %arg24: memref<!tpu.dma_semaphore, #tpu.memory_space<semaphore_mem>>, %arg25: memref<!tpu.dma_semaphore, #tpu.memory_space<semaphore_mem>>) attributes {dimension_semantics = [#tpu.dimension_semantics<core_parallel>, #tpu.dimension_semantics<subcore_parallel>], iteration_bounds = array<i64: 2, 16>, scalar_prefetch = 0 : i64, scratch_operands = 20 : i64, tpu.core_type = #tpu.core_type<sc_vector_subcore>, window_params = [{transform_indices = #map}, {transform_indices = #map}, {transform_indices = #map1}, {transform_indices = #map1}]} {
    %mul3A = arith.constant 16 : i32
    %mul3A_0 = arith.muli %arg0, %mul3A : i32
    %add3A = arith.addi %mul3A_0, %arg1 : i32
    %mul3A_1 = arith.constant 80 : i32
    %mul3A_2 = arith.muli %add3A, %mul3A_1 : i32
    %sub3A = arith.constant 2500 : i32
    %sub3A_3 = arith.subi %sub3A, %mul3A_2 : i32
    %jit3A = arith.constant 4 : i32
    %jit3A_4 = arith.constant 80 : i32
    %max3A = arith.maxsi %jit3A, %sub3A_3 : i32
    %min3A = arith.minsi %jit3A_4, %max3A : i32
    %mul3A_5 = arith.constant 640 : i32
    %mul3A_6 = arith.muli %arg1, %mul3A_5 : i32
    %min3A_7 = arith.constant 9360 : i32
    %min3A_8 = arith.minsi %mul3A_6, %min3A_7 : i32
    %mul3A_9 = arith.constant 640 : i32
    %mul3A_10 = arith.muli %arg1, %mul3A_9 : i32
    %min3A_11 = arith.constant 9360 : i32
    %min3A_12 = arith.minsi %mul3A_10, %min3A_11 : i32
    %mul3A_13 = arith.constant 80 : i32
    %mul3A_14 = arith.muli %add3A, %mul3A_13 : i32
    %run_scoped3A = arith.constant 0 : i32
    "tpu.region"() ({
      %run_scoped3A_263 = tpu.sem_alloc : memref<!tpu.dma_semaphore, #tpu.memory_space<semaphore_mem>>
      %dma_start3A_264 = arith.constant 0 : i32
      %dma_start3A_265 = tpu.memref_slice %arg4[%run_scoped3A, %mul3A_14, %dma_start3A_264] : memref<2x2560x128xi32, #tpu.memory_space<hbm>> -> memref<1x80x128xi32, #tpu.memory_space<hbm>>
      %dma_start3A_266 = tpu.memref_squeeze %dma_start3A_265 : memref<1x80x128xi32, #tpu.memory_space<hbm>> -> memref<80x128xi32, #tpu.memory_space<hbm>>
      %dma_start3A_267 = arith.constant 0 : i32
      %dma_start3A_268 = tpu.memref_slice %arg4[%run_scoped3A, %mul3A_14, %dma_start3A_267] : memref<2x2560x128xi32, #tpu.memory_space<hbm>> -> memref<1x80x128xi32, #tpu.memory_space<hbm>>
      %dma_start3A_269 = tpu.memref_squeeze %dma_start3A_268 : memref<1x80x128xi32, #tpu.memory_space<hbm>> -> memref<80x128xi32, #tpu.memory_space<hbm>>
      tpu.enqueue_dma source(%dma_start3A_269 : memref<80x128xi32, #tpu.memory_space<hbm>>) target(%arg6 : memref<80x128xi32, #tpu.memory_space<vmem>>) target_semaphore(%run_scoped3A_263 : memref<!tpu.dma_semaphore, #tpu.memory_space<semaphore_mem>>)
      %dma_wait3A_270 = arith.constant 0 : i32
      %dma_wait3A_271 = tpu.memref_slice %arg4[%run_scoped3A, %mul3A_14, %dma_wait3A_270] : memref<2x2560x128xi32, #tpu.memory_space<hbm>> -> memref<1x80x128xi32, #tpu.memory_space<hbm>>
      %dma_wait3A_272 = tpu.memref_squeeze %dma_wait3A_271 : memref<1x80x128xi32, #tpu.memory_space<hbm>> -> memref<80x128xi32, #tpu.memory_space<hbm>>
      %dma_wait3A_273 = arith.constant 0 : i32
      %dma_wait3A_274 = tpu.memref_slice %arg4[%run_scoped3A, %mul3A_14, %dma_wait3A_273] : memref<2x2560x128xi32, #tpu.memory_space<hbm>> -> memref<1x80x128xi32, #tpu.memory_space<hbm>>
      %dma_wait3A_275 = tpu.memref_squeeze %dma_wait3A_274 : memref<1x80x128xi32, #tpu.memory_space<hbm>> -> memref<80x128xi32, #tpu.memory_space<hbm>>
      tpu.wait_dma2 semaphore(%run_scoped3A_263 : memref<!tpu.dma_semaphore, #tpu.memory_space<semaphore_mem>>) src(%dma_wait3A_275 : memref<80x128xi32, #tpu.memory_space<hbm>>) dst(%arg6 : memref<80x128xi32, #tpu.memory_space<vmem>>)
      tpu.yield
    }) : () -> ()
    %mul3A_15 = arith.constant 80 : i32
    %mul3A_16 = arith.muli %add3A, %mul3A_15 : i32
    %run_scoped3A_17 = arith.constant 1 : i32
    "tpu.region"() ({
      %run_scoped3A_263 = tpu.sem_alloc : memref<!tpu.dma_semaphore, #tpu.memory_space<semaphore_mem>>
      %dma_start3A_264 = arith.constant 0 : i32
      %dma_start3A_265 = tpu.memref_slice %arg4[%run_scoped3A_17, %mul3A_16, %dma_start3A_264] : memref<2x2560x128xi32, #tpu.memory_space<hbm>> -> memref<1x80x128xi32, #tpu.memory_space<hbm>>
      %dma_start3A_266 = tpu.memref_squeeze %dma_start3A_265 : memref<1x80x128xi32, #tpu.memory_space<hbm>> -> memref<80x128xi32, #tpu.memory_space<hbm>>
      %dma_start3A_267 = arith.constant 0 : i32
      %dma_start3A_268 = tpu.memref_slice %arg4[%run_scoped3A_17, %mul3A_16, %dma_start3A_267] : memref<2x2560x128xi32, #tpu.memory_space<hbm>> -> memref<1x80x128xi32, #tpu.memory_space<hbm>>
      %dma_start3A_269 = tpu.memref_squeeze %dma_start3A_268 : memref<1x80x128xi32, #tpu.memory_space<hbm>> -> memref<80x128xi32, #tpu.memory_space<hbm>>
      tpu.enqueue_dma source(%dma_start3A_269 : memref<80x128xi32, #tpu.memory_space<hbm>>) target(%arg7 : memref<80x128xi32, #tpu.memory_space<vmem>>) target_semaphore(%run_scoped3A_263 : memref<!tpu.dma_semaphore, #tpu.memory_space<semaphore_mem>>)
      %dma_wait3A_270 = arith.constant 0 : i32
      %dma_wait3A_271 = tpu.memref_slice %arg4[%run_scoped3A_17, %mul3A_16, %dma_wait3A_270] : memref<2x2560x128xi32, #tpu.memory_space<hbm>> -> memref<1x80x128xi32, #tpu.memory_space<hbm>>
      %dma_wait3A_272 = tpu.memref_squeeze %dma_wait3A_271 : memref<1x80x128xi32, #tpu.memory_space<hbm>> -> memref<80x128xi32, #tpu.memory_space<hbm>>
      %dma_wait3A_273 = arith.constant 0 : i32
      %dma_wait3A_274 = tpu.memref_slice %arg4[%run_scoped3A_17, %mul3A_16, %dma_wait3A_273] : memref<2x2560x128xi32, #tpu.memory_space<hbm>> -> memref<1x80x128xi32, #tpu.memory_space<hbm>>
      %dma_wait3A_275 = tpu.memref_squeeze %dma_wait3A_274 : memref<1x80x128xi32, #tpu.memory_space<hbm>> -> memref<80x128xi32, #tpu.memory_space<hbm>>
      tpu.wait_dma2 semaphore(%run_scoped3A_263 : memref<!tpu.dma_semaphore, #tpu.memory_space<semaphore_mem>>) src(%dma_wait3A_275 : memref<80x128xi32, #tpu.memory_space<hbm>>) dst(%arg7 : memref<80x128xi32, #tpu.memory_space<vmem>>)
      tpu.yield
    }) : () -> ()
    %scan3A = arith.constant 0 : i32
    %scan3A_18 = arith.constant 0 : i32
    %scan3A_19 = arith.constant 640 : i32
    %scan3A_20 = arith.addi %scan3A_18, %scan3A_19 : i32
    %scan3A_21 = arith.constant 1 : i32
    scf.for %scan3A_263 = %scan3A_18 to %scan3A_20 step %scan3A_21  : i32 {
      %broadcast_in_dim3A = arith.constant 0.000000e+00 : f32
      %broadcast_in_dim3A_264 = vector.broadcast %broadcast_in_dim3A : f32 to vector<16xf32>
      %jit3A_265 = arith.constant 4 : i32
      %div3A_266 = arith.divsi %scan3A_263, %jit3A_265 : i32
      %sign3A_267 = arith.constant 0 : i32
      %sign3A_268 = arith.cmpi sgt, %scan3A_263, %sign3A_267 : i32
      %sign3A_269 = arith.extui %sign3A_268 : i1 to i32
      %sign3A_270 = arith.constant 0 : i32
      %sign3A_271 = arith.cmpi slt, %scan3A_263, %sign3A_270 : i32
      %sign3A_272 = arith.extui %sign3A_271 : i1 to i32
      %sign3A_273 = arith.subi %sign3A_269, %sign3A_272 : i32
      %sign3A_274 = arith.constant 0 : i32
      %sign3A_275 = arith.cmpi sgt, %jit3A_265, %sign3A_274 : i32
      %sign3A_276 = arith.extui %sign3A_275 : i1 to i32
      %sign3A_277 = arith.constant 0 : i32
      %sign3A_278 = arith.cmpi slt, %jit3A_265, %sign3A_277 : i32
      %sign3A_279 = arith.extui %sign3A_278 : i1 to i32
      %sign3A_280 = arith.subi %sign3A_276, %sign3A_279 : i32
      %ne3A_281 = arith.cmpi ne, %sign3A_273, %sign3A_280 : i32
      %rem3A_282 = arith.remsi %scan3A_263, %jit3A_265 : i32
      %ne3A_283 = arith.constant 0 : i32
      %ne3A_284 = arith.cmpi ne, %rem3A_282, %ne3A_283 : i32
      %and3A_285 = arith.andi %ne3A_281, %ne3A_284 : i1
      %sub3A_286 = arith.constant 1 : i32
      %sub3A_287 = arith.subi %div3A_266, %sub3A_286 : i32
      %select_n3A_288 = arith.select %and3A_285, %sub3A_287, %div3A_266 : i32
      %jit3A_289 = arith.constant 4 : i32
      %eq3A = arith.constant 0 : i32
      %eq3A_290 = arith.cmpi eq, %jit3A_289, %eq3A : i32
      %jit3A_291 = arith.constant 1 : i32
      %select_n3A_292 = arith.select %eq3A_290, %jit3A_291, %jit3A_289 : i32
      %rem3A_293 = arith.remsi %scan3A_263, %select_n3A_292 : i32
      %ne3A_294 = arith.constant 0 : i32
      %ne3A_295 = arith.cmpi ne, %rem3A_293, %ne3A_294 : i32
      %lt3A = arith.constant 0 : i32
      %lt3A_296 = arith.cmpi slt, %rem3A_293, %lt3A : i32
      %lt3A_297 = arith.constant 0 : i32
      %lt3A_298 = arith.cmpi slt, %select_n3A_292, %lt3A_297 : i32
      %ne3A_299 = arith.xori %lt3A_296, %lt3A_298 : i1
      %and3A_300 = arith.andi %ne3A_299, %ne3A_295 : i1
      %add3A_301 = arith.addi %rem3A_293, %select_n3A_292 : i32
      %select_n3A_302 = arith.select %and3A_300, %add3A_301, %rem3A_293 : i32
      %mul3A_303 = arith.constant 16 : i32
      %mul3A_304 = arith.muli %select_n3A_302, %mul3A_303 : i32
      %swap3A = arith.index_cast %select_n3A_288 : i32 to index
      %swap3A_305 = arith.index_cast %mul3A_304 : i32 to index
      %swap3A_306 = tpu.vector_load %arg8[%swap3A, %swap3A_305] {strides = array<i32>} : memref<160x64xf32, #tpu.memory_space<vmem>>, vector<16xf32>,
      tpu.vector_store %arg8[%swap3A, %swap3A_305], %broadcast_in_dim3A_264 {strides = array<i32>} : memref<160x64xf32, #tpu.memory_space<vmem>>, vector<16xf32>,
    }
    %scan3A_22 = arith.constant 640 : i32
    %add3A_23 = arith.constant 0 : i32
    %add3A_24 = arith.addi %min3A_12, %add3A_23 : i32
    "tpu.region"() ({
      %run_scoped3A_263 = tpu.sem_alloc : memref<!tpu.dma_semaphore, #tpu.memory_space<semaphore_mem>>
      %dma_start3A_264 = arith.constant 0 : i32
      %dma_start3A_265 = tpu.memref_slice %arg9[%add3A_24, %dma_start3A_264] : memref<10016x64xf32, #tpu.memory_space<vmem_shared>> -> memref<160x64xf32, #tpu.memory_space<vmem_shared>>
      %dma_start3A_266 = arith.constant 0 : i32
      %dma_start3A_267 = tpu.memref_slice %arg9[%add3A_24, %dma_start3A_266] : memref<10016x64xf32, #tpu.memory_space<vmem_shared>> -> memref<160x64xf32, #tpu.memory_space<vmem_shared>>
      tpu.enqueue_dma source(%arg8 : memref<160x64xf32, #tpu.memory_space<vmem>>) target(%dma_start3A_267 : memref<160x64xf32, #tpu.memory_space<vmem_shared>>) target_semaphore(%run_scoped3A_263 : memref<!tpu.dma_semaphore, #tpu.memory_space<semaphore_mem>>)
      %dma_wait3A_268 = arith.constant 0 : i32
      %dma_wait3A_269 = tpu.memref_slice %arg9[%add3A_24, %dma_wait3A_268] : memref<10016x64xf32, #tpu.memory_space<vmem_shared>> -> memref<160x64xf32, #tpu.memory_space<vmem_shared>>
      %dma_wait3A_270 = arith.constant 0 : i32
      %dma_wait3A_271 = tpu.memref_slice %arg9[%add3A_24, %dma_wait3A_270] : memref<10016x64xf32, #tpu.memory_space<vmem_shared>> -> memref<160x64xf32, #tpu.memory_space<vmem_shared>>
      tpu.wait_dma2 semaphore(%run_scoped3A_263 : memref<!tpu.dma_semaphore, #tpu.memory_space<semaphore_mem>>) src(%arg8 : memref<160x64xf32, #tpu.memory_space<vmem>>) dst(%dma_wait3A_271 : memref<160x64xf32, #tpu.memory_space<vmem_shared>>)
      tpu.yield
    }) : () -> ()
    %add3A_25 = arith.constant 160 : i32
    %add3A_26 = arith.addi %min3A_12, %add3A_25 : i32
    "tpu.region"() ({
      %run_scoped3A_263 = tpu.sem_alloc : memref<!tpu.dma_semaphore, #tpu.memory_space<semaphore_mem>>
      %dma_start3A_264 = arith.constant 0 : i32
      %dma_start3A_265 = tpu.memref_slice %arg9[%add3A_26, %dma_start3A_264] : memref<10016x64xf32, #tpu.memory_space<vmem_shared>> -> memref<160x64xf32, #tpu.memory_space<vmem_shared>>
      %dma_start3A_266 = arith.constant 0 : i32
      %dma_start3A_267 = tpu.memref_slice %arg9[%add3A_26, %dma_start3A_266] : memref<10016x64xf32, #tpu.memory_space<vmem_shared>> -> memref<160x64xf32, #tpu.memory_space<vmem_shared>>
      tpu.enqueue_dma source(%arg8 : memref<160x64xf32, #tpu.memory_space<vmem>>) target(%dma_start3A_267 : memref<160x64xf32, #tpu.memory_space<vmem_shared>>) target_semaphore(%run_scoped3A_263 : memref<!tpu.dma_semaphore, #tpu.memory_space<semaphore_mem>>)
      %dma_wait3A_268 = arith.constant 0 : i32
      %dma_wait3A_269 = tpu.memref_slice %arg9[%add3A_26, %dma_wait3A_268] : memref<10016x64xf32, #tpu.memory_space<vmem_shared>> -> memref<160x64xf32, #tpu.memory_space<vmem_shared>>
      %dma_wait3A_270 = arith.constant 0 : i32
      %dma_wait3A_271 = tpu.memref_slice %arg9[%add3A_26, %dma_wait3A_270] : memref<10016x64xf32, #tpu.memory_space<vmem_shared>> -> memref<160x64xf32, #tpu.memory_space<vmem_shared>>
      tpu.wait_dma2 semaphore(%run_scoped3A_263 : memref<!tpu.dma_semaphore, #tpu.memory_space<semaphore_mem>>) src(%arg8 : memref<160x64xf32, #tpu.memory_space<vmem>>) dst(%dma_wait3A_271 : memref<160x64xf32, #tpu.memory_space<vmem_shared>>)
      tpu.yield
    }) : () -> ()
    %add3A_27 = arith.constant 320 : i32
    %add3A_28 = arith.addi %min3A_12, %add3A_27 : i32
    "tpu.region"() ({
      %run_scoped3A_263 = tpu.sem_alloc : memref<!tpu.dma_semaphore, #tpu.memory_space<semaphore_mem>>
      %dma_start3A_264 = arith.constant 0 : i32
      %dma_start3A_265 = tpu.memref_slice %arg9[%add3A_28, %dma_start3A_264] : memref<10016x64xf32, #tpu.memory_space<vmem_shared>> -> memref<160x64xf32, #tpu.memory_space<vmem_shared>>
      %dma_start3A_266 = arith.constant 0 : i32
      %dma_start3A_267 = tpu.memref_slice %arg9[%add3A_28, %dma_start3A_266] : memref<10016x64xf32, #tpu.memory_space<vmem_shared>> -> memref<160x64xf32, #tpu.memory_space<vmem_shared>>
      tpu.enqueue_dma source(%arg8 : memref<160x64xf32, #tpu.memory_space<vmem>>) target(%dma_start3A_267 : memref<160x64xf32, #tpu.memory_space<vmem_shared>>) target_semaphore(%run_scoped3A_263 : memref<!tpu.dma_semaphore, #tpu.memory_space<semaphore_mem>>)
      %dma_wait3A_268 = arith.constant 0 : i32
      %dma_wait3A_269 = tpu.memref_slice %arg9[%add3A_28, %dma_wait3A_268] : memref<10016x64xf32, #tpu.memory_space<vmem_shared>> -> memref<160x64xf32, #tpu.memory_space<vmem_shared>>
      %dma_wait3A_270 = arith.constant 0 : i32
      %dma_wait3A_271 = tpu.memref_slice %arg9[%add3A_28, %dma_wait3A_270] : memref<10016x64xf32, #tpu.memory_space<vmem_shared>> -> memref<160x64xf32, #tpu.memory_space<vmem_shared>>
      tpu.wait_dma2 semaphore(%run_scoped3A_263 : memref<!tpu.dma_semaphore, #tpu.memory_space<semaphore_mem>>) src(%arg8 : memref<160x64xf32, #tpu.memory_space<vmem>>) dst(%dma_wait3A_271 : memref<160x64xf32, #tpu.memory_space<vmem_shared>>)
      tpu.yield
    }) : () -> ()
    %add3A_29 = arith.constant 480 : i32
    %add3A_30 = arith.addi %min3A_12, %add3A_29 : i32
    "tpu.region"() ({
      %run_scoped3A_263 = tpu.sem_alloc : memref<!tpu.dma_semaphore, #tpu.memory_space<semaphore_mem>>
      %dma_start3A_264 = arith.constant 0 : i32
      %dma_start3A_265 = tpu.memref_slice %arg9[%add3A_30, %dma_start3A_264] : memref<10016x64xf32, #tpu.memory_space<vmem_shared>> -> memref<160x64xf32, #tpu.memory_space<vmem_shared>>
      %dma_start3A_266 = arith.constant 0 : i32
      %dma_start3A_267 = tpu.memref_slice %arg9[%add3A_30, %dma_start3A_266] : memref<10016x64xf32, #tpu.memory_space<vmem_shared>> -> memref<160x64xf32, #tpu.memory_space<vmem_shared>>
      tpu.enqueue_dma source(%arg8 : memref<160x64xf32, #tpu.memory_space<vmem>>) target(%dma_start3A_267 : memref<160x64xf32, #tpu.memory_space<vmem_shared>>) target_semaphore(%run_scoped3A_263 : memref<!tpu.dma_semaphore, #tpu.memory_space<semaphore_mem>>)
      %dma_wait3A_268 = arith.constant 0 : i32
      %dma_wait3A_269 = tpu.memref_slice %arg9[%add3A_30, %dma_wait3A_268] : memref<10016x64xf32, #tpu.memory_space<vmem_shared>> -> memref<160x64xf32, #tpu.memory_space<vmem_shared>>
      %dma_wait3A_270 = arith.constant 0 : i32
      %dma_wait3A_271 = tpu.memref_slice %arg9[%add3A_30, %dma_wait3A_270] : memref<10016x64xf32, #tpu.memory_space<vmem_shared>> -> memref<160x64xf32, #tpu.memory_space<vmem_shared>>
      tpu.wait_dma2 semaphore(%run_scoped3A_263 : memref<!tpu.dma_semaphore, #tpu.memory_space<semaphore_mem>>) src(%arg8 : memref<160x64xf32, #tpu.memory_space<vmem>>) dst(%dma_wait3A_271 : memref<160x64xf32, #tpu.memory_space<vmem_shared>>)
      tpu.yield
    }) : () -> ()
    %barrier3A = arith.constant 0 : index
    tpu.barrier barrier_id(%barrier3A)
    %dma_start3A = arith.constant 0 : i32
    %dma_start3A_31 = arith.constant 0 : i32
    %dma_start3A_32 = tpu.memref_slice %arg6[%dma_start3A, %dma_start3A_31] : memref<80x128xi32, #tpu.memory_space<vmem>> -> memref<1x128xi32, #tpu.memory_space<vmem>>
    %dma_start3A_33 = tpu.memref_squeeze %dma_start3A_32 : memref<1x128xi32, #tpu.memory_space<vmem>> -> memref<128xi32, #tpu.memory_space<vmem>>
    %dma_start3A_34 = arith.constant 0 : i32
    %dma_start3A_35 = arith.constant 0 : i32
    %dma_start3A_36 = tpu.memref_slice %arg2[%dma_start3A_34, %dma_start3A_35] : memref<10000x64xf32, #tpu.memory_space<hbm>> -> memref<10000x64xf32, #tpu.memory_space<hbm>>
    tpu.enqueue_indirect_dma source(%dma_start3A_36 : memref<10000x64xf32, #tpu.memory_space<hbm>>) target(%arg10 : memref<128x64xf32, #tpu.memory_space<vmem>>) offsets(%dma_start3A_33 : memref<128xi32, #tpu.memory_space<vmem>>) semaphore(%arg14 : memref<!tpu.dma_semaphore, #tpu.memory_space<semaphore_mem>>)
    %dma_start3A_37 = arith.constant 1 : i32
    %dma_start3A_38 = arith.constant 0 : i32
    %dma_start3A_39 = tpu.memref_slice %arg6[%dma_start3A_37, %dma_start3A_38] : memref<80x128xi32, #tpu.memory_space<vmem>> -> memref<1x128xi32, #tpu.memory_space<vmem>>
    %dma_start3A_40 = tpu.memref_squeeze %dma_start3A_39 : memref<1x128xi32, #tpu.memory_space<vmem>> -> memref<128xi32, #tpu.memory_space<vmem>>
    %dma_start3A_41 = arith.constant 0 : i32
    %dma_start3A_42 = arith.constant 0 : i32
    %dma_start3A_43 = tpu.memref_slice %arg2[%dma_start3A_41, %dma_start3A_42] : memref<10000x64xf32, #tpu.memory_space<hbm>> -> memref<10000x64xf32, #tpu.memory_space<hbm>>
    tpu.enqueue_indirect_dma source(%dma_start3A_43 : memref<10000x64xf32, #tpu.memory_space<hbm>>) target(%arg11 : memref<128x64xf32, #tpu.memory_space<vmem>>) offsets(%dma_start3A_40 : memref<128xi32, #tpu.memory_space<vmem>>) semaphore(%arg15 : memref<!tpu.dma_semaphore, #tpu.memory_space<semaphore_mem>>)
    %dma_start3A_44 = arith.constant 2 : i32
    %dma_start3A_45 = arith.constant 0 : i32
    %dma_start3A_46 = tpu.memref_slice %arg6[%dma_start3A_44, %dma_start3A_45] : memref<80x128xi32, #tpu.memory_space<vmem>> -> memref<1x128xi32, #tpu.memory_space<vmem>>
    %dma_start3A_47 = tpu.memref_squeeze %dma_start3A_46 : memref<1x128xi32, #tpu.memory_space<vmem>> -> memref<128xi32, #tpu.memory_space<vmem>>
    %dma_start3A_48 = arith.constant 0 : i32
    %dma_start3A_49 = arith.constant 0 : i32
    %dma_start3A_50 = tpu.memref_slice %arg2[%dma_start3A_48, %dma_start3A_49] : memref<10000x64xf32, #tpu.memory_space<hbm>> -> memref<10000x64xf32, #tpu.memory_space<hbm>>
    tpu.enqueue_indirect_dma source(%dma_start3A_50 : memref<10000x64xf32, #tpu.memory_space<hbm>>) target(%arg12 : memref<128x64xf32, #tpu.memory_space<vmem>>) offsets(%dma_start3A_47 : memref<128xi32, #tpu.memory_space<vmem>>) semaphore(%arg16 : memref<!tpu.dma_semaphore, #tpu.memory_space<semaphore_mem>>)
    %dma_start3A_51 = arith.constant 3 : i32
    %dma_start3A_52 = arith.constant 0 : i32
    %dma_start3A_53 = tpu.memref_slice %arg6[%dma_start3A_51, %dma_start3A_52] : memref<80x128xi32, #tpu.memory_space<vmem>> -> memref<1x128xi32, #tpu.memory_space<vmem>>
    %dma_start3A_54 = tpu.memref_squeeze %dma_start3A_53 : memref<1x128xi32, #tpu.memory_space<vmem>> -> memref<128xi32, #tpu.memory_space<vmem>>
    %dma_start3A_55 = arith.constant 0 : i32
    %dma_start3A_56 = arith.constant 0 : i32
    %dma_start3A_57 = tpu.memref_slice %arg2[%dma_start3A_55, %dma_start3A_56] : memref<10000x64xf32, #tpu.memory_space<hbm>> -> memref<10000x64xf32, #tpu.memory_space<hbm>>
    tpu.enqueue_indirect_dma source(%dma_start3A_57 : memref<10000x64xf32, #tpu.memory_space<hbm>>) target(%arg13 : memref<128x64xf32, #tpu.memory_space<vmem>>) offsets(%dma_start3A_54 : memref<128xi32, #tpu.memory_space<vmem>>) semaphore(%arg17 : memref<!tpu.dma_semaphore, #tpu.memory_space<semaphore_mem>>)
    %jit3A_58 = arith.constant 4 : i32
    %div3A = arith.divsi %min3A, %jit3A_58 : i32
    %sign3A = arith.constant 0 : i32
    %sign3A_59 = arith.cmpi sgt, %min3A, %sign3A : i32
    %sign3A_60 = arith.extui %sign3A_59 : i1 to i32
    %sign3A_61 = arith.constant 0 : i32
    %sign3A_62 = arith.cmpi slt, %min3A, %sign3A_61 : i32
    %sign3A_63 = arith.extui %sign3A_62 : i1 to i32
    %sign3A_64 = arith.subi %sign3A_60, %sign3A_63 : i32
    %sign3A_65 = arith.constant 0 : i32
    %sign3A_66 = arith.cmpi sgt, %jit3A_58, %sign3A_65 : i32
    %sign3A_67 = arith.extui %sign3A_66 : i1 to i32
    %sign3A_68 = arith.constant 0 : i32
    %sign3A_69 = arith.cmpi slt, %jit3A_58, %sign3A_68 : i32
    %sign3A_70 = arith.extui %sign3A_69 : i1 to i32
    %sign3A_71 = arith.subi %sign3A_67, %sign3A_70 : i32
    %ne3A = arith.cmpi ne, %sign3A_64, %sign3A_71 : i32
    %rem3A = arith.remsi %min3A, %jit3A_58 : i32
    %ne3A_72 = arith.constant 0 : i32
    %ne3A_73 = arith.cmpi ne, %rem3A, %ne3A_72 : i32
    %and3A = arith.andi %ne3A, %ne3A_73 : i1
    %sub3A_74 = arith.constant 1 : i32
    %sub3A_75 = arith.subi %div3A, %sub3A_74 : i32
    %select_n3A = arith.select %and3A, %sub3A_75, %div3A : i32
    %sub3A_76 = arith.constant 1 : i32
    %sub3A_77 = arith.subi %select_n3A, %sub3A_76 : i32
    %while3A = arith.constant 0 : i32
    %while3A_78 = arith.constant 0 : i32
    %while3A_79 = arith.subi %sub3A_77, %while3A_78 : i32
    %while3A_80 = arith.addi %while3A_78, %while3A_79 : i32
    %while3A_81 = arith.constant 1 : i32
    %while3A_82 = arith.divsi %while3A_79, %while3A_81 : i32
    %while3A_83 = arith.muli %while3A_82, %while3A_81 : i32
    %while3A_84 = arith.addi %while3A_78, %while3A_83 : i32
    %while3A_85 = arith.constant 1 : i32
    scf.for %while3A_263 = %while3A_78 to %while3A_84 step %while3A_85  : i32 {
      %mul3A_264 = arith.constant 4 : i32
      %mul3A_265 = arith.muli %while3A_263, %mul3A_264 : i32
      %add3A_266 = arith.constant 0 : i32
      %add3A_267 = arith.addi %mul3A_265, %add3A_266 : i32
      %dma_wait3A_268 = arith.constant 0 : i32
      %dma_wait3A_269 = arith.constant 0 : i32
      %dma_wait3A_270 = tpu.memref_slice %arg2[%dma_wait3A_268, %dma_wait3A_269] : memref<10000x64xf32, #tpu.memory_space<hbm>> -> memref<128x64xf32, #tpu.memory_space<hbm>>
      %dma_wait3A_271 = arith.constant 0 : i32
      %dma_wait3A_272 = arith.constant 0 : i32
      %dma_wait3A_273 = tpu.memref_slice %arg2[%dma_wait3A_271, %dma_wait3A_272] : memref<10000x64xf32, #tpu.memory_space<hbm>> -> memref<128x64xf32, #tpu.memory_space<hbm>>
      tpu.wait_dma2 semaphore(%arg14 : memref<!tpu.dma_semaphore, #tpu.memory_space<semaphore_mem>>) src(%dma_wait3A_273 : memref<128x64xf32, #tpu.memory_space<hbm>>) dst(%arg10 : memref<128x64xf32, #tpu.memory_space<vmem>>)
      "tpu.region"() ({
        %run_scoped3A_336 = tpu.sem_alloc : memref<!tpu.dma_semaphore, #tpu.memory_space<semaphore_mem>>
        %dma_start3A_337 = arith.constant 0 : i32
        %dma_start3A_338 = tpu.memref_slice %arg7[%add3A_267, %dma_start3A_337] : memref<80x128xi32, #tpu.memory_space<vmem>> -> memref<1x128xi32, #tpu.memory_space<vmem>>
        %dma_start3A_339 = tpu.memref_squeeze %dma_start3A_338 : memref<1x128xi32, #tpu.memory_space<vmem>> -> memref<128xi32, #tpu.memory_space<vmem>>
        %dma_start3A_340 = arith.constant 0 : i32
        %dma_start3A_341 = arith.constant 0 : i32
        %dma_start3A_342 = tpu.memref_slice %arg9[%dma_start3A_340, %dma_start3A_341] : memref<10016x64xf32, #tpu.memory_space<vmem_shared>> -> memref<10016x64xf32, #tpu.memory_space<vmem_shared>>
        tpu.enqueue_indirect_dma source(%arg10 : memref<128x64xf32, #tpu.memory_space<vmem>>) target(%dma_start3A_342 : memref<10016x64xf32, #tpu.memory_space<vmem_shared>>) offsets(%dma_start3A_339 : memref<128xi32, #tpu.memory_space<vmem>>) semaphore(%run_scoped3A_336 : memref<!tpu.dma_semaphore, #tpu.memory_space<semaphore_mem>>) {add = true}
        %dma_wait3A_343 = arith.constant 0 : i32
        %dma_wait3A_344 = tpu.memref_slice %arg7[%add3A_267, %dma_wait3A_343] : memref<80x128xi32, #tpu.memory_space<vmem>> -> memref<1x128xi32, #tpu.memory_space<vmem>>
        %dma_wait3A_345 = tpu.memref_squeeze %dma_wait3A_344 : memref<1x128xi32, #tpu.memory_space<vmem>> -> memref<128xi32, #tpu.memory_space<vmem>>
        %dma_wait3A_346 = arith.constant 0 : i32
        %dma_wait3A_347 = arith.constant 0 : i32
        %dma_wait3A_348 = tpu.memref_slice %arg9[%dma_wait3A_346, %dma_wait3A_347] : memref<10016x64xf32, #tpu.memory_space<vmem_shared>> -> memref<10016x64xf32, #tpu.memory_space<vmem_shared>>
        tpu.wait_indirect_dma semaphore(%run_scoped3A_336 : memref<!tpu.dma_semaphore, #tpu.memory_space<semaphore_mem>>) src(%arg10 : memref<128x64xf32, #tpu.memory_space<vmem>>) dst(%dma_wait3A_348 : memref<10016x64xf32, #tpu.memory_space<vmem_shared>>)
        tpu.yield
      }) : () -> ()
      %add3A_274 = arith.constant 4 : i32
      %add3A_275 = arith.addi %add3A_267, %add3A_274 : i32
      %dma_start3A_276 = arith.constant 0 : i32
      %dma_start3A_277 = tpu.memref_slice %arg6[%add3A_275, %dma_start3A_276] : memref<80x128xi32, #tpu.memory_space<vmem>> -> memref<1x128xi32, #tpu.memory_space<vmem>>
      %dma_start3A_278 = tpu.memref_squeeze %dma_start3A_277 : memref<1x128xi32, #tpu.memory_space<vmem>> -> memref<128xi32, #tpu.memory_space<vmem>>
      %dma_start3A_279 = arith.constant 0 : i32
      %dma_start3A_280 = arith.constant 0 : i32
      %dma_start3A_281 = tpu.memref_slice %arg2[%dma_start3A_279, %dma_start3A_280] : memref<10000x64xf32, #tpu.memory_space<hbm>> -> memref<10000x64xf32, #tpu.memory_space<hbm>>
      tpu.enqueue_indirect_dma source(%dma_start3A_281 : memref<10000x64xf32, #tpu.memory_space<hbm>>) target(%arg10 : memref<128x64xf32, #tpu.memory_space<vmem>>) offsets(%dma_start3A_278 : memref<128xi32, #tpu.memory_space<vmem>>) semaphore(%arg14 : memref<!tpu.dma_semaphore, #tpu.memory_space<semaphore_mem>>)
      %mul3A_282 = arith.constant 4 : i32
      %mul3A_283 = arith.muli %while3A_263, %mul3A_282 : i32
      %add3A_284 = arith.constant 1 : i32
      %add3A_285 = arith.addi %mul3A_283, %add3A_284 : i32
      %dma_wait3A_286 = arith.constant 0 : i32
      %dma_wait3A_287 = arith.constant 0 : i32
      %dma_wait3A_288 = tpu.memref_slice %arg2[%dma_wait3A_286, %dma_wait3A_287] : memref<10000x64xf32, #tpu.memory_space<hbm>> -> memref<128x64xf32, #tpu.memory_space<hbm>>
      %dma_wait3A_289 = arith.constant 0 : i32
      %dma_wait3A_290 = arith.constant 0 : i32
      %dma_wait3A_291 = tpu.memref_slice %arg2[%dma_wait3A_289, %dma_wait3A_290] : memref<10000x64xf32, #tpu.memory_space<hbm>> -> memref<128x64xf32, #tpu.memory_space<hbm>>
      tpu.wait_dma2 semaphore(%arg15 : memref<!tpu.dma_semaphore, #tpu.memory_space<semaphore_mem>>) src(%dma_wait3A_291 : memref<128x64xf32, #tpu.memory_space<hbm>>) dst(%arg11 : memref<128x64xf32, #tpu.memory_space<vmem>>)
      "tpu.region"() ({
        %run_scoped3A_336 = tpu.sem_alloc : memref<!tpu.dma_semaphore, #tpu.memory_space<semaphore_mem>>
        %dma_start3A_337 = arith.constant 0 : i32
        %dma_start3A_338 = tpu.memref_slice %arg7[%add3A_285, %dma_start3A_337] : memref<80x128xi32, #tpu.memory_space<vmem>> -> memref<1x128xi32, #tpu.memory_space<vmem>>
        %dma_start3A_339 = tpu.memref_squeeze %dma_start3A_338 : memref<1x128xi32, #tpu.memory_space<vmem>> -> memref<128xi32, #tpu.memory_space<vmem>>
        %dma_start3A_340 = arith.constant 0 : i32
        %dma_start3A_341 = arith.constant 0 : i32
        %dma_start3A_342 = tpu.memref_slice %arg9[%dma_start3A_340, %dma_start3A_341] : memref<10016x64xf32, #tpu.memory_space<vmem_shared>> -> memref<10016x64xf32, #tpu.memory_space<vmem_shared>>
        tpu.enqueue_indirect_dma source(%arg11 : memref<128x64xf32, #tpu.memory_space<vmem>>) target(%dma_start3A_342 : memref<10016x64xf32, #tpu.memory_space<vmem_shared>>) offsets(%dma_start3A_339 : memref<128xi32, #tpu.memory_space<vmem>>) semaphore(%run_scoped3A_336 : memref<!tpu.dma_semaphore, #tpu.memory_space<semaphore_mem>>) {add = true}
        %dma_wait3A_343 = arith.constant 0 : i32
        %dma_wait3A_344 = tpu.memref_slice %arg7[%add3A_285, %dma_wait3A_343] : memref<80x128xi32, #tpu.memory_space<vmem>> -> memref<1x128xi32, #tpu.memory_space<vmem>>
        %dma_wait3A_345 = tpu.memref_squeeze %dma_wait3A_344 : memref<1x128xi32, #tpu.memory_space<vmem>> -> memref<128xi32, #tpu.memory_space<vmem>>
        %dma_wait3A_346 = arith.constant 0 : i32
        %dma_wait3A_347 = arith.constant 0 : i32
        %dma_wait3A_348 = tpu.memref_slice %arg9[%dma_wait3A_346, %dma_wait3A_347] : memref<10016x64xf32, #tpu.memory_space<vmem_shared>> -> memref<10016x64xf32, #tpu.memory_space<vmem_shared>>
        tpu.wait_indirect_dma semaphore(%run_scoped3A_336 : memref<!tpu.dma_semaphore, #tpu.memory_space<semaphore_mem>>) src(%arg11 : memref<128x64xf32, #tpu.memory_space<vmem>>) dst(%dma_wait3A_348 : memref<10016x64xf32, #tpu.memory_space<vmem_shared>>)
        tpu.yield
      }) : () -> ()
      %add3A_292 = arith.constant 4 : i32
      %add3A_293 = arith.addi %add3A_285, %add3A_292 : i32
      %dma_start3A_294 = arith.constant 0 : i32
      %dma_start3A_295 = tpu.memref_slice %arg6[%add3A_293, %dma_start3A_294] : memref<80x128xi32, #tpu.memory_space<vmem>> -> memref<1x128xi32, #tpu.memory_space<vmem>>
      %dma_start3A_296 = tpu.memref_squeeze %dma_start3A_295 : memref<1x128xi32, #tpu.memory_space<vmem>> -> memref<128xi32, #tpu.memory_space<vmem>>
      %dma_start3A_297 = arith.constant 0 : i32
      %dma_start3A_298 = arith.constant 0 : i32
      %dma_start3A_299 = tpu.memref_slice %arg2[%dma_start3A_297, %dma_start3A_298] : memref<10000x64xf32, #tpu.memory_space<hbm>> -> memref<10000x64xf32, #tpu.memory_space<hbm>>
      tpu.enqueue_indirect_dma source(%dma_start3A_299 : memref<10000x64xf32, #tpu.memory_space<hbm>>) target(%arg11 : memref<128x64xf32, #tpu.memory_space<vmem>>) offsets(%dma_start3A_296 : memref<128xi32, #tpu.memory_space<vmem>>) semaphore(%arg15 : memref<!tpu.dma_semaphore, #tpu.memory_space<semaphore_mem>>)
      %mul3A_300 = arith.constant 4 : i32
      %mul3A_301 = arith.muli %while3A_263, %mul3A_300 : i32
      %add3A_302 = arith.constant 2 : i32
      %add3A_303 = arith.addi %mul3A_301, %add3A_302 : i32
      %dma_wait3A_304 = arith.constant 0 : i32
      %dma_wait3A_305 = arith.constant 0 : i32
      %dma_wait3A_306 = tpu.memref_slice %arg2[%dma_wait3A_304, %dma_wait3A_305] : memref<10000x64xf32, #tpu.memory_space<hbm>> -> memref<128x64xf32, #tpu.memory_space<hbm>>
      %dma_wait3A_307 = arith.constant 0 : i32
      %dma_wait3A_308 = arith.constant 0 : i32
      %dma_wait3A_309 = tpu.memref_slice %arg2[%dma_wait3A_307, %dma_wait3A_308] : memref<10000x64xf32, #tpu.memory_space<hbm>> -> memref<128x64xf32, #tpu.memory_space<hbm>>
      tpu.wait_dma2 semaphore(%arg16 : memref<!tpu.dma_semaphore, #tpu.memory_space<semaphore_mem>>) src(%dma_wait3A_309 : memref<128x64xf32, #tpu.memory_space<hbm>>) dst(%arg12 : memref<128x64xf32, #tpu.memory_space<vmem>>)
      "tpu.region"() ({
        %run_scoped3A_336 = tpu.sem_alloc : memref<!tpu.dma_semaphore, #tpu.memory_space<semaphore_mem>>
        %dma_start3A_337 = arith.constant 0 : i32
        %dma_start3A_338 = tpu.memref_slice %arg7[%add3A_303, %dma_start3A_337] : memref<80x128xi32, #tpu.memory_space<vmem>> -> memref<1x128xi32, #tpu.memory_space<vmem>>
        %dma_start3A_339 = tpu.memref_squeeze %dma_start3A_338 : memref<1x128xi32, #tpu.memory_space<vmem>> -> memref<128xi32, #tpu.memory_space<vmem>>
        %dma_start3A_340 = arith.constant 0 : i32
        %dma_start3A_341 = arith.constant 0 : i32
        %dma_start3A_342 = tpu.memref_slice %arg9[%dma_start3A_340, %dma_start3A_341] : memref<10016x64xf32, #tpu.memory_space<vmem_shared>> -> memref<10016x64xf32, #tpu.memory_space<vmem_shared>>
        tpu.enqueue_indirect_dma source(%arg12 : memref<128x64xf32, #tpu.memory_space<vmem>>) target(%dma_start3A_342 : memref<10016x64xf32, #tpu.memory_space<vmem_shared>>) offsets(%dma_start3A_339 : memref<128xi32, #tpu.memory_space<vmem>>) semaphore(%run_scoped3A_336 : memref<!tpu.dma_semaphore, #tpu.memory_space<semaphore_mem>>) {add = true}
        %dma_wait3A_343 = arith.constant 0 : i32
        %dma_wait3A_344 = tpu.memref_slice %arg7[%add3A_303, %dma_wait3A_343] : memref<80x128xi32, #tpu.memory_space<vmem>> -> memref<1x128xi32, #tpu.memory_space<vmem>>
        %dma_wait3A_345 = tpu.memref_squeeze %dma_wait3A_344 : memref<1x128xi32, #tpu.memory_space<vmem>> -> memref<128xi32, #tpu.memory_space<vmem>>
        %dma_wait3A_346 = arith.constant 0 : i32
        %dma_wait3A_347 = arith.constant 0 : i32
        %dma_wait3A_348 = tpu.memref_slice %arg9[%dma_wait3A_346, %dma_wait3A_347] : memref<10016x64xf32, #tpu.memory_space<vmem_shared>> -> memref<10016x64xf32, #tpu.memory_space<vmem_shared>>
        tpu.wait_indirect_dma semaphore(%run_scoped3A_336 : memref<!tpu.dma_semaphore, #tpu.memory_space<semaphore_mem>>) src(%arg12 : memref<128x64xf32, #tpu.memory_space<vmem>>) dst(%dma_wait3A_348 : memref<10016x64xf32, #tpu.memory_space<vmem_shared>>)
        tpu.yield
      }) : () -> ()
      %add3A_310 = arith.constant 4 : i32
      %add3A_311 = arith.addi %add3A_303, %add3A_310 : i32
      %dma_start3A_312 = arith.constant 0 : i32
      %dma_start3A_313 = tpu.memref_slice %arg6[%add3A_311, %dma_start3A_312] : memref<80x128xi32, #tpu.memory_space<vmem>> -> memref<1x128xi32, #tpu.memory_space<vmem>>
      %dma_start3A_314 = tpu.memref_squeeze %dma_start3A_313 : memref<1x128xi32, #tpu.memory_space<vmem>> -> memref<128xi32, #tpu.memory_space<vmem>>
      %dma_start3A_315 = arith.constant 0 : i32
      %dma_start3A_316 = arith.constant 0 : i32
      %dma_start3A_317 = tpu.memref_slice %arg2[%dma_start3A_315, %dma_start3A_316] : memref<10000x64xf32, #tpu.memory_space<hbm>> -> memref<10000x64xf32, #tpu.memory_space<hbm>>
      tpu.enqueue_indirect_dma source(%dma_start3A_317 : memref<10000x64xf32, #tpu.memory_space<hbm>>) target(%arg12 : memref<128x64xf32, #tpu.memory_space<vmem>>) offsets(%dma_start3A_314 : memref<128xi32, #tpu.memory_space<vmem>>) semaphore(%arg16 : memref<!tpu.dma_semaphore, #tpu.memory_space<semaphore_mem>>)
      %mul3A_318 = arith.constant 4 : i32
      %mul3A_319 = arith.muli %while3A_263, %mul3A_318 : i32
      %add3A_320 = arith.constant 3 : i32
      %add3A_321 = arith.addi %mul3A_319, %add3A_320 : i32
      %dma_wait3A_322 = arith.constant 0 : i32
      %dma_wait3A_323 = arith.constant 0 : i32
      %dma_wait3A_324 = tpu.memref_slice %arg2[%dma_wait3A_322, %dma_wait3A_323] : memref<10000x64xf32, #tpu.memory_space<hbm>> -> memref<128x64xf32, #tpu.memory_space<hbm>>
      %dma_wait3A_325 = arith.constant 0 : i32
      %dma_wait3A_326 = arith.constant 0 : i32
      %dma_wait3A_327 = tpu.memref_slice %arg2[%dma_wait3A_325, %dma_wait3A_326] : memref<10000x64xf32, #tpu.memory_space<hbm>> -> memref<128x64xf32, #tpu.memory_space<hbm>>
      tpu.wait_dma2 semaphore(%arg17 : memref<!tpu.dma_semaphore, #tpu.memory_space<semaphore_mem>>) src(%dma_wait3A_327 : memref<128x64xf32, #tpu.memory_space<hbm>>) dst(%arg13 : memref<128x64xf32, #tpu.memory_space<vmem>>)
      "tpu.region"() ({
        %run_scoped3A_336 = tpu.sem_alloc : memref<!tpu.dma_semaphore, #tpu.memory_space<semaphore_mem>>
        %dma_start3A_337 = arith.constant 0 : i32
        %dma_start3A_338 = tpu.memref_slice %arg7[%add3A_321, %dma_start3A_337] : memref<80x128xi32, #tpu.memory_space<vmem>> -> memref<1x128xi32, #tpu.memory_space<vmem>>
        %dma_start3A_339 = tpu.memref_squeeze %dma_start3A_338 : memref<1x128xi32, #tpu.memory_space<vmem>> -> memref<128xi32, #tpu.memory_space<vmem>>
        %dma_start3A_340 = arith.constant 0 : i32
        %dma_start3A_341 = arith.constant 0 : i32
        %dma_start3A_342 = tpu.memref_slice %arg9[%dma_start3A_340, %dma_start3A_341] : memref<10016x64xf32, #tpu.memory_space<vmem_shared>> -> memref<10016x64xf32, #tpu.memory_space<vmem_shared>>
        tpu.enqueue_indirect_dma source(%arg13 : memref<128x64xf32, #tpu.memory_space<vmem>>) target(%dma_start3A_342 : memref<10016x64xf32, #tpu.memory_space<vmem_shared>>) offsets(%dma_start3A_339 : memref<128xi32, #tpu.memory_space<vmem>>) semaphore(%run_scoped3A_336 : memref<!tpu.dma_semaphore, #tpu.memory_space<semaphore_mem>>) {add = true}
        %dma_wait3A_343 = arith.constant 0 : i32
        %dma_wait3A_344 = tpu.memref_slice %arg7[%add3A_321, %dma_wait3A_343] : memref<80x128xi32, #tpu.memory_space<vmem>> -> memref<1x128xi32, #tpu.memory_space<vmem>>
        %dma_wait3A_345 = tpu.memref_squeeze %dma_wait3A_344 : memref<1x128xi32, #tpu.memory_space<vmem>> -> memref<128xi32, #tpu.memory_space<vmem>>
        %dma_wait3A_346 = arith.constant 0 : i32
        %dma_wait3A_347 = arith.constant 0 : i32
        %dma_wait3A_348 = tpu.memref_slice %arg9[%dma_wait3A_346, %dma_wait3A_347] : memref<10016x64xf32, #tpu.memory_space<vmem_shared>> -> memref<10016x64xf32, #tpu.memory_space<vmem_shared>>
        tpu.wait_indirect_dma semaphore(%run_scoped3A_336 : memref<!tpu.dma_semaphore, #tpu.memory_space<semaphore_mem>>) src(%arg13 : memref<128x64xf32, #tpu.memory_space<vmem>>) dst(%dma_wait3A_348 : memref<10016x64xf32, #tpu.memory_space<vmem_shared>>)
        tpu.yield
      }) : () -> ()
      %add3A_328 = arith.constant 4 : i32
      %add3A_329 = arith.addi %add3A_321, %add3A_328 : i32
      %dma_start3A_330 = arith.constant 0 : i32
      %dma_start3A_331 = tpu.memref_slice %arg6[%add3A_329, %dma_start3A_330] : memref<80x128xi32, #tpu.memory_space<vmem>> -> memref<1x128xi32, #tpu.memory_space<vmem>>
      %dma_start3A_332 = tpu.memref_squeeze %dma_start3A_331 : memref<1x128xi32, #tpu.memory_space<vmem>> -> memref<128xi32, #tpu.memory_space<vmem>>
      %dma_start3A_333 = arith.constant 0 : i32
      %dma_start3A_334 = arith.constant 0 : i32
      %dma_start3A_335 = tpu.memref_slice %arg2[%dma_start3A_333, %dma_start3A_334] : memref<10000x64xf32, #tpu.memory_space<hbm>> -> memref<10000x64xf32, #tpu.memory_space<hbm>>
      tpu.enqueue_indirect_dma source(%dma_start3A_335 : memref<10000x64xf32, #tpu.memory_space<hbm>>) target(%arg13 : memref<128x64xf32, #tpu.memory_space<vmem>>) offsets(%dma_start3A_332 : memref<128xi32, #tpu.memory_space<vmem>>) semaphore(%arg17 : memref<!tpu.dma_semaphore, #tpu.memory_space<semaphore_mem>>)
    }
    %while3A_86 = arith.constant 1 : i32
    scf.for %while3A_263 = %while3A_84 to %while3A_80 step %while3A_86  : i32 {
      %mul3A_264 = arith.constant 4 : i32
      %mul3A_265 = arith.muli %while3A_263, %mul3A_264 : i32
      %add3A_266 = arith.constant 0 : i32
      %add3A_267 = arith.addi %mul3A_265, %add3A_266 : i32
      %dma_wait3A_268 = arith.constant 0 : i32
      %dma_wait3A_269 = arith.constant 0 : i32
      %dma_wait3A_270 = tpu.memref_slice %arg2[%dma_wait3A_268, %dma_wait3A_269] : memref<10000x64xf32, #tpu.memory_space<hbm>> -> memref<128x64xf32, #tpu.memory_space<hbm>>
      %dma_wait3A_271 = arith.constant 0 : i32
      %dma_wait3A_272 = arith.constant 0 : i32
      %dma_wait3A_273 = tpu.memref_slice %arg2[%dma_wait3A_271, %dma_wait3A_272] : memref<10000x64xf32, #tpu.memory_space<hbm>> -> memref<128x64xf32, #tpu.memory_space<hbm>>
      tpu.wait_dma2 semaphore(%arg14 : memref<!tpu.dma_semaphore, #tpu.memory_space<semaphore_mem>>) src(%dma_wait3A_273 : memref<128x64xf32, #tpu.memory_space<hbm>>) dst(%arg10 : memref<128x64xf32, #tpu.memory_space<vmem>>)
      "tpu.region"() ({
        %run_scoped3A_336 = tpu.sem_alloc : memref<!tpu.dma_semaphore, #tpu.memory_space<semaphore_mem>>
        %dma_start3A_337 = arith.constant 0 : i32
        %dma_start3A_338 = tpu.memref_slice %arg7[%add3A_267, %dma_start3A_337] : memref<80x128xi32, #tpu.memory_space<vmem>> -> memref<1x128xi32, #tpu.memory_space<vmem>>
        %dma_start3A_339 = tpu.memref_squeeze %dma_start3A_338 : memref<1x128xi32, #tpu.memory_space<vmem>> -> memref<128xi32, #tpu.memory_space<vmem>>
        %dma_start3A_340 = arith.constant 0 : i32
        %dma_start3A_341 = arith.constant 0 : i32
        %dma_start3A_342 = tpu.memref_slice %arg9[%dma_start3A_340, %dma_start3A_341] : memref<10016x64xf32, #tpu.memory_space<vmem_shared>> -> memref<10016x64xf32, #tpu.memory_space<vmem_shared>>
        tpu.enqueue_indirect_dma source(%arg10 : memref<128x64xf32, #tpu.memory_space<vmem>>) target(%dma_start3A_342 : memref<10016x64xf32, #tpu.memory_space<vmem_shared>>) offsets(%dma_start3A_339 : memref<128xi32, #tpu.memory_space<vmem>>) semaphore(%run_scoped3A_336 : memref<!tpu.dma_semaphore, #tpu.memory_space<semaphore_mem>>) {add = true}
        %dma_wait3A_343 = arith.constant 0 : i32
        %dma_wait3A_344 = tpu.memref_slice %arg7[%add3A_267, %dma_wait3A_343] : memref<80x128xi32, #tpu.memory_space<vmem>> -> memref<1x128xi32, #tpu.memory_space<vmem>>
        %dma_wait3A_345 = tpu.memref_squeeze %dma_wait3A_344 : memref<1x128xi32, #tpu.memory_space<vmem>> -> memref<128xi32, #tpu.memory_space<vmem>>
        %dma_wait3A_346 = arith.constant 0 : i32
        %dma_wait3A_347 = arith.constant 0 : i32
        %dma_wait3A_348 = tpu.memref_slice %arg9[%dma_wait3A_346, %dma_wait3A_347] : memref<10016x64xf32, #tpu.memory_space<vmem_shared>> -> memref<10016x64xf32, #tpu.memory_space<vmem_shared>>
        tpu.wait_indirect_dma semaphore(%run_scoped3A_336 : memref<!tpu.dma_semaphore, #tpu.memory_space<semaphore_mem>>) src(%arg10 : memref<128x64xf32, #tpu.memory_space<vmem>>) dst(%dma_wait3A_348 : memref<10016x64xf32, #tpu.memory_space<vmem_shared>>)
        tpu.yield
      }) : () -> ()
      %add3A_274 = arith.constant 4 : i32
      %add3A_275 = arith.addi %add3A_267, %add3A_274 : i32
      %dma_start3A_276 = arith.constant 0 : i32
      %dma_start3A_277 = tpu.memref_slice %arg6[%add3A_275, %dma_start3A_276] : memref<80x128xi32, #tpu.memory_space<vmem>> -> memref<1x128xi32, #tpu.memory_space<vmem>>
      %dma_start3A_278 = tpu.memref_squeeze %dma_start3A_277 : memref<1x128xi32, #tpu.memory_space<vmem>> -> memref<128xi32, #tpu.memory_space<vmem>>
      %dma_start3A_279 = arith.constant 0 : i32
      %dma_start3A_280 = arith.constant 0 : i32
      %dma_start3A_281 = tpu.memref_slice %arg2[%dma_start3A_279, %dma_start3A_280] : memref<10000x64xf32, #tpu.memory_space<hbm>> -> memref<10000x64xf32, #tpu.memory_space<hbm>>
      tpu.enqueue_indirect_dma source(%dma_start3A_281 : memref<10000x64xf32, #tpu.memory_space<hbm>>) target(%arg10 : memref<128x64xf32, #tpu.memory_space<vmem>>) offsets(%dma_start3A_278 : memref<128xi32, #tpu.memory_space<vmem>>) semaphore(%arg14 : memref<!tpu.dma_semaphore, #tpu.memory_space<semaphore_mem>>)
      %mul3A_282 = arith.constant 4 : i32
      %mul3A_283 = arith.muli %while3A_263, %mul3A_282 : i32
      %add3A_284 = arith.constant 1 : i32
      %add3A_285 = arith.addi %mul3A_283, %add3A_284 : i32
      %dma_wait3A_286 = arith.constant 0 : i32
      %dma_wait3A_287 = arith.constant 0 : i32
      %dma_wait3A_288 = tpu.memref_slice %arg2[%dma_wait3A_286, %dma_wait3A_287] : memref<10000x64xf32, #tpu.memory_space<hbm>> -> memref<128x64xf32, #tpu.memory_space<hbm>>
      %dma_wait3A_289 = arith.constant 0 : i32
      %dma_wait3A_290 = arith.constant 0 : i32
      %dma_wait3A_291 = tpu.memref_slice %arg2[%dma_wait3A_289, %dma_wait3A_290] : memref<10000x64xf32, #tpu.memory_space<hbm>> -> memref<128x64xf32, #tpu.memory_space<hbm>>
      tpu.wait_dma2 semaphore(%arg15 : memref<!tpu.dma_semaphore, #tpu.memory_space<semaphore_mem>>) src(%dma_wait3A_291 : memref<128x64xf32, #tpu.memory_space<hbm>>) dst(%arg11 : memref<128x64xf32, #tpu.memory_space<vmem>>)
      "tpu.region"() ({
        %run_scoped3A_336 = tpu.sem_alloc : memref<!tpu.dma_semaphore, #tpu.memory_space<semaphore_mem>>
        %dma_start3A_337 = arith.constant 0 : i32
        %dma_start3A_338 = tpu.memref_slice %arg7[%add3A_285, %dma_start3A_337] : memref<80x128xi32, #tpu.memory_space<vmem>> -> memref<1x128xi32, #tpu.memory_space<vmem>>
        %dma_start3A_339 = tpu.memref_squeeze %dma_start3A_338 : memref<1x128xi32, #tpu.memory_space<vmem>> -> memref<128xi32, #tpu.memory_space<vmem>>
        %dma_start3A_340 = arith.constant 0 : i32
        %dma_start3A_341 = arith.constant 0 : i32
        %dma_start3A_342 = tpu.memref_slice %arg9[%dma_start3A_340, %dma_start3A_341] : memref<10016x64xf32, #tpu.memory_space<vmem_shared>> -> memref<10016x64xf32, #tpu.memory_space<vmem_shared>>
        tpu.enqueue_indirect_dma source(%arg11 : memref<128x64xf32, #tpu.memory_space<vmem>>) target(%dma_start3A_342 : memref<10016x64xf32, #tpu.memory_space<vmem_shared>>) offsets(%dma_start3A_339 : memref<128xi32, #tpu.memory_space<vmem>>) semaphore(%run_scoped3A_336 : memref<!tpu.dma_semaphore, #tpu.memory_space<semaphore_mem>>) {add = true}
        %dma_wait3A_343 = arith.constant 0 : i32
        %dma_wait3A_344 = tpu.memref_slice %arg7[%add3A_285, %dma_wait3A_343] : memref<80x128xi32, #tpu.memory_space<vmem>> -> memref<1x128xi32, #tpu.memory_space<vmem>>
        %dma_wait3A_345 = tpu.memref_squeeze %dma_wait3A_344 : memref<1x128xi32, #tpu.memory_space<vmem>> -> memref<128xi32, #tpu.memory_space<vmem>>
        %dma_wait3A_346 = arith.constant 0 : i32
        %dma_wait3A_347 = arith.constant 0 : i32
        %dma_wait3A_348 = tpu.memref_slice %arg9[%dma_wait3A_346, %dma_wait3A_347] : memref<10016x64xf32, #tpu.memory_space<vmem_shared>> -> memref<10016x64xf32, #tpu.memory_space<vmem_shared>>
        tpu.wait_indirect_dma semaphore(%run_scoped3A_336 : memref<!tpu.dma_semaphore, #tpu.memory_space<semaphore_mem>>) src(%arg11 : memref<128x64xf32, #tpu.memory_space<vmem>>) dst(%dma_wait3A_348 : memref<10016x64xf32, #tpu.memory_space<vmem_shared>>)
        tpu.yield
      }) : () -> ()
      %add3A_292 = arith.constant 4 : i32
      %add3A_293 = arith.addi %add3A_285, %add3A_292 : i32
      %dma_start3A_294 = arith.constant 0 : i32
      %dma_start3A_295 = tpu.memref_slice %arg6[%add3A_293, %dma_start3A_294] : memref<80x128xi32, #tpu.memory_space<vmem>> -> memref<1x128xi32, #tpu.memory_space<vmem>>
      %dma_start3A_296 = tpu.memref_squeeze %dma_start3A_295 : memref<1x128xi32, #tpu.memory_space<vmem>> -> memref<128xi32, #tpu.memory_space<vmem>>
      %dma_start3A_297 = arith.constant 0 : i32
      %dma_start3A_298 = arith.constant 0 : i32
      %dma_start3A_299 = tpu.memref_slice %arg2[%dma_start3A_297, %dma_start3A_298] : memref<10000x64xf32, #tpu.memory_space<hbm>> -> memref<10000x64xf32, #tpu.memory_space<hbm>>
      tpu.enqueue_indirect_dma source(%dma_start3A_299 : memref<10000x64xf32, #tpu.memory_space<hbm>>) target(%arg11 : memref<128x64xf32, #tpu.memory_space<vmem>>) offsets(%dma_start3A_296 : memref<128xi32, #tpu.memory_space<vmem>>) semaphore(%arg15 : memref<!tpu.dma_semaphore, #tpu.memory_space<semaphore_mem>>)
      %mul3A_300 = arith.constant 4 : i32
      %mul3A_301 = arith.muli %while3A_263, %mul3A_300 : i32
      %add3A_302 = arith.constant 2 : i32
      %add3A_303 = arith.addi %mul3A_301, %add3A_302 : i32
      %dma_wait3A_304 = arith.constant 0 : i32
      %dma_wait3A_305 = arith.constant 0 : i32
      %dma_wait3A_306 = tpu.memref_slice %arg2[%dma_wait3A_304, %dma_wait3A_305] : memref<10000x64xf32, #tpu.memory_space<hbm>> -> memref<128x64xf32, #tpu.memory_space<hbm>>
      %dma_wait3A_307 = arith.constant 0 : i32
      %dma_wait3A_308 = arith.constant 0 : i32
      %dma_wait3A_309 = tpu.memref_slice %arg2[%dma_wait3A_307, %dma_wait3A_308] : memref<10000x64xf32, #tpu.memory_space<hbm>> -> memref<128x64xf32, #tpu.memory_space<hbm>>
      tpu.wait_dma2 semaphore(%arg16 : memref<!tpu.dma_semaphore, #tpu.memory_space<semaphore_mem>>) src(%dma_wait3A_309 : memref<128x64xf32, #tpu.memory_space<hbm>>) dst(%arg12 : memref<128x64xf32, #tpu.memory_space<vmem>>)
      "tpu.region"() ({
        %run_scoped3A_336 = tpu.sem_alloc : memref<!tpu.dma_semaphore, #tpu.memory_space<semaphore_mem>>
        %dma_start3A_337 = arith.constant 0 : i32
        %dma_start3A_338 = tpu.memref_slice %arg7[%add3A_303, %dma_start3A_337] : memref<80x128xi32, #tpu.memory_space<vmem>> -> memref<1x128xi32, #tpu.memory_space<vmem>>
        %dma_start3A_339 = tpu.memref_squeeze %dma_start3A_338 : memref<1x128xi32, #tpu.memory_space<vmem>> -> memref<128xi32, #tpu.memory_space<vmem>>
        %dma_start3A_340 = arith.constant 0 : i32
        %dma_start3A_341 = arith.constant 0 : i32
        %dma_start3A_342 = tpu.memref_slice %arg9[%dma_start3A_340, %dma_start3A_341] : memref<10016x64xf32, #tpu.memory_space<vmem_shared>> -> memref<10016x64xf32, #tpu.memory_space<vmem_shared>>
        tpu.enqueue_indirect_dma source(%arg12 : memref<128x64xf32, #tpu.memory_space<vmem>>) target(%dma_start3A_342 : memref<10016x64xf32, #tpu.memory_space<vmem_shared>>) offsets(%dma_start3A_339 : memref<128xi32, #tpu.memory_space<vmem>>) semaphore(%run_scoped3A_336 : memref<!tpu.dma_semaphore, #tpu.memory_space<semaphore_mem>>) {add = true}
        %dma_wait3A_343 = arith.constant 0 : i32
        %dma_wait3A_344 = tpu.memref_slice %arg7[%add3A_303, %dma_wait3A_343] : memref<80x128xi32, #tpu.memory_space<vmem>> -> memref<1x128xi32, #tpu.memory_space<vmem>>
        %dma_wait3A_345 = tpu.memref_squeeze %dma_wait3A_344 : memref<1x128xi32, #tpu.memory_space<vmem>> -> memref<128xi32, #tpu.memory_space<vmem>>
        %dma_wait3A_346 = arith.constant 0 : i32
        %dma_wait3A_347 = arith.constant 0 : i32
        %dma_wait3A_348 = tpu.memref_slice %arg9[%dma_wait3A_346, %dma_wait3A_347] : memref<10016x64xf32, #tpu.memory_space<vmem_shared>> -> memref<10016x64xf32, #tpu.memory_space<vmem_shared>>
        tpu.wait_indirect_dma semaphore(%run_scoped3A_336 : memref<!tpu.dma_semaphore, #tpu.memory_space<semaphore_mem>>) src(%arg12 : memref<128x64xf32, #tpu.memory_space<vmem>>) dst(%dma_wait3A_348 : memref<10016x64xf32, #tpu.memory_space<vmem_shared>>)
        tpu.yield
      }) : () -> ()
      %add3A_310 = arith.constant 4 : i32
      %add3A_311 = arith.addi %add3A_303, %add3A_310 : i32
      %dma_start3A_312 = arith.constant 0 : i32
      %dma_start3A_313 = tpu.memref_slice %arg6[%add3A_311, %dma_start3A_312] : memref<80x128xi32, #tpu.memory_space<vmem>> -> memref<1x128xi32, #tpu.memory_space<vmem>>
      %dma_start3A_314 = tpu.memref_squeeze %dma_start3A_313 : memref<1x128xi32, #tpu.memory_space<vmem>> -> memref<128xi32, #tpu.memory_space<vmem>>
      %dma_start3A_315 = arith.constant 0 : i32
      %dma_start3A_316 = arith.constant 0 : i32
      %dma_start3A_317 = tpu.memref_slice %arg2[%dma_start3A_315, %dma_start3A_316] : memref<10000x64xf32, #tpu.memory_space<hbm>> -> memref<10000x64xf32, #tpu.memory_space<hbm>>
      tpu.enqueue_indirect_dma source(%dma_start3A_317 : memref<10000x64xf32, #tpu.memory_space<hbm>>) target(%arg12 : memref<128x64xf32, #tpu.memory_space<vmem>>) offsets(%dma_start3A_314 : memref<128xi32, #tpu.memory_space<vmem>>) semaphore(%arg16 : memref<!tpu.dma_semaphore, #tpu.memory_space<semaphore_mem>>)
      %mul3A_318 = arith.constant 4 : i32
      %mul3A_319 = arith.muli %while3A_263, %mul3A_318 : i32
      %add3A_320 = arith.constant 3 : i32
      %add3A_321 = arith.addi %mul3A_319, %add3A_320 : i32
      %dma_wait3A_322 = arith.constant 0 : i32
      %dma_wait3A_323 = arith.constant 0 : i32
      %dma_wait3A_324 = tpu.memref_slice %arg2[%dma_wait3A_322, %dma_wait3A_323] : memref<10000x64xf32, #tpu.memory_space<hbm>> -> memref<128x64xf32, #tpu.memory_space<hbm>>
      %dma_wait3A_325 = arith.constant 0 : i32
      %dma_wait3A_326 = arith.constant 0 : i32
      %dma_wait3A_327 = tpu.memref_slice %arg2[%dma_wait3A_325, %dma_wait3A_326] : memref<10000x64xf32, #tpu.memory_space<hbm>> -> memref<128x64xf32, #tpu.memory_space<hbm>>
      tpu.wait_dma2 semaphore(%arg17 : memref<!tpu.dma_semaphore, #tpu.memory_space<semaphore_mem>>) src(%dma_wait3A_327 : memref<128x64xf32, #tpu.memory_space<hbm>>) dst(%arg13 : memref<128x64xf32, #tpu.memory_space<vmem>>)
      "tpu.region"() ({
        %run_scoped3A_336 = tpu.sem_alloc : memref<!tpu.dma_semaphore, #tpu.memory_space<semaphore_mem>>
        %dma_start3A_337 = arith.constant 0 : i32
        %dma_start3A_338 = tpu.memref_slice %arg7[%add3A_321, %dma_start3A_337] : memref<80x128xi32, #tpu.memory_space<vmem>> -> memref<1x128xi32, #tpu.memory_space<vmem>>
        %dma_start3A_339 = tpu.memref_squeeze %dma_start3A_338 : memref<1x128xi32, #tpu.memory_space<vmem>> -> memref<128xi32, #tpu.memory_space<vmem>>
        %dma_start3A_340 = arith.constant 0 : i32
        %dma_start3A_341 = arith.constant 0 : i32
        %dma_start3A_342 = tpu.memref_slice %arg9[%dma_start3A_340, %dma_start3A_341] : memref<10016x64xf32, #tpu.memory_space<vmem_shared>> -> memref<10016x64xf32, #tpu.memory_space<vmem_shared>>
        tpu.enqueue_indirect_dma source(%arg13 : memref<128x64xf32, #tpu.memory_space<vmem>>) target(%dma_start3A_342 : memref<10016x64xf32, #tpu.memory_space<vmem_shared>>) offsets(%dma_start3A_339 : memref<128xi32, #tpu.memory_space<vmem>>) semaphore(%run_scoped3A_336 : memref<!tpu.dma_semaphore, #tpu.memory_space<semaphore_mem>>) {add = true}
        %dma_wait3A_343 = arith.constant 0 : i32
        %dma_wait3A_344 = tpu.memref_slice %arg7[%add3A_321, %dma_wait3A_343] : memref<80x128xi32, #tpu.memory_space<vmem>> -> memref<1x128xi32, #tpu.memory_space<vmem>>
        %dma_wait3A_345 = tpu.memref_squeeze %dma_wait3A_344 : memref<1x128xi32, #tpu.memory_space<vmem>> -> memref<128xi32, #tpu.memory_space<vmem>>
        %dma_wait3A_346 = arith.constant 0 : i32
        %dma_wait3A_347 = arith.constant 0 : i32
        %dma_wait3A_348 = tpu.memref_slice %arg9[%dma_wait3A_346, %dma_wait3A_347] : memref<10016x64xf32, #tpu.memory_space<vmem_shared>> -> memref<10016x64xf32, #tpu.memory_space<vmem_shared>>
        tpu.wait_indirect_dma semaphore(%run_scoped3A_336 : memref<!tpu.dma_semaphore, #tpu.memory_space<semaphore_mem>>) src(%arg13 : memref<128x64xf32, #tpu.memory_space<vmem>>) dst(%dma_wait3A_348 : memref<10016x64xf32, #tpu.memory_space<vmem_shared>>)
        tpu.yield
      }) : () -> ()
      %add3A_328 = arith.constant 4 : i32
      %add3A_329 = arith.addi %add3A_321, %add3A_328 : i32
      %dma_start3A_330 = arith.constant 0 : i32
      %dma_start3A_331 = tpu.memref_slice %arg6[%add3A_329, %dma_start3A_330] : memref<80x128xi32, #tpu.memory_space<vmem>> -> memref<1x128xi32, #tpu.memory_space<vmem>>
      %dma_start3A_332 = tpu.memref_squeeze %dma_start3A_331 : memref<1x128xi32, #tpu.memory_space<vmem>> -> memref<128xi32, #tpu.memory_space<vmem>>
      %dma_start3A_333 = arith.constant 0 : i32
      %dma_start3A_334 = arith.constant 0 : i32
      %dma_start3A_335 = tpu.memref_slice %arg2[%dma_start3A_333, %dma_start3A_334] : memref<10000x64xf32, #tpu.memory_space<hbm>> -> memref<10000x64xf32, #tpu.memory_space<hbm>>
      tpu.enqueue_indirect_dma source(%dma_start3A_335 : memref<10000x64xf32, #tpu.memory_space<hbm>>) target(%arg13 : memref<128x64xf32, #tpu.memory_space<vmem>>) offsets(%dma_start3A_332 : memref<128xi32, #tpu.memory_space<vmem>>) semaphore(%arg17 : memref<!tpu.dma_semaphore, #tpu.memory_space<semaphore_mem>>)
    }
    %sub3A_87 = arith.constant 4 : i32
    %sub3A_88 = arith.subi %min3A, %sub3A_87 : i32
    %add3A_89 = arith.constant 0 : i32
    %add3A_90 = arith.addi %sub3A_88, %add3A_89 : i32
    %dma_wait3A = arith.constant 0 : i32
    %dma_wait3A_91 = arith.constant 0 : i32
    %dma_wait3A_92 = tpu.memref_slice %arg2[%dma_wait3A, %dma_wait3A_91] : memref<10000x64xf32, #tpu.memory_space<hbm>> -> memref<128x64xf32, #tpu.memory_space<hbm>>
    %dma_wait3A_93 = arith.constant 0 : i32
    %dma_wait3A_94 = arith.constant 0 : i32
    %dma_wait3A_95 = tpu.memref_slice %arg2[%dma_wait3A_93, %dma_wait3A_94] : memref<10000x64xf32, #tpu.memory_space<hbm>> -> memref<128x64xf32, #tpu.memory_space<hbm>>
    tpu.wait_dma2 semaphore(%arg14 : memref<!tpu.dma_semaphore, #tpu.memory_space<semaphore_mem>>) src(%dma_wait3A_95 : memref<128x64xf32, #tpu.memory_space<hbm>>) dst(%arg10 : memref<128x64xf32, #tpu.memory_space<vmem>>)
    "tpu.region"() ({
      %run_scoped3A_263 = tpu.sem_alloc : memref<!tpu.dma_semaphore, #tpu.memory_space<semaphore_mem>>
      %dma_start3A_264 = arith.constant 0 : i32
      %dma_start3A_265 = tpu.memref_slice %arg7[%add3A_90, %dma_start3A_264] : memref<80x128xi32, #tpu.memory_space<vmem>> -> memref<1x128xi32, #tpu.memory_space<vmem>>
      %dma_start3A_266 = tpu.memref_squeeze %dma_start3A_265 : memref<1x128xi32, #tpu.memory_space<vmem>> -> memref<128xi32, #tpu.memory_space<vmem>>
      %dma_start3A_267 = arith.constant 0 : i32
      %dma_start3A_268 = arith.constant 0 : i32
      %dma_start3A_269 = tpu.memref_slice %arg9[%dma_start3A_267, %dma_start3A_268] : memref<10016x64xf32, #tpu.memory_space<vmem_shared>> -> memref<10016x64xf32, #tpu.memory_space<vmem_shared>>
      tpu.enqueue_indirect_dma source(%arg10 : memref<128x64xf32, #tpu.memory_space<vmem>>) target(%dma_start3A_269 : memref<10016x64xf32, #tpu.memory_space<vmem_shared>>) offsets(%dma_start3A_266 : memref<128xi32, #tpu.memory_space<vmem>>) semaphore(%run_scoped3A_263 : memref<!tpu.dma_semaphore, #tpu.memory_space<semaphore_mem>>) {add = true}
      %dma_wait3A_270 = arith.constant 0 : i32
      %dma_wait3A_271 = tpu.memref_slice %arg7[%add3A_90, %dma_wait3A_270] : memref<80x128xi32, #tpu.memory_space<vmem>> -> memref<1x128xi32, #tpu.memory_space<vmem>>
      %dma_wait3A_272 = tpu.memref_squeeze %dma_wait3A_271 : memref<1x128xi32, #tpu.memory_space<vmem>> -> memref<128xi32, #tpu.memory_space<vmem>>
      %dma_wait3A_273 = arith.constant 0 : i32
      %dma_wait3A_274 = arith.constant 0 : i32
      %dma_wait3A_275 = tpu.memref_slice %arg9[%dma_wait3A_273, %dma_wait3A_274] : memref<10016x64xf32, #tpu.memory_space<vmem_shared>> -> memref<10016x64xf32, #tpu.memory_space<vmem_shared>>
      tpu.wait_indirect_dma semaphore(%run_scoped3A_263 : memref<!tpu.dma_semaphore, #tpu.memory_space<semaphore_mem>>) src(%arg10 : memref<128x64xf32, #tpu.memory_space<vmem>>) dst(%dma_wait3A_275 : memref<10016x64xf32, #tpu.memory_space<vmem_shared>>)
      tpu.yield
    }) : () -> ()
    %sub3A_96 = arith.constant 4 : i32
    %sub3A_97 = arith.subi %min3A, %sub3A_96 : i32
    %add3A_98 = arith.constant 1 : i32
    %add3A_99 = arith.addi %sub3A_97, %add3A_98 : i32
    %dma_wait3A_100 = arith.constant 0 : i32
    %dma_wait3A_101 = arith.constant 0 : i32
    %dma_wait3A_102 = tpu.memref_slice %arg2[%dma_wait3A_100, %dma_wait3A_101] : memref<10000x64xf32, #tpu.memory_space<hbm>> -> memref<128x64xf32, #tpu.memory_space<hbm>>
    %dma_wait3A_103 = arith.constant 0 : i32
    %dma_wait3A_104 = arith.constant 0 : i32
    %dma_wait3A_105 = tpu.memref_slice %arg2[%dma_wait3A_103, %dma_wait3A_104] : memref<10000x64xf32, #tpu.memory_space<hbm>> -> memref<128x64xf32, #tpu.memory_space<hbm>>
    tpu.wait_dma2 semaphore(%arg15 : memref<!tpu.dma_semaphore, #tpu.memory_space<semaphore_mem>>) src(%dma_wait3A_105 : memref<128x64xf32, #tpu.memory_space<hbm>>) dst(%arg11 : memref<128x64xf32, #tpu.memory_space<vmem>>)
    "tpu.region"() ({
      %run_scoped3A_263 = tpu.sem_alloc : memref<!tpu.dma_semaphore, #tpu.memory_space<semaphore_mem>>
      %dma_start3A_264 = arith.constant 0 : i32
      %dma_start3A_265 = tpu.memref_slice %arg7[%add3A_99, %dma_start3A_264] : memref<80x128xi32, #tpu.memory_space<vmem>> -> memref<1x128xi32, #tpu.memory_space<vmem>>
      %dma_start3A_266 = tpu.memref_squeeze %dma_start3A_265 : memref<1x128xi32, #tpu.memory_space<vmem>> -> memref<128xi32, #tpu.memory_space<vmem>>
      %dma_start3A_267 = arith.constant 0 : i32
      %dma_start3A_268 = arith.constant 0 : i32
      %dma_start3A_269 = tpu.memref_slice %arg9[%dma_start3A_267, %dma_start3A_268] : memref<10016x64xf32, #tpu.memory_space<vmem_shared>> -> memref<10016x64xf32, #tpu.memory_space<vmem_shared>>
      tpu.enqueue_indirect_dma source(%arg11 : memref<128x64xf32, #tpu.memory_space<vmem>>) target(%dma_start3A_269 : memref<10016x64xf32, #tpu.memory_space<vmem_shared>>) offsets(%dma_start3A_266 : memref<128xi32, #tpu.memory_space<vmem>>) semaphore(%run_scoped3A_263 : memref<!tpu.dma_semaphore, #tpu.memory_space<semaphore_mem>>) {add = true}
      %dma_wait3A_270 = arith.constant 0 : i32
      %dma_wait3A_271 = tpu.memref_slice %arg7[%add3A_99, %dma_wait3A_270] : memref<80x128xi32, #tpu.memory_space<vmem>> -> memref<1x128xi32, #tpu.memory_space<vmem>>
      %dma_wait3A_272 = tpu.memref_squeeze %dma_wait3A_271 : memref<1x128xi32, #tpu.memory_space<vmem>> -> memref<128xi32, #tpu.memory_space<vmem>>
      %dma_wait3A_273 = arith.constant 0 : i32
      %dma_wait3A_274 = arith.constant 0 : i32
      %dma_wait3A_275 = tpu.memref_slice %arg9[%dma_wait3A_273, %dma_wait3A_274] : memref<10016x64xf32, #tpu.memory_space<vmem_shared>> -> memref<10016x64xf32, #tpu.memory_space<vmem_shared>>
      tpu.wait_indirect_dma semaphore(%run_scoped3A_263 : memref<!tpu.dma_semaphore, #tpu.memory_space<semaphore_mem>>) src(%arg11 : memref<128x64xf32, #tpu.memory_space<vmem>>) dst(%dma_wait3A_275 : memref<10016x64xf32, #tpu.memory_space<vmem_shared>>)
      tpu.yield
    }) : () -> ()
    %sub3A_106 = arith.constant 4 : i32
    %sub3A_107 = arith.subi %min3A, %sub3A_106 : i32
    %add3A_108 = arith.constant 2 : i32
    %add3A_109 = arith.addi %sub3A_107, %add3A_108 : i32
    %dma_wait3A_110 = arith.constant 0 : i32
    %dma_wait3A_111 = arith.constant 0 : i32
    %dma_wait3A_112 = tpu.memref_slice %arg2[%dma_wait3A_110, %dma_wait3A_111] : memref<10000x64xf32, #tpu.memory_space<hbm>> -> memref<128x64xf32, #tpu.memory_space<hbm>>
    %dma_wait3A_113 = arith.constant 0 : i32
    %dma_wait3A_114 = arith.constant 0 : i32
    %dma_wait3A_115 = tpu.memref_slice %arg2[%dma_wait3A_113, %dma_wait3A_114] : memref<10000x64xf32, #tpu.memory_space<hbm>> -> memref<128x64xf32, #tpu.memory_space<hbm>>
    tpu.wait_dma2 semaphore(%arg16 : memref<!tpu.dma_semaphore, #tpu.memory_space<semaphore_mem>>) src(%dma_wait3A_115 : memref<128x64xf32, #tpu.memory_space<hbm>>) dst(%arg12 : memref<128x64xf32, #tpu.memory_space<vmem>>)
    "tpu.region"() ({
      %run_scoped3A_263 = tpu.sem_alloc : memref<!tpu.dma_semaphore, #tpu.memory_space<semaphore_mem>>
      %dma_start3A_264 = arith.constant 0 : i32
      %dma_start3A_265 = tpu.memref_slice %arg7[%add3A_109, %dma_start3A_264] : memref<80x128xi32, #tpu.memory_space<vmem>> -> memref<1x128xi32, #tpu.memory_space<vmem>>
      %dma_start3A_266 = tpu.memref_squeeze %dma_start3A_265 : memref<1x128xi32, #tpu.memory_space<vmem>> -> memref<128xi32, #tpu.memory_space<vmem>>
      %dma_start3A_267 = arith.constant 0 : i32
      %dma_start3A_268 = arith.constant 0 : i32
      %dma_start3A_269 = tpu.memref_slice %arg9[%dma_start3A_267, %dma_start3A_268] : memref<10016x64xf32, #tpu.memory_space<vmem_shared>> -> memref<10016x64xf32, #tpu.memory_space<vmem_shared>>
      tpu.enqueue_indirect_dma source(%arg12 : memref<128x64xf32, #tpu.memory_space<vmem>>) target(%dma_start3A_269 : memref<10016x64xf32, #tpu.memory_space<vmem_shared>>) offsets(%dma_start3A_266 : memref<128xi32, #tpu.memory_space<vmem>>) semaphore(%run_scoped3A_263 : memref<!tpu.dma_semaphore, #tpu.memory_space<semaphore_mem>>) {add = true}
      %dma_wait3A_270 = arith.constant 0 : i32
      %dma_wait3A_271 = tpu.memref_slice %arg7[%add3A_109, %dma_wait3A_270] : memref<80x128xi32, #tpu.memory_space<vmem>> -> memref<1x128xi32, #tpu.memory_space<vmem>>
      %dma_wait3A_272 = tpu.memref_squeeze %dma_wait3A_271 : memref<1x128xi32, #tpu.memory_space<vmem>> -> memref<128xi32, #tpu.memory_space<vmem>>
      %dma_wait3A_273 = arith.constant 0 : i32
      %dma_wait3A_274 = arith.constant 0 : i32
      %dma_wait3A_275 = tpu.memref_slice %arg9[%dma_wait3A_273, %dma_wait3A_274] : memref<10016x64xf32, #tpu.memory_space<vmem_shared>> -> memref<10016x64xf32, #tpu.memory_space<vmem_shared>>
      tpu.wait_indirect_dma semaphore(%run_scoped3A_263 : memref<!tpu.dma_semaphore, #tpu.memory_space<semaphore_mem>>) src(%arg12 : memref<128x64xf32, #tpu.memory_space<vmem>>) dst(%dma_wait3A_275 : memref<10016x64xf32, #tpu.memory_space<vmem_shared>>)
      tpu.yield
    }) : () -> ()
    %sub3A_116 = arith.constant 4 : i32
    %sub3A_117 = arith.subi %min3A, %sub3A_116 : i32
    %add3A_118 = arith.constant 3 : i32
    %add3A_119 = arith.addi %sub3A_117, %add3A_118 : i32
    %dma_wait3A_120 = arith.constant 0 : i32
    %dma_wait3A_121 = arith.constant 0 : i32
    %dma_wait3A_122 = tpu.memref_slice %arg2[%dma_wait3A_120, %dma_wait3A_121] : memref<10000x64xf32, #tpu.memory_space<hbm>> -> memref<128x64xf32, #tpu.memory_space<hbm>>
    %dma_wait3A_123 = arith.constant 0 : i32
    %dma_wait3A_124 = arith.constant 0 : i32
    %dma_wait3A_125 = tpu.memref_slice %arg2[%dma_wait3A_123, %dma_wait3A_124] : memref<10000x64xf32, #tpu.memory_space<hbm>> -> memref<128x64xf32, #tpu.memory_space<hbm>>
    tpu.wait_dma2 semaphore(%arg17 : memref<!tpu.dma_semaphore, #tpu.memory_space<semaphore_mem>>) src(%dma_wait3A_125 : memref<128x64xf32, #tpu.memory_space<hbm>>) dst(%arg13 : memref<128x64xf32, #tpu.memory_space<vmem>>)
    "tpu.region"() ({
      %run_scoped3A_263 = tpu.sem_alloc : memref<!tpu.dma_semaphore, #tpu.memory_space<semaphore_mem>>
      %dma_start3A_264 = arith.constant 0 : i32
      %dma_start3A_265 = tpu.memref_slice %arg7[%add3A_119, %dma_start3A_264] : memref<80x128xi32, #tpu.memory_space<vmem>> -> memref<1x128xi32, #tpu.memory_space<vmem>>
      %dma_start3A_266 = tpu.memref_squeeze %dma_start3A_265 : memref<1x128xi32, #tpu.memory_space<vmem>> -> memref<128xi32, #tpu.memory_space<vmem>>
      %dma_start3A_267 = arith.constant 0 : i32
      %dma_start3A_268 = arith.constant 0 : i32
      %dma_start3A_269 = tpu.memref_slice %arg9[%dma_start3A_267, %dma_start3A_268] : memref<10016x64xf32, #tpu.memory_space<vmem_shared>> -> memref<10016x64xf32, #tpu.memory_space<vmem_shared>>
      tpu.enqueue_indirect_dma source(%arg13 : memref<128x64xf32, #tpu.memory_space<vmem>>) target(%dma_start3A_269 : memref<10016x64xf32, #tpu.memory_space<vmem_shared>>) offsets(%dma_start3A_266 : memref<128xi32, #tpu.memory_space<vmem>>) semaphore(%run_scoped3A_263 : memref<!tpu.dma_semaphore, #tpu.memory_space<semaphore_mem>>) {add = true}
      %dma_wait3A_270 = arith.constant 0 : i32
      %dma_wait3A_271 = tpu.memref_slice %arg7[%add3A_119, %dma_wait3A_270] : memref<80x128xi32, #tpu.memory_space<vmem>> -> memref<1x128xi32, #tpu.memory_space<vmem>>
      %dma_wait3A_272 = tpu.memref_squeeze %dma_wait3A_271 : memref<1x128xi32, #tpu.memory_space<vmem>> -> memref<128xi32, #tpu.memory_space<vmem>>
      %dma_wait3A_273 = arith.constant 0 : i32
      %dma_wait3A_274 = arith.constant 0 : i32
      %dma_wait3A_275 = tpu.memref_slice %arg9[%dma_wait3A_273, %dma_wait3A_274] : memref<10016x64xf32, #tpu.memory_space<vmem_shared>> -> memref<10016x64xf32, #tpu.memory_space<vmem_shared>>
      tpu.wait_indirect_dma semaphore(%run_scoped3A_263 : memref<!tpu.dma_semaphore, #tpu.memory_space<semaphore_mem>>) src(%arg13 : memref<128x64xf32, #tpu.memory_space<vmem>>) dst(%dma_wait3A_275 : memref<10016x64xf32, #tpu.memory_space<vmem_shared>>)
      tpu.yield
    }) : () -> ()
    %barrier3A_126 = arith.constant 0 : index
    tpu.barrier barrier_id(%barrier3A_126)
    %add3A_127 = arith.constant 0 : i32
    %add3A_128 = arith.addi %min3A_12, %add3A_127 : i32
    "tpu.region"() ({
      %run_scoped3A_263 = tpu.sem_alloc : memref<!tpu.dma_semaphore, #tpu.memory_space<semaphore_mem>>
      %dma_start3A_264 = arith.constant 0 : i32
      %dma_start3A_265 = tpu.memref_slice %arg9[%add3A_128, %dma_start3A_264] : memref<10016x64xf32, #tpu.memory_space<vmem_shared>> -> memref<160x64xf32, #tpu.memory_space<vmem_shared>>
      %dma_start3A_266 = arith.constant 0 : i32
      %dma_start3A_267 = tpu.memref_slice %arg9[%add3A_128, %dma_start3A_266] : memref<10016x64xf32, #tpu.memory_space<vmem_shared>> -> memref<160x64xf32, #tpu.memory_space<vmem_shared>>
      tpu.enqueue_dma source(%dma_start3A_267 : memref<160x64xf32, #tpu.memory_space<vmem_shared>>) target(%arg8 : memref<160x64xf32, #tpu.memory_space<vmem>>) target_semaphore(%run_scoped3A_263 : memref<!tpu.dma_semaphore, #tpu.memory_space<semaphore_mem>>)
      %dma_wait3A_268 = arith.constant 0 : i32
      %dma_wait3A_269 = tpu.memref_slice %arg9[%add3A_128, %dma_wait3A_268] : memref<10016x64xf32, #tpu.memory_space<vmem_shared>> -> memref<160x64xf32, #tpu.memory_space<vmem_shared>>
      %dma_wait3A_270 = arith.constant 0 : i32
      %dma_wait3A_271 = tpu.memref_slice %arg9[%add3A_128, %dma_wait3A_270] : memref<10016x64xf32, #tpu.memory_space<vmem_shared>> -> memref<160x64xf32, #tpu.memory_space<vmem_shared>>
      tpu.wait_dma2 semaphore(%run_scoped3A_263 : memref<!tpu.dma_semaphore, #tpu.memory_space<semaphore_mem>>) src(%dma_wait3A_271 : memref<160x64xf32, #tpu.memory_space<vmem_shared>>) dst(%arg8 : memref<160x64xf32, #tpu.memory_space<vmem>>)
      tpu.yield
    }) : () -> ()
    "tpu.region"() ({
      %run_scoped3A_263 = tpu.sem_alloc : memref<!tpu.dma_semaphore, #tpu.memory_space<semaphore_mem>>
      %dma_start3A_264 = arith.constant 0 : i32
      %dma_start3A_265 = tpu.memref_slice %arg5[%arg0, %add3A_128, %dma_start3A_264] : memref<2x10000x128xf32, #tpu.memory_space<hbm>> -> memref<1x160x64xf32, #tpu.memory_space<hbm>>
      %dma_start3A_266 = tpu.memref_squeeze %dma_start3A_265 : memref<1x160x64xf32, #tpu.memory_space<hbm>> -> memref<160x64xf32, #tpu.memory_space<hbm>>
      %dma_start3A_267 = arith.constant 0 : i32
      %dma_start3A_268 = tpu.memref_slice %arg5[%arg0, %add3A_128, %dma_start3A_267] : memref<2x10000x128xf32, #tpu.memory_space<hbm>> -> memref<1x160x64xf32, #tpu.memory_space<hbm>>
      %dma_start3A_269 = tpu.memref_squeeze %dma_start3A_268 : memref<1x160x64xf32, #tpu.memory_space<hbm>> -> memref<160x64xf32, #tpu.memory_space<hbm>>
      tpu.enqueue_dma source(%arg8 : memref<160x64xf32, #tpu.memory_space<vmem>>) target(%dma_start3A_269 : memref<160x64xf32, #tpu.memory_space<hbm>>) target_semaphore(%run_scoped3A_263 : memref<!tpu.dma_semaphore, #tpu.memory_space<semaphore_mem>>)
      %dma_wait3A_270 = arith.constant 0 : i32
      %dma_wait3A_271 = tpu.memref_slice %arg5[%arg0, %add3A_128, %dma_wait3A_270] : memref<2x10000x128xf32, #tpu.memory_space<hbm>> -> memref<1x160x64xf32, #tpu.memory_space<hbm>>
      %dma_wait3A_272 = tpu.memref_squeeze %dma_wait3A_271 : memref<1x160x64xf32, #tpu.memory_space<hbm>> -> memref<160x64xf32, #tpu.memory_space<hbm>>
      %dma_wait3A_273 = arith.constant 0 : i32
      %dma_wait3A_274 = tpu.memref_slice %arg5[%arg0, %add3A_128, %dma_wait3A_273] : memref<2x10000x128xf32, #tpu.memory_space<hbm>> -> memref<1x160x64xf32, #tpu.memory_space<hbm>>
      %dma_wait3A_275 = tpu.memref_squeeze %dma_wait3A_274 : memref<1x160x64xf32, #tpu.memory_space<hbm>> -> memref<160x64xf32, #tpu.memory_space<hbm>>
      tpu.wait_dma2 semaphore(%run_scoped3A_263 : memref<!tpu.dma_semaphore, #tpu.memory_space<semaphore_mem>>) src(%arg8 : memref<160x64xf32, #tpu.memory_space<vmem>>) dst(%dma_wait3A_275 : memref<160x64xf32, #tpu.memory_space<hbm>>)
      tpu.yield
    }) : () -> ()
    %add3A_129 = arith.constant 160 : i32
    %add3A_130 = arith.addi %min3A_12, %add3A_129 : i32
    "tpu.region"() ({
      %run_scoped3A_263 = tpu.sem_alloc : memref<!tpu.dma_semaphore, #tpu.memory_space<semaphore_mem>>
      %dma_start3A_264 = arith.constant 0 : i32
      %dma_start3A_265 = tpu.memref_slice %arg9[%add3A_130, %dma_start3A_264] : memref<10016x64xf32, #tpu.memory_space<vmem_shared>> -> memref<160x64xf32, #tpu.memory_space<vmem_shared>>
      %dma_start3A_266 = arith.constant 0 : i32
      %dma_start3A_267 = tpu.memref_slice %arg9[%add3A_130, %dma_start3A_266] : memref<10016x64xf32, #tpu.memory_space<vmem_shared>> -> memref<160x64xf32, #tpu.memory_space<vmem_shared>>
      tpu.enqueue_dma source(%dma_start3A_267 : memref<160x64xf32, #tpu.memory_space<vmem_shared>>) target(%arg8 : memref<160x64xf32, #tpu.memory_space<vmem>>) target_semaphore(%run_scoped3A_263 : memref<!tpu.dma_semaphore, #tpu.memory_space<semaphore_mem>>)
      %dma_wait3A_268 = arith.constant 0 : i32
      %dma_wait3A_269 = tpu.memref_slice %arg9[%add3A_130, %dma_wait3A_268] : memref<10016x64xf32, #tpu.memory_space<vmem_shared>> -> memref<160x64xf32, #tpu.memory_space<vmem_shared>>
      %dma_wait3A_270 = arith.constant 0 : i32
      %dma_wait3A_271 = tpu.memref_slice %arg9[%add3A_130, %dma_wait3A_270] : memref<10016x64xf32, #tpu.memory_space<vmem_shared>> -> memref<160x64xf32, #tpu.memory_space<vmem_shared>>
      tpu.wait_dma2 semaphore(%run_scoped3A_263 : memref<!tpu.dma_semaphore, #tpu.memory_space<semaphore_mem>>) src(%dma_wait3A_271 : memref<160x64xf32, #tpu.memory_space<vmem_shared>>) dst(%arg8 : memref<160x64xf32, #tpu.memory_space<vmem>>)
      tpu.yield
    }) : () -> ()
    "tpu.region"() ({
      %run_scoped3A_263 = tpu.sem_alloc : memref<!tpu.dma_semaphore, #tpu.memory_space<semaphore_mem>>
      %dma_start3A_264 = arith.constant 0 : i32
      %dma_start3A_265 = tpu.memref_slice %arg5[%arg0, %add3A_130, %dma_start3A_264] : memref<2x10000x128xf32, #tpu.memory_space<hbm>> -> memref<1x160x64xf32, #tpu.memory_space<hbm>>
      %dma_start3A_266 = tpu.memref_squeeze %dma_start3A_265 : memref<1x160x64xf32, #tpu.memory_space<hbm>> -> memref<160x64xf32, #tpu.memory_space<hbm>>
      %dma_start3A_267 = arith.constant 0 : i32
      %dma_start3A_268 = tpu.memref_slice %arg5[%arg0, %add3A_130, %dma_start3A_267] : memref<2x10000x128xf32, #tpu.memory_space<hbm>> -> memref<1x160x64xf32, #tpu.memory_space<hbm>>
      %dma_start3A_269 = tpu.memref_squeeze %dma_start3A_268 : memref<1x160x64xf32, #tpu.memory_space<hbm>> -> memref<160x64xf32, #tpu.memory_space<hbm>>
      tpu.enqueue_dma source(%arg8 : memref<160x64xf32, #tpu.memory_space<vmem>>) target(%dma_start3A_269 : memref<160x64xf32, #tpu.memory_space<hbm>>) target_semaphore(%run_scoped3A_263 : memref<!tpu.dma_semaphore, #tpu.memory_space<semaphore_mem>>)
      %dma_wait3A_270 = arith.constant 0 : i32
      %dma_wait3A_271 = tpu.memref_slice %arg5[%arg0, %add3A_130, %dma_wait3A_270] : memref<2x10000x128xf32, #tpu.memory_space<hbm>> -> memref<1x160x64xf32, #tpu.memory_space<hbm>>
      %dma_wait3A_272 = tpu.memref_squeeze %dma_wait3A_271 : memref<1x160x64xf32, #tpu.memory_space<hbm>> -> memref<160x64xf32, #tpu.memory_space<hbm>>
      %dma_wait3A_273 = arith.constant 0 : i32
      %dma_wait3A_274 = tpu.memref_slice %arg5[%arg0, %add3A_130, %dma_wait3A_273] : memref<2x10000x128xf32, #tpu.memory_space<hbm>> -> memref<1x160x64xf32, #tpu.memory_space<hbm>>
      %dma_wait3A_275 = tpu.memref_squeeze %dma_wait3A_274 : memref<1x160x64xf32, #tpu.memory_space<hbm>> -> memref<160x64xf32, #tpu.memory_space<hbm>>
      tpu.wait_dma2 semaphore(%run_scoped3A_263 : memref<!tpu.dma_semaphore, #tpu.memory_space<semaphore_mem>>) src(%arg8 : memref<160x64xf32, #tpu.memory_space<vmem>>) dst(%dma_wait3A_275 : memref<160x64xf32, #tpu.memory_space<hbm>>)
      tpu.yield
    }) : () -> ()
    %add3A_131 = arith.constant 320 : i32
    %add3A_132 = arith.addi %min3A_12, %add3A_131 : i32
    "tpu.region"() ({
      %run_scoped3A_263 = tpu.sem_alloc : memref<!tpu.dma_semaphore, #tpu.memory_space<semaphore_mem>>
      %dma_start3A_264 = arith.constant 0 : i32
      %dma_start3A_265 = tpu.memref_slice %arg9[%add3A_132, %dma_start3A_264] : memref<10016x64xf32, #tpu.memory_space<vmem_shared>> -> memref<160x64xf32, #tpu.memory_space<vmem_shared>>
      %dma_start3A_266 = arith.constant 0 : i32
      %dma_start3A_267 = tpu.memref_slice %arg9[%add3A_132, %dma_start3A_266] : memref<10016x64xf32, #tpu.memory_space<vmem_shared>> -> memref<160x64xf32, #tpu.memory_space<vmem_shared>>
      tpu.enqueue_dma source(%dma_start3A_267 : memref<160x64xf32, #tpu.memory_space<vmem_shared>>) target(%arg8 : memref<160x64xf32, #tpu.memory_space<vmem>>) target_semaphore(%run_scoped3A_263 : memref<!tpu.dma_semaphore, #tpu.memory_space<semaphore_mem>>)
      %dma_wait3A_268 = arith.constant 0 : i32
      %dma_wait3A_269 = tpu.memref_slice %arg9[%add3A_132, %dma_wait3A_268] : memref<10016x64xf32, #tpu.memory_space<vmem_shared>> -> memref<160x64xf32, #tpu.memory_space<vmem_shared>>
      %dma_wait3A_270 = arith.constant 0 : i32
      %dma_wait3A_271 = tpu.memref_slice %arg9[%add3A_132, %dma_wait3A_270] : memref<10016x64xf32, #tpu.memory_space<vmem_shared>> -> memref<160x64xf32, #tpu.memory_space<vmem_shared>>
      tpu.wait_dma2 semaphore(%run_scoped3A_263 : memref<!tpu.dma_semaphore, #tpu.memory_space<semaphore_mem>>) src(%dma_wait3A_271 : memref<160x64xf32, #tpu.memory_space<vmem_shared>>) dst(%arg8 : memref<160x64xf32, #tpu.memory_space<vmem>>)
      tpu.yield
    }) : () -> ()
    "tpu.region"() ({
      %run_scoped3A_263 = tpu.sem_alloc : memref<!tpu.dma_semaphore, #tpu.memory_space<semaphore_mem>>
      %dma_start3A_264 = arith.constant 0 : i32
      %dma_start3A_265 = tpu.memref_slice %arg5[%arg0, %add3A_132, %dma_start3A_264] : memref<2x10000x128xf32, #tpu.memory_space<hbm>> -> memref<1x160x64xf32, #tpu.memory_space<hbm>>
      %dma_start3A_266 = tpu.memref_squeeze %dma_start3A_265 : memref<1x160x64xf32, #tpu.memory_space<hbm>> -> memref<160x64xf32, #tpu.memory_space<hbm>>
      %dma_start3A_267 = arith.constant 0 : i32
      %dma_start3A_268 = tpu.memref_slice %arg5[%arg0, %add3A_132, %dma_start3A_267] : memref<2x10000x128xf32, #tpu.memory_space<hbm>> -> memref<1x160x64xf32, #tpu.memory_space<hbm>>
      %dma_start3A_269 = tpu.memref_squeeze %dma_start3A_268 : memref<1x160x64xf32, #tpu.memory_space<hbm>> -> memref<160x64xf32, #tpu.memory_space<hbm>>
      tpu.enqueue_dma source(%arg8 : memref<160x64xf32, #tpu.memory_space<vmem>>) target(%dma_start3A_269 : memref<160x64xf32, #tpu.memory_space<hbm>>) target_semaphore(%run_scoped3A_263 : memref<!tpu.dma_semaphore, #tpu.memory_space<semaphore_mem>>)
      %dma_wait3A_270 = arith.constant 0 : i32
      %dma_wait3A_271 = tpu.memref_slice %arg5[%arg0, %add3A_132, %dma_wait3A_270] : memref<2x10000x128xf32, #tpu.memory_space<hbm>> -> memref<1x160x64xf32, #tpu.memory_space<hbm>>
      %dma_wait3A_272 = tpu.memref_squeeze %dma_wait3A_271 : memref<1x160x64xf32, #tpu.memory_space<hbm>> -> memref<160x64xf32, #tpu.memory_space<hbm>>
      %dma_wait3A_273 = arith.constant 0 : i32
      %dma_wait3A_274 = tpu.memref_slice %arg5[%arg0, %add3A_132, %dma_wait3A_273] : memref<2x10000x128xf32, #tpu.memory_space<hbm>> -> memref<1x160x64xf32, #tpu.memory_space<hbm>>
      %dma_wait3A_275 = tpu.memref_squeeze %dma_wait3A_274 : memref<1x160x64xf32, #tpu.memory_space<hbm>> -> memref<160x64xf32, #tpu.memory_space<hbm>>
      tpu.wait_dma2 semaphore(%run_scoped3A_263 : memref<!tpu.dma_semaphore, #tpu.memory_space<semaphore_mem>>) src(%arg8 : memref<160x64xf32, #tpu.memory_space<vmem>>) dst(%dma_wait3A_275 : memref<160x64xf32, #tpu.memory_space<hbm>>)
      tpu.yield
    }) : () -> ()
    %add3A_133 = arith.constant 480 : i32
    %add3A_134 = arith.addi %min3A_12, %add3A_133 : i32
    "tpu.region"() ({
      %run_scoped3A_263 = tpu.sem_alloc : memref<!tpu.dma_semaphore, #tpu.memory_space<semaphore_mem>>
      %dma_start3A_264 = arith.constant 0 : i32
      %dma_start3A_265 = tpu.memref_slice %arg9[%add3A_134, %dma_start3A_264] : memref<10016x64xf32, #tpu.memory_space<vmem_shared>> -> memref<160x64xf32, #tpu.memory_space<vmem_shared>>
      %dma_start3A_266 = arith.constant 0 : i32
      %dma_start3A_267 = tpu.memref_slice %arg9[%add3A_134, %dma_start3A_266] : memref<10016x64xf32, #tpu.memory_space<vmem_shared>> -> memref<160x64xf32, #tpu.memory_space<vmem_shared>>
      tpu.enqueue_dma source(%dma_start3A_267 : memref<160x64xf32, #tpu.memory_space<vmem_shared>>) target(%arg8 : memref<160x64xf32, #tpu.memory_space<vmem>>) target_semaphore(%run_scoped3A_263 : memref<!tpu.dma_semaphore, #tpu.memory_space<semaphore_mem>>)
      %dma_wait3A_268 = arith.constant 0 : i32
      %dma_wait3A_269 = tpu.memref_slice %arg9[%add3A_134, %dma_wait3A_268] : memref<10016x64xf32, #tpu.memory_space<vmem_shared>> -> memref<160x64xf32, #tpu.memory_space<vmem_shared>>
      %dma_wait3A_270 = arith.constant 0 : i32
      %dma_wait3A_271 = tpu.memref_slice %arg9[%add3A_134, %dma_wait3A_270] : memref<10016x64xf32, #tpu.memory_space<vmem_shared>> -> memref<160x64xf32, #tpu.memory_space<vmem_shared>>
      tpu.wait_dma2 semaphore(%run_scoped3A_263 : memref<!tpu.dma_semaphore, #tpu.memory_space<semaphore_mem>>) src(%dma_wait3A_271 : memref<160x64xf32, #tpu.memory_space<vmem_shared>>) dst(%arg8 : memref<160x64xf32, #tpu.memory_space<vmem>>)
      tpu.yield
    }) : () -> ()
    "tpu.region"() ({
      %run_scoped3A_263 = tpu.sem_alloc : memref<!tpu.dma_semaphore, #tpu.memory_space<semaphore_mem>>
      %dma_start3A_264 = arith.constant 0 : i32
      %dma_start3A_265 = tpu.memref_slice %arg5[%arg0, %add3A_134, %dma_start3A_264] : memref<2x10000x128xf32, #tpu.memory_space<hbm>> -> memref<1x160x64xf32, #tpu.memory_space<hbm>>
      %dma_start3A_266 = tpu.memref_squeeze %dma_start3A_265 : memref<1x160x64xf32, #tpu.memory_space<hbm>> -> memref<160x64xf32, #tpu.memory_space<hbm>>
      %dma_start3A_267 = arith.constant 0 : i32
      %dma_start3A_268 = tpu.memref_slice %arg5[%arg0, %add3A_134, %dma_start3A_267] : memref<2x10000x128xf32, #tpu.memory_space<hbm>> -> memref<1x160x64xf32, #tpu.memory_space<hbm>>
      %dma_start3A_269 = tpu.memref_squeeze %dma_start3A_268 : memref<1x160x64xf32, #tpu.memory_space<hbm>> -> memref<160x64xf32, #tpu.memory_space<hbm>>
      tpu.enqueue_dma source(%arg8 : memref<160x64xf32, #tpu.memory_space<vmem>>) target(%dma_start3A_269 : memref<160x64xf32, #tpu.memory_space<hbm>>) target_semaphore(%run_scoped3A_263 : memref<!tpu.dma_semaphore, #tpu.memory_space<semaphore_mem>>)
      %dma_wait3A_270 = arith.constant 0 : i32
      %dma_wait3A_271 = tpu.memref_slice %arg5[%arg0, %add3A_134, %dma_wait3A_270] : memref<2x10000x128xf32, #tpu.memory_space<hbm>> -> memref<1x160x64xf32, #tpu.memory_space<hbm>>
      %dma_wait3A_272 = tpu.memref_squeeze %dma_wait3A_271 : memref<1x160x64xf32, #tpu.memory_space<hbm>> -> memref<160x64xf32, #tpu.memory_space<hbm>>
      %dma_wait3A_273 = arith.constant 0 : i32
      %dma_wait3A_274 = tpu.memref_slice %arg5[%arg0, %add3A_134, %dma_wait3A_273] : memref<2x10000x128xf32, #tpu.memory_space<hbm>> -> memref<1x160x64xf32, #tpu.memory_space<hbm>>
      %dma_wait3A_275 = tpu.memref_squeeze %dma_wait3A_274 : memref<1x160x64xf32, #tpu.memory_space<hbm>> -> memref<160x64xf32, #tpu.memory_space<hbm>>
      tpu.wait_dma2 semaphore(%run_scoped3A_263 : memref<!tpu.dma_semaphore, #tpu.memory_space<semaphore_mem>>) src(%arg8 : memref<160x64xf32, #tpu.memory_space<vmem>>) dst(%dma_wait3A_275 : memref<160x64xf32, #tpu.memory_space<hbm>>)
      tpu.yield
    }) : () -> ()
    %scan3A_135 = arith.constant 0 : i32
    %scan3A_136 = arith.constant 0 : i32
    %scan3A_137 = arith.constant 640 : i32
    %scan3A_138 = arith.addi %scan3A_136, %scan3A_137 : i32
    %scan3A_139 = arith.constant 1 : i32
    scf.for %scan3A_263 = %scan3A_136 to %scan3A_138 step %scan3A_139  : i32 {
      %broadcast_in_dim3A = arith.constant 0.000000e+00 : f32
      %broadcast_in_dim3A_264 = vector.broadcast %broadcast_in_dim3A : f32 to vector<16xf32>
      %jit3A_265 = arith.constant 4 : i32
      %div3A_266 = arith.divsi %scan3A_263, %jit3A_265 : i32
      %sign3A_267 = arith.constant 0 : i32
      %sign3A_268 = arith.cmpi sgt, %scan3A_263, %sign3A_267 : i32
      %sign3A_269 = arith.extui %sign3A_268 : i1 to i32
      %sign3A_270 = arith.constant 0 : i32
      %sign3A_271 = arith.cmpi slt, %scan3A_263, %sign3A_270 : i32
      %sign3A_272 = arith.extui %sign3A_271 : i1 to i32
      %sign3A_273 = arith.subi %sign3A_269, %sign3A_272 : i32
      %sign3A_274 = arith.constant 0 : i32
      %sign3A_275 = arith.cmpi sgt, %jit3A_265, %sign3A_274 : i32
      %sign3A_276 = arith.extui %sign3A_275 : i1 to i32
      %sign3A_277 = arith.constant 0 : i32
      %sign3A_278 = arith.cmpi slt, %jit3A_265, %sign3A_277 : i32
      %sign3A_279 = arith.extui %sign3A_278 : i1 to i32
      %sign3A_280 = arith.subi %sign3A_276, %sign3A_279 : i32
      %ne3A_281 = arith.cmpi ne, %sign3A_273, %sign3A_280 : i32
      %rem3A_282 = arith.remsi %scan3A_263, %jit3A_265 : i32
      %ne3A_283 = arith.constant 0 : i32
      %ne3A_284 = arith.cmpi ne, %rem3A_282, %ne3A_283 : i32
      %and3A_285 = arith.andi %ne3A_281, %ne3A_284 : i1
      %sub3A_286 = arith.constant 1 : i32
      %sub3A_287 = arith.subi %div3A_266, %sub3A_286 : i32
      %select_n3A_288 = arith.select %and3A_285, %sub3A_287, %div3A_266 : i32
      %jit3A_289 = arith.constant 4 : i32
      %eq3A = arith.constant 0 : i32
      %eq3A_290 = arith.cmpi eq, %jit3A_289, %eq3A : i32
      %jit3A_291 = arith.constant 1 : i32
      %select_n3A_292 = arith.select %eq3A_290, %jit3A_291, %jit3A_289 : i32
      %rem3A_293 = arith.remsi %scan3A_263, %select_n3A_292 : i32
      %ne3A_294 = arith.constant 0 : i32
      %ne3A_295 = arith.cmpi ne, %rem3A_293, %ne3A_294 : i32
      %lt3A = arith.constant 0 : i32
      %lt3A_296 = arith.cmpi slt, %rem3A_293, %lt3A : i32
      %lt3A_297 = arith.constant 0 : i32
      %lt3A_298 = arith.cmpi slt, %select_n3A_292, %lt3A_297 : i32
      %ne3A_299 = arith.xori %lt3A_296, %lt3A_298 : i1
      %and3A_300 = arith.andi %ne3A_299, %ne3A_295 : i1
      %add3A_301 = arith.addi %rem3A_293, %select_n3A_292 : i32
      %select_n3A_302 = arith.select %and3A_300, %add3A_301, %rem3A_293 : i32
      %mul3A_303 = arith.constant 16 : i32
      %mul3A_304 = arith.muli %select_n3A_302, %mul3A_303 : i32
      %swap3A = arith.index_cast %select_n3A_288 : i32 to index
      %swap3A_305 = arith.index_cast %mul3A_304 : i32 to index
      %swap3A_306 = tpu.vector_load %arg8[%swap3A, %swap3A_305] {strides = array<i32>} : memref<160x64xf32, #tpu.memory_space<vmem>>, vector<16xf32>,
      tpu.vector_store %arg8[%swap3A, %swap3A_305], %broadcast_in_dim3A_264 {strides = array<i32>} : memref<160x64xf32, #tpu.memory_space<vmem>>, vector<16xf32>,
    }
    %scan3A_140 = arith.constant 640 : i32
    %add3A_141 = arith.constant 0 : i32
    %add3A_142 = arith.addi %min3A_12, %add3A_141 : i32
    "tpu.region"() ({
      %run_scoped3A_263 = tpu.sem_alloc : memref<!tpu.dma_semaphore, #tpu.memory_space<semaphore_mem>>
      %dma_start3A_264 = arith.constant 0 : i32
      %dma_start3A_265 = tpu.memref_slice %arg9[%add3A_142, %dma_start3A_264] : memref<10016x64xf32, #tpu.memory_space<vmem_shared>> -> memref<160x64xf32, #tpu.memory_space<vmem_shared>>
      %dma_start3A_266 = arith.constant 0 : i32
      %dma_start3A_267 = tpu.memref_slice %arg9[%add3A_142, %dma_start3A_266] : memref<10016x64xf32, #tpu.memory_space<vmem_shared>> -> memref<160x64xf32, #tpu.memory_space<vmem_shared>>
      tpu.enqueue_dma source(%arg8 : memref<160x64xf32, #tpu.memory_space<vmem>>) target(%dma_start3A_267 : memref<160x64xf32, #tpu.memory_space<vmem_shared>>) target_semaphore(%run_scoped3A_263 : memref<!tpu.dma_semaphore, #tpu.memory_space<semaphore_mem>>)
      %dma_wait3A_268 = arith.constant 0 : i32
      %dma_wait3A_269 = tpu.memref_slice %arg9[%add3A_142, %dma_wait3A_268] : memref<10016x64xf32, #tpu.memory_space<vmem_shared>> -> memref<160x64xf32, #tpu.memory_space<vmem_shared>>
      %dma_wait3A_270 = arith.constant 0 : i32
      %dma_wait3A_271 = tpu.memref_slice %arg9[%add3A_142, %dma_wait3A_270] : memref<10016x64xf32, #tpu.memory_space<vmem_shared>> -> memref<160x64xf32, #tpu.memory_space<vmem_shared>>
      tpu.wait_dma2 semaphore(%run_scoped3A_263 : memref<!tpu.dma_semaphore, #tpu.memory_space<semaphore_mem>>) src(%arg8 : memref<160x64xf32, #tpu.memory_space<vmem>>) dst(%dma_wait3A_271 : memref<160x64xf32, #tpu.memory_space<vmem_shared>>)
      tpu.yield
    }) : () -> ()
    %add3A_143 = arith.constant 160 : i32
    %add3A_144 = arith.addi %min3A_12, %add3A_143 : i32
    "tpu.region"() ({
      %run_scoped3A_263 = tpu.sem_alloc : memref<!tpu.dma_semaphore, #tpu.memory_space<semaphore_mem>>
      %dma_start3A_264 = arith.constant 0 : i32
      %dma_start3A_265 = tpu.memref_slice %arg9[%add3A_144, %dma_start3A_264] : memref<10016x64xf32, #tpu.memory_space<vmem_shared>> -> memref<160x64xf32, #tpu.memory_space<vmem_shared>>
      %dma_start3A_266 = arith.constant 0 : i32
      %dma_start3A_267 = tpu.memref_slice %arg9[%add3A_144, %dma_start3A_266] : memref<10016x64xf32, #tpu.memory_space<vmem_shared>> -> memref<160x64xf32, #tpu.memory_space<vmem_shared>>
      tpu.enqueue_dma source(%arg8 : memref<160x64xf32, #tpu.memory_space<vmem>>) target(%dma_start3A_267 : memref<160x64xf32, #tpu.memory_space<vmem_shared>>) target_semaphore(%run_scoped3A_263 : memref<!tpu.dma_semaphore, #tpu.memory_space<semaphore_mem>>)
      %dma_wait3A_268 = arith.constant 0 : i32
      %dma_wait3A_269 = tpu.memref_slice %arg9[%add3A_144, %dma_wait3A_268] : memref<10016x64xf32, #tpu.memory_space<vmem_shared>> -> memref<160x64xf32, #tpu.memory_space<vmem_shared>>
      %dma_wait3A_270 = arith.constant 0 : i32
      %dma_wait3A_271 = tpu.memref_slice %arg9[%add3A_144, %dma_wait3A_270] : memref<10016x64xf32, #tpu.memory_space<vmem_shared>> -> memref<160x64xf32, #tpu.memory_space<vmem_shared>>
      tpu.wait_dma2 semaphore(%run_scoped3A_263 : memref<!tpu.dma_semaphore, #tpu.memory_space<semaphore_mem>>) src(%arg8 : memref<160x64xf32, #tpu.memory_space<vmem>>) dst(%dma_wait3A_271 : memref<160x64xf32, #tpu.memory_space<vmem_shared>>)
      tpu.yield
    }) : () -> ()
    %add3A_145 = arith.constant 320 : i32
    %add3A_146 = arith.addi %min3A_12, %add3A_145 : i32
    "tpu.region"() ({
      %run_scoped3A_263 = tpu.sem_alloc : memref<!tpu.dma_semaphore, #tpu.memory_space<semaphore_mem>>
      %dma_start3A_264 = arith.constant 0 : i32
      %dma_start3A_265 = tpu.memref_slice %arg9[%add3A_146, %dma_start3A_264] : memref<10016x64xf32, #tpu.memory_space<vmem_shared>> -> memref<160x64xf32, #tpu.memory_space<vmem_shared>>
      %dma_start3A_266 = arith.constant 0 : i32
      %dma_start3A_267 = tpu.memref_slice %arg9[%add3A_146, %dma_start3A_266] : memref<10016x64xf32, #tpu.memory_space<vmem_shared>> -> memref<160x64xf32, #tpu.memory_space<vmem_shared>>
      tpu.enqueue_dma source(%arg8 : memref<160x64xf32, #tpu.memory_space<vmem>>) target(%dma_start3A_267 : memref<160x64xf32, #tpu.memory_space<vmem_shared>>) target_semaphore(%run_scoped3A_263 : memref<!tpu.dma_semaphore, #tpu.memory_space<semaphore_mem>>)
      %dma_wait3A_268 = arith.constant 0 : i32
      %dma_wait3A_269 = tpu.memref_slice %arg9[%add3A_146, %dma_wait3A_268] : memref<10016x64xf32, #tpu.memory_space<vmem_shared>> -> memref<160x64xf32, #tpu.memory_space<vmem_shared>>
      %dma_wait3A_270 = arith.constant 0 : i32
      %dma_wait3A_271 = tpu.memref_slice %arg9[%add3A_146, %dma_wait3A_270] : memref<10016x64xf32, #tpu.memory_space<vmem_shared>> -> memref<160x64xf32, #tpu.memory_space<vmem_shared>>
      tpu.wait_dma2 semaphore(%run_scoped3A_263 : memref<!tpu.dma_semaphore, #tpu.memory_space<semaphore_mem>>) src(%arg8 : memref<160x64xf32, #tpu.memory_space<vmem>>) dst(%dma_wait3A_271 : memref<160x64xf32, #tpu.memory_space<vmem_shared>>)
      tpu.yield
    }) : () -> ()
    %add3A_147 = arith.constant 480 : i32
    %add3A_148 = arith.addi %min3A_12, %add3A_147 : i32
    "tpu.region"() ({
      %run_scoped3A_263 = tpu.sem_alloc : memref<!tpu.dma_semaphore, #tpu.memory_space<semaphore_mem>>
      %dma_start3A_264 = arith.constant 0 : i32
      %dma_start3A_265 = tpu.memref_slice %arg9[%add3A_148, %dma_start3A_264] : memref<10016x64xf32, #tpu.memory_space<vmem_shared>> -> memref<160x64xf32, #tpu.memory_space<vmem_shared>>
      %dma_start3A_266 = arith.constant 0 : i32
      %dma_start3A_267 = tpu.memref_slice %arg9[%add3A_148, %dma_start3A_266] : memref<10016x64xf32, #tpu.memory_space<vmem_shared>> -> memref<160x64xf32, #tpu.memory_space<vmem_shared>>
      tpu.enqueue_dma source(%arg8 : memref<160x64xf32, #tpu.memory_space<vmem>>) target(%dma_start3A_267 : memref<160x64xf32, #tpu.memory_space<vmem_shared>>) target_semaphore(%run_scoped3A_263 : memref<!tpu.dma_semaphore, #tpu.memory_space<semaphore_mem>>)
      %dma_wait3A_268 = arith.constant 0 : i32
      %dma_wait3A_269 = tpu.memref_slice %arg9[%add3A_148, %dma_wait3A_268] : memref<10016x64xf32, #tpu.memory_space<vmem_shared>> -> memref<160x64xf32, #tpu.memory_space<vmem_shared>>
      %dma_wait3A_270 = arith.constant 0 : i32
      %dma_wait3A_271 = tpu.memref_slice %arg9[%add3A_148, %dma_wait3A_270] : memref<10016x64xf32, #tpu.memory_space<vmem_shared>> -> memref<160x64xf32, #tpu.memory_space<vmem_shared>>
      tpu.wait_dma2 semaphore(%run_scoped3A_263 : memref<!tpu.dma_semaphore, #tpu.memory_space<semaphore_mem>>) src(%arg8 : memref<160x64xf32, #tpu.memory_space<vmem>>) dst(%dma_wait3A_271 : memref<160x64xf32, #tpu.memory_space<vmem_shared>>)
      tpu.yield
    }) : () -> ()
    %barrier3A_149 = arith.constant 0 : index
    tpu.barrier barrier_id(%barrier3A_149)
    %dma_start3A_150 = arith.constant 0 : i32
    %dma_start3A_151 = arith.constant 0 : i32
    %dma_start3A_152 = tpu.memref_slice %arg6[%dma_start3A_150, %dma_start3A_151] : memref<80x128xi32, #tpu.memory_space<vmem>> -> memref<1x128xi32, #tpu.memory_space<vmem>>
    %dma_start3A_153 = tpu.memref_squeeze %dma_start3A_152 : memref<1x128xi32, #tpu.memory_space<vmem>> -> memref<128xi32, #tpu.memory_space<vmem>>
    %dma_start3A_154 = arith.constant 0 : i32
    %dma_start3A_155 = arith.constant 0 : i32
    %dma_start3A_156 = tpu.memref_slice %arg3[%dma_start3A_154, %dma_start3A_155] : memref<10000x64xf32, #tpu.memory_space<hbm>> -> memref<10000x64xf32, #tpu.memory_space<hbm>>
    tpu.enqueue_indirect_dma source(%dma_start3A_156 : memref<10000x64xf32, #tpu.memory_space<hbm>>) target(%arg10 : memref<128x64xf32, #tpu.memory_space<vmem>>) offsets(%dma_start3A_153 : memref<128xi32, #tpu.memory_space<vmem>>) semaphore(%arg14 : memref<!tpu.dma_semaphore, #tpu.memory_space<semaphore_mem>>)
    %dma_start3A_157 = arith.constant 1 : i32
    %dma_start3A_158 = arith.constant 0 : i32
    %dma_start3A_159 = tpu.memref_slice %arg6[%dma_start3A_157, %dma_start3A_158] : memref<80x128xi32, #tpu.memory_space<vmem>> -> memref<1x128xi32, #tpu.memory_space<vmem>>
    %dma_start3A_160 = tpu.memref_squeeze %dma_start3A_159 : memref<1x128xi32, #tpu.memory_space<vmem>> -> memref<128xi32, #tpu.memory_space<vmem>>
    %dma_start3A_161 = arith.constant 0 : i32
    %dma_start3A_162 = arith.constant 0 : i32
    %dma_start3A_163 = tpu.memref_slice %arg3[%dma_start3A_161, %dma_start3A_162] : memref<10000x64xf32, #tpu.memory_space<hbm>> -> memref<10000x64xf32, #tpu.memory_space<hbm>>
    tpu.enqueue_indirect_dma source(%dma_start3A_163 : memref<10000x64xf32, #tpu.memory_space<hbm>>) target(%arg11 : memref<128x64xf32, #tpu.memory_space<vmem>>) offsets(%dma_start3A_160 : memref<128xi32, #tpu.memory_space<vmem>>) semaphore(%arg15 : memref<!tpu.dma_semaphore, #tpu.memory_space<semaphore_mem>>)
    %dma_start3A_164 = arith.constant 2 : i32
    %dma_start3A_165 = arith.constant 0 : i32
    %dma_start3A_166 = tpu.memref_slice %arg6[%dma_start3A_164, %dma_start3A_165] : memref<80x128xi32, #tpu.memory_space<vmem>> -> memref<1x128xi32, #tpu.memory_space<vmem>>
    %dma_start3A_167 = tpu.memref_squeeze %dma_start3A_166 : memref<1x128xi32, #tpu.memory_space<vmem>> -> memref<128xi32, #tpu.memory_space<vmem>>
    %dma_start3A_168 = arith.constant 0 : i32
    %dma_start3A_169 = arith.constant 0 : i32
    %dma_start3A_170 = tpu.memref_slice %arg3[%dma_start3A_168, %dma_start3A_169] : memref<10000x64xf32, #tpu.memory_space<hbm>> -> memref<10000x64xf32, #tpu.memory_space<hbm>>
    tpu.enqueue_indirect_dma source(%dma_start3A_170 : memref<10000x64xf32, #tpu.memory_space<hbm>>) target(%arg12 : memref<128x64xf32, #tpu.memory_space<vmem>>) offsets(%dma_start3A_167 : memref<128xi32, #tpu.memory_space<vmem>>) semaphore(%arg16 : memref<!tpu.dma_semaphore, #tpu.memory_space<semaphore_mem>>)
    %dma_start3A_171 = arith.constant 3 : i32
    %dma_start3A_172 = arith.constant 0 : i32
    %dma_start3A_173 = tpu.memref_slice %arg6[%dma_start3A_171, %dma_start3A_172] : memref<80x128xi32, #tpu.memory_space<vmem>> -> memref<1x128xi32, #tpu.memory_space<vmem>>
    %dma_start3A_174 = tpu.memref_squeeze %dma_start3A_173 : memref<1x128xi32, #tpu.memory_space<vmem>> -> memref<128xi32, #tpu.memory_space<vmem>>
    %dma_start3A_175 = arith.constant 0 : i32
    %dma_start3A_176 = arith.constant 0 : i32
    %dma_start3A_177 = tpu.memref_slice %arg3[%dma_start3A_175, %dma_start3A_176] : memref<10000x64xf32, #tpu.memory_space<hbm>> -> memref<10000x64xf32, #tpu.memory_space<hbm>>
    tpu.enqueue_indirect_dma source(%dma_start3A_177 : memref<10000x64xf32, #tpu.memory_space<hbm>>) target(%arg13 : memref<128x64xf32, #tpu.memory_space<vmem>>) offsets(%dma_start3A_174 : memref<128xi32, #tpu.memory_space<vmem>>) semaphore(%arg17 : memref<!tpu.dma_semaphore, #tpu.memory_space<semaphore_mem>>)
    %jit3A_178 = arith.constant 4 : i32
    %div3A_179 = arith.divsi %min3A, %jit3A_178 : i32
    %sign3A_180 = arith.constant 0 : i32
    %sign3A_181 = arith.cmpi sgt, %min3A, %sign3A_180 : i32
    %sign3A_182 = arith.extui %sign3A_181 : i1 to i32
    %sign3A_183 = arith.constant 0 : i32
    %sign3A_184 = arith.cmpi slt, %min3A, %sign3A_183 : i32
    %sign3A_185 = arith.extui %sign3A_184 : i1 to i32
    %sign3A_186 = arith.subi %sign3A_182, %sign3A_185 : i32
    %sign3A_187 = arith.constant 0 : i32
    %sign3A_188 = arith.cmpi sgt, %jit3A_178, %sign3A_187 : i32
    %sign3A_189 = arith.extui %sign3A_188 : i1 to i32
    %sign3A_190 = arith.constant 0 : i32
    %sign3A_191 = arith.cmpi slt, %jit3A_178, %sign3A_190 : i32
    %sign3A_192 = arith.extui %sign3A_191 : i1 to i32
    %sign3A_193 = arith.subi %sign3A_189, %sign3A_192 : i32
    %ne3A_194 = arith.cmpi ne, %sign3A_186, %sign3A_193 : i32
    %rem3A_195 = arith.remsi %min3A, %jit3A_178 : i32
    %ne3A_196 = arith.constant 0 : i32
    %ne3A_197 = arith.cmpi ne, %rem3A_195, %ne3A_196 : i32
    %and3A_198 = arith.andi %ne3A_194, %ne3A_197 : i1
    %sub3A_199 = arith.constant 1 : i32
    %sub3A_200 = arith.subi %div3A_179, %sub3A_199 : i32
    %select_n3A_201 = arith.select %and3A_198, %sub3A_200, %div3A_179 : i32
    %sub3A_202 = arith.constant 1 : i32
    %sub3A_203 = arith.subi %select_n3A_201, %sub3A_202 : i32
    %while3A_204 = arith.constant 0 : i32
    %while3A_205 = arith.constant 0 : i32
    %while3A_206 = arith.subi %sub3A_203, %while3A_205 : i32
    %while3A_207 = arith.addi %while3A_205, %while3A_206 : i32
    %while3A_208 = arith.constant 1 : i32
    %while3A_209 = arith.divsi %while3A_206, %while3A_208 : i32
    %while3A_210 = arith.muli %while3A_209, %while3A_208 : i32
    %while3A_211 = arith.addi %while3A_205, %while3A_210 : i32
    %while3A_212 = arith.constant 1 : i32
    scf.for %while3A_263 = %while3A_205 to %while3A_211 step %while3A_212  : i32 {
      %mul3A_264 = arith.constant 4 : i32
      %mul3A_265 = arith.muli %while3A_263, %mul3A_264 : i32
      %add3A_266 = arith.constant 0 : i32
      %add3A_267 = arith.addi %mul3A_265, %add3A_266 : i32
      %dma_wait3A_268 = arith.constant 0 : i32
      %dma_wait3A_269 = arith.constant 0 : i32
      %dma_wait3A_270 = tpu.memref_slice %arg3[%dma_wait3A_268, %dma_wait3A_269] : memref<10000x64xf32, #tpu.memory_space<hbm>> -> memref<128x64xf32, #tpu.memory_space<hbm>>
      %dma_wait3A_271 = arith.constant 0 : i32
      %dma_wait3A_272 = arith.constant 0 : i32
      %dma_wait3A_273 = tpu.memref_slice %arg3[%dma_wait3A_271, %dma_wait3A_272] : memref<10000x64xf32, #tpu.memory_space<hbm>> -> memref<128x64xf32, #tpu.memory_space<hbm>>
      tpu.wait_dma2 semaphore(%arg14 : memref<!tpu.dma_semaphore, #tpu.memory_space<semaphore_mem>>) src(%dma_wait3A_273 : memref<128x64xf32, #tpu.memory_space<hbm>>) dst(%arg10 : memref<128x64xf32, #tpu.memory_space<vmem>>)
      "tpu.region"() ({
        %run_scoped3A_336 = tpu.sem_alloc : memref<!tpu.dma_semaphore, #tpu.memory_space<semaphore_mem>>
        %dma_start3A_337 = arith.constant 0 : i32
        %dma_start3A_338 = tpu.memref_slice %arg7[%add3A_267, %dma_start3A_337] : memref<80x128xi32, #tpu.memory_space<vmem>> -> memref<1x128xi32, #tpu.memory_space<vmem>>
        %dma_start3A_339 = tpu.memref_squeeze %dma_start3A_338 : memref<1x128xi32, #tpu.memory_space<vmem>> -> memref<128xi32, #tpu.memory_space<vmem>>
        %dma_start3A_340 = arith.constant 0 : i32
        %dma_start3A_341 = arith.constant 0 : i32
        %dma_start3A_342 = tpu.memref_slice %arg9[%dma_start3A_340, %dma_start3A_341] : memref<10016x64xf32, #tpu.memory_space<vmem_shared>> -> memref<10016x64xf32, #tpu.memory_space<vmem_shared>>
        tpu.enqueue_indirect_dma source(%arg10 : memref<128x64xf32, #tpu.memory_space<vmem>>) target(%dma_start3A_342 : memref<10016x64xf32, #tpu.memory_space<vmem_shared>>) offsets(%dma_start3A_339 : memref<128xi32, #tpu.memory_space<vmem>>) semaphore(%run_scoped3A_336 : memref<!tpu.dma_semaphore, #tpu.memory_space<semaphore_mem>>) {add = true}
        %dma_wait3A_343 = arith.constant 0 : i32
        %dma_wait3A_344 = tpu.memref_slice %arg7[%add3A_267, %dma_wait3A_343] : memref<80x128xi32, #tpu.memory_space<vmem>> -> memref<1x128xi32, #tpu.memory_space<vmem>>
        %dma_wait3A_345 = tpu.memref_squeeze %dma_wait3A_344 : memref<1x128xi32, #tpu.memory_space<vmem>> -> memref<128xi32, #tpu.memory_space<vmem>>
        %dma_wait3A_346 = arith.constant 0 : i32
        %dma_wait3A_347 = arith.constant 0 : i32
        %dma_wait3A_348 = tpu.memref_slice %arg9[%dma_wait3A_346, %dma_wait3A_347] : memref<10016x64xf32, #tpu.memory_space<vmem_shared>> -> memref<10016x64xf32, #tpu.memory_space<vmem_shared>>
        tpu.wait_indirect_dma semaphore(%run_scoped3A_336 : memref<!tpu.dma_semaphore, #tpu.memory_space<semaphore_mem>>) src(%arg10 : memref<128x64xf32, #tpu.memory_space<vmem>>) dst(%dma_wait3A_348 : memref<10016x64xf32, #tpu.memory_space<vmem_shared>>)
        tpu.yield
      }) : () -> ()
      %add3A_274 = arith.constant 4 : i32
      %add3A_275 = arith.addi %add3A_267, %add3A_274 : i32
      %dma_start3A_276 = arith.constant 0 : i32
      %dma_start3A_277 = tpu.memref_slice %arg6[%add3A_275, %dma_start3A_276] : memref<80x128xi32, #tpu.memory_space<vmem>> -> memref<1x128xi32, #tpu.memory_space<vmem>>
      %dma_start3A_278 = tpu.memref_squeeze %dma_start3A_277 : memref<1x128xi32, #tpu.memory_space<vmem>> -> memref<128xi32, #tpu.memory_space<vmem>>
      %dma_start3A_279 = arith.constant 0 : i32
      %dma_start3A_280 = arith.constant 0 : i32
      %dma_start3A_281 = tpu.memref_slice %arg3[%dma_start3A_279, %dma_start3A_280] : memref<10000x64xf32, #tpu.memory_space<hbm>> -> memref<10000x64xf32, #tpu.memory_space<hbm>>
      tpu.enqueue_indirect_dma source(%dma_start3A_281 : memref<10000x64xf32, #tpu.memory_space<hbm>>) target(%arg10 : memref<128x64xf32, #tpu.memory_space<vmem>>) offsets(%dma_start3A_278 : memref<128xi32, #tpu.memory_space<vmem>>) semaphore(%arg14 : memref<!tpu.dma_semaphore, #tpu.memory_space<semaphore_mem>>)
      %mul3A_282 = arith.constant 4 : i32
      %mul3A_283 = arith.muli %while3A_263, %mul3A_282 : i32
      %add3A_284 = arith.constant 1 : i32
      %add3A_285 = arith.addi %mul3A_283, %add3A_284 : i32
      %dma_wait3A_286 = arith.constant 0 : i32
      %dma_wait3A_287 = arith.constant 0 : i32
      %dma_wait3A_288 = tpu.memref_slice %arg3[%dma_wait3A_286, %dma_wait3A_287] : memref<10000x64xf32, #tpu.memory_space<hbm>> -> memref<128x64xf32, #tpu.memory_space<hbm>>
      %dma_wait3A_289 = arith.constant 0 : i32
      %dma_wait3A_290 = arith.constant 0 : i32
      %dma_wait3A_291 = tpu.memref_slice %arg3[%dma_wait3A_289, %dma_wait3A_290] : memref<10000x64xf32, #tpu.memory_space<hbm>> -> memref<128x64xf32, #tpu.memory_space<hbm>>
      tpu.wait_dma2 semaphore(%arg15 : memref<!tpu.dma_semaphore, #tpu.memory_space<semaphore_mem>>) src(%dma_wait3A_291 : memref<128x64xf32, #tpu.memory_space<hbm>>) dst(%arg11 : memref<128x64xf32, #tpu.memory_space<vmem>>)
      "tpu.region"() ({
        %run_scoped3A_336 = tpu.sem_alloc : memref<!tpu.dma_semaphore, #tpu.memory_space<semaphore_mem>>
        %dma_start3A_337 = arith.constant 0 : i32
        %dma_start3A_338 = tpu.memref_slice %arg7[%add3A_285, %dma_start3A_337] : memref<80x128xi32, #tpu.memory_space<vmem>> -> memref<1x128xi32, #tpu.memory_space<vmem>>
        %dma_start3A_339 = tpu.memref_squeeze %dma_start3A_338 : memref<1x128xi32, #tpu.memory_space<vmem>> -> memref<128xi32, #tpu.memory_space<vmem>>
        %dma_start3A_340 = arith.constant 0 : i32
        %dma_start3A_341 = arith.constant 0 : i32
        %dma_start3A_342 = tpu.memref_slice %arg9[%dma_start3A_340, %dma_start3A_341] : memref<10016x64xf32, #tpu.memory_space<vmem_shared>> -> memref<10016x64xf32, #tpu.memory_space<vmem_shared>>
        tpu.enqueue_indirect_dma source(%arg11 : memref<128x64xf32, #tpu.memory_space<vmem>>) target(%dma_start3A_342 : memref<10016x64xf32, #tpu.memory_space<vmem_shared>>) offsets(%dma_start3A_339 : memref<128xi32, #tpu.memory_space<vmem>>) semaphore(%run_scoped3A_336 : memref<!tpu.dma_semaphore, #tpu.memory_space<semaphore_mem>>) {add = true}
        %dma_wait3A_343 = arith.constant 0 : i32
        %dma_wait3A_344 = tpu.memref_slice %arg7[%add3A_285, %dma_wait3A_343] : memref<80x128xi32, #tpu.memory_space<vmem>> -> memref<1x128xi32, #tpu.memory_space<vmem>>
        %dma_wait3A_345 = tpu.memref_squeeze %dma_wait3A_344 : memref<1x128xi32, #tpu.memory_space<vmem>> -> memref<128xi32, #tpu.memory_space<vmem>>
        %dma_wait3A_346 = arith.constant 0 : i32
        %dma_wait3A_347 = arith.constant 0 : i32
        %dma_wait3A_348 = tpu.memref_slice %arg9[%dma_wait3A_346, %dma_wait3A_347] : memref<10016x64xf32, #tpu.memory_space<vmem_shared>> -> memref<10016x64xf32, #tpu.memory_space<vmem_shared>>
        tpu.wait_indirect_dma semaphore(%run_scoped3A_336 : memref<!tpu.dma_semaphore, #tpu.memory_space<semaphore_mem>>) src(%arg11 : memref<128x64xf32, #tpu.memory_space<vmem>>) dst(%dma_wait3A_348 : memref<10016x64xf32, #tpu.memory_space<vmem_shared>>)
        tpu.yield
      }) : () -> ()
      %add3A_292 = arith.constant 4 : i32
      %add3A_293 = arith.addi %add3A_285, %add3A_292 : i32
      %dma_start3A_294 = arith.constant 0 : i32
      %dma_start3A_295 = tpu.memref_slice %arg6[%add3A_293, %dma_start3A_294] : memref<80x128xi32, #tpu.memory_space<vmem>> -> memref<1x128xi32, #tpu.memory_space<vmem>>
      %dma_start3A_296 = tpu.memref_squeeze %dma_start3A_295 : memref<1x128xi32, #tpu.memory_space<vmem>> -> memref<128xi32, #tpu.memory_space<vmem>>
      %dma_start3A_297 = arith.constant 0 : i32
      %dma_start3A_298 = arith.constant 0 : i32
      %dma_start3A_299 = tpu.memref_slice %arg3[%dma_start3A_297, %dma_start3A_298] : memref<10000x64xf32, #tpu.memory_space<hbm>> -> memref<10000x64xf32, #tpu.memory_space<hbm>>
      tpu.enqueue_indirect_dma source(%dma_start3A_299 : memref<10000x64xf32, #tpu.memory_space<hbm>>) target(%arg11 : memref<128x64xf32, #tpu.memory_space<vmem>>) offsets(%dma_start3A_296 : memref<128xi32, #tpu.memory_space<vmem>>) semaphore(%arg15 : memref<!tpu.dma_semaphore, #tpu.memory_space<semaphore_mem>>)
      %mul3A_300 = arith.constant 4 : i32
      %mul3A_301 = arith.muli %while3A_263, %mul3A_300 : i32
      %add3A_302 = arith.constant 2 : i32
      %add3A_303 = arith.addi %mul3A_301, %add3A_302 : i32
      %dma_wait3A_304 = arith.constant 0 : i32
      %dma_wait3A_305 = arith.constant 0 : i32
      %dma_wait3A_306 = tpu.memref_slice %arg3[%dma_wait3A_304, %dma_wait3A_305] : memref<10000x64xf32, #tpu.memory_space<hbm>> -> memref<128x64xf32, #tpu.memory_space<hbm>>
      %dma_wait3A_307 = arith.constant 0 : i32
      %dma_wait3A_308 = arith.constant 0 : i32
      %dma_wait3A_309 = tpu.memref_slice %arg3[%dma_wait3A_307, %dma_wait3A_308] : memref<10000x64xf32, #tpu.memory_space<hbm>> -> memref<128x64xf32, #tpu.memory_space<hbm>>
      tpu.wait_dma2 semaphore(%arg16 : memref<!tpu.dma_semaphore, #tpu.memory_space<semaphore_mem>>) src(%dma_wait3A_309 : memref<128x64xf32, #tpu.memory_space<hbm>>) dst(%arg12 : memref<128x64xf32, #tpu.memory_space<vmem>>)
      "tpu.region"() ({
        %run_scoped3A_336 = tpu.sem_alloc : memref<!tpu.dma_semaphore, #tpu.memory_space<semaphore_mem>>
        %dma_start3A_337 = arith.constant 0 : i32
        %dma_start3A_338 = tpu.memref_slice %arg7[%add3A_303, %dma_start3A_337] : memref<80x128xi32, #tpu.memory_space<vmem>> -> memref<1x128xi32, #tpu.memory_space<vmem>>
        %dma_start3A_339 = tpu.memref_squeeze %dma_start3A_338 : memref<1x128xi32, #tpu.memory_space<vmem>> -> memref<128xi32, #tpu.memory_space<vmem>>
        %dma_start3A_340 = arith.constant 0 : i32
        %dma_start3A_341 = arith.constant 0 : i32
        %dma_start3A_342 = tpu.memref_slice %arg9[%dma_start3A_340, %dma_start3A_341] : memref<10016x64xf32, #tpu.memory_space<vmem_shared>> -> memref<10016x64xf32, #tpu.memory_space<vmem_shared>>
        tpu.enqueue_indirect_dma source(%arg12 : memref<128x64xf32, #tpu.memory_space<vmem>>) target(%dma_start3A_342 : memref<10016x64xf32, #tpu.memory_space<vmem_shared>>) offsets(%dma_start3A_339 : memref<128xi32, #tpu.memory_space<vmem>>) semaphore(%run_scoped3A_336 : memref<!tpu.dma_semaphore, #tpu.memory_space<semaphore_mem>>) {add = true}
        %dma_wait3A_343 = arith.constant 0 : i32
        %dma_wait3A_344 = tpu.memref_slice %arg7[%add3A_303, %dma_wait3A_343] : memref<80x128xi32, #tpu.memory_space<vmem>> -> memref<1x128xi32, #tpu.memory_space<vmem>>
        %dma_wait3A_345 = tpu.memref_squeeze %dma_wait3A_344 : memref<1x128xi32, #tpu.memory_space<vmem>> -> memref<128xi32, #tpu.memory_space<vmem>>
        %dma_wait3A_346 = arith.constant 0 : i32
        %dma_wait3A_347 = arith.constant 0 : i32
        %dma_wait3A_348 = tpu.memref_slice %arg9[%dma_wait3A_346, %dma_wait3A_347] : memref<10016x64xf32, #tpu.memory_space<vmem_shared>> -> memref<10016x64xf32, #tpu.memory_space<vmem_shared>>
        tpu.wait_indirect_dma semaphore(%run_scoped3A_336 : memref<!tpu.dma_semaphore, #tpu.memory_space<semaphore_mem>>) src(%arg12 : memref<128x64xf32, #tpu.memory_space<vmem>>) dst(%dma_wait3A_348 : memref<10016x64xf32, #tpu.memory_space<vmem_shared>>)
        tpu.yield
      }) : () -> ()
      %add3A_310 = arith.constant 4 : i32
      %add3A_311 = arith.addi %add3A_303, %add3A_310 : i32
      %dma_start3A_312 = arith.constant 0 : i32
      %dma_start3A_313 = tpu.memref_slice %arg6[%add3A_311, %dma_start3A_312] : memref<80x128xi32, #tpu.memory_space<vmem>> -> memref<1x128xi32, #tpu.memory_space<vmem>>
      %dma_start3A_314 = tpu.memref_squeeze %dma_start3A_313 : memref<1x128xi32, #tpu.memory_space<vmem>> -> memref<128xi32, #tpu.memory_space<vmem>>
      %dma_start3A_315 = arith.constant 0 : i32
      %dma_start3A_316 = arith.constant 0 : i32
      %dma_start3A_317 = tpu.memref_slice %arg3[%dma_start3A_315, %dma_start3A_316] : memref<10000x64xf32, #tpu.memory_space<hbm>> -> memref<10000x64xf32, #tpu.memory_space<hbm>>
      tpu.enqueue_indirect_dma source(%dma_start3A_317 : memref<10000x64xf32, #tpu.memory_space<hbm>>) target(%arg12 : memref<128x64xf32, #tpu.memory_space<vmem>>) offsets(%dma_start3A_314 : memref<128xi32, #tpu.memory_space<vmem>>) semaphore(%arg16 : memref<!tpu.dma_semaphore, #tpu.memory_space<semaphore_mem>>)
      %mul3A_318 = arith.constant 4 : i32
      %mul3A_319 = arith.muli %while3A_263, %mul3A_318 : i32
      %add3A_320 = arith.constant 3 : i32
      %add3A_321 = arith.addi %mul3A_319, %add3A_320 : i32
      %dma_wait3A_322 = arith.constant 0 : i32
      %dma_wait3A_323 = arith.constant 0 : i32
      %dma_wait3A_324 = tpu.memref_slice %arg3[%dma_wait3A_322, %dma_wait3A_323] : memref<10000x64xf32, #tpu.memory_space<hbm>> -> memref<128x64xf32, #tpu.memory_space<hbm>>
      %dma_wait3A_325 = arith.constant 0 : i32
      %dma_wait3A_326 = arith.constant 0 : i32
      %dma_wait3A_327 = tpu.memref_slice %arg3[%dma_wait3A_325, %dma_wait3A_326] : memref<10000x64xf32, #tpu.memory_space<hbm>> -> memref<128x64xf32, #tpu.memory_space<hbm>>
      tpu.wait_dma2 semaphore(%arg17 : memref<!tpu.dma_semaphore, #tpu.memory_space<semaphore_mem>>) src(%dma_wait3A_327 : memref<128x64xf32, #tpu.memory_space<hbm>>) dst(%arg13 : memref<128x64xf32, #tpu.memory_space<vmem>>)
      "tpu.region"() ({
        %run_scoped3A_336 = tpu.sem_alloc : memref<!tpu.dma_semaphore, #tpu.memory_space<semaphore_mem>>
        %dma_start3A_337 = arith.constant 0 : i32
        %dma_start3A_338 = tpu.memref_slice %arg7[%add3A_321, %dma_start3A_337] : memref<80x128xi32, #tpu.memory_space<vmem>> -> memref<1x128xi32, #tpu.memory_space<vmem>>
        %dma_start3A_339 = tpu.memref_squeeze %dma_start3A_338 : memref<1x128xi32, #tpu.memory_space<vmem>> -> memref<128xi32, #tpu.memory_space<vmem>>
        %dma_start3A_340 = arith.constant 0 : i32
        %dma_start3A_341 = arith.constant 0 : i32
        %dma_start3A_342 = tpu.memref_slice %arg9[%dma_start3A_340, %dma_start3A_341] : memref<10016x64xf32, #tpu.memory_space<vmem_shared>> -> memref<10016x64xf32, #tpu.memory_space<vmem_shared>>
        tpu.enqueue_indirect_dma source(%arg13 : memref<128x64xf32, #tpu.memory_space<vmem>>) target(%dma_start3A_342 : memref<10016x64xf32, #tpu.memory_space<vmem_shared>>) offsets(%dma_start3A_339 : memref<128xi32, #tpu.memory_space<vmem>>) semaphore(%run_scoped3A_336 : memref<!tpu.dma_semaphore, #tpu.memory_space<semaphore_mem>>) {add = true}
        %dma_wait3A_343 = arith.constant 0 : i32
        %dma_wait3A_344 = tpu.memref_slice %arg7[%add3A_321, %dma_wait3A_343] : memref<80x128xi32, #tpu.memory_space<vmem>> -> memref<1x128xi32, #tpu.memory_space<vmem>>
        %dma_wait3A_345 = tpu.memref_squeeze %dma_wait3A_344 : memref<1x128xi32, #tpu.memory_space<vmem>> -> memref<128xi32, #tpu.memory_space<vmem>>
        %dma_wait3A_346 = arith.constant 0 : i32
        %dma_wait3A_347 = arith.constant 0 : i32
        %dma_wait3A_348 = tpu.memref_slice %arg9[%dma_wait3A_346, %dma_wait3A_347] : memref<10016x64xf32, #tpu.memory_space<vmem_shared>> -> memref<10016x64xf32, #tpu.memory_space<vmem_shared>>
        tpu.wait_indirect_dma semaphore(%run_scoped3A_336 : memref<!tpu.dma_semaphore, #tpu.memory_space<semaphore_mem>>) src(%arg13 : memref<128x64xf32, #tpu.memory_space<vmem>>) dst(%dma_wait3A_348 : memref<10016x64xf32, #tpu.memory_space<vmem_shared>>)
        tpu.yield
      }) : () -> ()
      %add3A_328 = arith.constant 4 : i32
      %add3A_329 = arith.addi %add3A_321, %add3A_328 : i32
      %dma_start3A_330 = arith.constant 0 : i32
      %dma_start3A_331 = tpu.memref_slice %arg6[%add3A_329, %dma_start3A_330] : memref<80x128xi32, #tpu.memory_space<vmem>> -> memref<1x128xi32, #tpu.memory_space<vmem>>
      %dma_start3A_332 = tpu.memref_squeeze %dma_start3A_331 : memref<1x128xi32, #tpu.memory_space<vmem>> -> memref<128xi32, #tpu.memory_space<vmem>>
      %dma_start3A_333 = arith.constant 0 : i32
      %dma_start3A_334 = arith.constant 0 : i32
      %dma_start3A_335 = tpu.memref_slice %arg3[%dma_start3A_333, %dma_start3A_334] : memref<10000x64xf32, #tpu.memory_space<hbm>> -> memref<10000x64xf32, #tpu.memory_space<hbm>>
      tpu.enqueue_indirect_dma source(%dma_start3A_335 : memref<10000x64xf32, #tpu.memory_space<hbm>>) target(%arg13 : memref<128x64xf32, #tpu.memory_space<vmem>>) offsets(%dma_start3A_332 : memref<128xi32, #tpu.memory_space<vmem>>) semaphore(%arg17 : memref<!tpu.dma_semaphore, #tpu.memory_space<semaphore_mem>>)
    }
    %while3A_213 = arith.constant 1 : i32
    scf.for %while3A_263 = %while3A_211 to %while3A_207 step %while3A_213  : i32 {
      %mul3A_264 = arith.constant 4 : i32
      %mul3A_265 = arith.muli %while3A_263, %mul3A_264 : i32
      %add3A_266 = arith.constant 0 : i32
      %add3A_267 = arith.addi %mul3A_265, %add3A_266 : i32
      %dma_wait3A_268 = arith.constant 0 : i32
      %dma_wait3A_269 = arith.constant 0 : i32
      %dma_wait3A_270 = tpu.memref_slice %arg3[%dma_wait3A_268, %dma_wait3A_269] : memref<10000x64xf32, #tpu.memory_space<hbm>> -> memref<128x64xf32, #tpu.memory_space<hbm>>
      %dma_wait3A_271 = arith.constant 0 : i32
      %dma_wait3A_272 = arith.constant 0 : i32
      %dma_wait3A_273 = tpu.memref_slice %arg3[%dma_wait3A_271, %dma_wait3A_272] : memref<10000x64xf32, #tpu.memory_space<hbm>> -> memref<128x64xf32, #tpu.memory_space<hbm>>
      tpu.wait_dma2 semaphore(%arg14 : memref<!tpu.dma_semaphore, #tpu.memory_space<semaphore_mem>>) src(%dma_wait3A_273 : memref<128x64xf32, #tpu.memory_space<hbm>>) dst(%arg10 : memref<128x64xf32, #tpu.memory_space<vmem>>)
      "tpu.region"() ({
        %run_scoped3A_336 = tpu.sem_alloc : memref<!tpu.dma_semaphore, #tpu.memory_space<semaphore_mem>>
        %dma_start3A_337 = arith.constant 0 : i32
        %dma_start3A_338 = tpu.memref_slice %arg7[%add3A_267, %dma_start3A_337] : memref<80x128xi32, #tpu.memory_space<vmem>> -> memref<1x128xi32, #tpu.memory_space<vmem>>
        %dma_start3A_339 = tpu.memref_squeeze %dma_start3A_338 : memref<1x128xi32, #tpu.memory_space<vmem>> -> memref<128xi32, #tpu.memory_space<vmem>>
        %dma_start3A_340 = arith.constant 0 : i32
        %dma_start3A_341 = arith.constant 0 : i32
        %dma_start3A_342 = tpu.memref_slice %arg9[%dma_start3A_340, %dma_start3A_341] : memref<10016x64xf32, #tpu.memory_space<vmem_shared>> -> memref<10016x64xf32, #tpu.memory_space<vmem_shared>>
        tpu.enqueue_indirect_dma source(%arg10 : memref<128x64xf32, #tpu.memory_space<vmem>>) target(%dma_start3A_342 : memref<10016x64xf32, #tpu.memory_space<vmem_shared>>) offsets(%dma_start3A_339 : memref<128xi32, #tpu.memory_space<vmem>>) semaphore(%run_scoped3A_336 : memref<!tpu.dma_semaphore, #tpu.memory_space<semaphore_mem>>) {add = true}
        %dma_wait3A_343 = arith.constant 0 : i32
        %dma_wait3A_344 = tpu.memref_slice %arg7[%add3A_267, %dma_wait3A_343] : memref<80x128xi32, #tpu.memory_space<vmem>> -> memref<1x128xi32, #tpu.memory_space<vmem>>
        %dma_wait3A_345 = tpu.memref_squeeze %dma_wait3A_344 : memref<1x128xi32, #tpu.memory_space<vmem>> -> memref<128xi32, #tpu.memory_space<vmem>>
        %dma_wait3A_346 = arith.constant 0 : i32
        %dma_wait3A_347 = arith.constant 0 : i32
        %dma_wait3A_348 = tpu.memref_slice %arg9[%dma_wait3A_346, %dma_wait3A_347] : memref<10016x64xf32, #tpu.memory_space<vmem_shared>> -> memref<10016x64xf32, #tpu.memory_space<vmem_shared>>
        tpu.wait_indirect_dma semaphore(%run_scoped3A_336 : memref<!tpu.dma_semaphore, #tpu.memory_space<semaphore_mem>>) src(%arg10 : memref<128x64xf32, #tpu.memory_space<vmem>>) dst(%dma_wait3A_348 : memref<10016x64xf32, #tpu.memory_space<vmem_shared>>)
        tpu.yield
      }) : () -> ()
      %add3A_274 = arith.constant 4 : i32
      %add3A_275 = arith.addi %add3A_267, %add3A_274 : i32
      %dma_start3A_276 = arith.constant 0 : i32
      %dma_start3A_277 = tpu.memref_slice %arg6[%add3A_275, %dma_start3A_276] : memref<80x128xi32, #tpu.memory_space<vmem>> -> memref<1x128xi32, #tpu.memory_space<vmem>>
      %dma_start3A_278 = tpu.memref_squeeze %dma_start3A_277 : memref<1x128xi32, #tpu.memory_space<vmem>> -> memref<128xi32, #tpu.memory_space<vmem>>
      %dma_start3A_279 = arith.constant 0 : i32
      %dma_start3A_280 = arith.constant 0 : i32
      %dma_start3A_281 = tpu.memref_slice %arg3[%dma_start3A_279, %dma_start3A_280] : memref<10000x64xf32, #tpu.memory_space<hbm>> -> memref<10000x64xf32, #tpu.memory_space<hbm>>
      tpu.enqueue_indirect_dma source(%dma_start3A_281 : memref<10000x64xf32, #tpu.memory_space<hbm>>) target(%arg10 : memref<128x64xf32, #tpu.memory_space<vmem>>) offsets(%dma_start3A_278 : memref<128xi32, #tpu.memory_space<vmem>>) semaphore(%arg14 : memref<!tpu.dma_semaphore, #tpu.memory_space<semaphore_mem>>)
      %mul3A_282 = arith.constant 4 : i32
      %mul3A_283 = arith.muli %while3A_263, %mul3A_282 : i32
      %add3A_284 = arith.constant 1 : i32
      %add3A_285 = arith.addi %mul3A_283, %add3A_284 : i32
      %dma_wait3A_286 = arith.constant 0 : i32
      %dma_wait3A_287 = arith.constant 0 : i32
      %dma_wait3A_288 = tpu.memref_slice %arg3[%dma_wait3A_286, %dma_wait3A_287] : memref<10000x64xf32, #tpu.memory_space<hbm>> -> memref<128x64xf32, #tpu.memory_space<hbm>>
      %dma_wait3A_289 = arith.constant 0 : i32
      %dma_wait3A_290 = arith.constant 0 : i32
      %dma_wait3A_291 = tpu.memref_slice %arg3[%dma_wait3A_289, %dma_wait3A_290] : memref<10000x64xf32, #tpu.memory_space<hbm>> -> memref<128x64xf32, #tpu.memory_space<hbm>>
      tpu.wait_dma2 semaphore(%arg15 : memref<!tpu.dma_semaphore, #tpu.memory_space<semaphore_mem>>) src(%dma_wait3A_291 : memref<128x64xf32, #tpu.memory_space<hbm>>) dst(%arg11 : memref<128x64xf32, #tpu.memory_space<vmem>>)
      "tpu.region"() ({
        %run_scoped3A_336 = tpu.sem_alloc : memref<!tpu.dma_semaphore, #tpu.memory_space<semaphore_mem>>
        %dma_start3A_337 = arith.constant 0 : i32
        %dma_start3A_338 = tpu.memref_slice %arg7[%add3A_285, %dma_start3A_337] : memref<80x128xi32, #tpu.memory_space<vmem>> -> memref<1x128xi32, #tpu.memory_space<vmem>>
        %dma_start3A_339 = tpu.memref_squeeze %dma_start3A_338 : memref<1x128xi32, #tpu.memory_space<vmem>> -> memref<128xi32, #tpu.memory_space<vmem>>
        %dma_start3A_340 = arith.constant 0 : i32
        %dma_start3A_341 = arith.constant 0 : i32
        %dma_start3A_342 = tpu.memref_slice %arg9[%dma_start3A_340, %dma_start3A_341] : memref<10016x64xf32, #tpu.memory_space<vmem_shared>> -> memref<10016x64xf32, #tpu.memory_space<vmem_shared>>
        tpu.enqueue_indirect_dma source(%arg11 : memref<128x64xf32, #tpu.memory_space<vmem>>) target(%dma_start3A_342 : memref<10016x64xf32, #tpu.memory_space<vmem_shared>>) offsets(%dma_start3A_339 : memref<128xi32, #tpu.memory_space<vmem>>) semaphore(%run_scoped3A_336 : memref<!tpu.dma_semaphore, #tpu.memory_space<semaphore_mem>>) {add = true}
        %dma_wait3A_343 = arith.constant 0 : i32
        %dma_wait3A_344 = tpu.memref_slice %arg7[%add3A_285, %dma_wait3A_343] : memref<80x128xi32, #tpu.memory_space<vmem>> -> memref<1x128xi32, #tpu.memory_space<vmem>>
        %dma_wait3A_345 = tpu.memref_squeeze %dma_wait3A_344 : memref<1x128xi32, #tpu.memory_space<vmem>> -> memref<128xi32, #tpu.memory_space<vmem>>
        %dma_wait3A_346 = arith.constant 0 : i32
        %dma_wait3A_347 = arith.constant 0 : i32
        %dma_wait3A_348 = tpu.memref_slice %arg9[%dma_wait3A_346, %dma_wait3A_347] : memref<10016x64xf32, #tpu.memory_space<vmem_shared>> -> memref<10016x64xf32, #tpu.memory_space<vmem_shared>>
        tpu.wait_indirect_dma semaphore(%run_scoped3A_336 : memref<!tpu.dma_semaphore, #tpu.memory_space<semaphore_mem>>) src(%arg11 : memref<128x64xf32, #tpu.memory_space<vmem>>) dst(%dma_wait3A_348 : memref<10016x64xf32, #tpu.memory_space<vmem_shared>>)
        tpu.yield
      }) : () -> ()
      %add3A_292 = arith.constant 4 : i32
      %add3A_293 = arith.addi %add3A_285, %add3A_292 : i32
      %dma_start3A_294 = arith.constant 0 : i32
      %dma_start3A_295 = tpu.memref_slice %arg6[%add3A_293, %dma_start3A_294] : memref<80x128xi32, #tpu.memory_space<vmem>> -> memref<1x128xi32, #tpu.memory_space<vmem>>
      %dma_start3A_296 = tpu.memref_squeeze %dma_start3A_295 : memref<1x128xi32, #tpu.memory_space<vmem>> -> memref<128xi32, #tpu.memory_space<vmem>>
      %dma_start3A_297 = arith.constant 0 : i32
      %dma_start3A_298 = arith.constant 0 : i32
      %dma_start3A_299 = tpu.memref_slice %arg3[%dma_start3A_297, %dma_start3A_298] : memref<10000x64xf32, #tpu.memory_space<hbm>> -> memref<10000x64xf32, #tpu.memory_space<hbm>>
      tpu.enqueue_indirect_dma source(%dma_start3A_299 : memref<10000x64xf32, #tpu.memory_space<hbm>>) target(%arg11 : memref<128x64xf32, #tpu.memory_space<vmem>>) offsets(%dma_start3A_296 : memref<128xi32, #tpu.memory_space<vmem>>) semaphore(%arg15 : memref<!tpu.dma_semaphore, #tpu.memory_space<semaphore_mem>>)
      %mul3A_300 = arith.constant 4 : i32
      %mul3A_301 = arith.muli %while3A_263, %mul3A_300 : i32
      %add3A_302 = arith.constant 2 : i32
      %add3A_303 = arith.addi %mul3A_301, %add3A_302 : i32
      %dma_wait3A_304 = arith.constant 0 : i32
      %dma_wait3A_305 = arith.constant 0 : i32
      %dma_wait3A_306 = tpu.memref_slice %arg3[%dma_wait3A_304, %dma_wait3A_305] : memref<10000x64xf32, #tpu.memory_space<hbm>> -> memref<128x64xf32, #tpu.memory_space<hbm>>
      %dma_wait3A_307 = arith.constant 0 : i32
      %dma_wait3A_308 = arith.constant 0 : i32
      %dma_wait3A_309 = tpu.memref_slice %arg3[%dma_wait3A_307, %dma_wait3A_308] : memref<10000x64xf32, #tpu.memory_space<hbm>> -> memref<128x64xf32, #tpu.memory_space<hbm>>
      tpu.wait_dma2 semaphore(%arg16 : memref<!tpu.dma_semaphore, #tpu.memory_space<semaphore_mem>>) src(%dma_wait3A_309 : memref<128x64xf32, #tpu.memory_space<hbm>>) dst(%arg12 : memref<128x64xf32, #tpu.memory_space<vmem>>)
      "tpu.region"() ({
        %run_scoped3A_336 = tpu.sem_alloc : memref<!tpu.dma_semaphore, #tpu.memory_space<semaphore_mem>>
        %dma_start3A_337 = arith.constant 0 : i32
        %dma_start3A_338 = tpu.memref_slice %arg7[%add3A_303, %dma_start3A_337] : memref<80x128xi32, #tpu.memory_space<vmem>> -> memref<1x128xi32, #tpu.memory_space<vmem>>
        %dma_start3A_339 = tpu.memref_squeeze %dma_start3A_338 : memref<1x128xi32, #tpu.memory_space<vmem>> -> memref<128xi32, #tpu.memory_space<vmem>>
        %dma_start3A_340 = arith.constant 0 : i32
        %dma_start3A_341 = arith.constant 0 : i32
        %dma_start3A_342 = tpu.memref_slice %arg9[%dma_start3A_340, %dma_start3A_341] : memref<10016x64xf32, #tpu.memory_space<vmem_shared>> -> memref<10016x64xf32, #tpu.memory_space<vmem_shared>>
        tpu.enqueue_indirect_dma source(%arg12 : memref<128x64xf32, #tpu.memory_space<vmem>>) target(%dma_start3A_342 : memref<10016x64xf32, #tpu.memory_space<vmem_shared>>) offsets(%dma_start3A_339 : memref<128xi32, #tpu.memory_space<vmem>>) semaphore(%run_scoped3A_336 : memref<!tpu.dma_semaphore, #tpu.memory_space<semaphore_mem>>) {add = true}
        %dma_wait3A_343 = arith.constant 0 : i32
        %dma_wait3A_344 = tpu.memref_slice %arg7[%add3A_303, %dma_wait3A_343] : memref<80x128xi32, #tpu.memory_space<vmem>> -> memref<1x128xi32, #tpu.memory_space<vmem>>
        %dma_wait3A_345 = tpu.memref_squeeze %dma_wait3A_344 : memref<1x128xi32, #tpu.memory_space<vmem>> -> memref<128xi32, #tpu.memory_space<vmem>>
        %dma_wait3A_346 = arith.constant 0 : i32
        %dma_wait3A_347 = arith.constant 0 : i32
        %dma_wait3A_348 = tpu.memref_slice %arg9[%dma_wait3A_346, %dma_wait3A_347] : memref<10016x64xf32, #tpu.memory_space<vmem_shared>> -> memref<10016x64xf32, #tpu.memory_space<vmem_shared>>
        tpu.wait_indirect_dma semaphore(%run_scoped3A_336 : memref<!tpu.dma_semaphore, #tpu.memory_space<semaphore_mem>>) src(%arg12 : memref<128x64xf32, #tpu.memory_space<vmem>>) dst(%dma_wait3A_348 : memref<10016x64xf32, #tpu.memory_space<vmem_shared>>)
        tpu.yield
      }) : () -> ()
      %add3A_310 = arith.constant 4 : i32
      %add3A_311 = arith.addi %add3A_303, %add3A_310 : i32
      %dma_start3A_312 = arith.constant 0 : i32
      %dma_start3A_313 = tpu.memref_slice %arg6[%add3A_311, %dma_start3A_312] : memref<80x128xi32, #tpu.memory_space<vmem>> -> memref<1x128xi32, #tpu.memory_space<vmem>>
      %dma_start3A_314 = tpu.memref_squeeze %dma_start3A_313 : memref<1x128xi32, #tpu.memory_space<vmem>> -> memref<128xi32, #tpu.memory_space<vmem>>
      %dma_start3A_315 = arith.constant 0 : i32
      %dma_start3A_316 = arith.constant 0 : i32
      %dma_start3A_317 = tpu.memref_slice %arg3[%dma_start3A_315, %dma_start3A_316] : memref<10000x64xf32, #tpu.memory_space<hbm>> -> memref<10000x64xf32, #tpu.memory_space<hbm>>
      tpu.enqueue_indirect_dma source(%dma_start3A_317 : memref<10000x64xf32, #tpu.memory_space<hbm>>) target(%arg12 : memref<128x64xf32, #tpu.memory_space<vmem>>) offsets(%dma_start3A_314 : memref<128xi32, #tpu.memory_space<vmem>>) semaphore(%arg16 : memref<!tpu.dma_semaphore, #tpu.memory_space<semaphore_mem>>)
      %mul3A_318 = arith.constant 4 : i32
      %mul3A_319 = arith.muli %while3A_263, %mul3A_318 : i32
      %add3A_320 = arith.constant 3 : i32
      %add3A_321 = arith.addi %mul3A_319, %add3A_320 : i32
      %dma_wait3A_322 = arith.constant 0 : i32
      %dma_wait3A_323 = arith.constant 0 : i32
      %dma_wait3A_324 = tpu.memref_slice %arg3[%dma_wait3A_322, %dma_wait3A_323] : memref<10000x64xf32, #tpu.memory_space<hbm>> -> memref<128x64xf32, #tpu.memory_space<hbm>>
      %dma_wait3A_325 = arith.constant 0 : i32
      %dma_wait3A_326 = arith.constant 0 : i32
      %dma_wait3A_327 = tpu.memref_slice %arg3[%dma_wait3A_325, %dma_wait3A_326] : memref<10000x64xf32, #tpu.memory_space<hbm>> -> memref<128x64xf32, #tpu.memory_space<hbm>>
      tpu.wait_dma2 semaphore(%arg17 : memref<!tpu.dma_semaphore, #tpu.memory_space<semaphore_mem>>) src(%dma_wait3A_327 : memref<128x64xf32, #tpu.memory_space<hbm>>) dst(%arg13 : memref<128x64xf32, #tpu.memory_space<vmem>>)
      "tpu.region"() ({
        %run_scoped3A_336 = tpu.sem_alloc : memref<!tpu.dma_semaphore, #tpu.memory_space<semaphore_mem>>
        %dma_start3A_337 = arith.constant 0 : i32
        %dma_start3A_338 = tpu.memref_slice %arg7[%add3A_321, %dma_start3A_337] : memref<80x128xi32, #tpu.memory_space<vmem>> -> memref<1x128xi32, #tpu.memory_space<vmem>>
        %dma_start3A_339 = tpu.memref_squeeze %dma_start3A_338 : memref<1x128xi32, #tpu.memory_space<vmem>> -> memref<128xi32, #tpu.memory_space<vmem>>
        %dma_start3A_340 = arith.constant 0 : i32
        %dma_start3A_341 = arith.constant 0 : i32
        %dma_start3A_342 = tpu.memref_slice %arg9[%dma_start3A_340, %dma_start3A_341] : memref<10016x64xf32, #tpu.memory_space<vmem_shared>> -> memref<10016x64xf32, #tpu.memory_space<vmem_shared>>
        tpu.enqueue_indirect_dma source(%arg13 : memref<128x64xf32, #tpu.memory_space<vmem>>) target(%dma_start3A_342 : memref<10016x64xf32, #tpu.memory_space<vmem_shared>>) offsets(%dma_start3A_339 : memref<128xi32, #tpu.memory_space<vmem>>) semaphore(%run_scoped3A_336 : memref<!tpu.dma_semaphore, #tpu.memory_space<semaphore_mem>>) {add = true}
        %dma_wait3A_343 = arith.constant 0 : i32
        %dma_wait3A_344 = tpu.memref_slice %arg7[%add3A_321, %dma_wait3A_343] : memref<80x128xi32, #tpu.memory_space<vmem>> -> memref<1x128xi32, #tpu.memory_space<vmem>>
        %dma_wait3A_345 = tpu.memref_squeeze %dma_wait3A_344 : memref<1x128xi32, #tpu.memory_space<vmem>> -> memref<128xi32, #tpu.memory_space<vmem>>
        %dma_wait3A_346 = arith.constant 0 : i32
        %dma_wait3A_347 = arith.constant 0 : i32
        %dma_wait3A_348 = tpu.memref_slice %arg9[%dma_wait3A_346, %dma_wait3A_347] : memref<10016x64xf32, #tpu.memory_space<vmem_shared>> -> memref<10016x64xf32, #tpu.memory_space<vmem_shared>>
        tpu.wait_indirect_dma semaphore(%run_scoped3A_336 : memref<!tpu.dma_semaphore, #tpu.memory_space<semaphore_mem>>) src(%arg13 : memref<128x64xf32, #tpu.memory_space<vmem>>) dst(%dma_wait3A_348 : memref<10016x64xf32, #tpu.memory_space<vmem_shared>>)
        tpu.yield
      }) : () -> ()
      %add3A_328 = arith.constant 4 : i32
      %add3A_329 = arith.addi %add3A_321, %add3A_328 : i32
      %dma_start3A_330 = arith.constant 0 : i32
      %dma_start3A_331 = tpu.memref_slice %arg6[%add3A_329, %dma_start3A_330] : memref<80x128xi32, #tpu.memory_space<vmem>> -> memref<1x128xi32, #tpu.memory_space<vmem>>
      %dma_start3A_332 = tpu.memref_squeeze %dma_start3A_331 : memref<1x128xi32, #tpu.memory_space<vmem>> -> memref<128xi32, #tpu.memory_space<vmem>>
      %dma_start3A_333 = arith.constant 0 : i32
      %dma_start3A_334 = arith.constant 0 : i32
      %dma_start3A_335 = tpu.memref_slice %arg3[%dma_start3A_333, %dma_start3A_334] : memref<10000x64xf32, #tpu.memory_space<hbm>> -> memref<10000x64xf32, #tpu.memory_space<hbm>>
      tpu.enqueue_indirect_dma source(%dma_start3A_335 : memref<10000x64xf32, #tpu.memory_space<hbm>>) target(%arg13 : memref<128x64xf32, #tpu.memory_space<vmem>>) offsets(%dma_start3A_332 : memref<128xi32, #tpu.memory_space<vmem>>) semaphore(%arg17 : memref<!tpu.dma_semaphore, #tpu.memory_space<semaphore_mem>>)
    }
    %sub3A_214 = arith.constant 4 : i32
    %sub3A_215 = arith.subi %min3A, %sub3A_214 : i32
    %add3A_216 = arith.constant 0 : i32
    %add3A_217 = arith.addi %sub3A_215, %add3A_216 : i32
    %dma_wait3A_218 = arith.constant 0 : i32
    %dma_wait3A_219 = arith.constant 0 : i32
    %dma_wait3A_220 = tpu.memref_slice %arg3[%dma_wait3A_218, %dma_wait3A_219] : memref<10000x64xf32, #tpu.memory_space<hbm>> -> memref<128x64xf32, #tpu.memory_space<hbm>>
    %dma_wait3A_221 = arith.constant 0 : i32
    %dma_wait3A_222 = arith.constant 0 : i32
    %dma_wait3A_223 = tpu.memref_slice %arg3[%dma_wait3A_221, %dma_wait3A_222] : memref<10000x64xf32, #tpu.memory_space<hbm>> -> memref<128x64xf32, #tpu.memory_space<hbm>>
    tpu.wait_dma2 semaphore(%arg14 : memref<!tpu.dma_semaphore, #tpu.memory_space<semaphore_mem>>) src(%dma_wait3A_223 : memref<128x64xf32, #tpu.memory_space<hbm>>) dst(%arg10 : memref<128x64xf32, #tpu.memory_space<vmem>>)
    "tpu.region"() ({
      %run_scoped3A_263 = tpu.sem_alloc : memref<!tpu.dma_semaphore, #tpu.memory_space<semaphore_mem>>
      %dma_start3A_264 = arith.constant 0 : i32
      %dma_start3A_265 = tpu.memref_slice %arg7[%add3A_217, %dma_start3A_264] : memref<80x128xi32, #tpu.memory_space<vmem>> -> memref<1x128xi32, #tpu.memory_space<vmem>>
      %dma_start3A_266 = tpu.memref_squeeze %dma_start3A_265 : memref<1x128xi32, #tpu.memory_space<vmem>> -> memref<128xi32, #tpu.memory_space<vmem>>
      %dma_start3A_267 = arith.constant 0 : i32
      %dma_start3A_268 = arith.constant 0 : i32
      %dma_start3A_269 = tpu.memref_slice %arg9[%dma_start3A_267, %dma_start3A_268] : memref<10016x64xf32, #tpu.memory_space<vmem_shared>> -> memref<10016x64xf32, #tpu.memory_space<vmem_shared>>
      tpu.enqueue_indirect_dma source(%arg10 : memref<128x64xf32, #tpu.memory_space<vmem>>) target(%dma_start3A_269 : memref<10016x64xf32, #tpu.memory_space<vmem_shared>>) offsets(%dma_start3A_266 : memref<128xi32, #tpu.memory_space<vmem>>) semaphore(%run_scoped3A_263 : memref<!tpu.dma_semaphore, #tpu.memory_space<semaphore_mem>>) {add = true}
      %dma_wait3A_270 = arith.constant 0 : i32
      %dma_wait3A_271 = tpu.memref_slice %arg7[%add3A_217, %dma_wait3A_270] : memref<80x128xi32, #tpu.memory_space<vmem>> -> memref<1x128xi32, #tpu.memory_space<vmem>>
      %dma_wait3A_272 = tpu.memref_squeeze %dma_wait3A_271 : memref<1x128xi32, #tpu.memory_space<vmem>> -> memref<128xi32, #tpu.memory_space<vmem>>
      %dma_wait3A_273 = arith.constant 0 : i32
      %dma_wait3A_274 = arith.constant 0 : i32
      %dma_wait3A_275 = tpu.memref_slice %arg9[%dma_wait3A_273, %dma_wait3A_274] : memref<10016x64xf32, #tpu.memory_space<vmem_shared>> -> memref<10016x64xf32, #tpu.memory_space<vmem_shared>>
      tpu.wait_indirect_dma semaphore(%run_scoped3A_263 : memref<!tpu.dma_semaphore, #tpu.memory_space<semaphore_mem>>) src(%arg10 : memref<128x64xf32, #tpu.memory_space<vmem>>) dst(%dma_wait3A_275 : memref<10016x64xf32, #tpu.memory_space<vmem_shared>>)
      tpu.yield
    }) : () -> ()
    %sub3A_224 = arith.constant 4 : i32
    %sub3A_225 = arith.subi %min3A, %sub3A_224 : i32
    %add3A_226 = arith.constant 1 : i32
    %add3A_227 = arith.addi %sub3A_225, %add3A_226 : i32
    %dma_wait3A_228 = arith.constant 0 : i32
    %dma_wait3A_229 = arith.constant 0 : i32
    %dma_wait3A_230 = tpu.memref_slice %arg3[%dma_wait3A_228, %dma_wait3A_229] : memref<10000x64xf32, #tpu.memory_space<hbm>> -> memref<128x64xf32, #tpu.memory_space<hbm>>
    %dma_wait3A_231 = arith.constant 0 : i32
    %dma_wait3A_232 = arith.constant 0 : i32
    %dma_wait3A_233 = tpu.memref_slice %arg3[%dma_wait3A_231, %dma_wait3A_232] : memref<10000x64xf32, #tpu.memory_space<hbm>> -> memref<128x64xf32, #tpu.memory_space<hbm>>
    tpu.wait_dma2 semaphore(%arg15 : memref<!tpu.dma_semaphore, #tpu.memory_space<semaphore_mem>>) src(%dma_wait3A_233 : memref<128x64xf32, #tpu.memory_space<hbm>>) dst(%arg11 : memref<128x64xf32, #tpu.memory_space<vmem>>)
    "tpu.region"() ({
      %run_scoped3A_263 = tpu.sem_alloc : memref<!tpu.dma_semaphore, #tpu.memory_space<semaphore_mem>>
      %dma_start3A_264 = arith.constant 0 : i32
      %dma_start3A_265 = tpu.memref_slice %arg7[%add3A_227, %dma_start3A_264] : memref<80x128xi32, #tpu.memory_space<vmem>> -> memref<1x128xi32, #tpu.memory_space<vmem>>
      %dma_start3A_266 = tpu.memref_squeeze %dma_start3A_265 : memref<1x128xi32, #tpu.memory_space<vmem>> -> memref<128xi32, #tpu.memory_space<vmem>>
      %dma_start3A_267 = arith.constant 0 : i32
      %dma_start3A_268 = arith.constant 0 : i32
      %dma_start3A_269 = tpu.memref_slice %arg9[%dma_start3A_267, %dma_start3A_268] : memref<10016x64xf32, #tpu.memory_space<vmem_shared>> -> memref<10016x64xf32, #tpu.memory_space<vmem_shared>>
      tpu.enqueue_indirect_dma source(%arg11 : memref<128x64xf32, #tpu.memory_space<vmem>>) target(%dma_start3A_269 : memref<10016x64xf32, #tpu.memory_space<vmem_shared>>) offsets(%dma_start3A_266 : memref<128xi32, #tpu.memory_space<vmem>>) semaphore(%run_scoped3A_263 : memref<!tpu.dma_semaphore, #tpu.memory_space<semaphore_mem>>) {add = true}
      %dma_wait3A_270 = arith.constant 0 : i32
      %dma_wait3A_271 = tpu.memref_slice %arg7[%add3A_227, %dma_wait3A_270] : memref<80x128xi32, #tpu.memory_space<vmem>> -> memref<1x128xi32, #tpu.memory_space<vmem>>
      %dma_wait3A_272 = tpu.memref_squeeze %dma_wait3A_271 : memref<1x128xi32, #tpu.memory_space<vmem>> -> memref<128xi32, #tpu.memory_space<vmem>>
      %dma_wait3A_273 = arith.constant 0 : i32
      %dma_wait3A_274 = arith.constant 0 : i32
      %dma_wait3A_275 = tpu.memref_slice %arg9[%dma_wait3A_273, %dma_wait3A_274] : memref<10016x64xf32, #tpu.memory_space<vmem_shared>> -> memref<10016x64xf32, #tpu.memory_space<vmem_shared>>
      tpu.wait_indirect_dma semaphore(%run_scoped3A_263 : memref<!tpu.dma_semaphore, #tpu.memory_space<semaphore_mem>>) src(%arg11 : memref<128x64xf32, #tpu.memory_space<vmem>>) dst(%dma_wait3A_275 : memref<10016x64xf32, #tpu.memory_space<vmem_shared>>)
      tpu.yield
    }) : () -> ()
    %sub3A_234 = arith.constant 4 : i32
    %sub3A_235 = arith.subi %min3A, %sub3A_234 : i32
    %add3A_236 = arith.constant 2 : i32
    %add3A_237 = arith.addi %sub3A_235, %add3A_236 : i32
    %dma_wait3A_238 = arith.constant 0 : i32
    %dma_wait3A_239 = arith.constant 0 : i32
    %dma_wait3A_240 = tpu.memref_slice %arg3[%dma_wait3A_238, %dma_wait3A_239] : memref<10000x64xf32, #tpu.memory_space<hbm>> -> memref<128x64xf32, #tpu.memory_space<hbm>>
    %dma_wait3A_241 = arith.constant 0 : i32
    %dma_wait3A_242 = arith.constant 0 : i32
    %dma_wait3A_243 = tpu.memref_slice %arg3[%dma_wait3A_241, %dma_wait3A_242] : memref<10000x64xf32, #tpu.memory_space<hbm>> -> memref<128x64xf32, #tpu.memory_space<hbm>>
    tpu.wait_dma2 semaphore(%arg16 : memref<!tpu.dma_semaphore, #tpu.memory_space<semaphore_mem>>) src(%dma_wait3A_243 : memref<128x64xf32, #tpu.memory_space<hbm>>) dst(%arg12 : memref<128x64xf32, #tpu.memory_space<vmem>>)
    "tpu.region"() ({
      %run_scoped3A_263 = tpu.sem_alloc : memref<!tpu.dma_semaphore, #tpu.memory_space<semaphore_mem>>
      %dma_start3A_264 = arith.constant 0 : i32
      %dma_start3A_265 = tpu.memref_slice %arg7[%add3A_237, %dma_start3A_264] : memref<80x128xi32, #tpu.memory_space<vmem>> -> memref<1x128xi32, #tpu.memory_space<vmem>>
      %dma_start3A_266 = tpu.memref_squeeze %dma_start3A_265 : memref<1x128xi32, #tpu.memory_space<vmem>> -> memref<128xi32, #tpu.memory_space<vmem>>
      %dma_start3A_267 = arith.constant 0 : i32
      %dma_start3A_268 = arith.constant 0 : i32
      %dma_start3A_269 = tpu.memref_slice %arg9[%dma_start3A_267, %dma_start3A_268] : memref<10016x64xf32, #tpu.memory_space<vmem_shared>> -> memref<10016x64xf32, #tpu.memory_space<vmem_shared>>
      tpu.enqueue_indirect_dma source(%arg12 : memref<128x64xf32, #tpu.memory_space<vmem>>) target(%dma_start3A_269 : memref<10016x64xf32, #tpu.memory_space<vmem_shared>>) offsets(%dma_start3A_266 : memref<128xi32, #tpu.memory_space<vmem>>) semaphore(%run_scoped3A_263 : memref<!tpu.dma_semaphore, #tpu.memory_space<semaphore_mem>>) {add = true}
      %dma_wait3A_270 = arith.constant 0 : i32
      %dma_wait3A_271 = tpu.memref_slice %arg7[%add3A_237, %dma_wait3A_270] : memref<80x128xi32, #tpu.memory_space<vmem>> -> memref<1x128xi32, #tpu.memory_space<vmem>>
      %dma_wait3A_272 = tpu.memref_squeeze %dma_wait3A_271 : memref<1x128xi32, #tpu.memory_space<vmem>> -> memref<128xi32, #tpu.memory_space<vmem>>
      %dma_wait3A_273 = arith.constant 0 : i32
      %dma_wait3A_274 = arith.constant 0 : i32
      %dma_wait3A_275 = tpu.memref_slice %arg9[%dma_wait3A_273, %dma_wait3A_274] : memref<10016x64xf32, #tpu.memory_space<vmem_shared>> -> memref<10016x64xf32, #tpu.memory_space<vmem_shared>>
      tpu.wait_indirect_dma semaphore(%run_scoped3A_263 : memref<!tpu.dma_semaphore, #tpu.memory_space<semaphore_mem>>) src(%arg12 : memref<128x64xf32, #tpu.memory_space<vmem>>) dst(%dma_wait3A_275 : memref<10016x64xf32, #tpu.memory_space<vmem_shared>>)
      tpu.yield
    }) : () -> ()
    %sub3A_244 = arith.constant 4 : i32
    %sub3A_245 = arith.subi %min3A, %sub3A_244 : i32
    %add3A_246 = arith.constant 3 : i32
    %add3A_247 = arith.addi %sub3A_245, %add3A_246 : i32
    %dma_wait3A_248 = arith.constant 0 : i32
    %dma_wait3A_249 = arith.constant 0 : i32
    %dma_wait3A_250 = tpu.memref_slice %arg3[%dma_wait3A_248, %dma_wait3A_249] : memref<10000x64xf32, #tpu.memory_space<hbm>> -> memref<128x64xf32, #tpu.memory_space<hbm>>
    %dma_wait3A_251 = arith.constant 0 : i32
    %dma_wait3A_252 = arith.constant 0 : i32
    %dma_wait3A_253 = tpu.memref_slice %arg3[%dma_wait3A_251, %dma_wait3A_252] : memref<10000x64xf32, #tpu.memory_space<hbm>> -> memref<128x64xf32, #tpu.memory_space<hbm>>
    tpu.wait_dma2 semaphore(%arg17 : memref<!tpu.dma_semaphore, #tpu.memory_space<semaphore_mem>>) src(%dma_wait3A_253 : memref<128x64xf32, #tpu.memory_space<hbm>>) dst(%arg13 : memref<128x64xf32, #tpu.memory_space<vmem>>)
    "tpu.region"() ({
      %run_scoped3A_263 = tpu.sem_alloc : memref<!tpu.dma_semaphore, #tpu.memory_space<semaphore_mem>>
      %dma_start3A_264 = arith.constant 0 : i32
      %dma_start3A_265 = tpu.memref_slice %arg7[%add3A_247, %dma_start3A_264] : memref<80x128xi32, #tpu.memory_space<vmem>> -> memref<1x128xi32, #tpu.memory_space<vmem>>
      %dma_start3A_266 = tpu.memref_squeeze %dma_start3A_265 : memref<1x128xi32, #tpu.memory_space<vmem>> -> memref<128xi32, #tpu.memory_space<vmem>>
      %dma_start3A_267 = arith.constant 0 : i32
      %dma_start3A_268 = arith.constant 0 : i32
      %dma_start3A_269 = tpu.memref_slice %arg9[%dma_start3A_267, %dma_start3A_268] : memref<10016x64xf32, #tpu.memory_space<vmem_shared>> -> memref<10016x64xf32, #tpu.memory_space<vmem_shared>>
      tpu.enqueue_indirect_dma source(%arg13 : memref<128x64xf32, #tpu.memory_space<vmem>>) target(%dma_start3A_269 : memref<10016x64xf32, #tpu.memory_space<vmem_shared>>) offsets(%dma_start3A_266 : memref<128xi32, #tpu.memory_space<vmem>>) semaphore(%run_scoped3A_263 : memref<!tpu.dma_semaphore, #tpu.memory_space<semaphore_mem>>) {add = true}
      %dma_wait3A_270 = arith.constant 0 : i32
      %dma_wait3A_271 = tpu.memref_slice %arg7[%add3A_247, %dma_wait3A_270] : memref<80x128xi32, #tpu.memory_space<vmem>> -> memref<1x128xi32, #tpu.memory_space<vmem>>
      %dma_wait3A_272 = tpu.memref_squeeze %dma_wait3A_271 : memref<1x128xi32, #tpu.memory_space<vmem>> -> memref<128xi32, #tpu.memory_space<vmem>>
      %dma_wait3A_273 = arith.constant 0 : i32
      %dma_wait3A_274 = arith.constant 0 : i32
      %dma_wait3A_275 = tpu.memref_slice %arg9[%dma_wait3A_273, %dma_wait3A_274] : memref<10016x64xf32, #tpu.memory_space<vmem_shared>> -> memref<10016x64xf32, #tpu.memory_space<vmem_shared>>
      tpu.wait_indirect_dma semaphore(%run_scoped3A_263 : memref<!tpu.dma_semaphore, #tpu.memory_space<semaphore_mem>>) src(%arg13 : memref<128x64xf32, #tpu.memory_space<vmem>>) dst(%dma_wait3A_275 : memref<10016x64xf32, #tpu.memory_space<vmem_shared>>)
      tpu.yield
    }) : () -> ()
    %barrier3A_254 = arith.constant 0 : index
    tpu.barrier barrier_id(%barrier3A_254)
    %add3A_255 = arith.constant 0 : i32
    %add3A_256 = arith.addi %min3A_12, %add3A_255 : i32
    "tpu.region"() ({
      %run_scoped3A_263 = tpu.sem_alloc : memref<!tpu.dma_semaphore, #tpu.memory_space<semaphore_mem>>
      %dma_start3A_264 = arith.constant 0 : i32
      %dma_start3A_265 = tpu.memref_slice %arg9[%add3A_256, %dma_start3A_264] : memref<10016x64xf32, #tpu.memory_space<vmem_shared>> -> memref<160x64xf32, #tpu.memory_space<vmem_shared>>
      %dma_start3A_266 = arith.constant 0 : i32
      %dma_start3A_267 = tpu.memref_slice %arg9[%add3A_256, %dma_start3A_266] : memref<10016x64xf32, #tpu.memory_space<vmem_shared>> -> memref<160x64xf32, #tpu.memory_space<vmem_shared>>
      tpu.enqueue_dma source(%dma_start3A_267 : memref<160x64xf32, #tpu.memory_space<vmem_shared>>) target(%arg8 : memref<160x64xf32, #tpu.memory_space<vmem>>) target_semaphore(%run_scoped3A_263 : memref<!tpu.dma_semaphore, #tpu.memory_space<semaphore_mem>>)
      %dma_wait3A_268 = arith.constant 0 : i32
      %dma_wait3A_269 = tpu.memref_slice %arg9[%add3A_256, %dma_wait3A_268] : memref<10016x64xf32, #tpu.memory_space<vmem_shared>> -> memref<160x64xf32, #tpu.memory_space<vmem_shared>>
      %dma_wait3A_270 = arith.constant 0 : i32
      %dma_wait3A_271 = tpu.memref_slice %arg9[%add3A_256, %dma_wait3A_270] : memref<10016x64xf32, #tpu.memory_space<vmem_shared>> -> memref<160x64xf32, #tpu.memory_space<vmem_shared>>
      tpu.wait_dma2 semaphore(%run_scoped3A_263 : memref<!tpu.dma_semaphore, #tpu.memory_space<semaphore_mem>>) src(%dma_wait3A_271 : memref<160x64xf32, #tpu.memory_space<vmem_shared>>) dst(%arg8 : memref<160x64xf32, #tpu.memory_space<vmem>>)
      tpu.yield
    }) : () -> ()
    "tpu.region"() ({
      %run_scoped3A_263 = tpu.sem_alloc : memref<!tpu.dma_semaphore, #tpu.memory_space<semaphore_mem>>
      %dma_start3A_264 = arith.constant 64 : i32
      %dma_start3A_265 = tpu.memref_slice %arg5[%arg0, %add3A_256, %dma_start3A_264] : memref<2x10000x128xf32, #tpu.memory_space<hbm>> -> memref<1x160x64xf32, #tpu.memory_space<hbm>>
      %dma_start3A_266 = tpu.memref_squeeze %dma_start3A_265 : memref<1x160x64xf32, #tpu.memory_space<hbm>> -> memref<160x64xf32, #tpu.memory_space<hbm>>
      %dma_start3A_267 = arith.constant 64 : i32
      %dma_start3A_268 = tpu.memref_slice %arg5[%arg0, %add3A_256, %dma_start3A_267] : memref<2x10000x128xf32, #tpu.memory_space<hbm>> -> memref<1x160x64xf32, #tpu.memory_space<hbm>>
      %dma_start3A_269 = tpu.memref_squeeze %dma_start3A_268 : memref<1x160x64xf32, #tpu.memory_space<hbm>> -> memref<160x64xf32, #tpu.memory_space<hbm>>
      tpu.enqueue_dma source(%arg8 : memref<160x64xf32, #tpu.memory_space<vmem>>) target(%dma_start3A_269 : memref<160x64xf32, #tpu.memory_space<hbm>>) target_semaphore(%run_scoped3A_263 : memref<!tpu.dma_semaphore, #tpu.memory_space<semaphore_mem>>)
      %dma_wait3A_270 = arith.constant 64 : i32
      %dma_wait3A_271 = tpu.memref_slice %arg5[%arg0, %add3A_256, %dma_wait3A_270] : memref<2x10000x128xf32, #tpu.memory_space<hbm>> -> memref<1x160x64xf32, #tpu.memory_space<hbm>>
      %dma_wait3A_272 = tpu.memref_squeeze %dma_wait3A_271 : memref<1x160x64xf32, #tpu.memory_space<hbm>> -> memref<160x64xf32, #tpu.memory_space<hbm>>
      %dma_wait3A_273 = arith.constant 64 : i32
      %dma_wait3A_274 = tpu.memref_slice %arg5[%arg0, %add3A_256, %dma_wait3A_273] : memref<2x10000x128xf32, #tpu.memory_space<hbm>> -> memref<1x160x64xf32, #tpu.memory_space<hbm>>
      %dma_wait3A_275 = tpu.memref_squeeze %dma_wait3A_274 : memref<1x160x64xf32, #tpu.memory_space<hbm>> -> memref<160x64xf32, #tpu.memory_space<hbm>>
      tpu.wait_dma2 semaphore(%run_scoped3A_263 : memref<!tpu.dma_semaphore, #tpu.memory_space<semaphore_mem>>) src(%arg8 : memref<160x64xf32, #tpu.memory_space<vmem>>) dst(%dma_wait3A_275 : memref<160x64xf32, #tpu.memory_space<hbm>>)
      tpu.yield
    }) : () -> ()
    %add3A_257 = arith.constant 160 : i32
    %add3A_258 = arith.addi %min3A_12, %add3A_257 : i32
    "tpu.region"() ({
      %run_scoped3A_263 = tpu.sem_alloc : memref<!tpu.dma_semaphore, #tpu.memory_space<semaphore_mem>>
      %dma_start3A_264 = arith.constant 0 : i32
      %dma_start3A_265 = tpu.memref_slice %arg9[%add3A_258, %dma_start3A_264] : memref<10016x64xf32, #tpu.memory_space<vmem_shared>> -> memref<160x64xf32, #tpu.memory_space<vmem_shared>>
      %dma_start3A_266 = arith.constant 0 : i32
      %dma_start3A_267 = tpu.memref_slice %arg9[%add3A_258, %dma_start3A_266] : memref<10016x64xf32, #tpu.memory_space<vmem_shared>> -> memref<160x64xf32, #tpu.memory_space<vmem_shared>>
      tpu.enqueue_dma source(%dma_start3A_267 : memref<160x64xf32, #tpu.memory_space<vmem_shared>>) target(%arg8 : memref<160x64xf32, #tpu.memory_space<vmem>>) target_semaphore(%run_scoped3A_263 : memref<!tpu.dma_semaphore, #tpu.memory_space<semaphore_mem>>)
      %dma_wait3A_268 = arith.constant 0 : i32
      %dma_wait3A_269 = tpu.memref_slice %arg9[%add3A_258, %dma_wait3A_268] : memref<10016x64xf32, #tpu.memory_space<vmem_shared>> -> memref<160x64xf32, #tpu.memory_space<vmem_shared>>
      %dma_wait3A_270 = arith.constant 0 : i32
      %dma_wait3A_271 = tpu.memref_slice %arg9[%add3A_258, %dma_wait3A_270] : memref<10016x64xf32, #tpu.memory_space<vmem_shared>> -> memref<160x64xf32, #tpu.memory_space<vmem_shared>>
      tpu.wait_dma2 semaphore(%run_scoped3A_263 : memref<!tpu.dma_semaphore, #tpu.memory_space<semaphore_mem>>) src(%dma_wait3A_271 : memref<160x64xf32, #tpu.memory_space<vmem_shared>>) dst(%arg8 : memref<160x64xf32, #tpu.memory_space<vmem>>)
      tpu.yield
    }) : () -> ()
    "tpu.region"() ({
      %run_scoped3A_263 = tpu.sem_alloc : memref<!tpu.dma_semaphore, #tpu.memory_space<semaphore_mem>>
      %dma_start3A_264 = arith.constant 64 : i32
      %dma_start3A_265 = tpu.memref_slice %arg5[%arg0, %add3A_258, %dma_start3A_264] : memref<2x10000x128xf32, #tpu.memory_space<hbm>> -> memref<1x160x64xf32, #tpu.memory_space<hbm>>
      %dma_start3A_266 = tpu.memref_squeeze %dma_start3A_265 : memref<1x160x64xf32, #tpu.memory_space<hbm>> -> memref<160x64xf32, #tpu.memory_space<hbm>>
      %dma_start3A_267 = arith.constant 64 : i32
      %dma_start3A_268 = tpu.memref_slice %arg5[%arg0, %add3A_258, %dma_start3A_267] : memref<2x10000x128xf32, #tpu.memory_space<hbm>> -> memref<1x160x64xf32, #tpu.memory_space<hbm>>
      %dma_start3A_269 = tpu.memref_squeeze %dma_start3A_268 : memref<1x160x64xf32, #tpu.memory_space<hbm>> -> memref<160x64xf32, #tpu.memory_space<hbm>>
      tpu.enqueue_dma source(%arg8 : memref<160x64xf32, #tpu.memory_space<vmem>>) target(%dma_start3A_269 : memref<160x64xf32, #tpu.memory_space<hbm>>) target_semaphore(%run_scoped3A_263 : memref<!tpu.dma_semaphore, #tpu.memory_space<semaphore_mem>>)
      %dma_wait3A_270 = arith.constant 64 : i32
      %dma_wait3A_271 = tpu.memref_slice %arg5[%arg0, %add3A_258, %dma_wait3A_270] : memref<2x10000x128xf32, #tpu.memory_space<hbm>> -> memref<1x160x64xf32, #tpu.memory_space<hbm>>
      %dma_wait3A_272 = tpu.memref_squeeze %dma_wait3A_271 : memref<1x160x64xf32, #tpu.memory_space<hbm>> -> memref<160x64xf32, #tpu.memory_space<hbm>>
      %dma_wait3A_273 = arith.constant 64 : i32
      %dma_wait3A_274 = tpu.memref_slice %arg5[%arg0, %add3A_258, %dma_wait3A_273] : memref<2x10000x128xf32, #tpu.memory_space<hbm>> -> memref<1x160x64xf32, #tpu.memory_space<hbm>>
      %dma_wait3A_275 = tpu.memref_squeeze %dma_wait3A_274 : memref<1x160x64xf32, #tpu.memory_space<hbm>> -> memref<160x64xf32, #tpu.memory_space<hbm>>
      tpu.wait_dma2 semaphore(%run_scoped3A_263 : memref<!tpu.dma_semaphore, #tpu.memory_space<semaphore_mem>>) src(%arg8 : memref<160x64xf32, #tpu.memory_space<vmem>>) dst(%dma_wait3A_275 : memref<160x64xf32, #tpu.memory_space<hbm>>)
      tpu.yield
    }) : () -> ()
    %add3A_259 = arith.constant 320 : i32
    %add3A_260 = arith.addi %min3A_12, %add3A_259 : i32
    "tpu.region"() ({
      %run_scoped3A_263 = tpu.sem_alloc : memref<!tpu.dma_semaphore, #tpu.memory_space<semaphore_mem>>
      %dma_start3A_264 = arith.constant 0 : i32
      %dma_start3A_265 = tpu.memref_slice %arg9[%add3A_260, %dma_start3A_264] : memref<10016x64xf32, #tpu.memory_space<vmem_shared>> -> memref<160x64xf32, #tpu.memory_space<vmem_shared>>
      %dma_start3A_266 = arith.constant 0 : i32
      %dma_start3A_267 = tpu.memref_slice %arg9[%add3A_260, %dma_start3A_266] : memref<10016x64xf32, #tpu.memory_space<vmem_shared>> -> memref<160x64xf32, #tpu.memory_space<vmem_shared>>
      tpu.enqueue_dma source(%dma_start3A_267 : memref<160x64xf32, #tpu.memory_space<vmem_shared>>) target(%arg8 : memref<160x64xf32, #tpu.memory_space<vmem>>) target_semaphore(%run_scoped3A_263 : memref<!tpu.dma_semaphore, #tpu.memory_space<semaphore_mem>>)
      %dma_wait3A_268 = arith.constant 0 : i32
      %dma_wait3A_269 = tpu.memref_slice %arg9[%add3A_260, %dma_wait3A_268] : memref<10016x64xf32, #tpu.memory_space<vmem_shared>> -> memref<160x64xf32, #tpu.memory_space<vmem_shared>>
      %dma_wait3A_270 = arith.constant 0 : i32
      %dma_wait3A_271 = tpu.memref_slice %arg9[%add3A_260, %dma_wait3A_270] : memref<10016x64xf32, #tpu.memory_space<vmem_shared>> -> memref<160x64xf32, #tpu.memory_space<vmem_shared>>
      tpu.wait_dma2 semaphore(%run_scoped3A_263 : memref<!tpu.dma_semaphore, #tpu.memory_space<semaphore_mem>>) src(%dma_wait3A_271 : memref<160x64xf32, #tpu.memory_space<vmem_shared>>) dst(%arg8 : memref<160x64xf32, #tpu.memory_space<vmem>>)
      tpu.yield
    }) : () -> ()
    "tpu.region"() ({
      %run_scoped3A_263 = tpu.sem_alloc : memref<!tpu.dma_semaphore, #tpu.memory_space<semaphore_mem>>
      %dma_start3A_264 = arith.constant 64 : i32
      %dma_start3A_265 = tpu.memref_slice %arg5[%arg0, %add3A_260, %dma_start3A_264] : memref<2x10000x128xf32, #tpu.memory_space<hbm>> -> memref<1x160x64xf32, #tpu.memory_space<hbm>>
      %dma_start3A_266 = tpu.memref_squeeze %dma_start3A_265 : memref<1x160x64xf32, #tpu.memory_space<hbm>> -> memref<160x64xf32, #tpu.memory_space<hbm>>
      %dma_start3A_267 = arith.constant 64 : i32
      %dma_start3A_268 = tpu.memref_slice %arg5[%arg0, %add3A_260, %dma_start3A_267] : memref<2x10000x128xf32, #tpu.memory_space<hbm>> -> memref<1x160x64xf32, #tpu.memory_space<hbm>>
      %dma_start3A_269 = tpu.memref_squeeze %dma_start3A_268 : memref<1x160x64xf32, #tpu.memory_space<hbm>> -> memref<160x64xf32, #tpu.memory_space<hbm>>
      tpu.enqueue_dma source(%arg8 : memref<160x64xf32, #tpu.memory_space<vmem>>) target(%dma_start3A_269 : memref<160x64xf32, #tpu.memory_space<hbm>>) target_semaphore(%run_scoped3A_263 : memref<!tpu.dma_semaphore, #tpu.memory_space<semaphore_mem>>)
      %dma_wait3A_270 = arith.constant 64 : i32
      %dma_wait3A_271 = tpu.memref_slice %arg5[%arg0, %add3A_260, %dma_wait3A_270] : memref<2x10000x128xf32, #tpu.memory_space<hbm>> -> memref<1x160x64xf32, #tpu.memory_space<hbm>>
      %dma_wait3A_272 = tpu.memref_squeeze %dma_wait3A_271 : memref<1x160x64xf32, #tpu.memory_space<hbm>> -> memref<160x64xf32, #tpu.memory_space<hbm>>
      %dma_wait3A_273 = arith.constant 64 : i32
      %dma_wait3A_274 = tpu.memref_slice %arg5[%arg0, %add3A_260, %dma_wait3A_273] : memref<2x10000x128xf32, #tpu.memory_space<hbm>> -> memref<1x160x64xf32, #tpu.memory_space<hbm>>
      %dma_wait3A_275 = tpu.memref_squeeze %dma_wait3A_274 : memref<1x160x64xf32, #tpu.memory_space<hbm>> -> memref<160x64xf32, #tpu.memory_space<hbm>>
      tpu.wait_dma2 semaphore(%run_scoped3A_263 : memref<!tpu.dma_semaphore, #tpu.memory_space<semaphore_mem>>) src(%arg8 : memref<160x64xf32, #tpu.memory_space<vmem>>) dst(%dma_wait3A_275 : memref<160x64xf32, #tpu.memory_space<hbm>>)
      tpu.yield
    }) : () -> ()
    %add3A_261 = arith.constant 480 : i32
    %add3A_262 = arith.addi %min3A_12, %add3A_261 : i32
    "tpu.region"() ({
      %run_scoped3A_263 = tpu.sem_alloc : memref<!tpu.dma_semaphore, #tpu.memory_space<semaphore_mem>>
      %dma_start3A_264 = arith.constant 0 : i32
      %dma_start3A_265 = tpu.memref_slice %arg9[%add3A_262, %dma_start3A_264] : memref<10016x64xf32, #tpu.memory_space<vmem_shared>> -> memref<160x64xf32, #tpu.memory_space<vmem_shared>>
      %dma_start3A_266 = arith.constant 0 : i32
      %dma_start3A_267 = tpu.memref_slice %arg9[%add3A_262, %dma_start3A_266] : memref<10016x64xf32, #tpu.memory_space<vmem_shared>> -> memref<160x64xf32, #tpu.memory_space<vmem_shared>>
      tpu.enqueue_dma source(%dma_start3A_267 : memref<160x64xf32, #tpu.memory_space<vmem_shared>>) target(%arg8 : memref<160x64xf32, #tpu.memory_space<vmem>>) target_semaphore(%run_scoped3A_263 : memref<!tpu.dma_semaphore, #tpu.memory_space<semaphore_mem>>)
      %dma_wait3A_268 = arith.constant 0 : i32
      %dma_wait3A_269 = tpu.memref_slice %arg9[%add3A_262, %dma_wait3A_268] : memref<10016x64xf32, #tpu.memory_space<vmem_shared>> -> memref<160x64xf32, #tpu.memory_space<vmem_shared>>
      %dma_wait3A_270 = arith.constant 0 : i32
      %dma_wait3A_271 = tpu.memref_slice %arg9[%add3A_262, %dma_wait3A_270] : memref<10016x64xf32, #tpu.memory_space<vmem_shared>> -> memref<160x64xf32, #tpu.memory_space<vmem_shared>>
      tpu.wait_dma2 semaphore(%run_scoped3A_263 : memref<!tpu.dma_semaphore, #tpu.memory_space<semaphore_mem>>) src(%dma_wait3A_271 : memref<160x64xf32, #tpu.memory_space<vmem_shared>>) dst(%arg8 : memref<160x64xf32, #tpu.memory_space<vmem>>)
      tpu.yield
    }) : () -> ()
    "tpu.region"() ({
      %run_scoped3A_263 = tpu.sem_alloc : memref<!tpu.dma_semaphore, #tpu.memory_space<semaphore_mem>>
      %dma_start3A_264 = arith.constant 64 : i32
      %dma_start3A_265 = tpu.memref_slice %arg5[%arg0, %add3A_262, %dma_start3A_264] : memref<2x10000x128xf32, #tpu.memory_space<hbm>> -> memref<1x160x64xf32, #tpu.memory_space<hbm>>
      %dma_start3A_266 = tpu.memref_squeeze %dma_start3A_265 : memref<1x160x64xf32, #tpu.memory_space<hbm>> -> memref<160x64xf32, #tpu.memory_space<hbm>>
      %dma_start3A_267 = arith.constant 64 : i32
      %dma_start3A_268 = tpu.memref_slice %arg5[%arg0, %add3A_262, %dma_start3A_267] : memref<2x10000x128xf32, #tpu.memory_space<hbm>> -> memref<1x160x64xf32, #tpu.memory_space<hbm>>
      %dma_start3A_269 = tpu.memref_squeeze %dma_start3A_268 : memref<1x160x64xf32, #tpu.memory_space<hbm>> -> memref<160x64xf32, #tpu.memory_space<hbm>>
      tpu.enqueue_dma source(%arg8 : memref<160x64xf32, #tpu.memory_space<vmem>>) target(%dma_start3A_269 : memref<160x64xf32, #tpu.memory_space<hbm>>) target_semaphore(%run_scoped3A_263 : memref<!tpu.dma_semaphore, #tpu.memory_space<semaphore_mem>>)
      %dma_wait3A_270 = arith.constant 64 : i32
      %dma_wait3A_271 = tpu.memref_slice %arg5[%arg0, %add3A_262, %dma_wait3A_270] : memref<2x10000x128xf32, #tpu.memory_space<hbm>> -> memref<1x160x64xf32, #tpu.memory_space<hbm>>
      %dma_wait3A_272 = tpu.memref_squeeze %dma_wait3A_271 : memref<1x160x64xf32, #tpu.memory_space<hbm>> -> memref<160x64xf32, #tpu.memory_space<hbm>>
      %dma_wait3A_273 = arith.constant 64 : i32
      %dma_wait3A_274 = tpu.memref_slice %arg5[%arg0, %add3A_262, %dma_wait3A_273] : memref<2x10000x128xf32, #tpu.memory_space<hbm>> -> memref<1x160x64xf32, #tpu.memory_space<hbm>>
      %dma_wait3A_275 = tpu.memref_squeeze %dma_wait3A_274 : memref<1x160x64xf32, #tpu.memory_space<hbm>> -> memref<160x64xf32, #tpu.memory_space<hbm>>
      tpu.wait_dma2 semaphore(%run_scoped3A_263 : memref<!tpu.dma_semaphore, #tpu.memory_space<semaphore_mem>>) src(%arg8 : memref<160x64xf32, #tpu.memory_space<vmem>>) dst(%dma_wait3A_275 : memref<160x64xf32, #tpu.memory_space<hbm>>)
      tpu.yield
    }) : () -> ()
    return
  }
}

module attributes {stable_mosaic.version = 14 : i64} {
  func.func @_proj_body(%arg0: i32, %arg1: memref<2000x128xf32, #tpu.memory_space<vmem>>, %arg2: memref<128x128xf32, #tpu.memory_space<vmem>>, %arg3: memref<128x128xf32, #tpu.memory_space<vmem>>, %arg4: memref<1x128xf32, #tpu.memory_space<vmem>>, %arg5: memref<2000x64xf32, #tpu.memory_space<vmem>>, %arg6: memref<2000x64xf32, #tpu.memory_space<vmem>>, %arg7: memref<2000x128xf32, #tpu.memory_space<vmem>>) attributes {dimension_semantics = [#tpu.dimension_semantics<arbitrary>], iteration_bounds = array<i64: 5>, scalar_prefetch = 0 : i64, scratch_operands = 0 : i64, tpu.core_type = #tpu.core_type<tc>, window_params = [{transform_indices = @transform_0, window_bounds = array<i64: 2000, 128>}, {pipeline_mode = #tpu.pipeline_mode<synchronous>, transform_indices = @transform_1, window_bounds = array<i64: 128, 128>}, {pipeline_mode = #tpu.pipeline_mode<synchronous>, transform_indices = @transform_2, window_bounds = array<i64: 128, 128>}, {pipeline_mode = #tpu.pipeline_mode<synchronous>, transform_indices = @transform_3, window_bounds = array<i64: 1, 128>}, {transform_indices = @transform_4, window_bounds = array<i64: 2000, 64>}, {transform_indices = @transform_5, window_bounds = array<i64: 2000, 64>}, {transform_indices = @transform_6, window_bounds = array<i64: 2000, 128>}]} {
    %get3A = arith.constant 0 : index
    %get3A_0 = arith.constant 0 : index
    %get3A_1 = vector.load %arg1[%get3A, %get3A_0] : memref<2000x128xf32, #tpu.memory_space<vmem>>, vector<2000x128xf32>
    %get3A_2 = arith.constant 0 : index
    %get3A_3 = arith.constant 0 : index
    %get3A_4 = vector.load %arg2[%get3A_2, %get3A_3] : memref<128x128xf32, #tpu.memory_space<vmem>>, vector<128x128xf32>
    %convert_element_type3A = arith.truncf %get3A_1 : vector<2000x128xf32> to vector<2000x128xbf16>
    %convert_element_type3A_5 = arith.truncf %get3A_4 : vector<128x128xf32> to vector<128x128xbf16>
    %dot_general3A = arith.constant dense<0.000000e+00> : vector<2000x128xf32>
    %dot_general3A_6 = tpu.matmul %convert_element_type3A, %convert_element_type3A_5, %dot_general3A {dimension_numbers = #tpu.dot_dimension_numbers<[1], [1], [0], [0], [0, 0, 1, 0], [], []>, transpose_lhs_hint = false} : vector<2000x128xbf16>, vector<128x128xbf16>, vector<2000x128xf32> -> vector<2000x128xf32>
    %slice3A = vector.extract_strided_slice %dot_general3A_6 {offsets = [0, 0], sizes = [2000, 64], strides = [1, 1]} : vector<2000x128xf32> to vector<2000x64xf32>
    %swap3A = arith.constant 0 : index
    %swap3A_7 = arith.constant 0 : index
    %swap3A_8 = vector.load %arg5[%swap3A, %swap3A_7] : memref<2000x64xf32, #tpu.memory_space<vmem>>, vector<2000x64xf32>
    tpu.vector_store %arg5[%swap3A, %swap3A_7], %slice3A {strides = array<i32>} : memref<2000x64xf32, #tpu.memory_space<vmem>>, vector<2000x64xf32>,
    %slice3A_9 = vector.extract_strided_slice %dot_general3A_6 {offsets = [0, 64], sizes = [2000, 64], strides = [1, 1]} : vector<2000x128xf32> to vector<2000x64xf32>
    %swap3A_10 = arith.constant 0 : index
    %swap3A_11 = arith.constant 0 : index
    %swap3A_12 = vector.load %arg6[%swap3A_10, %swap3A_11] : memref<2000x64xf32, #tpu.memory_space<vmem>>, vector<2000x64xf32>
    tpu.vector_store %arg6[%swap3A_10, %swap3A_11], %slice3A_9 {strides = array<i32>} : memref<2000x64xf32, #tpu.memory_space<vmem>>, vector<2000x64xf32>,
    %get3A_13 = arith.constant 0 : index
    %get3A_14 = arith.constant 0 : index
    %get3A_15 = vector.load %arg3[%get3A_13, %get3A_14] : memref<128x128xf32, #tpu.memory_space<vmem>>, vector<128x128xf32>
    %convert_element_type3A_16 = arith.truncf %get3A_1 : vector<2000x128xf32> to vector<2000x128xbf16>
    %convert_element_type3A_17 = arith.truncf %get3A_15 : vector<128x128xf32> to vector<128x128xbf16>
    %dot_general3A_18 = arith.constant dense<0.000000e+00> : vector<2000x128xf32>
    %dot_general3A_19 = tpu.matmul %convert_element_type3A_16, %convert_element_type3A_17, %dot_general3A_18 {dimension_numbers = #tpu.dot_dimension_numbers<[1], [1], [0], [0], [0, 0, 1, 0], [], []>, transpose_lhs_hint = false} : vector<2000x128xbf16>, vector<128x128xbf16>, vector<2000x128xf32> -> vector<2000x128xf32>
    %get3A_20 = arith.constant 0 : index
    %get3A_21 = arith.constant 0 : index
    %get3A_22 = vector.load %arg4[%get3A_20, %get3A_21] : memref<1x128xf32, #tpu.memory_space<vmem>>, vector<1x128xf32>
    %add3A = vector.broadcast %get3A_22 : vector<1x128xf32> to vector<2000x128xf32>
    %add3A_23 = arith.addf %dot_general3A_19, %add3A : vector<2000x128xf32>
    %swap3A_24 = arith.constant 0 : index
    %swap3A_25 = arith.constant 0 : index
    %swap3A_26 = vector.load %arg7[%swap3A_24, %swap3A_25] : memref<2000x128xf32, #tpu.memory_space<vmem>>, vector<2000x128xf32>
    tpu.vector_store %arg7[%swap3A_24, %swap3A_25], %add3A_23 {strides = array<i32>} : memref<2000x128xf32, #tpu.memory_space<vmem>>, vector<2000x128xf32>,
    return
  }
  func.func @transform_0(%arg0: i32) -> (i32, i32) {
    %c0_i32 = arith.constant 0 : i32
    %c0_i32_0 = arith.constant 0 : i32
    return %arg0, %c0_i32 : i32, i32
  }
  func.func @transform_1(%arg0: i32) -> (i32, i32) {
    %c0_i32 = arith.constant 0 : i32
    %c0_i32_0 = arith.constant 0 : i32
    %c0_i32_1 = arith.constant 0 : i32
    return %c0_i32, %c0_i32_0 : i32, i32
  }
  func.func @transform_2(%arg0: i32) -> (i32, i32) {
    %c0_i32 = arith.constant 0 : i32
    %c0_i32_0 = arith.constant 0 : i32
    %c0_i32_1 = arith.constant 0 : i32
    return %c0_i32, %c0_i32_0 : i32, i32
  }
  func.func @transform_3(%arg0: i32) -> (i32, i32) {
    %c0_i32 = arith.constant 0 : i32
    %c0_i32_0 = arith.constant 0 : i32
    %c0_i32_1 = arith.constant 0 : i32
    return %c0_i32, %c0_i32_0 : i32, i32
  }
  func.func @transform_4(%arg0: i32) -> (i32, i32) {
    %c0_i32 = arith.constant 0 : i32
    %c0_i32_0 = arith.constant 0 : i32
    return %arg0, %c0_i32 : i32, i32
  }
  func.func @transform_5(%arg0: i32) -> (i32, i32) {
    %c0_i32 = arith.constant 0 : i32
    %c0_i32_0 = arith.constant 0 : i32
    return %arg0, %c0_i32 : i32, i32
  }
  func.func @transform_6(%arg0: i32) -> (i32, i32) {
    %c0_i32 = arith.constant 0 : i32
    %c0_i32_0 = arith.constant 0 : i32
    return %arg0, %c0_i32 : i32, i32
  }
}

module attributes {stable_mosaic.version = 14 : i64} {
  func.func @_mid_body(%arg0: memref<2x10000x128xf32, #tpu.memory_space<vmem>>, %arg1: memref<32x10000xf32, #tpu.memory_space<vmem>>, %arg2: memref<10000x128xf32, #tpu.memory_space<vmem>>, %arg3: memref<128x128xf32, #tpu.memory_space<vmem>>, %arg4: memref<128x128xf32, #tpu.memory_space<vmem>>, %arg5: memref<1x128xf32, #tpu.memory_space<vmem>>, %arg6: memref<10000x64xf32, #tpu.memory_space<vmem>>, %arg7: memref<10000x64xf32, #tpu.memory_space<vmem>>, %arg8: memref<10000x128xf32, #tpu.memory_space<vmem>>) attributes {dimension_semantics = [], scalar_prefetch = 0 : i64, scratch_operands = 0 : i64, tpu.core_type = #tpu.core_type<tc>} {
    %get3A = arith.constant 0 : index
    %get3A_0 = arith.constant 0 : index
    %get3A_1 = arith.constant 0 : index
    %get3A_2 = vector.load %arg0[%get3A, %get3A_0, %get3A_1] : memref<2x10000x128xf32, #tpu.memory_space<vmem>>, vector<1x10000x128xf32>
    %get3A_3 = vector.shape_cast %get3A_2 : vector<1x10000x128xf32> to vector<10000x128xf32>
    %get3A_4 = arith.constant 1 : index
    %get3A_5 = arith.constant 0 : index
    %get3A_6 = arith.constant 0 : index
    %get3A_7 = vector.load %arg0[%get3A_4, %get3A_5, %get3A_6] : memref<2x10000x128xf32, #tpu.memory_space<vmem>>, vector<1x10000x128xf32>
    %get3A_8 = vector.shape_cast %get3A_7 : vector<1x10000x128xf32> to vector<10000x128xf32>
    %add3A = arith.addf %get3A_3, %get3A_8 : vector<10000x128xf32>
    %get3A_9 = arith.constant 0 : index
    %get3A_10 = arith.constant 0 : index
    %get3A_11 = vector.load %arg1[%get3A_9, %get3A_10] : memref<32x10000xf32, #tpu.memory_space<vmem>>, vector<32x10000xf32>
    %reduce_sum3A = arith.constant dense<0.000000e+00> : vector<10000xf32>
    %reduce_sum3A_12 = vector.multi_reduction <add>, %get3A_11, %reduce_sum3A [0] : vector<32x10000xf32> to vector<10000xf32>
    %max3A = arith.constant 1.000000e+00 : f32
    %max3A_13 = vector.broadcast %max3A : f32 to vector<10000xf32>
    %max3A_14 = arith.maximumf %reduce_sum3A_12, %max3A_13 : vector<10000xf32>
    %div3A = arith.constant 1.000000e+00 : f32
    %div3A_15 = vector.broadcast %div3A : f32 to vector<10000xf32>
    %div3A_16 = arith.divf %div3A_15, %max3A_14 : vector<10000xf32>
    %broadcast_in_dim3A = vector.shape_cast %div3A_16 : vector<10000xf32> to vector<10000x1xf32>
    %mul3A = vector.broadcast %broadcast_in_dim3A : vector<10000x1xf32> to vector<10000x128xf32>
    %mul3A_17 = arith.mulf %add3A, %mul3A : vector<10000x128xf32>
    %get3A_18 = arith.constant 0 : index
    %get3A_19 = arith.constant 0 : index
    %get3A_20 = vector.load %arg2[%get3A_18, %get3A_19] : memref<10000x128xf32, #tpu.memory_space<vmem>>, vector<10000x128xf32>
    %add3A_21 = arith.addf %mul3A_17, %get3A_20 : vector<10000x128xf32>
    %max3A_22 = arith.constant 0.000000e+00 : f32
    %max3A_23 = vector.broadcast %max3A_22 : f32 to vector<10000x128xf32>
    %max3A_24 = arith.maximumf %add3A_21, %max3A_23 : vector<10000x128xf32>
    %get3A_25 = arith.constant 0 : index
    %get3A_26 = arith.constant 0 : index
    %get3A_27 = vector.load %arg3[%get3A_25, %get3A_26] : memref<128x128xf32, #tpu.memory_space<vmem>>, vector<128x128xf32>
    %convert_element_type3A = arith.truncf %max3A_24 : vector<10000x128xf32> to vector<10000x128xbf16>
    %convert_element_type3A_28 = arith.truncf %get3A_27 : vector<128x128xf32> to vector<128x128xbf16>
    %dot_general3A = arith.constant dense<0.000000e+00> : vector<10000x128xf32>
    %dot_general3A_29 = tpu.matmul %convert_element_type3A, %convert_element_type3A_28, %dot_general3A {dimension_numbers = #tpu.dot_dimension_numbers<[1], [1], [0], [0], [0, 0, 1, 0], [], []>, transpose_lhs_hint = false} : vector<10000x128xbf16>, vector<128x128xbf16>, vector<10000x128xf32> -> vector<10000x128xf32>
    %slice3A = vector.extract_strided_slice %dot_general3A_29 {offsets = [0, 0], sizes = [10000, 64], strides = [1, 1]} : vector<10000x128xf32> to vector<10000x64xf32>
    %swap3A = arith.constant 0 : index
    %swap3A_30 = arith.constant 0 : index
    %swap3A_31 = vector.load %arg6[%swap3A, %swap3A_30] : memref<10000x64xf32, #tpu.memory_space<vmem>>, vector<10000x64xf32>
    tpu.vector_store %arg6[%swap3A, %swap3A_30], %slice3A {strides = array<i32>} : memref<10000x64xf32, #tpu.memory_space<vmem>>, vector<10000x64xf32>,
    %slice3A_32 = vector.extract_strided_slice %dot_general3A_29 {offsets = [0, 64], sizes = [10000, 64], strides = [1, 1]} : vector<10000x128xf32> to vector<10000x64xf32>
    %swap3A_33 = arith.constant 0 : index
    %swap3A_34 = arith.constant 0 : index
    %swap3A_35 = vector.load %arg7[%swap3A_33, %swap3A_34] : memref<10000x64xf32, #tpu.memory_space<vmem>>, vector<10000x64xf32>
    tpu.vector_store %arg7[%swap3A_33, %swap3A_34], %slice3A_32 {strides = array<i32>} : memref<10000x64xf32, #tpu.memory_space<vmem>>, vector<10000x64xf32>,
    %get3A_36 = arith.constant 0 : index
    %get3A_37 = arith.constant 0 : index
    %get3A_38 = vector.load %arg4[%get3A_36, %get3A_37] : memref<128x128xf32, #tpu.memory_space<vmem>>, vector<128x128xf32>
    %convert_element_type3A_39 = arith.truncf %max3A_24 : vector<10000x128xf32> to vector<10000x128xbf16>
    %convert_element_type3A_40 = arith.truncf %get3A_38 : vector<128x128xf32> to vector<128x128xbf16>
    %dot_general3A_41 = arith.constant dense<0.000000e+00> : vector<10000x128xf32>
    %dot_general3A_42 = tpu.matmul %convert_element_type3A_39, %convert_element_type3A_40, %dot_general3A_41 {dimension_numbers = #tpu.dot_dimension_numbers<[1], [1], [0], [0], [0, 0, 1, 0], [], []>, transpose_lhs_hint = false} : vector<10000x128xbf16>, vector<128x128xbf16>, vector<10000x128xf32> -> vector<10000x128xf32>
    %get3A_43 = arith.constant 0 : index
    %get3A_44 = arith.constant 0 : index
    %get3A_45 = vector.load %arg5[%get3A_43, %get3A_44] : memref<1x128xf32, #tpu.memory_space<vmem>>, vector<1x128xf32>
    %add3A_46 = vector.broadcast %get3A_45 : vector<1x128xf32> to vector<10000x128xf32>
    %add3A_47 = arith.addf %dot_general3A_42, %add3A_46 : vector<10000x128xf32>
    %swap3A_48 = arith.constant 0 : index
    %swap3A_49 = arith.constant 0 : index
    %swap3A_50 = vector.load %arg8[%swap3A_48, %swap3A_49] : memref<10000x128xf32, #tpu.memory_space<vmem>>, vector<10000x128xf32>
    tpu.vector_store %arg8[%swap3A_48, %swap3A_49], %add3A_47 {strides = array<i32>} : memref<10000x128xf32, #tpu.memory_space<vmem>>, vector<10000x128xf32>,
    return
  }
}

module attributes {stable_mosaic.version = 14 : i64} {
  func.func @_pool_body(%arg0: memref<2x10000x128xf32, #tpu.memory_space<vmem>>, %arg1: memref<32x10000xf32, #tpu.memory_space<vmem>>, %arg2: memref<10000x128xf32, #tpu.memory_space<vmem>>, %arg3: memref<1x10000xi32, #tpu.memory_space<vmem>>, %arg4: memref<128x128xf32, #tpu.memory_space<vmem>>, %arg5: memref<1x128xf32, #tpu.memory_space<vmem>>, %arg6: memref<64x128xf32, #tpu.memory_space<vmem>>) attributes {dimension_semantics = [], scalar_prefetch = 0 : i64, scratch_operands = 0 : i64, tpu.core_type = #tpu.core_type<tc>} {
    %get3A = arith.constant 0 : index
    %get3A_0 = arith.constant 0 : index
    %get3A_1 = arith.constant 0 : index
    %get3A_2 = vector.load %arg0[%get3A, %get3A_0, %get3A_1] : memref<2x10000x128xf32, #tpu.memory_space<vmem>>, vector<1x10000x128xf32>
    %get3A_3 = vector.shape_cast %get3A_2 : vector<1x10000x128xf32> to vector<10000x128xf32>
    %get3A_4 = arith.constant 1 : index
    %get3A_5 = arith.constant 0 : index
    %get3A_6 = arith.constant 0 : index
    %get3A_7 = vector.load %arg0[%get3A_4, %get3A_5, %get3A_6] : memref<2x10000x128xf32, #tpu.memory_space<vmem>>, vector<1x10000x128xf32>
    %get3A_8 = vector.shape_cast %get3A_7 : vector<1x10000x128xf32> to vector<10000x128xf32>
    %add3A = arith.addf %get3A_3, %get3A_8 : vector<10000x128xf32>
    %get3A_9 = arith.constant 0 : index
    %get3A_10 = arith.constant 0 : index
    %get3A_11 = vector.load %arg1[%get3A_9, %get3A_10] : memref<32x10000xf32, #tpu.memory_space<vmem>>, vector<32x10000xf32>
    %reduce_sum3A = arith.constant dense<0.000000e+00> : vector<10000xf32>
    %reduce_sum3A_12 = vector.multi_reduction <add>, %get3A_11, %reduce_sum3A [0] : vector<32x10000xf32> to vector<10000xf32>
    %max3A = arith.constant 1.000000e+00 : f32
    %max3A_13 = vector.broadcast %max3A : f32 to vector<10000xf32>
    %max3A_14 = arith.maximumf %reduce_sum3A_12, %max3A_13 : vector<10000xf32>
    %div3A = arith.constant 1.000000e+00 : f32
    %div3A_15 = vector.broadcast %div3A : f32 to vector<10000xf32>
    %div3A_16 = arith.divf %div3A_15, %max3A_14 : vector<10000xf32>
    %broadcast_in_dim3A = vector.shape_cast %div3A_16 : vector<10000xf32> to vector<10000x1xf32>
    %mul3A = vector.broadcast %broadcast_in_dim3A : vector<10000x1xf32> to vector<10000x128xf32>
    %mul3A_17 = arith.mulf %add3A, %mul3A : vector<10000x128xf32>
    %get3A_18 = arith.constant 0 : index
    %get3A_19 = arith.constant 0 : index
    %get3A_20 = vector.load %arg2[%get3A_18, %get3A_19] : memref<10000x128xf32, #tpu.memory_space<vmem>>, vector<10000x128xf32>
    %add3A_21 = arith.addf %mul3A_17, %get3A_20 : vector<10000x128xf32>
    %max3A_22 = arith.constant 0.000000e+00 : f32
    %max3A_23 = vector.broadcast %max3A_22 : f32 to vector<10000x128xf32>
    %max3A_24 = arith.maximumf %add3A_21, %max3A_23 : vector<10000x128xf32>
    %iota3A = tpu.iota {dimensions = array<i32: 0>} : vector<64x10000xi32>
    %get3A_25 = arith.constant 0 : index
    %get3A_26 = arith.constant 0 : index
    %get3A_27 = vector.load %arg3[%get3A_25, %get3A_26] : memref<1x10000xi32, #tpu.memory_space<vmem>>, vector<1x10000xi32>
    %eq3A = vector.broadcast %get3A_27 : vector<1x10000xi32> to vector<64x10000xi32>
    %eq3A_28 = arith.cmpi eq, %eq3A, %iota3A : vector<64x10000xi32>
    %convert_element_type3A = arith.extui %eq3A_28 : vector<64x10000xi1> to vector<64x10000xi32>
    %convert_element_type3A_29 = arith.sitofp %convert_element_type3A : vector<64x10000xi32> to vector<64x10000xf32>
    %convert_element_type3A_30 = arith.truncf %convert_element_type3A_29 : vector<64x10000xf32> to vector<64x10000xbf16>
    %convert_element_type3A_31 = arith.truncf %max3A_24 : vector<10000x128xf32> to vector<10000x128xbf16>
    %dot_general3A = arith.constant dense<0.000000e+00> : vector<64x128xf32>
    %dot_general3A_32 = tpu.matmul %convert_element_type3A_30, %convert_element_type3A_31, %dot_general3A {dimension_numbers = #tpu.dot_dimension_numbers<[1], [0], [0], [1], [0, 0, 1, 1], [], []>, transpose_lhs_hint = false} : vector<64x10000xbf16>, vector<10000x128xbf16>, vector<64x128xf32> -> vector<64x128xf32>
    %reduce_sum3A_33 = arith.constant dense<0.000000e+00> : vector<64xf32>
    %reduce_sum3A_34 = vector.multi_reduction <add>, %convert_element_type3A_29, %reduce_sum3A_33 [1] : vector<64x10000xf32> to vector<64xf32>
    %max3A_35 = arith.constant 1.000000e+00 : f32
    %max3A_36 = vector.broadcast %max3A_35 : f32 to vector<64xf32>
    %max3A_37 = arith.maximumf %reduce_sum3A_34, %max3A_36 : vector<64xf32>
    %broadcast_in_dim3A_38 = vector.shape_cast %max3A_37 : vector<64xf32> to vector<64x1xf32>
    %div3A_39 = vector.broadcast %broadcast_in_dim3A_38 : vector<64x1xf32> to vector<64x128xf32>
    %div3A_40 = arith.divf %dot_general3A_32, %div3A_39 : vector<64x128xf32>
    %get3A_41 = arith.constant 0 : index
    %get3A_42 = arith.constant 0 : index
    %get3A_43 = vector.load %arg4[%get3A_41, %get3A_42] : memref<128x128xf32, #tpu.memory_space<vmem>>, vector<128x128xf32>
    %convert_element_type3A_44 = arith.truncf %div3A_40 : vector<64x128xf32> to vector<64x128xbf16>
    %convert_element_type3A_45 = arith.truncf %get3A_43 : vector<128x128xf32> to vector<128x128xbf16>
    %dot_general3A_46 = arith.constant dense<0.000000e+00> : vector<64x128xf32>
    %dot_general3A_47 = tpu.matmul %convert_element_type3A_44, %convert_element_type3A_45, %dot_general3A_46 {dimension_numbers = #tpu.dot_dimension_numbers<[1], [1], [0], [0], [0, 0, 1, 0], [], []>, transpose_lhs_hint = false} : vector<64x128xbf16>, vector<128x128xbf16>, vector<64x128xf32> -> vector<64x128xf32>
    %get3A_48 = arith.constant 0 : index
    %get3A_49 = arith.constant 0 : index
    %get3A_50 = vector.load %arg5[%get3A_48, %get3A_49] : memref<1x128xf32, #tpu.memory_space<vmem>>, vector<1x128xf32>
    %add3A_51 = vector.broadcast %get3A_50 : vector<1x128xf32> to vector<64x128xf32>
    %add3A_52 = arith.addf %dot_general3A_47, %add3A_51 : vector<64x128xf32>
    %swap3A = arith.constant 0 : index
    %swap3A_53 = arith.constant 0 : index
    %swap3A_54 = vector.load %arg6[%swap3A, %swap3A_53] : memref<64x128xf32, #tpu.memory_space<vmem>>, vector<64x128xf32>
    tpu.vector_store %arg6[%swap3A, %swap3A_53], %add3A_52 {strides = array<i32>} : memref<64x128xf32, #tpu.memory_space<vmem>>, vector<64x128xf32>,
    return
  }
}

</mosaic_0001>

<sc_bundles>
// kernel: kernel.10.cloned.1.call-start
scs
__scs_entry_jumppad:
0x0: {  	(pc) =	sbr.rel $0x88, $3  }
0x1: {  	(tag) =	ssettag $0x0;
	lr =	simm.s32 $0x1  }
0x2: {  	[smem:$0x3F96] =	sst lr;
	_ =	strace $0xD0000000  }
0x3: {  	_ = 	snop  }
0x4: {  	_ = 	snop  }
0x5: {  	_ = 	snop  }
0x6: {  	_ = 	snop  }
0x7: {  	_ = 	snop  }
__scs_overlays_trampoline_lowered:
0x8: {  	[smem:$0x3FA5] =	sst s0  }
0x9: {  	[smem:$0x3FA6] =	sst s1  }
0xa: {  	[smem:$0x3FA7] =	sst s2  }
0xb: {  	[smem:$0x3FA8] =	sst s3  }
0xc: {  	[smem:$0x3FA9] =	sst s4  }
0xd: {  	[smem:$0x3FAA] =	sst s5  }
0xe: {  	[smem:$0x3FAB] =	sst s6  }
0xf: {  	[smem:$0x3FAC] =	sst s7  }
0x10: {  	[smem:$0x3FAD] =	sst s8  }
0x11: {  	[smem:$0x3FAE] =	sst s9;
	s0 =	simm.s32 @!p0 $0x0  }
0x12: {  	s1 =	sld [smem:$0x3F94];
	s0 =	simm.s32 @p0 $0x1  }
0x13: {  	[smem:$0x3FAF] =	sst s0;
	s0 =	simm.s32 @!p1 $0x0  }
0x14: {  	s2 =	sld [smem:$0x3F93];
	s0 =	simm.s32 @p1 $0x1  }
0x15: {  	[smem:$0x3FB0] =	sst s0;
	s0 =	simm.s32 @!p2 $0x0  }
0x16: {  	s3 =	sld [smem:$0x3FDB];
	s0 =	simm.s32 @p2 $0x1  }
0x17: {  	s4 =	simm.s32 $0x1BF5;
	[smem:$0x3FB2] =	sst s0  }
0x18: {  	s0 =	sld [smem:$0x3F95];
	_ =	swait.ge [sflag:s4], $0x0  }
0x19: {  	s7 =	sld [smem:$0x3F96]  }
0x1a: {  	s8 =	sadd.s32 $0xFFFFE003, lr  }
0x1b: {  	s9 =	sadd.s32 $0xFFFFFEF7, lr;
	s5 =	simm.s32 $0xFFFFFFFF;
	p2 =	slt.u32 s8, $0xFFFFF086  }
0x1c: {  	p1 =	slt.u32 s9, $0xF7A;
	s5 =	simm.s32 @!p2 $0x0  }
0x1d: {  	s5 =	simm.s32 @p1 $0x1;
	p0 =	seq.s32 s7, s2  }
0x1e: {  	s7 =	smul.u32 @!p0 $0xF7A, s2;
	p2 =	seq.s32 @!p0 s5, $0x0  }
0x1f: {  	s9 =	smul.u32 $0xF7A, s1;
	s8 =	simm.s32 @!p0 $0x1BF5;
	p2 =	por !p2, p0  }
0x20: {  	[sflag:s8] =	ssyncset.s32 @!p0 $0xFFFFF086;
	s6 =	sadd.s32 @!p0 s3, s7;
	s7 =	simm.s32 @!p0 $0x108  }
0x21: {  	s3 =	sadd.s32 s3, s9;
	s6 =	sadd.s32 @!p0 $0x88, s6;
	s7 =	simm.s32 @p2 $0x1082  }
0x22: {  	[simem:s7], [sflag:s8] =	dma.local @!p0 [hbm:s6], $0xF7A  }
0x23: {  	s9 =	sor.u32 $0xD0000000, s2;
	s6 =	simm.s32 $0x108;
	_ =	swait.ge @!p0 [sflag:s8], $0x0  }
0x24: {  	s3 =	sadd.s32 $0x88, s3;
	s6 =	simm.s32 @!p1 $0x1082;
	[sflag:s4] =	ssyncset.s32 $0xFFFFF086  }
0x25: {  	[simem:s6], [sflag:s4] =	dma.local [hbm:s3], $0xF7A  }
0x26: {  	[smem:$0x3F96] =	sst s1;
	(tag) =	ssettag s2;
	_ =	strace s9  }
0x27: {  	s1 =	sld [smem:$0x3FA6]  }
0x28: {  	s2 =	sld [smem:$0x3FA7]  }
0x29: {  	s4 =	sld [smem:$0x3FA9]  }
0x2a: {  	p0 =	seq.s32 s5, $0x0;
	s5 =	sld [smem:$0x3FAA]  }
0x2b: {  	s6 =	sld [smem:$0x3FAB]  }
0x2c: {  	s7 =	sld [smem:$0x3FAC]  }
0x2d: {  	s3 =	simm.s32 $0x108;
	s8 =	sld [smem:$0x3FAD]  }
0x2e: {  	s3 =	simm.s32 @!p0 $0x1082;
	s9 =	sld [smem:$0x3FAE]  }
0x2f: {  	lr =	sadd.s32 s0, s3;
	s0 =	sld [smem:$0x3FA5]  }
0x30: {  	s3 =	sld [smem:$0x3FA8]  }
0x31: {  	[smem:$0x3FB1] =	sst s10  }
0x32: {  	s10 =	sld [smem:$0x3FAF];
	_ =	sdelay $0x3  }
0x33: {  	p0 =	seq.s32 s10, $0x1;
	s10 =	sld [smem:$0x3FB1];
	_ =	sdelay $0x3  }
0x34: {  	[smem:$0x3FB1] =	sst s10  }
0x35: {  	s10 =	sld [smem:$0x3FB0];
	_ =	sdelay $0x3  }
0x36: {  	p1 =	seq.s32 s10, $0x1;
	s10 =	sld [smem:$0x3FB1];
	_ =	sdelay $0x3  }
0x37: {  	[smem:$0x3FB1] =	sst s10  }
0x38: {  	s10 =	sld [smem:$0x3FB2]  }
0x39: {  	_ = 	snop;
	(pc) =	sbr.ind lr, $3  }
0x3a: {  	_ = 	snop  }
0x3b: {  	_ = 	snop  }
0x3c: {  	p2 =	seq.s32 s10, $0x1;
	s10 =	sld [smem:$0x3FB1]  }
0x3d: {  	_ =	shalt  }
0x3e: {  	_ =	shalt  }
0x3f: {  	_ =	shalt  }
0x40: {  	_ =	shalt  }
0x41: {  	_ =	shalt  }
0x42: {  	_ =	shalt  }
0x43: {  	_ =	shalt  }
0x44: {  	_ =	shalt  }
0x45: {  	_ =	shalt  }
0x46: {  	_ =	shalt  }
0x47: {  	_ =	shalt  }
0x48: {  	_ =	shalt  }
0x49: {  	_ =	shalt  }
0x4a: {  	_ =	shalt  }
0x4b: {  	_ =	shalt  }
0x4c: {  	_ =	shalt  }
0x4d: {  	_ =	shalt  }
0x4e: {  	_ =	shalt  }
0x4f: {  	_ =	shalt  }
0x50: {  	_ =	shalt  }
0x51: {  	_ =	shalt  }
0x52: {  	_ =	shalt  }
0x53: {  	_ =	shalt  }
0x54: {  	_ =	shalt  }
0x55: {  	_ =	shalt  }
0x56: {  	_ =	shalt  }
0x57: {  	_ =	shalt  }
0x58: {  	_ =	shalt  }
0x59: {  	_ =	shalt  }
0x5a: {  	_ =	shalt  }
0x5b: {  	_ =	shalt  }
0x5c: {  	_ =	shalt  }
0x5d: {  	_ =	shalt  }
0x5e: {  	_ =	shalt  }
0x5f: {  	_ =	shalt  }
0x60: {  	_ =	shalt  }
0x61: {  	_ =	shalt  }
0x62: {  	_ =	shalt  }
0x63: {  	_ =	shalt  }
0x64: {  	_ =	shalt  }
0x65: {  	_ =	shalt  }
0x66: {  	_ =	shalt  }
0x67: {  	_ =	shalt  }
0x68: {  	_ =	shalt  }
0x69: {  	_ =	shalt  }
0x6a: {  	_ =	shalt  }
0x6b: {  	_ =	shalt  }
0x6c: {  	_ =	shalt  }
0x6d: {  	_ =	shalt  }
0x6e: {  	_ =	shalt  }
0x6f: {  	_ =	shalt  }
0x70: {  	_ =	shalt  }
0x71: {  	_ =	shalt  }
0x72: {  	_ =	shalt  }
0x73: {  	_ =	shalt  }
0x74: {  	_ =	shalt  }
0x75: {  	_ =	shalt  }
0x76: {  	_ =	shalt  }
0x77: {  	_ =	shalt  }
0x78: {  	_ =	shalt  }
0x79: {  	_ =	shalt  }
0x7a: {  	_ =	shalt  }
0x7b: {  	_ =	shalt  }
0x7c: {  	_ =	shalt  }
0x7d: {  	_ =	shalt  }
0x7e: {  	_ =	shalt  }
0x7f: {  	_ =	shalt  }
0x80: {  	_ =	shalt  }
0x81: {  	_ =	shalt  }
0x82: {  	_ =	shalt  }
0x83: {  	_ =	shalt  }
0x84: {  	_ =	shalt  }
0x85: {  	_ =	shalt  }
0x86: {  	_ =	shalt  }
0x87: {  	_ =	shalt  }
.Lfunc_end0:
.L_simem_size_0:
called_computation.1_lowered:
.L_overlay_start_0:
0x88: {  	s2 =	sld [smem:$0x3FD9]  }
0x89: {  	s3 =	sld [smem:$0x3FFE];
	_ =	sdelay $0x1  }
0x8a: {  	s1 =	srdreg.scid  }
0x8b: {  	s0 =	sand.u32 $0x1, s1  }
0x8c: {  	s16 =	sshll.u32 s0, $0xA;
	s2 =	sadd.s32 s3, s2  }
0x8d: {  	s2 =	sadd.s32 s2, s16  }
0x8e: {  	[smem:$0x3FBD] =	sst s2  }
0x8f: {  	_ = 	snop  }
0x90: {  	(tm) =	ssettm $0x1  }
0x91: {  	s17 =	sld [smem:$0x3FFB];
	_ =	sdelay $0x3  }
0x92: {  	_ =	strace s17  }
0x93: {  	s2 =	sld [smem:$0x3FFC];
	_ =	sdelay $0x3  }
0x94: {  	_ =	strace s2  }
0x95: {  	s2 =	sld [smem:$0x3FFD];
	_ =	sdelay $0x3  }
0x96: {  	_ =	strace s2  }
0x97: {  	_ =	strace $0x8FFFFFFF  }
0x98: {  	s18 =	sld [smem:$0x3FDB];
	_ =	sdelay $0x1  }
0x99: {  	s19 =	simm.s32 $_scs_section_size  }
0x9a: {  	s4 =	simm.s32 $_size__tile_overlayer_lowered;
	s5 =	simm.s32 $_tile_overlayer_lowered  }
0x9b: {  	s22 =	simm.s32 $0x1BFF;
	s21 =	sshll.u32 s5, $0x1;
	s2 =	sadd.s32 s19, s18  }
0x9c: {  	s6 =	simm.s32 $0x0;
	s20 =	sshll.u32 s4, $0x1;
	s4 =	sadd.s32 s21, s2  }
0x9d: {  	[timem:s6], [sflag:s22] =	dma.local [hbm:s4], s20  }
0x9e: {  	_ =	swait.ge [sflag:s22], s20  }
0x9f: {  	s3 =	ssub.s32 $0x0, s20;
	[sflag:s22] =	ssyncset.done $0x0  }
0xa0: {  	[sflag:s22] =	ssyncadd.s32 s3;
	_ =	sdelay $0x1  }
0xa1: {  	s23 =	simm.s32 $0x1B8B  }
0xa2: {  	_ =	swait.ge [sflag:s23], $0x1  }
0xa3: {  	[sflag:s23] =	ssyncset.done $0x0  }
0xa4: {  	s25 =	simm.s32 $0x1B8E;
	s24 =	sld [smem:$0x3FFE];
	[sflag:s23] =	ssyncadd.s32 $0xFFFFFFFF  }
0xa5: {  	s26 =	simm.s32 $execute0_lowered;
	[smem:$0x3FD2] =	sst s25  }
0xa6: {  	s4 =	sshll.u32 s26, $0x1;
	_ =	strace $0x80000049;
	[dreg:$0x1] =	wrdreg $0xFFFFFFFF  }
0xa7: {  	s28 =	simm.s32 $_size_execute0_lowered;
	s2 =	sadd.s32 s2, s4;
	[dreg:$0x0] =	wrdreg $0x0  }
0xa8: {  	s4 =	sshll.u32 s28, $0x1;
	[dreg:$0x2] =	wrdreg s2  }
0xa9: {  	[dreg:$0x3] =	wrdreg s4  }
0xaa: {  	[dreg:$0x4] =	wrdreg $0xC0  }
0xab: {  	_ =	task [dreg:s6], $0x5FFFF  }
0xac: {  	[dreg:$0x1] =	wrdreg $0xFFFFFFFF  }
0xad: {  	[dreg:$0x0] =	wrdreg $0x60  }
0xae: {  	[dreg:$0x2] =	wrdreg s24  }
0xaf: {  	[dreg:$0x3] =	wrdreg $0x78000  }
0xb0: {  	[dreg:$0x4] =	wrdreg $0x9  }
0xb1: {  	_ =	task.clear_ibuf [dreg:s6], $0x5FFFF;
	_ =	strace $0x90000049  }
0xb2: {  	s29 =	simm.s32 $0x9;
	_ =	strace $0x8000004B  }
0xb3: {  	_ =	swait.ge [sflag:s29], $0x1  }
0xb4: {  	[sflag:s29] =	ssyncadd.s32 $0xFFFFFFFF  }
0xb5: {  	_ =	strace $0x9000004B  }
0xb6: {  	_ =	sfence  }
0xb7: {  	s30 =	sld [smem:$0x0];
	_ =	sdelay $0x2  }
0xb8: {  	s31 =	sshll.u32 s1, $0xD;
	s1 =	sshrl.u32 s1, $0x2  }
0xb9: {  	s3 =	sand.u32 $0x4000, s31;
	s1 =	sadd.s32 s1, s30  }
0xba: {  	s0 =	sor.u32 s3, s0;
	s1 =	sshll.u32 s1, $0x11  }
0xbb: {  	s0 =	sor.u32 s1, s0  }
0xbc: {  	s0 =	sadd.s32 $0x8F2B, s0  }
0xbd: {  	[sflag:s0] =	ssyncadd.remote.s32 $0x1  }
0xbe: {  	_ =	sfence.sel $0xFFFF  }
0xbf: {  	[dreg:$0x0] =	wrdreg $0xFFFFFFFF;
	(pc) =	sbr.abs _section_cstart, $3  }
0xc0: {  	[dreg:$0x1] =	wrdreg $0xFFFFFFFF  }
0xc1: {  	_ =	task.clear_ibuf [dreg:s6], $0x2FFFF;
	_ =	strace $0x9FFFFFFF  }
0xc2: {  	(tm) =	ssettm $0x7FFFFFFF  }
0xc3: {  	_ =	shalt  }
tec
execute0_lowered:
.L_overlay_start_1:
0x0: {  	(tag) =	ssettag $0x1  }
0x1: {  	s0 =	srdreg.scid  }
0x2: {  	s1 =	rddreg [dreg:$0x0];
	s9 =	stileid.u32  }
0x3: {  	s2 =	rddreg [dreg:$0x1];
	s29 =	simm.s32 $0x5000;
	s30 =	simm.s32 $0x80  }
0x4: {  	s31 =	simm.s32 $0x11480;
	s28 =	simm.s32 $0x15480;
	s0 =	sand.u32 $0x1, s0  }
0x5: {  	s3 =	sshll.u32 s0, $0x4;
	s8 =	ssub.s32 $0x2, s0;
	s0 =	smul.u32 $0x138800, s0  }
0x6: {  	s15 =	sadd.s32 $0x3DE00, s1;
	s4 =	sor.u32 s9, s3;
	s9 =	smul.u32 $0x280, s9  }
0x7: {  	s3 =	simm.s32 $0x0;
	s10 =	sshrl.u32 s8, $0x1;
	s5 =	smul.u32 $0x2800, s4  }
0x8: {  	[smem:$0x7FF] =	sst s3;
	s7 =	smul.u32 $0xFFFFFFB0, s4;
	s4 =	sadd.s32 $0x16400, s1  }
0x9: {  	s16 =	ssub.s32 s8, s10;
	_ =	strace $0x8000004A;
	s12 =	smin.u32 s9, $0x2490  }
0xa: {  	s6 =	sshrl.u32 s5, $0x3;
	s5 =	sadd.s32 $0x2A00, s1;
	p0 =	slt.s32 s7, $0xFFFFF68C  }
0xb: {  	s25 =	sshll.u32 s12, $0x6;
	s26 =	sadd.s32 $0xA0, s12;
	s17 =	sadd.s32 $0x140, s12  }
0xc: {  	s18 =	sadd.s32 $0x1E0, s12;
	s14 =	sshll.u32 s12, $0x7;
	s6 =	sadd.s32 s6, s1  }
0xd: {  	s7 =	simm.s32 @!p0 $0xFFFFF68C;
	s8 =	sadd.s32 s25, s2;
	s20 =	sshll.u32 s26, $0x6  }
0xe: {  	s21 =	sshll.u32 s17, $0x6;
	s11 =	sshll.u32 s18, $0x6;
	s22 =	sadd.s32 s0, s14  }
0xf: {  	s17 =	sshll.u32 s17, $0x7;
	s18 =	sshll.u32 s18, $0x7;
	s1 =	sadd.s32 $0x3DE08, s1  }
0x10: {  	s7 =	sadd.s32 $0x9C4, s7;
	s24 =	sadd.s32 $0x29E00, s6;
	s6 =	sadd.s32 $0x33E00, s6  }
0x11: {  	s9 =	sadd.s32 s20, s2;
	s10 =	sadd.s32 s21, s2;
	[dreg:$0x3] =	wrdreg s24  }
0x12: {  	s11 =	sadd.s32 s11, s2;
	s17 =	sadd.s32 s0, s17;
	[dreg:$0x4] =	wrdreg s6  }
0x13: {  	s13 =	sshll.u32 s7, $0x7;
	s7 =	sshrl.u32 s7, $0x2;
	s6 =	sshll.u32 s26, $0x7  }
0x14: {  	s17 =	sshrl.u32 s17, $0x3;
	s26 =	smax.u32 s16, $0x1;
	s16 =	simm.s32 $0x2  }
0x15: {  	s19 =	sand.u32 $0x3FFFFE00, s13;
	s12 =	sadd.s32 $0xFFFFFFFF, s7;
	s7 =	sshrl.u32 s22, $0x3  }
0x16: {  	s6 =	sadd.s32 s0, s6;
	s0 =	sadd.s32 s0, s18;
	s24 =	sadd.s32 s15, s17  }
0x17: {  	s25 =	sadd.s32 s17, s1;
	[dreg:$0xd] =	wrdreg s26;
	s26 =	simm.s32 $0x5  }
0x18: {  	s17 =	simm.s32 $0x3;
	s18 =	simm.s32 $0x4;
	[dreg:$0x7] =	wrdreg s24  }
0x19: {  	s13 =	sadd.s32 $0x2600, s19;
	s20 =	sadd.s32 s15, s7;
	[dreg:$0xb] =	wrdreg s25  }
0x1a: {  	s6 =	sshrl.u32 s6, $0x3;
	s7 =	sadd.s32 s7, s1;
	[dreg:$0x5] =	wrdreg s20  }
0x1b: {  	s0 =	sshrl.u32 s0, $0x3;
	s23 =	sadd.s32 s15, s6;
	[dreg:$0x9] =	wrdreg s7  }
0x1c: {  	s14 =	sadd.s32 $0x2680, s19;
	s15 =	sadd.s32 s15, s0;
	[dreg:$0x6] =	wrdreg s23  }
0x1d: {  	s24 =	sadd.s32 $0x2780, s19;
	s6 =	sadd.s32 s6, s1;
	[dreg:$0x8] =	wrdreg s15  }
0x1e: {  	s0 =	sadd.s32 s0, s1;
	s1 =	simm.s32 $0x13480;
	[dreg:$0xa] =	wrdreg s6  }
0x1f: {  	s7 =	simm.s32 $0x17480;
	s20 =	simm.s32 $0x0;
	[dreg:$0xc] =	wrdreg s0  }
0x20: {  	v0 =	vimm.f32 $0.0e+00;
	s23 =	sadd.s32 $0x2700, s19;
	s15 =	simm.s32 $0x1;
	s19 =	simm.s32 $0x40  }
.LBB2_1:
0x21: {  	s0 =	rddreg [dreg:$0x3]  }
0x22: {  	[tilespmem:s3], [sflag:$0x5] =	stream.linear.gather [hbm4b:s0+s3], $0x2800, $0x38;
	[tilespmem:$0x19480] =	vst v63  }
0x23: {  	_ =	swait.ge [sflag:s26], $0x2800  }
0x24: {  	[sflag:s26] =	ssyncset.done $0x0  }
0x25: {  	s6 =	simm.s32 $0x2800;
	s22 =	rddreg [dreg:$0x4];
	[sflag:s26] =	ssyncadd.s32 $0xFFFFD800  }
0x26: {  	[tilespmem:s6], [sflag:$0x5] =	stream.linear.gather [hbm4b:s22+s3], $0x2800, $0x38;
	[tilespmem:$0x19480] =	vst v63  }
0x27: {  	s25 =	sand.u32 $0xFF00, s3;
	s21 =	sand.u32 $0x30, s3;
	_ =	swait.ge [sflag:s26], $0x2800  }
0x28: {  	s0 =	simm.s32 $0x40;
	s22 =	sshrl.u32 s25, $0x2;
	[sflag:s26] =	ssyncset.done $0x0  }
0x29: {  	s22 =	sor.u32 s21, s22;
	s21 =	simm.s32 $0x0;
	[sflag:s26] =	ssyncadd.s32 $0xFFFFD800  }
.LBB2_2:
0x2a: {  	p0 =	sne.s32 s0, $0x9FC0  }
0x2b: {  	[tilespmem:s22+$0x5000] =	vst v0;
	s21 =	sadd.s32 $0x10, s21;
	s22 =	smov.u32 s0;
	s0 =	sadd.s32 $0x40, s0  }
.Ltmp0:
0x2c: {  	(pc) =	sbr.rel @p0 .LBB2_2-.Ltmp0, $4  }
0x2d: {  	_ = 	snop  }
0x2e: {  	s22 =	sand.u32 $0xFF00, s22  }
0x2f: {  	s25 =	sand.u32 $0x30, s21;
	s22 =	sshrl.u32 s22, $0x2  }
0x30: {  	s22 =	sor.u32 s25, s22  }
0x31: {  	[tilespmem:s22+$0x5000] =	vst v0  }
0x32: {  	[spmem:s8] =	stream.linear.scatter [tilespmem:s29], [sflag:$0x5], $0x2800, $0x38;
	[tilespmem:$0x19480] =	vst v63  }
0x33: {  	_ =	swait.ge [sflag:s26], $0x2800  }
0x34: {  	[sflag:s26] =	ssyncset.done $0x0  }
0x35: {  	[sflag:s26] =	ssyncadd.s32 $0xFFFFD800  }
0x36: {  	[spmem:s9] =	stream.linear.scatter [tilespmem:s29], [sflag:$0x5], $0x2800, $0x38;
	[tilespmem:$0x19480] =	vst v63  }
0x37: {  	_ =	swait.ge [sflag:s26], $0x2800  }
0x38: {  	[sflag:s26] =	ssyncset.done $0x0  }
0x39: {  	[sflag:s26] =	ssyncadd.s32 $0xFFFFD800  }
0x3a: {  	[spmem:s10] =	stream.linear.scatter [tilespmem:s29], [sflag:$0x5], $0x2800, $0x38;
	[tilespmem:$0x19480] =	vst v63  }
0x3b: {  	_ =	swait.ge [sflag:s26], $0x2800  }
0x3c: {  	[sflag:s26] =	ssyncset.done $0x0  }
0x3d: {  	[sflag:s26] =	ssyncadd.s32 $0xFFFFD800  }
0x3e: {  	[spmem:s11] =	stream.linear.scatter [tilespmem:s29], [sflag:$0x5], $0x2800, $0x38;
	[tilespmem:$0x19480] =	vst v63  }
0x3f: {  	_ =	swait.ge [sflag:s26], $0x2800  }
0x40: {  	[sflag:s26] =	ssyncset.done $0x0  }
0x41: {  	[sflag:s26] =	ssyncadd.s32 $0xFFFFD800  }
0x42: {  	s21 =	simm.s32 $0x0;
	[bflag:$0x0] =	sbarrier.arrive $0xFFFF  }
0x43: {  	[tilespmem:s31], [sflag:$0x1] =	stream.indirect.gather [hbm4b:s4+s30], $0x40, s21, s30, $0xb8;
	[tilespmem:$0x19480] =	vst v63  }
0x44: {  	_ = 	snop  }
0x45: {  	[tilespmem:s1], [sflag:$0x2] =	stream.indirect.gather [hbm4b:s4+s30], $0x40, s30, s30, $0xb8;
	[tilespmem:$0x19480] =	vst v63  }
0x46: {  	s0 =	simm.s32 $0x100  }
0x47: {  	[tilespmem:s28], [sflag:$0x3] =	stream.indirect.gather [hbm4b:s4+s30], $0x40, s0, s30, $0xb8;
	[tilespmem:$0x19480] =	vst v63  }
0x48: {  	s22 =	simm.s32 $0x180  }
0x49: {  	[tilespmem:s7], [sflag:$0x4] =	stream.indirect.gather [hbm4b:s4+s30], $0x40, s22, s30, $0xb8;
	[tilespmem:$0x19480] =	vst v63  }
0x4a: {  	_ =	swait.ge [sflag:s15], $0x2000  }
0x4b: {  	[sflag:s15] =	ssyncset.done $0x0  }
0x4c: {  	s25 =	simm.s32 $0x2800;
	[sflag:s15] =	ssyncadd.s32 $0xFFFFE000  }
0x4d: {  	[spmem:s2] =	stream.indirect.scatter.add.f32 [tilespmem:s31], [sflag:$0x5], $0x40, s25, s30, $0xb8;
	[tilespmem:$0x19480] =	vst v63  }
0x4e: {  	_ =	swait.ge [sflag:s26], $0x2000  }
0x4f: {  	[sflag:s26] =	ssyncset.done $0x0  }
0x50: {  	s6 =	simm.s32 $0x200;
	[sflag:s26] =	ssyncadd.s32 $0xFFFFE000  }
0x51: {  	[tilespmem:s31], [sflag:$0x1] =	stream.indirect.gather [hbm4b:s4+s30], $0x40, s6, s30, $0xb8;
	[tilespmem:$0x19480] =	vst v63  }
0x52: {  	_ =	swait.ge [sflag:s16], $0x2000  }
0x53: {  	[sflag:s16] =	ssyncset.done $0x0  }
0x54: {  	s22 =	simm.s32 $0x2880;
	[sflag:s16] =	ssyncadd.s32 $0xFFFFE000  }
0x55: {  	[spmem:s2] =	stream.indirect.scatter.add.f32 [tilespmem:s1], [sflag:$0x5], $0x40, s22, s30, $0xb8;
	[tilespmem:$0x19480] =	vst v63  }
0x56: {  	_ =	swait.ge [sflag:s26], $0x2000  }
0x57: {  	[sflag:s26] =	ssyncset.done $0x0  }
0x58: {  	s25 =	simm.s32 $0x280;
	[sflag:s26] =	ssyncadd.s32 $0xFFFFE000  }
0x59: {  	[tilespmem:s1], [sflag:$0x2] =	stream.indirect.gather [hbm4b:s4+s30], $0x40, s25, s30, $0xb8;
	[tilespmem:$0x19480] =	vst v63  }
0x5a: {  	_ =	swait.ge [sflag:s17], $0x2000  }
0x5b: {  	[sflag:s17] =	ssyncset.done $0x0  }
0x5c: {  	s6 =	simm.s32 $0x2900;
	[sflag:s17] =	ssyncadd.s32 $0xFFFFE000  }
0x5d: {  	[spmem:s2] =	stream.indirect.scatter.add.f32 [tilespmem:s28], [sflag:$0x5], $0x40, s6, s30, $0xb8;
	[tilespmem:$0x19480] =	vst v63  }
0x5e: {  	_ =	swait.ge [sflag:s26], $0x2000  }
0x5f: {  	[sflag:s26] =	ssyncset.done $0x0  }
0x60: {  	s22 =	simm.s32 $0x300;
	[sflag:s26] =	ssyncadd.s32 $0xFFFFE000  }
0x61: {  	[tilespmem:s28], [sflag:$0x3] =	stream.indirect.gather [hbm4b:s4+s30], $0x40, s22, s30, $0xb8;
	[tilespmem:$0x19480] =	vst v63  }
0x62: {  	_ =	swait.ge [sflag:s18], $0x2000  }
0x63: {  	p0 =	sgt.u32 s12, $0x1;
	[sflag:s18] =	ssyncset.done $0x0  }
.Ltmp1:
0x64: {  	s25 =	simm.s32 $0x2980;
	[sflag:s18] =	ssyncadd.s32 $0xFFFFE000;
	(pc) =	sbr.rel @!p0 .LBB2_5-.Ltmp1, $4  }
0x65: {  	[spmem:s2] =	stream.indirect.scatter.add.f32 [tilespmem:s7], [sflag:$0x5], $0x40, s25, s30, $0xb8;
	[tilespmem:$0x19480] =	vst v63  }
0x66: {  	_ =	swait.ge [sflag:s26], $0x2000  }
0x67: {  	s0 =	simm.s32 $0x800;
	[sflag:s26] =	ssyncset.done $0x0  }
0x68: {  	s22 =	simm.s32 $0x1;
	s25 =	simm.s32 $0x380;
	[sflag:s26] =	ssyncadd.s32 $0xFFFFE000  }
.LBB2_4:
0x69: {  	[tilespmem:s7], [sflag:$0x4] =	stream.indirect.gather [hbm4b:s4+s30], $0x40, s25, s30, $0xb8;
	[tilespmem:$0x19480] =	vst v63  }
0x6a: {  	s22 =	sadd.s32 $0x1, s22;
	_ =	swait.ge [sflag:s15], $0x2000  }
0x6b: {  	s25 =	sshra.s32 s0, $0x2;
	p0 =	slt.u32 s22, s12;
	[sflag:s15] =	ssyncset.done $0x0  }
0x6c: {  	s6 =	sadd.s32 $0x2800, s25;
	[sflag:s15] =	ssyncadd.s32 $0xFFFFE000  }
0x6d: {  	[spmem:s2] =	stream.indirect.scatter.add.f32 [tilespmem:s31], [sflag:$0x5], $0x40, s6, s30, $0xb8;
	[tilespmem:$0x19480] =	vst v63  }
0x6e: {  	_ =	swait.ge [sflag:s26], $0x2000  }
0x6f: {  	[sflag:s26] =	ssyncset.done $0x0  }
0x70: {  	s6 =	sadd.s32 $0x200, s25;
	[sflag:s26] =	ssyncadd.s32 $0xFFFFE000  }
0x71: {  	[tilespmem:s31], [sflag:$0x1] =	stream.indirect.gather [hbm4b:s4+s30], $0x40, s6, s30, $0xb8;
	[tilespmem:$0x19480] =	vst v63  }
0x72: {  	_ =	swait.ge [sflag:s16], $0x2000  }
0x73: {  	[sflag:s16] =	ssyncset.done $0x0  }
0x74: {  	s6 =	sadd.s32 $0x2880, s25;
	[sflag:s16] =	ssyncadd.s32 $0xFFFFE000  }
0x75: {  	[spmem:s2] =	stream.indirect.scatter.add.f32 [tilespmem:s1], [sflag:$0x5], $0x40, s6, s30, $0xb8;
	[tilespmem:$0x19480] =	vst v63  }
0x76: {  	_ =	swait.ge [sflag:s26], $0x2000  }
0x77: {  	[sflag:s26] =	ssyncset.done $0x0  }
0x78: {  	s6 =	sadd.s32 $0x280, s25;
	[sflag:s26] =	ssyncadd.s32 $0xFFFFE000  }
0x79: {  	[tilespmem:s1], [sflag:$0x2] =	stream.indirect.gather [hbm4b:s4+s30], $0x40, s6, s30, $0xb8;
	[tilespmem:$0x19480] =	vst v63  }
0x7a: {  	_ =	swait.ge [sflag:s17], $0x2000  }
0x7b: {  	[sflag:s17] =	ssyncset.done $0x0  }
0x7c: {  	s6 =	sadd.s32 $0x2900, s25;
	[sflag:s17] =	ssyncadd.s32 $0xFFFFE000  }
0x7d: {  	[spmem:s2] =	stream.indirect.scatter.add.f32 [tilespmem:s28], [sflag:$0x5], $0x40, s6, s30, $0xb8;
	[tilespmem:$0x19480] =	vst v63  }
0x7e: {  	_ =	swait.ge [sflag:s26], $0x2000  }
0x7f: {  	[sflag:s26] =	ssyncset.done $0x0  }
0x80: {  	s6 =	sadd.s32 $0x300, s25;
	[sflag:s26] =	ssyncadd.s32 $0xFFFFE000  }
0x81: {  	[tilespmem:s28], [sflag:$0x3] =	stream.indirect.gather [hbm4b:s4+s30], $0x40, s6, s30, $0xb8;
	[tilespmem:$0x19480] =	vst v63  }
0x82: {  	_ =	swait.ge [sflag:s18], $0x2000  }
0x83: {  	[sflag:s18] =	ssyncset.done $0x0  }
.Ltmp2:
0x84: {  	s6 =	sadd.s32 $0x2980, s25;
	[sflag:s18] =	ssyncadd.s32 $0xFFFFE000;
	(pc) =	sbr.rel @p0 .LBB2_4-.Ltmp2, $4  }
0x85: {  	[spmem:s2] =	stream.indirect.scatter.add.f32 [tilespmem:s7], [sflag:$0x5], $0x40, s6, s30, $0xb8;
	[tilespmem:$0x19480] =	vst v63  }
0x86: {  	_ =	swait.ge [sflag:s26], $0x2000  }
0x87: {  	[sflag:s26] =	ssyncset.done $0x0  }
0x88: {  	s0 =	sadd.s32 $0x800, s0;
	s25 =	sadd.s32 $0x380, s25;
	[sflag:s26] =	ssyncadd.s32 $0xFFFFE000  }
.LBB2_5:
0x89: {  	[tilespmem:s7], [sflag:$0x4] =	stream.indirect.gather [hbm4b:s4+s30], $0x40, s25, s30, $0xb8;
	[tilespmem:$0x19480] =	vst v63  }
0x8a: {  	_ =	swait.ge [sflag:s15], $0x2000  }
0x8b: {  	[sflag:s15] =	ssyncset.done $0x0  }
0x8c: {  	[sflag:s15] =	ssyncadd.s32 $0xFFFFE000  }
0x8d: {  	[spmem:s2] =	stream.indirect.scatter.add.f32 [tilespmem:s31], [sflag:$0x5], $0x40, s13, s30, $0xb8;
	[tilespmem:$0x19480] =	vst v63  }
0x8e: {  	_ =	swait.ge [sflag:s26], $0x2000  }
0x8f: {  	[sflag:s26] =	ssyncset.done $0x0  }
0x90: {  	[sflag:s26] =	ssyncadd.s32 $0xFFFFE000  }
0x91: {  	_ =	swait.ge [sflag:s16], $0x2000  }
0x92: {  	[sflag:s16] =	ssyncset.done $0x0  }
0x93: {  	[sflag:s16] =	ssyncadd.s32 $0xFFFFE000  }
0x94: {  	[spmem:s2] =	stream.indirect.scatter.add.f32 [tilespmem:s1], [sflag:$0x5], $0x40, s14, s30, $0xb8;
	[tilespmem:$0x19480] =	vst v63  }
0x95: {  	_ =	swait.ge [sflag:s26], $0x2000  }
0x96: {  	[sflag:s26] =	ssyncset.done $0x0  }
0x97: {  	[sflag:s26] =	ssyncadd.s32 $0xFFFFE000  }
0x98: {  	_ =	swait.ge [sflag:s17], $0x2000  }
0x99: {  	[sflag:s17] =	ssyncset.done $0x0  }
0x9a: {  	[sflag:s17] =	ssyncadd.s32 $0xFFFFE000  }
0x9b: {  	[spmem:s2] =	stream.indirect.scatter.add.f32 [tilespmem:s28], [sflag:$0x5], $0x40, s23, s30, $0xb8;
	[tilespmem:$0x19480] =	vst v63  }
0x9c: {  	_ =	swait.ge [sflag:s26], $0x2000  }
0x9d: {  	[sflag:s26] =	ssyncset.done $0x0  }
0x9e: {  	[sflag:s26] =	ssyncadd.s32 $0xFFFFE000  }
0x9f: {  	_ =	swait.ge [sflag:s18], $0x2000  }
0xa0: {  	[sflag:s18] =	ssyncset.done $0x0  }
0xa1: {  	[sflag:s18] =	ssyncadd.s32 $0xFFFFE000  }
0xa2: {  	[spmem:s2] =	stream.indirect.scatter.add.f32 [tilespmem:s7], [sflag:$0x5], $0x40, s24, s30, $0xb8;
	[tilespmem:$0x19480] =	vst v63  }
0xa3: {  	_ =	swait.ge [sflag:s26], $0x2000  }
0xa4: {  	[sflag:s26] =	ssyncset.done $0x0  }
0xa5: {  	[sflag:s26] =	ssyncadd.s32 $0xFFFFE000  }
0xa6: {  	[bflag:$0x0] =	sbarrier.arrive $0xFFFF  }
0xa7: {  	[tilespmem:s29], [sflag:$0x5] =	stream.linear.gather [spmem:s8], $0x2800, $0x38;
	[tilespmem:$0x19480] =	vst v63  }
0xa8: {  	_ =	swait.ge [sflag:s26], $0x2800  }
0xa9: {  	[sflag:s26] =	ssyncset.done $0x0  }
0xaa: {  	s0 =	rddreg [dreg:$0x5];
	[sflag:s26] =	ssyncadd.s32 $0xFFFFD800  }
0xab: {  	[hbm4b:s0+s19] =	stream.strided.scatter [tilespmem:s29], [sflag:$0x5], $0x2800, s30, s19, $0x38;
	[tilespmem:$0x19480] =	vst v63  }
0xac: {  	_ =	swait.ge [sflag:s26], $0x2800  }
0xad: {  	[sflag:s26] =	ssyncset.done $0x0  }
0xae: {  	[sflag:s26] =	ssyncadd.s32 $0xFFFFD800  }
0xaf: {  	[tilespmem:s29], [sflag:$0x5] =	stream.linear.gather [spmem:s9], $0x2800, $0x38;
	[tilespmem:$0x19480] =	vst v63  }
0xb0: {  	_ =	swait.ge [sflag:s26], $0x2800  }
0xb1: {  	[sflag:s26] =	ssyncset.done $0x0  }
0xb2: {  	s25 =	rddreg [dreg:$0x6];
	[sflag:s26] =	ssyncadd.s32 $0xFFFFD800  }
0xb3: {  	[hbm4b:s25+s19] =	stream.strided.scatter [tilespmem:s29], [sflag:$0x5], $0x2800, s30, s19, $0x38;
	[tilespmem:$0x19480] =	vst v63  }
0xb4: {  	_ =	swait.ge [sflag:s26], $0x2800  }
0xb5: {  	[sflag:s26] =	ssyncset.done $0x0  }
0xb6: {  	[sflag:s26] =	ssyncadd.s32 $0xFFFFD800  }
0xb7: {  	[tilespmem:s29], [sflag:$0x5] =	stream.linear.gather [spmem:s10], $0x2800, $0x38;
	[tilespmem:$0x19480] =	vst v63  }
0xb8: {  	_ =	swait.ge [sflag:s26], $0x2800  }
0xb9: {  	[sflag:s26] =	ssyncset.done $0x0  }
0xba: {  	s6 =	rddreg [dreg:$0x7];
	[sflag:s26] =	ssyncadd.s32 $0xFFFFD800  }
0xbb: {  	[hbm4b:s6+s19] =	stream.strided.scatter [tilespmem:s29], [sflag:$0x5], $0x2800, s30, s19, $0x38;
	[tilespmem:$0x19480] =	vst v63  }
0xbc: {  	_ =	swait.ge [sflag:s26], $0x2800  }
0xbd: {  	[sflag:s26] =	ssyncset.done $0x0  }
0xbe: {  	[sflag:s26] =	ssyncadd.s32 $0xFFFFD800  }
0xbf: {  	[tilespmem:s29], [sflag:$0x5] =	stream.linear.gather [spmem:s11], $0x2800, $0x38;
	[tilespmem:$0x19480] =	vst v63  }
0xc0: {  	_ =	swait.ge [sflag:s26], $0x2800  }
0xc1: {  	[sflag:s26] =	ssyncset.done $0x0  }
0xc2: {  	s22 =	rddreg [dreg:$0x8];
	[sflag:s26] =	ssyncadd.s32 $0xFFFFD800  }
0xc3: {  	[hbm4b:s22+s19] =	stream.strided.scatter [tilespmem:s29], [sflag:$0x5], $0x2800, s30, s19, $0x38;
	[tilespmem:$0x19480] =	vst v63  }
0xc4: {  	s25 =	sand.u32 $0xFF00, s21;
	_ =	swait.ge [sflag:s26], $0x2800  }
0xc5: {  	s0 =	sshrl.u32 s25, $0x2;
	s6 =	sand.u32 $0x30, s21;
	[sflag:s26] =	ssyncset.done $0x0  }
0xc6: {  	s22 =	sor.u32 s6, s0;
	s0 =	simm.s32 $0x40;
	[sflag:s26] =	ssyncadd.s32 $0xFFFFD800  }
.LBB2_6:
0xc7: {  	p0 =	sne.s32 s0, $0x9FC0  }
0xc8: {  	[tilespmem:s22+$0x5000] =	vst v0;
	s21 =	sadd.s32 $0x10, s21;
	s6 =	smov.u32 s0;
	s0 =	sadd.s32 $0x40, s0  }
.Ltmp3:
0xc9: {  	(pc) =	sbr.rel @p0 .LBB2_6-.Ltmp3, $4  }
0xca: {  	_ = 	snop  }
0xcb: {  	s6 =	sand.u32 $0xFF00, s6  }
0xcc: {  	s22 =	sand.u32 $0x30, s21;
	s6 =	sshrl.u32 s6, $0x2  }
0xcd: {  	s22 =	sor.u32 s22, s6  }
0xce: {  	[tilespmem:s22+$0x5000] =	vst v0  }
0xcf: {  	[spmem:s8] =	stream.linear.scatter [tilespmem:s29], [sflag:$0x5], $0x2800, $0x38;
	[tilespmem:$0x19480] =	vst v63  }
0xd0: {  	_ =	swait.ge [sflag:s26], $0x2800  }
0xd1: {  	[sflag:s26] =	ssyncset.done $0x0  }
0xd2: {  	[sflag:s26] =	ssyncadd.s32 $0xFFFFD800  }
0xd3: {  	[spmem:s9] =	stream.linear.scatter [tilespmem:s29], [sflag:$0x5], $0x2800, $0x38;
	[tilespmem:$0x19480] =	vst v63  }
0xd4: {  	_ =	swait.ge [sflag:s26], $0x2800  }
0xd5: {  	[sflag:s26] =	ssyncset.done $0x0  }
0xd6: {  	[sflag:s26] =	ssyncadd.s32 $0xFFFFD800  }
0xd7: {  	[spmem:s10] =	stream.linear.scatter [tilespmem:s29], [sflag:$0x5], $0x2800, $0x38;
	[tilespmem:$0x19480] =	vst v63  }
0xd8: {  	_ =	swait.ge [sflag:s26], $0x2800  }
0xd9: {  	[sflag:s26] =	ssyncset.done $0x0  }
0xda: {  	[sflag:s26] =	ssyncadd.s32 $0xFFFFD800  }
0xdb: {  	[spmem:s11] =	stream.linear.scatter [tilespmem:s29], [sflag:$0x5], $0x2800, $0x38;
	[tilespmem:$0x19480] =	vst v63  }
0xdc: {  	_ =	swait.ge [sflag:s26], $0x2800  }
0xdd: {  	[sflag:s26] =	ssyncset.done $0x0  }
0xde: {  	[sflag:s26] =	ssyncadd.s32 $0xFFFFD800  }
0xdf: {  	s0 =	simm.s32 $0x0;
	[bflag:$0x0] =	sbarrier.arrive $0xFFFF  }
0xe0: {  	[tilespmem:s31], [sflag:$0x1] =	stream.indirect.gather [hbm4b:s5+s30], $0x40, s0, s30, $0xb8;
	[tilespmem:$0x19480] =	vst v63  }
0xe1: {  	_ = 	snop  }
0xe2: {  	[tilespmem:s1], [sflag:$0x2] =	stream.indirect.gather [hbm4b:s5+s30], $0x40, s30, s30, $0xb8;
	[tilespmem:$0x19480] =	vst v63  }
0xe3: {  	s25 =	simm.s32 $0x100  }
0xe4: {  	[tilespmem:s28], [sflag:$0x3] =	stream.indirect.gather [hbm4b:s5+s30], $0x40, s25, s30, $0xb8;
	[tilespmem:$0x19480] =	vst v63  }
0xe5: {  	s6 =	simm.s32 $0x180  }
0xe6: {  	[tilespmem:s7], [sflag:$0x4] =	stream.indirect.gather [hbm4b:s5+s30], $0x40, s6, s30, $0xb8;
	[tilespmem:$0x19480] =	vst v63  }
0xe7: {  	_ =	swait.ge [sflag:s15], $0x2000  }
0xe8: {  	[sflag:s15] =	ssyncset.done $0x0  }
0xe9: {  	s21 =	simm.s32 $0x2800;
	[sflag:s15] =	ssyncadd.s32 $0xFFFFE000  }
0xea: {  	[spmem:s2] =	stream.indirect.scatter.add.f32 [tilespmem:s31], [sflag:$0x5], $0x40, s21, s30, $0xb8;
	[tilespmem:$0x19480] =	vst v63  }
0xeb: {  	_ =	swait.ge [sflag:s26], $0x2000  }
0xec: {  	[sflag:s26] =	ssyncset.done $0x0  }
0xed: {  	s22 =	simm.s32 $0x200;
	[sflag:s26] =	ssyncadd.s32 $0xFFFFE000  }
0xee: {  	[tilespmem:s31], [sflag:$0x1] =	stream.indirect.gather [hbm4b:s5+s30], $0x40, s22, s30, $0xb8;
	[tilespmem:$0x19480] =	vst v63  }
0xef: {  	_ =	swait.ge [sflag:s16], $0x2000  }
0xf0: {  	[sflag:s16] =	ssyncset.done $0x0  }
0xf1: {  	s25 =	simm.s32 $0x2880;
	[sflag:s16] =	ssyncadd.s32 $0xFFFFE000  }
0xf2: {  	[spmem:s2] =	stream.indirect.scatter.add.f32 [tilespmem:s1], [sflag:$0x5], $0x40, s25, s30, $0xb8;
	[tilespmem:$0x19480] =	vst v63  }
0xf3: {  	_ =	swait.ge [sflag:s26], $0x2000  }
0xf4: {  	[sflag:s26] =	ssyncset.done $0x0  }
0xf5: {  	s6 =	simm.s32 $0x280;
	[sflag:s26] =	ssyncadd.s32 $0xFFFFE000  }
0xf6: {  	[tilespmem:s1], [sflag:$0x2] =	stream.indirect.gather [hbm4b:s5+s30], $0x40, s6, s30, $0xb8;
	[tilespmem:$0x19480] =	vst v63  }
0xf7: {  	_ =	swait.ge [sflag:s17], $0x2000  }
0xf8: {  	[sflag:s17] =	ssyncset.done $0x0  }
0xf9: {  	s21 =	simm.s32 $0x2900;
	[sflag:s17] =	ssyncadd.s32 $0xFFFFE000  }
0xfa: {  	[spmem:s2] =	stream.indirect.scatter.add.f32 [tilespmem:s28], [sflag:$0x5], $0x40, s21, s30, $0xb8;
	[tilespmem:$0x19480] =	vst v63  }
0xfb: {  	_ =	swait.ge [sflag:s26], $0x2000  }
0xfc: {  	[sflag:s26] =	ssyncset.done $0x0  }
0xfd: {  	s22 =	simm.s32 $0x300;
	[sflag:s26] =	ssyncadd.s32 $0xFFFFE000  }
0xfe: {  	[tilespmem:s28], [sflag:$0x3] =	stream.indirect.gather [hbm4b:s5+s30], $0x40, s22, s30, $0xb8;
	[tilespmem:$0x19480] =	vst v63  }
0xff: {  	_ =	swait.ge [sflag:s18], $0x2000  }
0x100: {  	p0 =	sgt.u32 s12, $0x1;
	[sflag:s18] =	ssyncset.done $0x0  }
.Ltmp4:
0x101: {  	s25 =	simm.s32 $0x2980;
	[sflag:s18] =	ssyncadd.s32 $0xFFFFE000;
	(pc) =	sbr.rel @!p0 .LBB2_9-.Ltmp4, $4  }
0x102: {  	[spmem:s2] =	stream.indirect.scatter.add.f32 [tilespmem:s7], [sflag:$0x5], $0x40, s25, s30, $0xb8;
	[tilespmem:$0x19480] =	vst v63  }
0x103: {  	_ =	swait.ge [sflag:s26], $0x2000  }
0x104: {  	s0 =	simm.s32 $0x800;
	[sflag:s26] =	ssyncset.done $0x0  }
0x105: {  	s21 =	simm.s32 $0x1;
	s22 =	simm.s32 $0x380;
	[sflag:s26] =	ssyncadd.s32 $0xFFFFE000  }
.LBB2_8:
0x106: {  	[tilespmem:s7], [sflag:$0x4] =	stream.indirect.gather [hbm4b:s5+s30], $0x40, s22, s30, $0xb8;
	[tilespmem:$0x19480] =	vst v63  }
0x107: {  	s21 =	sadd.s32 $0x1, s21;
	_ =	swait.ge [sflag:s15], $0x2000  }
0x108: {  	s22 =	sshra.s32 s0, $0x2;
	p0 =	slt.u32 s21, s12;
	[sflag:s15] =	ssyncset.done $0x0  }
0x109: {  	s6 =	sadd.s32 $0x2800, s22;
	[sflag:s15] =	ssyncadd.s32 $0xFFFFE000  }
0x10a: {  	[spmem:s2] =	stream.indirect.scatter.add.f32 [tilespmem:s31], [sflag:$0x5], $0x40, s6, s30, $0xb8;
	[tilespmem:$0x19480] =	vst v63  }
0x10b: {  	_ =	swait.ge [sflag:s26], $0x2000  }
0x10c: {  	[sflag:s26] =	ssyncset.done $0x0  }
0x10d: {  	s6 =	sadd.s32 $0x200, s22;
	[sflag:s26] =	ssyncadd.s32 $0xFFFFE000  }
0x10e: {  	[tilespmem:s31], [sflag:$0x1] =	stream.indirect.gather [hbm4b:s5+s30], $0x40, s6, s30, $0xb8;
	[tilespmem:$0x19480] =	vst v63  }
0x10f: {  	_ =	swait.ge [sflag:s16], $0x2000  }
0x110: {  	[sflag:s16] =	ssyncset.done $0x0  }
0x111: {  	s6 =	sadd.s32 $0x2880, s22;
	[sflag:s16] =	ssyncadd.s32 $0xFFFFE000  }
0x112: {  	[spmem:s2] =	stream.indirect.scatter.add.f32 [tilespmem:s1], [sflag:$0x5], $0x40, s6, s30, $0xb8;
	[tilespmem:$0x19480] =	vst v63  }
0x113: {  	_ =	swait.ge [sflag:s26], $0x2000  }
0x114: {  	[sflag:s26] =	ssyncset.done $0x0  }
0x115: {  	s6 =	sadd.s32 $0x280, s22;
	[sflag:s26] =	ssyncadd.s32 $0xFFFFE000  }
0x116: {  	[tilespmem:s1], [sflag:$0x2] =	stream.indirect.gather [hbm4b:s5+s30], $0x40, s6, s30, $0xb8;
	[tilespmem:$0x19480] =	vst v63  }
0x117: {  	_ =	swait.ge [sflag:s17], $0x2000  }
0x118: {  	[sflag:s17] =	ssyncset.done $0x0  }
0x119: {  	s6 =	sadd.s32 $0x2900, s22;
	[sflag:s17] =	ssyncadd.s32 $0xFFFFE000  }
0x11a: {  	[spmem:s2] =	stream.indirect.scatter.add.f32 [tilespmem:s28], [sflag:$0x5], $0x40, s6, s30, $0xb8;
	[tilespmem:$0x19480] =	vst v63  }
0x11b: {  	_ =	swait.ge [sflag:s26], $0x2000  }
0x11c: {  	[sflag:s26] =	ssyncset.done $0x0  }
0x11d: {  	s6 =	sadd.s32 $0x300, s22;
	[sflag:s26] =	ssyncadd.s32 $0xFFFFE000  }
0x11e: {  	[tilespmem:s28], [sflag:$0x3] =	stream.indirect.gather [hbm4b:s5+s30], $0x40, s6, s30, $0xb8;
	[tilespmem:$0x19480] =	vst v63  }
0x11f: {  	_ =	swait.ge [sflag:s18], $0x2000  }
0x120: {  	[sflag:s18] =	ssyncset.done $0x0  }
.Ltmp5:
0x121: {  	s6 =	sadd.s32 $0x2980, s22;
	[sflag:s18] =	ssyncadd.s32 $0xFFFFE000;
	(pc) =	sbr.rel @p0 .LBB2_8-.Ltmp5, $4  }
0x122: {  	[spmem:s2] =	stream.indirect.scatter.add.f32 [tilespmem:s7], [sflag:$0x5], $0x40, s6, s30, $0xb8;
	[tilespmem:$0x19480] =	vst v63  }
0x123: {  	_ =	swait.ge [sflag:s26], $0x2000  }
0x124: {  	[sflag:s26] =	ssyncset.done $0x0  }
0x125: {  	s0 =	sadd.s32 $0x800, s0;
	s22 =	sadd.s32 $0x380, s22;
	[sflag:s26] =	ssyncadd.s32 $0xFFFFE000  }
.LBB2_9:
0x126: {  	[tilespmem:s7], [sflag:$0x4] =	stream.indirect.gather [hbm4b:s5+s30], $0x40, s22, s30, $0xb8;
	[tilespmem:$0x19480] =	vst v63  }
0x127: {  	_ =	swait.ge [sflag:s15], $0x2000  }
0x128: {  	[sflag:s15] =	ssyncset.done $0x0  }
0x129: {  	[sflag:s15] =	ssyncadd.s32 $0xFFFFE000  }
0x12a: {  	[spmem:s2] =	stream.indirect.scatter.add.f32 [tilespmem:s31], [sflag:$0x5], $0x40, s13, s30, $0xb8;
	[tilespmem:$0x19480] =	vst v63  }
0x12b: {  	_ =	swait.ge [sflag:s26], $0x2000  }
0x12c: {  	[sflag:s26] =	ssyncset.done $0x0  }
0x12d: {  	[sflag:s26] =	ssyncadd.s32 $0xFFFFE000  }
0x12e: {  	_ =	swait.ge [sflag:s16], $0x2000  }
0x12f: {  	[sflag:s16] =	ssyncset.done $0x0  }
0x130: {  	[sflag:s16] =	ssyncadd.s32 $0xFFFFE000  }
0x131: {  	[spmem:s2] =	stream.indirect.scatter.add.f32 [tilespmem:s1], [sflag:$0x5], $0x40, s14, s30, $0xb8;
	[tilespmem:$0x19480] =	vst v63  }
0x132: {  	_ =	swait.ge [sflag:s26], $0x2000  }
0x133: {  	[sflag:s26] =	ssyncset.done $0x0  }
0x134: {  	[sflag:s26] =	ssyncadd.s32 $0xFFFFE000  }
0x135: {  	_ =	swait.ge [sflag:s17], $0x2000  }
0x136: {  	[sflag:s17] =	ssyncset.done $0x0  }
0x137: {  	[sflag:s17] =	ssyncadd.s32 $0xFFFFE000  }
0x138: {  	[spmem:s2] =	stream.indirect.scatter.add.f32 [tilespmem:s28], [sflag:$0x5], $0x40, s23, s30, $0xb8;
	[tilespmem:$0x19480] =	vst v63  }
0x139: {  	_ =	swait.ge [sflag:s26], $0x2000  }
0x13a: {  	[sflag:s26] =	ssyncset.done $0x0  }
0x13b: {  	[sflag:s26] =	ssyncadd.s32 $0xFFFFE000  }
0x13c: {  	_ =	swait.ge [sflag:s18], $0x2000  }
0x13d: {  	[sflag:s18] =	ssyncset.done $0x0  }
0x13e: {  	[sflag:s18] =	ssyncadd.s32 $0xFFFFE000  }
0x13f: {  	[spmem:s2] =	stream.indirect.scatter.add.f32 [tilespmem:s7], [sflag:$0x5], $0x40, s24, s30, $0xb8;
	[tilespmem:$0x19480] =	vst v63  }
0x140: {  	_ =	swait.ge [sflag:s26], $0x2000  }
0x141: {  	[sflag:s26] =	ssyncset.done $0x0  }
0x142: {  	[sflag:s26] =	ssyncadd.s32 $0xFFFFE000  }
0x143: {  	[bflag:$0x0] =	sbarrier.arrive $0xFFFF  }
0x144: {  	[tilespmem:s29], [sflag:$0x5] =	stream.linear.gather [spmem:s8], $0x2800, $0x38;
	[tilespmem:$0x19480] =	vst v63  }
0x145: {  	_ =	swait.ge [sflag:s26], $0x2800  }
0x146: {  	[sflag:s26] =	ssyncset.done $0x0  }
0x147: {  	s0 =	rddreg [dreg:$0x9];
	[sflag:s26] =	ssyncadd.s32 $0xFFFFD800  }
0x148: {  	[hbm4b:s0+s19] =	stream.strided.scatter [tilespmem:s29], [sflag:$0x5], $0x2800, s30, s19, $0x38;
	[tilespmem:$0x19480] =	vst v63  }
0x149: {  	_ =	swait.ge [sflag:s26], $0x2800  }
0x14a: {  	[sflag:s26] =	ssyncset.done $0x0  }
0x14b: {  	[sflag:s26] =	ssyncadd.s32 $0xFFFFD800  }
0x14c: {  	[tilespmem:s29], [sflag:$0x5] =	stream.linear.gather [spmem:s9], $0x2800, $0x38;
	[tilespmem:$0x19480] =	vst v63  }
0x14d: {  	_ =	swait.ge [sflag:s26], $0x2800  }
0x14e: {  	[sflag:s26] =	ssyncset.done $0x0  }
0x14f: {  	s6 =	rddreg [dreg:$0xa];
	[sflag:s26] =	ssyncadd.s32 $0xFFFFD800  }
0x150: {  	[hbm4b:s6+s19] =	stream.strided.scatter [tilespmem:s29], [sflag:$0x5], $0x2800, s30, s19, $0x38;
	[tilespmem:$0x19480] =	vst v63  }
0x151: {  	_ =	swait.ge [sflag:s26], $0x2800  }
0x152: {  	[sflag:s26] =	ssyncset.done $0x0  }
0x153: {  	[sflag:s26] =	ssyncadd.s32 $0xFFFFD800  }
0x154: {  	[tilespmem:s29], [sflag:$0x5] =	stream.linear.gather [spmem:s10], $0x2800, $0x38;
	[tilespmem:$0x19480] =	vst v63  }
0x155: {  	_ =	swait.ge [sflag:s26], $0x2800  }
0x156: {  	[sflag:s26] =	ssyncset.done $0x0  }
0x157: {  	s21 =	rddreg [dreg:$0xb];
	[sflag:s26] =	ssyncadd.s32 $0xFFFFD800  }
0x158: {  	[hbm4b:s21+s19] =	stream.strided.scatter [tilespmem:s29], [sflag:$0x5], $0x2800, s30, s19, $0x38;
	[tilespmem:$0x19480] =	vst v63  }
0x159: {  	_ =	swait.ge [sflag:s26], $0x2800  }
0x15a: {  	[sflag:s26] =	ssyncset.done $0x0  }
0x15b: {  	[sflag:s26] =	ssyncadd.s32 $0xFFFFD800  }
0x15c: {  	[tilespmem:s29], [sflag:$0x5] =	stream.linear.gather [spmem:s11], $0x2800, $0x38;
	[tilespmem:$0x19480] =	vst v63  }
0x15d: {  	_ =	swait.ge [sflag:s26], $0x2800  }
0x15e: {  	[sflag:s26] =	ssyncset.done $0x0  }
0x15f: {  	s22 =	rddreg [dreg:$0xc];
	[sflag:s26] =	ssyncadd.s32 $0xFFFFD800  }
0x160: {  	[hbm4b:s22+s19] =	stream.strided.scatter [tilespmem:s29], [sflag:$0x5], $0x2800, s30, s19, $0x38;
	[tilespmem:$0x19480] =	vst v63  }
0x161: {  	_ =	swait.ge [sflag:s26], $0x2800  }
0x162: {  	s20 =	sadd.s32 $0x1, s20;
	s25 =	rddreg [dreg:$0xd]  }
0x163: {  	p0 =	sne.s32 s20, s25  }
.Ltmp6:
0x164: {  	_ = 	snop;
	(pc) =	sbr.rel @p0 .LBB2_1-.Ltmp6, $3  }
0x165: {  	_ =	sdelay $0x1  }
0x166: {  	[sflag:s26] =	ssyncset.done $0x0  }
0x167: {  	[sflag:s26] =	ssyncadd.s32 $0xFFFFD800  }
0x168: {  	_ =	sfence.sel $0x180000  }
0x169: {  	[bflag:$0x0] =	sbarrier.arrive $0xFFFF  }
0x16a: {  	_ =	strace $0x9000004A  }
0x16b: {  	s0 =	stileid.u32;
	[bflag:$0x2] =	sbarrier.arrive $0xFFFF  }
0x16c: {  	p0 =	sne.s32 s0, $0x0;
	s0 =	rddreg [dreg:$0x2]  }
0x16d: {  	s0 =	sadd.s32 @!p0 $0x100000, s0  }
0x16e: {  	[sflag:s0] =	ssyncadd.tile.s32 @!p0 $0x1;
	_ =	shalt  }
.Lfunc_end2:
_tile_overlayer_lowered:
.L_overlay_start_2:
0x16f: {  	(tag) =	ssettag $0x2  }
0x170: {  	s0 =	rddreg [dreg:$0x0];
	s2 =	stileid.u32  }
0x171: {  	s1 =	rddreg [dreg:$0x1];
	p0 =	sne.s32 s2, $0x0  }
0x172: {  	s3 =	rddreg [dreg:$0x2];
	[bflag:$0x3] =	sbarrier.arrive $0xFFFF;
	s2 =	simm.s32 @!p0 $0x1C05  }
0x173: {  	[timem:s3], [sflag:s2] =	dma.local @!p0 [hbm:s0], s1  }
0x174: {  	s0 =	simm.s32 @!p0 $0x5  }
0x175: {  	_ =	swait.ge @!p0 [sflag:s0], s1  }
0x176: {  	s1 =	ssub.s32 @!p0 $0x0, s1;
	[sflag:s0] =	ssyncset.done @!p0 $0x0  }
0x177: {  	[sflag:s0] =	ssyncadd.s32 @!p0 s1  }
0x178: {  	[bflag:$0x3] =	sbarrier.arrive $0xFFFF  }
0x179: {  	_ =	shalt  }

// kernel: kernel.7.cloned.1.call-start
scs
__scs_entry_jumppad:
0x0: {  	(pc) =	sbr.rel $0x88, $3  }
0x1: {  	(tag) =	ssettag $0x0;
	lr =	simm.s32 $0x1  }
0x2: {  	[smem:$0x3F96] =	sst lr;
	_ =	strace $0xD0000000  }
0x3: {  	_ = 	snop  }
0x4: {  	_ = 	snop  }
0x5: {  	_ = 	snop  }
0x6: {  	_ = 	snop  }
0x7: {  	_ = 	snop  }
__scs_overlays_trampoline_lowered:
0x8: {  	[smem:$0x3FA5] =	sst s0  }
0x9: {  	[smem:$0x3FA6] =	sst s1  }
0xa: {  	[smem:$0x3FA7] =	sst s2  }
0xb: {  	[smem:$0x3FA8] =	sst s3  }
0xc: {  	[smem:$0x3FA9] =	sst s4  }
0xd: {  	[smem:$0x3FAA] =	sst s5  }
0xe: {  	[smem:$0x3FAB] =	sst s6  }
0xf: {  	[smem:$0x3FAC] =	sst s7  }
0x10: {  	[smem:$0x3FAD] =	sst s8  }
0x11: {  	[smem:$0x3FAE] =	sst s9;
	s0 =	simm.s32 @!p0 $0x0  }
0x12: {  	s1 =	sld [smem:$0x3F94];
	s0 =	simm.s32 @p0 $0x1  }
0x13: {  	[smem:$0x3FAF] =	sst s0;
	s0 =	simm.s32 @!p1 $0x0  }
0x14: {  	s2 =	sld [smem:$0x3F93];
	s0 =	simm.s32 @p1 $0x1  }
0x15: {  	[smem:$0x3FB0] =	sst s0;
	s0 =	simm.s32 @!p2 $0x0  }
0x16: {  	s3 =	sld [smem:$0x3FDB];
	s0 =	simm.s32 @p2 $0x1  }
0x17: {  	s4 =	simm.s32 $0x1BF5;
	[smem:$0x3FB2] =	sst s0  }
0x18: {  	s0 =	sld [smem:$0x3F95];
	_ =	swait.ge [sflag:s4], $0x0  }
0x19: {  	s7 =	sld [smem:$0x3F96]  }
0x1a: {  	s8 =	sadd.s32 $0xFFFFE003, lr  }
0x1b: {  	s9 =	sadd.s32 $0xFFFFFEF7, lr;
	s5 =	simm.s32 $0xFFFFFFFF;
	p2 =	slt.u32 s8, $0xFFFFF086  }
0x1c: {  	p1 =	slt.u32 s9, $0xF7A;
	s5 =	simm.s32 @!p2 $0x0  }
0x1d: {  	s5 =	simm.s32 @p1 $0x1;
	p0 =	seq.s32 s7, s2  }
0x1e: {  	s7 =	smul.u32 @!p0 $0xF7A, s2;
	p2 =	seq.s32 @!p0 s5, $0x0  }
0x1f: {  	s9 =	smul.u32 $0xF7A, s1;
	s8 =	simm.s32 @!p0 $0x1BF5;
	p2 =	por !p2, p0  }
0x20: {  	[sflag:s8] =	ssyncset.s32 @!p0 $0xFFFFF086;
	s6 =	sadd.s32 @!p0 s3, s7;
	s7 =	simm.s32 @!p0 $0x108  }
0x21: {  	s3 =	sadd.s32 s3, s9;
	s6 =	sadd.s32 @!p0 $0x88, s6;
	s7 =	simm.s32 @p2 $0x1082  }
0x22: {  	[simem:s7], [sflag:s8] =	dma.local @!p0 [hbm:s6], $0xF7A  }
0x23: {  	s9 =	sor.u32 $0xD0000000, s2;
	s6 =	simm.s32 $0x108;
	_ =	swait.ge @!p0 [sflag:s8], $0x0  }
0x24: {  	s3 =	sadd.s32 $0x88, s3;
	s6 =	simm.s32 @!p1 $0x1082;
	[sflag:s4] =	ssyncset.s32 $0xFFFFF086  }
0x25: {  	[simem:s6], [sflag:s4] =	dma.local [hbm:s3], $0xF7A  }
0x26: {  	[smem:$0x3F96] =	sst s1;
	(tag) =	ssettag s2;
	_ =	strace s9  }
0x27: {  	s1 =	sld [smem:$0x3FA6]  }
0x28: {  	s2 =	sld [smem:$0x3FA7]  }
0x29: {  	s4 =	sld [smem:$0x3FA9]  }
0x2a: {  	p0 =	seq.s32 s5, $0x0;
	s5 =	sld [smem:$0x3FAA]  }
0x2b: {  	s6 =	sld [smem:$0x3FAB]  }
0x2c: {  	s7 =	sld [smem:$0x3FAC]  }
0x2d: {  	s3 =	simm.s32 $0x108;
	s8 =	sld [smem:$0x3FAD]  }
0x2e: {  	s3 =	simm.s32 @!p0 $0x1082;
	s9 =	sld [smem:$0x3FAE]  }
0x2f: {  	lr =	sadd.s32 s0, s3;
	s0 =	sld [smem:$0x3FA5]  }
0x30: {  	s3 =	sld [smem:$0x3FA8]  }
0x31: {  	[smem:$0x3FB1] =	sst s10  }
0x32: {  	s10 =	sld [smem:$0x3FAF];
	_ =	sdelay $0x3  }
0x33: {  	p0 =	seq.s32 s10, $0x1;
	s10 =	sld [smem:$0x3FB1];
	_ =	sdelay $0x3  }
0x34: {  	[smem:$0x3FB1] =	sst s10  }
0x35: {  	s10 =	sld [smem:$0x3FB0];
	_ =	sdelay $0x3  }
0x36: {  	p1 =	seq.s32 s10, $0x1;
	s10 =	sld [smem:$0x3FB1];
	_ =	sdelay $0x3  }
0x37: {  	[smem:$0x3FB1] =	sst s10  }
0x38: {  	s10 =	sld [smem:$0x3FB2]  }
0x39: {  	_ = 	snop;
	(pc) =	sbr.ind lr, $3  }
0x3a: {  	_ = 	snop  }
0x3b: {  	_ = 	snop  }
0x3c: {  	p2 =	seq.s32 s10, $0x1;
	s10 =	sld [smem:$0x3FB1]  }
0x3d: {  	_ =	shalt  }
0x3e: {  	_ =	shalt  }
0x3f: {  	_ =	shalt  }
0x40: {  	_ =	shalt  }
0x41: {  	_ =	shalt  }
0x42: {  	_ =	shalt  }
0x43: {  	_ =	shalt  }
0x44: {  	_ =	shalt  }
0x45: {  	_ =	shalt  }
0x46: {  	_ =	shalt  }
0x47: {  	_ =	shalt  }
0x48: {  	_ =	shalt  }
0x49: {  	_ =	shalt  }
0x4a: {  	_ =	shalt  }
0x4b: {  	_ =	shalt  }
0x4c: {  	_ =	shalt  }
0x4d: {  	_ =	shalt  }
0x4e: {  	_ =	shalt  }
0x4f: {  	_ =	shalt  }
0x50: {  	_ =	shalt  }
0x51: {  	_ =	shalt  }
0x52: {  	_ =	shalt  }
0x53: {  	_ =	shalt  }
0x54: {  	_ =	shalt  }
0x55: {  	_ =	shalt  }
0x56: {  	_ =	shalt  }
0x57: {  	_ =	shalt  }
0x58: {  	_ =	shalt  }
0x59: {  	_ =	shalt  }
0x5a: {  	_ =	shalt  }
0x5b: {  	_ =	shalt  }
0x5c: {  	_ =	shalt  }
0x5d: {  	_ =	shalt  }
0x5e: {  	_ =	shalt  }
0x5f: {  	_ =	shalt  }
0x60: {  	_ =	shalt  }
0x61: {  	_ =	shalt  }
0x62: {  	_ =	shalt  }
0x63: {  	_ =	shalt  }
0x64: {  	_ =	shalt  }
0x65: {  	_ =	shalt  }
0x66: {  	_ =	shalt  }
0x67: {  	_ =	shalt  }
0x68: {  	_ =	shalt  }
0x69: {  	_ =	shalt  }
0x6a: {  	_ =	shalt  }
0x6b: {  	_ =	shalt  }
0x6c: {  	_ =	shalt  }
0x6d: {  	_ =	shalt  }
0x6e: {  	_ =	shalt  }
0x6f: {  	_ =	shalt  }
0x70: {  	_ =	shalt  }
0x71: {  	_ =	shalt  }
0x72: {  	_ =	shalt  }
0x73: {  	_ =	shalt  }
0x74: {  	_ =	shalt  }
0x75: {  	_ =	shalt  }
0x76: {  	_ =	shalt  }
0x77: {  	_ =	shalt  }
0x78: {  	_ =	shalt  }
0x79: {  	_ =	shalt  }
0x7a: {  	_ =	shalt  }
0x7b: {  	_ =	shalt  }
0x7c: {  	_ =	shalt  }
0x7d: {  	_ =	shalt  }
0x7e: {  	_ =	shalt  }
0x7f: {  	_ =	shalt  }
0x80: {  	_ =	shalt  }
0x81: {  	_ =	shalt  }
0x82: {  	_ =	shalt  }
0x83: {  	_ =	shalt  }
0x84: {  	_ =	shalt  }
0x85: {  	_ =	shalt  }
0x86: {  	_ =	shalt  }
0x87: {  	_ =	shalt  }
.Lfunc_end0:
.L_simem_size_0:
called_computation_lowered:
.L_overlay_start_0:
0x88: {  	s2 =	sld [smem:$0x3FD9]  }
0x89: {  	s3 =	sld [smem:$0x3FFE];
	_ =	sdelay $0x1  }
0x8a: {  	s1 =	srdreg.scid  }
0x8b: {  	s0 =	sand.u32 $0x1, s1  }
0x8c: {  	s16 =	sshll.u32 s0, $0xA;
	s2 =	sadd.s32 s3, s2  }
0x8d: {  	s2 =	sadd.s32 s2, s16  }
0x8e: {  	[smem:$0x3FBD] =	sst s2  }
0x8f: {  	_ = 	snop  }
0x90: {  	(tm) =	ssettm $0x1  }
0x91: {  	s17 =	sld [smem:$0x3FFB];
	_ =	sdelay $0x3  }
0x92: {  	_ =	strace s17  }
0x93: {  	s2 =	sld [smem:$0x3FFC];
	_ =	sdelay $0x3  }
0x94: {  	_ =	strace s2  }
0x95: {  	s2 =	sld [smem:$0x3FFD];
	_ =	sdelay $0x3  }
0x96: {  	_ =	strace s2  }
0x97: {  	_ =	strace $0x8FFFFFFF  }
0x98: {  	s18 =	sld [smem:$0x3FDB];
	_ =	sdelay $0x1  }
0x99: {  	s19 =	simm.s32 $_scs_section_size  }
0x9a: {  	s4 =	simm.s32 $_size__tile_overlayer_lowered;
	s5 =	simm.s32 $_tile_overlayer_lowered  }
0x9b: {  	s22 =	simm.s32 $0x1BFF;
	s21 =	sshll.u32 s5, $0x1;
	s2 =	sadd.s32 s19, s18  }
0x9c: {  	s6 =	simm.s32 $0x0;
	s20 =	sshll.u32 s4, $0x1;
	s4 =	sadd.s32 s21, s2  }
0x9d: {  	[timem:s6], [sflag:s22] =	dma.local [hbm:s4], s20  }
0x9e: {  	_ =	swait.ge [sflag:s22], s20  }
0x9f: {  	s3 =	ssub.s32 $0x0, s20;
	[sflag:s22] =	ssyncset.done $0x0  }
0xa0: {  	[sflag:s22] =	ssyncadd.s32 s3;
	_ =	sdelay $0x1  }
0xa1: {  	s23 =	simm.s32 $0x1B8B  }
0xa2: {  	_ =	swait.ge [sflag:s23], $0x1  }
0xa3: {  	[sflag:s23] =	ssyncset.done $0x0  }
0xa4: {  	s25 =	simm.s32 $0x1B8E;
	s24 =	sld [smem:$0x3FFE];
	[sflag:s23] =	ssyncadd.s32 $0xFFFFFFFF  }
0xa5: {  	s26 =	simm.s32 $execute0_lowered;
	[smem:$0x3FD2] =	sst s25  }
0xa6: {  	s4 =	sshll.u32 s26, $0x1;
	_ =	strace $0x80000046;
	[dreg:$0x1] =	wrdreg $0xFFFFFFFF  }
0xa7: {  	s28 =	simm.s32 $_size_execute0_lowered;
	s2 =	sadd.s32 s2, s4;
	[dreg:$0x0] =	wrdreg $0x0  }
0xa8: {  	s4 =	sshll.u32 s28, $0x1;
	[dreg:$0x2] =	wrdreg s2  }
0xa9: {  	[dreg:$0x3] =	wrdreg s4  }
0xaa: {  	[dreg:$0x4] =	wrdreg $0xC0  }
0xab: {  	_ =	task [dreg:s6], $0x5FFFF  }
0xac: {  	[dreg:$0x1] =	wrdreg $0xFFFFFFFF  }
0xad: {  	[dreg:$0x0] =	wrdreg $0x60  }
0xae: {  	[dreg:$0x2] =	wrdreg s24  }
0xaf: {  	[dreg:$0x3] =	wrdreg $0x9F200  }
0xb0: {  	[dreg:$0x4] =	wrdreg $0x9  }
0xb1: {  	_ =	task.clear_ibuf [dreg:s6], $0x5FFFF;
	_ =	strace $0x90000046  }
0xb2: {  	s29 =	simm.s32 $0x9;
	_ =	strace $0x80000048  }
0xb3: {  	_ =	swait.ge [sflag:s29], $0x1  }
0xb4: {  	[sflag:s29] =	ssyncadd.s32 $0xFFFFFFFF  }
0xb5: {  	_ =	strace $0x90000048  }
0xb6: {  	_ =	sfence  }
0xb7: {  	s30 =	sld [smem:$0x0];
	_ =	sdelay $0x2  }
0xb8: {  	s31 =	sshll.u32 s1, $0xD;
	s1 =	sshrl.u32 s1, $0x2  }
0xb9: {  	s3 =	sand.u32 $0x4000, s31;
	s1 =	sadd.s32 s1, s30  }
0xba: {  	s0 =	sor.u32 s3, s0;
	s1 =	sshll.u32 s1, $0x11  }
0xbb: {  	s0 =	sor.u32 s1, s0  }
0xbc: {  	s0 =	sadd.s32 $0x8F2B, s0  }
0xbd: {  	[sflag:s0] =	ssyncadd.remote.s32 $0x1  }
0xbe: {  	_ =	sfence.sel $0xFFFF  }
0xbf: {  	[dreg:$0x0] =	wrdreg $0xFFFFFFFF;
	(pc) =	sbr.abs _section_cstart, $3  }
0xc0: {  	[dreg:$0x1] =	wrdreg $0xFFFFFFFF  }
0xc1: {  	_ =	task.clear_ibuf [dreg:s6], $0x2FFFF;
	_ =	strace $0x9FFFFFFF  }
0xc2: {  	(tm) =	ssettm $0x7FFFFFFF  }
0xc3: {  	_ =	shalt  }
tec
execute0_lowered:
.L_overlay_start_1:
0x0: {  	(tag) =	ssettag $0x1  }
0x1: {  	s0 =	srdreg.scid;
	s1 =	rddreg [dreg:$0x0]  }
0x2: {  	s2 =	rddreg [dreg:$0x1];
	s9 =	stileid.u32  }
0x3: {  	s4 =	simm.s32 $0x0;
	s29 =	simm.s32 $0x9;
	s0 =	sand.u32 $0x1, s0  }
0x4: {  	s31 =	simm.s32 $0x5000;
	s30 =	simm.s32 $0x15BA0;
	s3 =	sshll.u32 s0, $0x4  }
0x5: {  	[smem:$0x7FF] =	sst s4;
	s3 =	sor.u32 s9, s3;
	s9 =	smul.u32 $0x280, s9  }
0x6: {  	s4 =	sadd.s32 $0x16400, s1;
	s5 =	sadd.s32 $0x2A00, s1;
	s6 =	smul.u32 $0x2800, s3  }
0x7: {  	s14 =	sadd.s32 $0x47C00, s1;
	s8 =	ssub.s32 $0x2, s0;
	s7 =	smul.u32 $0xFFFFFFB0, s3  }
0x8: {  	_ =	strace $0x80000047;
	s10 =	sshrl.u32 s8, $0x1;
	s3 =	smul.u32 $0x4E2, s3  }
0x9: {  	s0 =	smul.u32 $0x138800, s0;
	s15 =	ssub.s32 s8, s10;
	s12 =	smin.u32 s9, $0x2490  }
0xa: {  	s6 =	sshrl.u32 s6, $0x3;
	p0 =	slt.s32 s7, $0xFFFFF68C;
	s3 =	sadd.s32 s3, s1  }
0xb: {  	s22 =	sshll.u32 s12, $0x6;
	s16 =	sadd.s32 $0xA0, s12;
	s24 =	sadd.s32 $0x140, s12  }
0xc: {  	s17 =	sadd.s32 $0x1E0, s12;
	s12 =	sshll.u32 s12, $0x7;
	s6 =	sadd.s32 s6, s1  }
0xd: {  	s7 =	simm.s32 @!p0 $0xFFFFF68C;
	s8 =	sadd.s32 s22, s2;
	s23 =	sshll.u32 s16, $0x6  }
0xe: {  	s25 =	sshll.u32 s24, $0x6;
	s11 =	sshll.u32 s17, $0x6;
	s18 =	sadd.s32 s0, s12  }
0xf: {  	s16 =	sshll.u32 s16, $0x7;
	s17 =	sshll.u32 s17, $0x7;
	s1 =	sadd.s32 $0x47C08, s1  }
0x10: {  	s7 =	sadd.s32 $0x9C4, s7;
	s21 =	sadd.s32 $0x29E00, s6;
	s6 =	sadd.s32 $0x33E00, s6  }
0x11: {  	s9 =	sadd.s32 s23, s2;
	s10 =	sadd.s32 s25, s2;
	s11 =	sadd.s32 s11, s2  }
0x12: {  	s26 =	sshrl.u32 s18, $0x3;
	s16 =	sadd.s32 s0, s16;
	s25 =	smax.u32 s15, $0x1  }
0x13: {  	s15 =	simm.s32 $0x19BA0;
	s18 =	simm.s32 $0x5;
	[dreg:$0x3] =	wrdreg s21  }
0x14: {  	[dreg:$0x4] =	wrdreg s6;
	s13 =	sshrl.u32 s7, $0x2;
	s7 =	sshll.u32 s7, $0x7  }
0x15: {  	s19 =	sadd.s32 s14, s26;
	s6 =	sshll.u32 s24, $0x7;
	s16 =	sshrl.u32 s16, $0x3  }
0x16: {  	s24 =	sadd.s32 $0x3DE00, s3;
	[dreg:$0x10] =	wrdreg s25;
	s3 =	simm.s32 $0x4  }
0x17: {  	s25 =	simm.s32 $0x0;
	s12 =	sadd.s32 $0xFFFFFFFF, s13;
	[dreg:$0x6] =	wrdreg s19  }
0x18: {  	s13 =	sand.u32 $0x3FFFFE00, s7;
	s20 =	sadd.s32 s14, s16;
	[dreg:$0xf] =	wrdreg s24  }
0x19: {  	s6 =	sadd.s32 s0, s6;
	s7 =	sadd.s32 s26, s1;
	[dreg:$0x7] =	wrdreg s20  }
0x1a: {  	s0 =	sadd.s32 s0, s17;
	s22 =	sadd.s32 s16, s1;
	[dreg:$0xa] =	wrdreg s7  }
0x1b: {  	s16 =	simm.s32 $0x1;
	s28 =	sadd.s32 $0x2600, s13;
	[dreg:$0xb] =	wrdreg s22  }
0x1c: {  	s17 =	simm.s32 $0x7800;
	s23 =	sadd.s32 $0x2680, s13;
	[dreg:$0x5] =	wrdreg s28  }
0x1d: {  	s6 =	sshrl.u32 s6, $0x3;
	s26 =	sadd.s32 $0x2700, s13;
	[dreg:$0xe] =	wrdreg s23  }
0x1e: {  	s0 =	sshrl.u32 s0, $0x3;
	s21 =	sadd.s32 s14, s6;
	[dreg:$0x11] =	wrdreg s26  }
0x1f: {  	s19 =	simm.s32 $0x2;
	s14 =	sadd.s32 s14, s0;
	[dreg:$0x8] =	wrdreg s21  }
0x20: {  	s24 =	simm.s32 $0x8;
	s6 =	sadd.s32 s6, s1;
	[dreg:$0x9] =	wrdreg s14  }
0x21: {  	s20 =	simm.s32 $0x6;
	s0 =	sadd.s32 s0, s1;
	[dreg:$0xc] =	wrdreg s6  }
0x22: {  	s22 =	simm.s32 $0x7;
	s28 =	sadd.s32 $0x2780, s13;
	[dreg:$0xd] =	wrdreg s0  }
0x23: {  	s7 =	simm.s32 $0x40;
	s1 =	simm.s32 $0x13BA0;
	[dreg:$0x12] =	wrdreg s28  }
0x24: {  	v0 =	vimm.f32 $0.0e+00;
	s0 =	simm.s32 $0x80;
	s6 =	simm.s32 $0x17BA0;
	s21 =	simm.s32 $0x3  }
.LBB2_1:
0x25: {  	s14 =	simm.s32 $0x0;
	s23 =	rddreg [dreg:$0x3]  }
0x26: {  	[tilespmem:s14], [sflag:$0x9] =	stream.linear.gather [hbm4b:s23+s14], $0x2800, $0x38;
	[tilespmem:$0x1BBA0] =	vst v63  }
0x27: {  	_ =	swait.ge [sflag:s29], $0x2800  }
0x28: {  	[sflag:s29] =	ssyncset.done $0x0  }
0x29: {  	s26 =	simm.s32 $0x2800;
	s28 =	rddreg [dreg:$0x4];
	[sflag:s29] =	ssyncadd.s32 $0xFFFFD800  }
0x2a: {  	[tilespmem:s26], [sflag:$0x9] =	stream.linear.gather [hbm4b:s28+s14], $0x2800, $0x38;
	[tilespmem:$0x1BBA0] =	vst v63  }
0x2b: {  	_ =	swait.ge [sflag:s29], $0x2800  }
0x2c: {  	[sflag:s29] =	ssyncset.done $0x0  }
0x2d: {  	s14 =	simm.s32 $0x0;
	[sflag:s29] =	ssyncadd.s32 $0xFFFFD800  }
.LBB2_2:
0x2e: {  	p0 =	sne.s32 s14, $0x9C40  }
.Ltmp0:
0x2f: {  	_ = 	snop;
	(pc) =	sbr.rel @p0 .LBB2_2-.Ltmp0, $3  }
0x30: {  	_ =	sdelay $0x1  }
0x31: {  	s23 =	sshra.s32 s14, $0x2  }
0x32: {  	s14 =	sadd.s32 $0x40, s14;
	[tilespmem:s23+$0x7800] =	vst v0  }
0x33: {  	s14 =	simm.s32 $0x0  }
0x34: {  	s23 =	sand.u32 $0xFF00, s14  }
0x35: {  	s26 =	sand.u32 $0x30, s14;
	s28 =	sshrl.u32 s23, $0x2  }
0x36: {  	s23 =	simm.s32 $0x40;
	s26 =	sor.u32 s26, s28  }
.LBB2_4:
0x37: {  	p0 =	sne.s32 s23, $0x9FC0  }
0x38: {  	[tilespmem:s26+$0x5000] =	vst v0;
	s14 =	sadd.s32 $0x10, s14;
	s26 =	smov.u32 s23;
	s23 =	sadd.s32 $0x40, s23  }
.Ltmp1:
0x39: {  	(pc) =	sbr.rel @p0 .LBB2_4-.Ltmp1, $4  }
0x3a: {  	_ = 	snop  }
0x3b: {  	s26 =	sand.u32 $0xFF00, s26  }
0x3c: {  	s28 =	sand.u32 $0x30, s14;
	s26 =	sshrl.u32 s26, $0x2  }
0x3d: {  	s26 =	sor.u32 s28, s26  }
0x3e: {  	[tilespmem:s26+$0x5000] =	vst v0  }
0x3f: {  	[spmem:s8] =	stream.linear.scatter [tilespmem:s31], [sflag:$0x9], $0x2800, $0x38;
	[tilespmem:$0x1BBA0] =	vst v63  }
0x40: {  	_ =	swait.ge [sflag:s29], $0x2800  }
0x41: {  	[sflag:s29] =	ssyncset.done $0x0  }
0x42: {  	[sflag:s29] =	ssyncadd.s32 $0xFFFFD800  }
0x43: {  	[spmem:s9] =	stream.linear.scatter [tilespmem:s31], [sflag:$0x9], $0x2800, $0x38;
	[tilespmem:$0x1BBA0] =	vst v63  }
0x44: {  	_ =	swait.ge [sflag:s29], $0x2800  }
0x45: {  	[sflag:s29] =	ssyncset.done $0x0  }
0x46: {  	[sflag:s29] =	ssyncadd.s32 $0xFFFFD800  }
0x47: {  	[spmem:s10] =	stream.linear.scatter [tilespmem:s31], [sflag:$0x9], $0x2800, $0x38;
	[tilespmem:$0x1BBA0] =	vst v63  }
0x48: {  	_ =	swait.ge [sflag:s29], $0x2800  }
0x49: {  	[sflag:s29] =	ssyncset.done $0x0  }
0x4a: {  	[sflag:s29] =	ssyncadd.s32 $0xFFFFD800  }
0x4b: {  	[spmem:s11] =	stream.linear.scatter [tilespmem:s31], [sflag:$0x9], $0x2800, $0x38;
	[tilespmem:$0x1BBA0] =	vst v63  }
0x4c: {  	_ =	swait.ge [sflag:s29], $0x2800  }
0x4d: {  	[sflag:s29] =	ssyncset.done $0x0  }
0x4e: {  	[sflag:s29] =	ssyncadd.s32 $0xFFFFD800  }
0x4f: {  	s14 =	simm.s32 $0x0;
	[bflag:$0x0] =	sbarrier.arrive $0xFFFF  }
0x50: {  	[tilespmem:s1], [sflag:$0x1] =	stream.indirect.gather [hbm4b:s4+s0], $0x40, s14, s0, $0xb8;
	[tilespmem:$0x1BBA0] =	vst v63  }
0x51: {  	_ = 	snop  }
0x52: {  	[tilespmem:s30], [sflag:$0x2] =	stream.indirect.gather [hbm4b:s4+s0], $0x40, s0, s0, $0xb8;
	[tilespmem:$0x1BBA0] =	vst v63  }
0x53: {  	s23 =	simm.s32 $0x100  }
0x54: {  	[tilespmem:s6], [sflag:$0x3] =	stream.indirect.gather [hbm4b:s4+s0], $0x40, s23, s0, $0xb8;
	[tilespmem:$0x1BBA0] =	vst v63  }
0x55: {  	s28 =	simm.s32 $0x180;
	s23 =	simm.s32 $0x0  }
0x56: {  	[tilespmem:s15], [sflag:$0x4] =	stream.indirect.gather [hbm4b:s4+s0], $0x40, s28, s0, $0xb8;
	[tilespmem:$0x1BBA0] =	vst v63  }
.LBB2_6:
0x57: {  	_ =	swait.ge [sflag:s16], $0x2000  }
0x58: {  	s26 =	sshra.s32 s14, $0x2;
	[sflag:s16] =	ssyncset.done $0x0  }
0x59: {  	s28 =	sadd.s32 $0x2800, s26;
	[sflag:s16] =	ssyncadd.s32 $0xFFFFE000  }
0x5a: {  	[spmem:s2] =	stream.indirect.scatter.add.f32 [tilespmem:s1], [sflag:$0x5], $0x40, s28, s0, $0xb8;
	[tilespmem:$0x1BBA0] =	vst v63  }
0x5b: {  	v1 =	vld [tilespmem:s26+$0x2800];
	_ =	sdelay $0x4  }
0x5c: {  	(xrf1) =	vunique.msk.u32 $0xffff, v1;
	_ =	sdelay $0xd  }
0x5d: {  	_, v2, vm0 =	vpop (xrf1);
	_ =	sdelay $0x3  }
0x5e: {  	v2 =	vcvt.s32.f32 v2;
	_ =	sdelay $0x1  }
0x5f: {  	[tilespmem:v1+s17+$0x0] =	vst.idx.add.f32.msk vm0, v2  }
0x60: {  	v1 =	vld [tilespmem:s26+$0x2810];
	_ =	sdelay $0x4  }
0x61: {  	(xrf1) =	vunique.msk.u32 $0xffff, v1;
	_ =	sdelay $0xd  }
0x62: {  	_, v2, vm0 =	vpop (xrf1);
	_ =	sdelay $0x3  }
0x63: {  	v2 =	vcvt.s32.f32 v2;
	_ =	sdelay $0x1  }
0x64: {  	[tilespmem:v1+s17+$0x0] =	vst.idx.add.f32.msk vm0, v2  }
0x65: {  	v1 =	vld [tilespmem:s26+$0x2820];
	_ =	sdelay $0x4  }
0x66: {  	(xrf1) =	vunique.msk.u32 $0xffff, v1;
	_ =	sdelay $0xd  }
0x67: {  	_, v2, vm0 =	vpop (xrf1);
	_ =	sdelay $0x3  }
0x68: {  	v2 =	vcvt.s32.f32 v2;
	_ =	sdelay $0x1  }
0x69: {  	[tilespmem:v1+s17+$0x0] =	vst.idx.add.f32.msk vm0, v2  }
0x6a: {  	v1 =	vld [tilespmem:s26+$0x2830];
	_ =	sdelay $0x4  }
0x6b: {  	(xrf1) =	vunique.msk.u32 $0xffff, v1;
	_ =	sdelay $0xd  }
0x6c: {  	_, v2, vm0 =	vpop (xrf1);
	_ =	sdelay $0x3  }
0x6d: {  	v2 =	vcvt.s32.f32 v2;
	_ =	sdelay $0x1  }
0x6e: {  	[tilespmem:v1+s17+$0x0] =	vst.idx.add.f32.msk vm0, v2  }
0x6f: {  	v1 =	vld [tilespmem:s26+$0x2840];
	_ =	sdelay $0x4  }
0x70: {  	(xrf1) =	vunique.msk.u32 $0xffff, v1;
	_ =	sdelay $0xd  }
0x71: {  	_, v2, vm0 =	vpop (xrf1);
	_ =	sdelay $0x3  }
0x72: {  	v2 =	vcvt.s32.f32 v2;
	_ =	sdelay $0x1  }
0x73: {  	[tilespmem:v1+s17+$0x0] =	vst.idx.add.f32.msk vm0, v2  }
0x74: {  	v1 =	vld [tilespmem:s26+$0x2850];
	_ =	sdelay $0x4  }
0x75: {  	(xrf1) =	vunique.msk.u32 $0xffff, v1;
	_ =	sdelay $0xd  }
0x76: {  	_, v2, vm0 =	vpop (xrf1);
	_ =	sdelay $0x3  }
0x77: {  	v2 =	vcvt.s32.f32 v2;
	_ =	sdelay $0x1  }
0x78: {  	[tilespmem:v1+s17+$0x0] =	vst.idx.add.f32.msk vm0, v2  }
0x79: {  	v1 =	vld [tilespmem:s26+$0x2860];
	_ =	sdelay $0x4  }
0x7a: {  	(xrf1) =	vunique.msk.u32 $0xffff, v1;
	_ =	sdelay $0xd  }
0x7b: {  	_, v2, vm0 =	vpop (xrf1);
	_ =	sdelay $0x3  }
0x7c: {  	v2 =	vcvt.s32.f32 v2;
	_ =	sdelay $0x1  }
0x7d: {  	[tilespmem:v1+s17+$0x0] =	vst.idx.add.f32.msk vm0, v2  }
0x7e: {  	v1 =	vld [tilespmem:s26+$0x2870];
	_ =	sdelay $0x4  }
0x7f: {  	(xrf1) =	vunique.msk.u32 $0xffff, v1;
	_ =	sdelay $0xd  }
0x80: {  	_, v2, vm0 =	vpop (xrf1);
	_ =	sdelay $0x3  }
0x81: {  	v2 =	vcvt.s32.f32 v2;
	_ =	sdelay $0x1  }
0x82: {  	[tilespmem:v1+s17+$0x0] =	vst.idx.add.f32.msk vm0, v2  }
0x83: {  	_ =	swait.ge [sflag:s18], $0x2000  }
0x84: {  	[sflag:s18] =	ssyncset.done $0x0  }
0x85: {  	s28 =	sadd.s32 $0x200, s26;
	[sflag:s18] =	ssyncadd.s32 $0xFFFFE000  }
0x86: {  	[tilespmem:s1], [sflag:$0x1] =	stream.indirect.gather [hbm4b:s4+s0], $0x40, s28, s0, $0xb8;
	[tilespmem:$0x1BBA0] =	vst v63  }
0x87: {  	_ =	swait.ge [sflag:s19], $0x2000  }
0x88: {  	[sflag:s19] =	ssyncset.done $0x0  }
0x89: {  	s28 =	sadd.s32 $0x2880, s26;
	[sflag:s19] =	ssyncadd.s32 $0xFFFFE000  }
0x8a: {  	[spmem:s2] =	stream.indirect.scatter.add.f32 [tilespmem:s30], [sflag:$0x6], $0x40, s28, s0, $0xb8;
	[tilespmem:$0x1BBA0] =	vst v63  }
0x8b: {  	v1 =	vld [tilespmem:s26+$0x2880];
	_ =	sdelay $0x4  }
0x8c: {  	(xrf1) =	vunique.msk.u32 $0xffff, v1;
	_ =	sdelay $0xd  }
0x8d: {  	_, v2, vm0 =	vpop (xrf1);
	_ =	sdelay $0x3  }
0x8e: {  	v2 =	vcvt.s32.f32 v2;
	_ =	sdelay $0x1  }
0x8f: {  	[tilespmem:v1+s17+$0x0] =	vst.idx.add.f32.msk vm0, v2  }
0x90: {  	v1 =	vld [tilespmem:s26+$0x2890];
	_ =	sdelay $0x4  }
0x91: {  	(xrf1) =	vunique.msk.u32 $0xffff, v1;
	_ =	sdelay $0xd  }
0x92: {  	_, v2, vm0 =	vpop (xrf1);
	_ =	sdelay $0x3  }
0x93: {  	v2 =	vcvt.s32.f32 v2;
	_ =	sdelay $0x1  }
0x94: {  	[tilespmem:v1+s17+$0x0] =	vst.idx.add.f32.msk vm0, v2  }
0x95: {  	v1 =	vld [tilespmem:s26+$0x28A0];
	_ =	sdelay $0x4  }
0x96: {  	(xrf1) =	vunique.msk.u32 $0xffff, v1;
	_ =	sdelay $0xd  }
0x97: {  	_, v2, vm0 =	vpop (xrf1);
	_ =	sdelay $0x3  }
0x98: {  	v2 =	vcvt.s32.f32 v2;
	_ =	sdelay $0x1  }
0x99: {  	[tilespmem:v1+s17+$0x0] =	vst.idx.add.f32.msk vm0, v2  }
0x9a: {  	v1 =	vld [tilespmem:s26+$0x28B0];
	_ =	sdelay $0x4  }
0x9b: {  	(xrf1) =	vunique.msk.u32 $0xffff, v1;
	_ =	sdelay $0xd  }
0x9c: {  	_, v2, vm0 =	vpop (xrf1);
	_ =	sdelay $0x3  }
0x9d: {  	v2 =	vcvt.s32.f32 v2;
	_ =	sdelay $0x1  }
0x9e: {  	[tilespmem:v1+s17+$0x0] =	vst.idx.add.f32.msk vm0, v2  }
0x9f: {  	v1 =	vld [tilespmem:s26+$0x28C0];
	_ =	sdelay $0x4  }
0xa0: {  	(xrf1) =	vunique.msk.u32 $0xffff, v1;
	_ =	sdelay $0xd  }
0xa1: {  	_, v2, vm0 =	vpop (xrf1);
	_ =	sdelay $0x3  }
0xa2: {  	v2 =	vcvt.s32.f32 v2;
	_ =	sdelay $0x1  }
0xa3: {  	[tilespmem:v1+s17+$0x0] =	vst.idx.add.f32.msk vm0, v2  }
0xa4: {  	v1 =	vld [tilespmem:s26+$0x28D0];
	_ =	sdelay $0x4  }
0xa5: {  	(xrf1) =	vunique.msk.u32 $0xffff, v1;
	_ =	sdelay $0xd  }
0xa6: {  	_, v2, vm0 =	vpop (xrf1);
	_ =	sdelay $0x3  }
0xa7: {  	v2 =	vcvt.s32.f32 v2;
	_ =	sdelay $0x1  }
0xa8: {  	[tilespmem:v1+s17+$0x0] =	vst.idx.add.f32.msk vm0, v2  }
0xa9: {  	v1 =	vld [tilespmem:s26+$0x28E0];
	_ =	sdelay $0x4  }
0xaa: {  	(xrf1) =	vunique.msk.u32 $0xffff, v1;
	_ =	sdelay $0xd  }
0xab: {  	_, v2, vm0 =	vpop (xrf1);
	_ =	sdelay $0x3  }
0xac: {  	v2 =	vcvt.s32.f32 v2;
	_ =	sdelay $0x1  }
0xad: {  	[tilespmem:v1+s17+$0x0] =	vst.idx.add.f32.msk vm0, v2  }
0xae: {  	v1 =	vld [tilespmem:s26+$0x28F0];
	_ =	sdelay $0x4  }
0xaf: {  	(xrf1) =	vunique.msk.u32 $0xffff, v1;
	_ =	sdelay $0xd  }
0xb0: {  	_, v2, vm0 =	vpop (xrf1);
	_ =	sdelay $0x3  }
0xb1: {  	v2 =	vcvt.s32.f32 v2;
	_ =	sdelay $0x1  }
0xb2: {  	[tilespmem:v1+s17+$0x0] =	vst.idx.add.f32.msk vm0, v2  }
0xb3: {  	_ =	swait.ge [sflag:s20], $0x2000  }
0xb4: {  	[sflag:s20] =	ssyncset.done $0x0  }
0xb5: {  	s28 =	sadd.s32 $0x280, s26;
	[sflag:s20] =	ssyncadd.s32 $0xFFFFE000  }
0xb6: {  	[tilespmem:s30], [sflag:$0x2] =	stream.indirect.gather [hbm4b:s4+s0], $0x40, s28, s0, $0xb8;
	[tilespmem:$0x1BBA0] =	vst v63  }
0xb7: {  	_ =	swait.ge [sflag:s21], $0x2000  }
0xb8: {  	[sflag:s21] =	ssyncset.done $0x0  }
0xb9: {  	s28 =	sadd.s32 $0x2900, s26;
	[sflag:s21] =	ssyncadd.s32 $0xFFFFE000  }
0xba: {  	[spmem:s2] =	stream.indirect.scatter.add.f32 [tilespmem:s6], [sflag:$0x7], $0x40, s28, s0, $0xb8;
	[tilespmem:$0x1BBA0] =	vst v63  }
0xbb: {  	v1 =	vld [tilespmem:s26+$0x2900];
	_ =	sdelay $0x4  }
0xbc: {  	(xrf1) =	vunique.msk.u32 $0xffff, v1;
	_ =	sdelay $0xd  }
0xbd: {  	_, v2, vm0 =	vpop (xrf1);
	_ =	sdelay $0x3  }
0xbe: {  	v2 =	vcvt.s32.f32 v2;
	_ =	sdelay $0x1  }
0xbf: {  	[tilespmem:v1+s17+$0x0] =	vst.idx.add.f32.msk vm0, v2  }
0xc0: {  	v1 =	vld [tilespmem:s26+$0x2910];
	_ =	sdelay $0x4  }
0xc1: {  	(xrf1) =	vunique.msk.u32 $0xffff, v1;
	_ =	sdelay $0xd  }
0xc2: {  	_, v2, vm0 =	vpop (xrf1);
	_ =	sdelay $0x3  }
0xc3: {  	v2 =	vcvt.s32.f32 v2;
	_ =	sdelay $0x1  }
0xc4: {  	[tilespmem:v1+s17+$0x0] =	vst.idx.add.f32.msk vm0, v2  }
0xc5: {  	v1 =	vld [tilespmem:s26+$0x2920];
	_ =	sdelay $0x4  }
0xc6: {  	(xrf1) =	vunique.msk.u32 $0xffff, v1;
	_ =	sdelay $0xd  }
0xc7: {  	_, v2, vm0 =	vpop (xrf1);
	_ =	sdelay $0x3  }
0xc8: {  	v2 =	vcvt.s32.f32 v2;
	_ =	sdelay $0x1  }
0xc9: {  	[tilespmem:v1+s17+$0x0] =	vst.idx.add.f32.msk vm0, v2  }
0xca: {  	v1 =	vld [tilespmem:s26+$0x2930];
	_ =	sdelay $0x4  }
0xcb: {  	(xrf1) =	vunique.msk.u32 $0xffff, v1;
	_ =	sdelay $0xd  }
0xcc: {  	_, v2, vm0 =	vpop (xrf1);
	_ =	sdelay $0x3  }
0xcd: {  	v2 =	vcvt.s32.f32 v2;
	_ =	sdelay $0x1  }
0xce: {  	[tilespmem:v1+s17+$0x0] =	vst.idx.add.f32.msk vm0, v2  }
0xcf: {  	v1 =	vld [tilespmem:s26+$0x2940];
	_ =	sdelay $0x4  }
0xd0: {  	(xrf1) =	vunique.msk.u32 $0xffff, v1;
	_ =	sdelay $0xd  }
0xd1: {  	_, v2, vm0 =	vpop (xrf1);
	_ =	sdelay $0x3  }
0xd2: {  	v2 =	vcvt.s32.f32 v2;
	_ =	sdelay $0x1  }
0xd3: {  	[tilespmem:v1+s17+$0x0] =	vst.idx.add.f32.msk vm0, v2  }
0xd4: {  	v1 =	vld [tilespmem:s26+$0x2950];
	_ =	sdelay $0x4  }
0xd5: {  	(xrf1) =	vunique.msk.u32 $0xffff, v1;
	_ =	sdelay $0xd  }
0xd6: {  	_, v2, vm0 =	vpop (xrf1);
	_ =	sdelay $0x3  }
0xd7: {  	v2 =	vcvt.s32.f32 v2;
	_ =	sdelay $0x1  }
0xd8: {  	[tilespmem:v1+s17+$0x0] =	vst.idx.add.f32.msk vm0, v2  }
0xd9: {  	v1 =	vld [tilespmem:s26+$0x2960];
	_ =	sdelay $0x4  }
0xda: {  	(xrf1) =	vunique.msk.u32 $0xffff, v1;
	_ =	sdelay $0xd  }
0xdb: {  	_, v2, vm0 =	vpop (xrf1);
	_ =	sdelay $0x3  }
0xdc: {  	v2 =	vcvt.s32.f32 v2;
	_ =	sdelay $0x1  }
0xdd: {  	[tilespmem:v1+s17+$0x0] =	vst.idx.add.f32.msk vm0, v2  }
0xde: {  	v1 =	vld [tilespmem:s26+$0x2970];
	_ =	sdelay $0x4  }
0xdf: {  	(xrf1) =	vunique.msk.u32 $0xffff, v1;
	_ =	sdelay $0xd  }
0xe0: {  	_, v2, vm0 =	vpop (xrf1);
	_ =	sdelay $0x3  }
0xe1: {  	v2 =	vcvt.s32.f32 v2;
	_ =	sdelay $0x1  }
0xe2: {  	[tilespmem:v1+s17+$0x0] =	vst.idx.add.f32.msk vm0, v2  }
0xe3: {  	_ =	swait.ge [sflag:s22], $0x2000  }
0xe4: {  	[sflag:s22] =	ssyncset.done $0x0  }
0xe5: {  	s28 =	sadd.s32 $0x300, s26;
	[sflag:s22] =	ssyncadd.s32 $0xFFFFE000  }
0xe6: {  	[tilespmem:s6], [sflag:$0x3] =	stream.indirect.gather [hbm4b:s4+s0], $0x40, s28, s0, $0xb8;
	[tilespmem:$0x1BBA0] =	vst v63  }
0xe7: {  	_ =	swait.ge [sflag:s3], $0x2000  }
0xe8: {  	[sflag:s3] =	ssyncset.done $0x0  }
0xe9: {  	s28 =	sadd.s32 $0x2980, s26;
	[sflag:s3] =	ssyncadd.s32 $0xFFFFE000  }
0xea: {  	[spmem:s2] =	stream.indirect.scatter.add.f32 [tilespmem:s15], [sflag:$0x8], $0x40, s28, s0, $0xb8;
	[tilespmem:$0x1BBA0] =	vst v63  }
0xeb: {  	v1 =	vld [tilespmem:s26+$0x2980];
	_ =	sdelay $0x4  }
0xec: {  	(xrf1) =	vunique.msk.u32 $0xffff, v1;
	_ =	sdelay $0xd  }
0xed: {  	_, v2, vm0 =	vpop (xrf1);
	_ =	sdelay $0x3  }
0xee: {  	v2 =	vcvt.s32.f32 v2;
	_ =	sdelay $0x1  }
0xef: {  	[tilespmem:v1+s17+$0x0] =	vst.idx.add.f32.msk vm0, v2  }
0xf0: {  	v1 =	vld [tilespmem:s26+$0x2990];
	_ =	sdelay $0x4  }
0xf1: {  	(xrf1) =	vunique.msk.u32 $0xffff, v1;
	_ =	sdelay $0xd  }
0xf2: {  	_, v2, vm0 =	vpop (xrf1);
	_ =	sdelay $0x3  }
0xf3: {  	v2 =	vcvt.s32.f32 v2;
	_ =	sdelay $0x1  }
0xf4: {  	[tilespmem:v1+s17+$0x0] =	vst.idx.add.f32.msk vm0, v2  }
0xf5: {  	v1 =	vld [tilespmem:s26+$0x29A0];
	_ =	sdelay $0x4  }
0xf6: {  	(xrf1) =	vunique.msk.u32 $0xffff, v1;
	_ =	sdelay $0xd  }
0xf7: {  	_, v2, vm0 =	vpop (xrf1);
	_ =	sdelay $0x3  }
0xf8: {  	v2 =	vcvt.s32.f32 v2;
	_ =	sdelay $0x1  }
0xf9: {  	[tilespmem:v1+s17+$0x0] =	vst.idx.add.f32.msk vm0, v2  }
0xfa: {  	v1 =	vld [tilespmem:s26+$0x29B0];
	_ =	sdelay $0x4  }
0xfb: {  	(xrf1) =	vunique.msk.u32 $0xffff, v1;
	_ =	sdelay $0xd  }
0xfc: {  	_, v2, vm0 =	vpop (xrf1);
	_ =	sdelay $0x3  }
0xfd: {  	v2 =	vcvt.s32.f32 v2;
	_ =	sdelay $0x1  }
0xfe: {  	[tilespmem:v1+s17+$0x0] =	vst.idx.add.f32.msk vm0, v2  }
0xff: {  	v1 =	vld [tilespmem:s26+$0x29C0];
	_ =	sdelay $0x4  }
0x100: {  	(xrf1) =	vunique.msk.u32 $0xffff, v1;
	_ =	sdelay $0xd  }
0x101: {  	_, v2, vm0 =	vpop (xrf1);
	_ =	sdelay $0x3  }
0x102: {  	v2 =	vcvt.s32.f32 v2;
	_ =	sdelay $0x1  }
0x103: {  	[tilespmem:v1+s17+$0x0] =	vst.idx.add.f32.msk vm0, v2  }
0x104: {  	v1 =	vld [tilespmem:s26+$0x29D0];
	_ =	sdelay $0x4  }
0x105: {  	(xrf1) =	vunique.msk.u32 $0xffff, v1;
	_ =	sdelay $0xd  }
0x106: {  	_, v2, vm0 =	vpop (xrf1);
	_ =	sdelay $0x3  }
0x107: {  	v2 =	vcvt.s32.f32 v2;
	_ =	sdelay $0x1  }
0x108: {  	[tilespmem:v1+s17+$0x0] =	vst.idx.add.f32.msk vm0, v2  }
0x109: {  	v1 =	vld [tilespmem:s26+$0x29E0];
	_ =	sdelay $0x4  }
0x10a: {  	(xrf1) =	vunique.msk.u32 $0xffff, v1;
	_ =	sdelay $0xd  }
0x10b: {  	_, v2, vm0 =	vpop (xrf1);
	_ =	sdelay $0x3  }
0x10c: {  	v2 =	vcvt.s32.f32 v2;
	_ =	sdelay $0x1  }
0x10d: {  	[tilespmem:v1+s17+$0x0] =	vst.idx.add.f32.msk vm0, v2  }
0x10e: {  	v1 =	vld [tilespmem:s26+$0x29F0];
	_ =	sdelay $0x4  }
0x10f: {  	(xrf1) =	vunique.msk.u32 $0xffff, v1;
	_ =	sdelay $0xd  }
0x110: {  	_, v2, vm0 =	vpop (xrf1);
	_ =	sdelay $0x3  }
0x111: {  	s23 =	sadd.s32 $0x1, s23;
	v2 =	vcvt.s32.f32 v2  }
0x112: {  	p0 =	slt.u32 s23, s12  }
.Ltmp2:
0x113: {  	[tilespmem:v1+s17+$0x0] =	vst.idx.add.f32.msk vm0, v2;
	(pc) =	sbr.rel @p0 .LBB2_6-.Ltmp2, $4  }
0x114: {  	_ =	swait.ge [sflag:s24], $0x2000  }
0x115: {  	[sflag:s24] =	ssyncset.done $0x0  }
0x116: {  	s14 =	sadd.s32 $0x800, s14;
	s26 =	sadd.s32 $0x380, s26;
	[sflag:s24] =	ssyncadd.s32 $0xFFFFE000  }
0x117: {  	[tilespmem:s15], [sflag:$0x4] =	stream.indirect.gather [hbm4b:s4+s0], $0x40, s26, s0, $0xb8;
	[tilespmem:$0x1BBA0] =	vst v63  }
0x118: {  	_ =	swait.ge [sflag:s16], $0x2000  }
0x119: {  	[sflag:s16] =	ssyncset.done $0x0  }
0x11a: {  	s14 =	rddreg [dreg:$0x5];
	[sflag:s16] =	ssyncadd.s32 $0xFFFFE000  }
0x11b: {  	[spmem:s2] =	stream.indirect.scatter.add.f32 [tilespmem:s1], [sflag:$0x5], $0x40, s14, s0, $0xb8;
	[tilespmem:$0x1BBA0] =	vst v63  }
0x11c: {  	v1 =	vld [tilespmem:s13+$0x2600];
	_ =	sdelay $0x4  }
0x11d: {  	(xrf1) =	vunique.msk.u32 $0xffff, v1;
	_ =	sdelay $0xd  }
0x11e: {  	_, v2, vm0 =	vpop (xrf1);
	_ =	sdelay $0x3  }
0x11f: {  	v2 =	vcvt.s32.f32 v2;
	_ =	sdelay $0x1  }
0x120: {  	[tilespmem:v1+s17+$0x0] =	vst.idx.add.f32.msk vm0, v2  }
0x121: {  	v1 =	vld [tilespmem:s13+$0x2610];
	_ =	sdelay $0x4  }
0x122: {  	(xrf1) =	vunique.msk.u32 $0xffff, v1;
	_ =	sdelay $0xd  }
0x123: {  	_, v2, vm0 =	vpop (xrf1);
	_ =	sdelay $0x3  }
0x124: {  	v2 =	vcvt.s32.f32 v2;
	_ =	sdelay $0x1  }
0x125: {  	[tilespmem:v1+s17+$0x0] =	vst.idx.add.f32.msk vm0, v2  }
0x126: {  	v1 =	vld [tilespmem:s13+$0x2620];
	_ =	sdelay $0x4  }
0x127: {  	(xrf1) =	vunique.msk.u32 $0xffff, v1;
	_ =	sdelay $0xd  }
0x128: {  	_, v2, vm0 =	vpop (xrf1);
	_ =	sdelay $0x3  }
0x129: {  	v2 =	vcvt.s32.f32 v2;
	_ =	sdelay $0x1  }
0x12a: {  	[tilespmem:v1+s17+$0x0] =	vst.idx.add.f32.msk vm0, v2  }
0x12b: {  	v1 =	vld [tilespmem:s13+$0x2630];
	_ =	sdelay $0x4  }
0x12c: {  	(xrf1) =	vunique.msk.u32 $0xffff, v1;
	_ =	sdelay $0xd  }
0x12d: {  	_, v2, vm0 =	vpop (xrf1);
	_ =	sdelay $0x3  }
0x12e: {  	v2 =	vcvt.s32.f32 v2;
	_ =	sdelay $0x1  }
0x12f: {  	[tilespmem:v1+s17+$0x0] =	vst.idx.add.f32.msk vm0, v2  }
0x130: {  	v1 =	vld [tilespmem:s13+$0x2640];
	_ =	sdelay $0x4  }
0x131: {  	(xrf1) =	vunique.msk.u32 $0xffff, v1;
	_ =	sdelay $0xd  }
0x132: {  	_, v2, vm0 =	vpop (xrf1);
	_ =	sdelay $0x3  }
0x133: {  	v2 =	vcvt.s32.f32 v2;
	_ =	sdelay $0x1  }
0x134: {  	[tilespmem:v1+s17+$0x0] =	vst.idx.add.f32.msk vm0, v2  }
0x135: {  	v1 =	vld [tilespmem:s13+$0x2650];
	_ =	sdelay $0x4  }
0x136: {  	(xrf1) =	vunique.msk.u32 $0xffff, v1;
	_ =	sdelay $0xd  }
0x137: {  	_, v2, vm0 =	vpop (xrf1);
	_ =	sdelay $0x3  }
0x138: {  	v2 =	vcvt.s32.f32 v2;
	_ =	sdelay $0x1  }
0x139: {  	[tilespmem:v1+s17+$0x0] =	vst.idx.add.f32.msk vm0, v2  }
0x13a: {  	v1 =	vld [tilespmem:s13+$0x2660];
	_ =	sdelay $0x4  }
0x13b: {  	(xrf1) =	vunique.msk.u32 $0xffff, v1;
	_ =	sdelay $0xd  }
0x13c: {  	_, v2, vm0 =	vpop (xrf1);
	_ =	sdelay $0x3  }
0x13d: {  	v2 =	vcvt.s32.f32 v2;
	_ =	sdelay $0x1  }
0x13e: {  	[tilespmem:v1+s17+$0x0] =	vst.idx.add.f32.msk vm0, v2  }
0x13f: {  	v1 =	vld [tilespmem:s13+$0x2670];
	_ =	sdelay $0x4  }
0x140: {  	(xrf1) =	vunique.msk.u32 $0xffff, v1;
	_ =	sdelay $0xd  }
0x141: {  	_, v2, vm0 =	vpop (xrf1);
	_ =	sdelay $0x3  }
0x142: {  	v2 =	vcvt.s32.f32 v2;
	_ =	sdelay $0x1  }
0x143: {  	[tilespmem:v1+s17+$0x0] =	vst.idx.add.f32.msk vm0, v2  }
0x144: {  	_ =	swait.ge [sflag:s18], $0x2000  }
0x145: {  	[sflag:s18] =	ssyncset.done $0x0  }
0x146: {  	[sflag:s18] =	ssyncadd.s32 $0xFFFFE000  }
0x147: {  	_ =	swait.ge [sflag:s19], $0x2000  }
0x148: {  	[sflag:s19] =	ssyncset.done $0x0  }
0x149: {  	s26 =	rddreg [dreg:$0xe];
	[sflag:s19] =	ssyncadd.s32 $0xFFFFE000  }
0x14a: {  	[spmem:s2] =	stream.indirect.scatter.add.f32 [tilespmem:s30], [sflag:$0x6], $0x40, s26, s0, $0xb8;
	[tilespmem:$0x1BBA0] =	vst v63  }
0x14b: {  	v1 =	vld [tilespmem:s13+$0x2680];
	_ =	sdelay $0x4  }
0x14c: {  	(xrf1) =	vunique.msk.u32 $0xffff, v1;
	_ =	sdelay $0xd  }
0x14d: {  	_, v2, vm0 =	vpop (xrf1);
	_ =	sdelay $0x3  }
0x14e: {  	v2 =	vcvt.s32.f32 v2;
	_ =	sdelay $0x1  }
0x14f: {  	[tilespmem:v1+s17+$0x0] =	vst.idx.add.f32.msk vm0, v2  }
0x150: {  	v1 =	vld [tilespmem:s13+$0x2690];
	_ =	sdelay $0x4  }
0x151: {  	(xrf1) =	vunique.msk.u32 $0xffff, v1;
	_ =	sdelay $0xd  }
0x152: {  	_, v2, vm0 =	vpop (xrf1);
	_ =	sdelay $0x3  }
0x153: {  	v2 =	vcvt.s32.f32 v2;
	_ =	sdelay $0x1  }
0x154: {  	[tilespmem:v1+s17+$0x0] =	vst.idx.add.f32.msk vm0, v2  }
0x155: {  	v1 =	vld [tilespmem:s13+$0x26A0];
	_ =	sdelay $0x4  }
0x156: {  	(xrf1) =	vunique.msk.u32 $0xffff, v1;
	_ =	sdelay $0xd  }
0x157: {  	_, v2, vm0 =	vpop (xrf1);
	_ =	sdelay $0x3  }
0x158: {  	v2 =	vcvt.s32.f32 v2;
	_ =	sdelay $0x1  }
0x159: {  	[tilespmem:v1+s17+$0x0] =	vst.idx.add.f32.msk vm0, v2  }
0x15a: {  	v1 =	vld [tilespmem:s13+$0x26B0];
	_ =	sdelay $0x4  }
0x15b: {  	(xrf1) =	vunique.msk.u32 $0xffff, v1;
	_ =	sdelay $0xd  }
0x15c: {  	_, v2, vm0 =	vpop (xrf1);
	_ =	sdelay $0x3  }
0x15d: {  	v2 =	vcvt.s32.f32 v2;
	_ =	sdelay $0x1  }
0x15e: {  	[tilespmem:v1+s17+$0x0] =	vst.idx.add.f32.msk vm0, v2  }
0x15f: {  	v1 =	vld [tilespmem:s13+$0x26C0];
	_ =	sdelay $0x4  }
0x160: {  	(xrf1) =	vunique.msk.u32 $0xffff, v1;
	_ =	sdelay $0xd  }
0x161: {  	_, v2, vm0 =	vpop (xrf1);
	_ =	sdelay $0x3  }
0x162: {  	v2 =	vcvt.s32.f32 v2;
	_ =	sdelay $0x1  }
0x163: {  	[tilespmem:v1+s17+$0x0] =	vst.idx.add.f32.msk vm0, v2  }
0x164: {  	v1 =	vld [tilespmem:s13+$0x26D0];
	_ =	sdelay $0x4  }
0x165: {  	(xrf1) =	vunique.msk.u32 $0xffff, v1;
	_ =	sdelay $0xd  }
0x166: {  	_, v2, vm0 =	vpop (xrf1);
	_ =	sdelay $0x3  }
0x167: {  	v2 =	vcvt.s32.f32 v2;
	_ =	sdelay $0x1  }
0x168: {  	[tilespmem:v1+s17+$0x0] =	vst.idx.add.f32.msk vm0, v2  }
0x169: {  	v1 =	vld [tilespmem:s13+$0x26E0];
	_ =	sdelay $0x4  }
0x16a: {  	(xrf1) =	vunique.msk.u32 $0xffff, v1;
	_ =	sdelay $0xd  }
0x16b: {  	_, v2, vm0 =	vpop (xrf1);
	_ =	sdelay $0x3  }
0x16c: {  	v2 =	vcvt.s32.f32 v2;
	_ =	sdelay $0x1  }
0x16d: {  	[tilespmem:v1+s17+$0x0] =	vst.idx.add.f32.msk vm0, v2  }
0x16e: {  	v1 =	vld [tilespmem:s13+$0x26F0];
	_ =	sdelay $0x4  }
0x16f: {  	(xrf1) =	vunique.msk.u32 $0xffff, v1;
	_ =	sdelay $0xd  }
0x170: {  	_, v2, vm0 =	vpop (xrf1);
	_ =	sdelay $0x3  }
0x171: {  	v2 =	vcvt.s32.f32 v2;
	_ =	sdelay $0x1  }
0x172: {  	[tilespmem:v1+s17+$0x0] =	vst.idx.add.f32.msk vm0, v2  }
0x173: {  	_ =	swait.ge [sflag:s20], $0x2000  }
0x174: {  	[sflag:s20] =	ssyncset.done $0x0  }
0x175: {  	[sflag:s20] =	ssyncadd.s32 $0xFFFFE000  }
0x176: {  	_ =	swait.ge [sflag:s21], $0x2000  }
0x177: {  	[sflag:s21] =	ssyncset.done $0x0  }
0x178: {  	s28 =	rddreg [dreg:$0x11];
	[sflag:s21] =	ssyncadd.s32 $0xFFFFE000  }
0x179: {  	[spmem:s2] =	stream.indirect.scatter.add.f32 [tilespmem:s6], [sflag:$0x7], $0x40, s28, s0, $0xb8;
	[tilespmem:$0x1BBA0] =	vst v63  }
0x17a: {  	v1 =	vld [tilespmem:s13+$0x2700];
	_ =	sdelay $0x4  }
0x17b: {  	(xrf1) =	vunique.msk.u32 $0xffff, v1;
	_ =	sdelay $0xd  }
0x17c: {  	_, v2, vm0 =	vpop (xrf1);
	_ =	sdelay $0x3  }
0x17d: {  	v2 =	vcvt.s32.f32 v2;
	_ =	sdelay $0x1  }
0x17e: {  	[tilespmem:v1+s17+$0x0] =	vst.idx.add.f32.msk vm0, v2  }
0x17f: {  	v1 =	vld [tilespmem:s13+$0x2710];
	_ =	sdelay $0x4  }
0x180: {  	(xrf1) =	vunique.msk.u32 $0xffff, v1;
	_ =	sdelay $0xd  }
0x181: {  	_, v2, vm0 =	vpop (xrf1);
	_ =	sdelay $0x3  }
0x182: {  	v2 =	vcvt.s32.f32 v2;
	_ =	sdelay $0x1  }
0x183: {  	[tilespmem:v1+s17+$0x0] =	vst.idx.add.f32.msk vm0, v2  }
0x184: {  	v1 =	vld [tilespmem:s13+$0x2720];
	_ =	sdelay $0x4  }
0x185: {  	(xrf1) =	vunique.msk.u32 $0xffff, v1;
	_ =	sdelay $0xd  }
0x186: {  	_, v2, vm0 =	vpop (xrf1);
	_ =	sdelay $0x3  }
0x187: {  	v2 =	vcvt.s32.f32 v2;
	_ =	sdelay $0x1  }
0x188: {  	[tilespmem:v1+s17+$0x0] =	vst.idx.add.f32.msk vm0, v2  }
0x189: {  	v1 =	vld [tilespmem:s13+$0x2730];
	_ =	sdelay $0x4  }
0x18a: {  	(xrf1) =	vunique.msk.u32 $0xffff, v1;
	_ =	sdelay $0xd  }
0x18b: {  	_, v2, vm0 =	vpop (xrf1);
	_ =	sdelay $0x3  }
0x18c: {  	v2 =	vcvt.s32.f32 v2;
	_ =	sdelay $0x1  }
0x18d: {  	[tilespmem:v1+s17+$0x0] =	vst.idx.add.f32.msk vm0, v2  }
0x18e: {  	v1 =	vld [tilespmem:s13+$0x2740];
	_ =	sdelay $0x4  }
0x18f: {  	(xrf1) =	vunique.msk.u32 $0xffff, v1;
	_ =	sdelay $0xd  }
0x190: {  	_, v2, vm0 =	vpop (xrf1);
	_ =	sdelay $0x3  }
0x191: {  	v2 =	vcvt.s32.f32 v2;
	_ =	sdelay $0x1  }
0x192: {  	[tilespmem:v1+s17+$0x0] =	vst.idx.add.f32.msk vm0, v2  }
0x193: {  	v1 =	vld [tilespmem:s13+$0x2750];
	_ =	sdelay $0x4  }
0x194: {  	(xrf1) =	vunique.msk.u32 $0xffff, v1;
	_ =	sdelay $0xd  }
0x195: {  	_, v2, vm0 =	vpop (xrf1);
	_ =	sdelay $0x3  }
0x196: {  	v2 =	vcvt.s32.f32 v2;
	_ =	sdelay $0x1  }
0x197: {  	[tilespmem:v1+s17+$0x0] =	vst.idx.add.f32.msk vm0, v2  }
0x198: {  	v1 =	vld [tilespmem:s13+$0x2760];
	_ =	sdelay $0x4  }
0x199: {  	(xrf1) =	vunique.msk.u32 $0xffff, v1;
	_ =	sdelay $0xd  }
0x19a: {  	_, v2, vm0 =	vpop (xrf1);
	_ =	sdelay $0x3  }
0x19b: {  	v2 =	vcvt.s32.f32 v2;
	_ =	sdelay $0x1  }
0x19c: {  	[tilespmem:v1+s17+$0x0] =	vst.idx.add.f32.msk vm0, v2  }
0x19d: {  	v1 =	vld [tilespmem:s13+$0x2770];
	_ =	sdelay $0x4  }
0x19e: {  	(xrf1) =	vunique.msk.u32 $0xffff, v1;
	_ =	sdelay $0xd  }
0x19f: {  	_, v2, vm0 =	vpop (xrf1);
	_ =	sdelay $0x3  }
0x1a0: {  	v2 =	vcvt.s32.f32 v2;
	_ =	sdelay $0x1  }
0x1a1: {  	[tilespmem:v1+s17+$0x0] =	vst.idx.add.f32.msk vm0, v2  }
0x1a2: {  	_ =	swait.ge [sflag:s22], $0x2000  }
0x1a3: {  	[sflag:s22] =	ssyncset.done $0x0  }
0x1a4: {  	[sflag:s22] =	ssyncadd.s32 $0xFFFFE000  }
0x1a5: {  	_ =	swait.ge [sflag:s3], $0x2000  }
0x1a6: {  	[sflag:s3] =	ssyncset.done $0x0  }
0x1a7: {  	s23 =	rddreg [dreg:$0x12];
	[sflag:s3] =	ssyncadd.s32 $0xFFFFE000  }
0x1a8: {  	[spmem:s2] =	stream.indirect.scatter.add.f32 [tilespmem:s15], [sflag:$0x8], $0x40, s23, s0, $0xb8;
	[tilespmem:$0x1BBA0] =	vst v63  }
0x1a9: {  	v1 =	vld [tilespmem:s13+$0x2780];
	_ =	sdelay $0x4  }
0x1aa: {  	(xrf1) =	vunique.msk.u32 $0xffff, v1;
	_ =	sdelay $0xd  }
0x1ab: {  	_, v2, vm0 =	vpop (xrf1);
	_ =	sdelay $0x3  }
0x1ac: {  	v2 =	vcvt.s32.f32 v2;
	_ =	sdelay $0x1  }
0x1ad: {  	[tilespmem:v1+s17+$0x0] =	vst.idx.add.f32.msk vm0, v2  }
0x1ae: {  	v1 =	vld [tilespmem:s13+$0x2790];
	_ =	sdelay $0x4  }
0x1af: {  	(xrf1) =	vunique.msk.u32 $0xffff, v1;
	_ =	sdelay $0xd  }
0x1b0: {  	_, v2, vm0 =	vpop (xrf1);
	_ =	sdelay $0x3  }
0x1b1: {  	v2 =	vcvt.s32.f32 v2;
	_ =	sdelay $0x1  }
0x1b2: {  	[tilespmem:v1+s17+$0x0] =	vst.idx.add.f32.msk vm0, v2  }
0x1b3: {  	v1 =	vld [tilespmem:s13+$0x27A0];
	_ =	sdelay $0x4  }
0x1b4: {  	(xrf1) =	vunique.msk.u32 $0xffff, v1;
	_ =	sdelay $0xd  }
0x1b5: {  	_, v2, vm0 =	vpop (xrf1);
	_ =	sdelay $0x3  }
0x1b6: {  	v2 =	vcvt.s32.f32 v2;
	_ =	sdelay $0x1  }
0x1b7: {  	[tilespmem:v1+s17+$0x0] =	vst.idx.add.f32.msk vm0, v2  }
0x1b8: {  	v1 =	vld [tilespmem:s13+$0x27B0];
	_ =	sdelay $0x4  }
0x1b9: {  	(xrf1) =	vunique.msk.u32 $0xffff, v1;
	_ =	sdelay $0xd  }
0x1ba: {  	_, v2, vm0 =	vpop (xrf1);
	_ =	sdelay $0x3  }
0x1bb: {  	v2 =	vcvt.s32.f32 v2;
	_ =	sdelay $0x1  }
0x1bc: {  	[tilespmem:v1+s17+$0x0] =	vst.idx.add.f32.msk vm0, v2  }
0x1bd: {  	v1 =	vld [tilespmem:s13+$0x27C0];
	_ =	sdelay $0x4  }
0x1be: {  	(xrf1) =	vunique.msk.u32 $0xffff, v1;
	_ =	sdelay $0xd  }
0x1bf: {  	_, v2, vm0 =	vpop (xrf1);
	_ =	sdelay $0x3  }
0x1c0: {  	v2 =	vcvt.s32.f32 v2;
	_ =	sdelay $0x1  }
0x1c1: {  	[tilespmem:v1+s17+$0x0] =	vst.idx.add.f32.msk vm0, v2  }
0x1c2: {  	v1 =	vld [tilespmem:s13+$0x27D0];
	_ =	sdelay $0x4  }
0x1c3: {  	(xrf1) =	vunique.msk.u32 $0xffff, v1;
	_ =	sdelay $0xd  }
0x1c4: {  	_, v2, vm0 =	vpop (xrf1);
	_ =	sdelay $0x3  }
0x1c5: {  	v2 =	vcvt.s32.f32 v2;
	_ =	sdelay $0x1  }
0x1c6: {  	[tilespmem:v1+s17+$0x0] =	vst.idx.add.f32.msk vm0, v2  }
0x1c7: {  	v1 =	vld [tilespmem:s13+$0x27E0];
	_ =	sdelay $0x4  }
0x1c8: {  	(xrf1) =	vunique.msk.u32 $0xffff, v1;
	_ =	sdelay $0xd  }
0x1c9: {  	_, v2, vm0 =	vpop (xrf1);
	_ =	sdelay $0x3  }
0x1ca: {  	v2 =	vcvt.s32.f32 v2;
	_ =	sdelay $0x1  }
0x1cb: {  	[tilespmem:v1+s17+$0x0] =	vst.idx.add.f32.msk vm0, v2  }
0x1cc: {  	v1 =	vld [tilespmem:s13+$0x27F0];
	_ =	sdelay $0x4  }
0x1cd: {  	(xrf1) =	vunique.msk.u32 $0xffff, v1;
	_ =	sdelay $0xd  }
0x1ce: {  	_, v2, vm0 =	vpop (xrf1);
	_ =	sdelay $0x3  }
0x1cf: {  	v2 =	vcvt.s32.f32 v2;
	_ =	sdelay $0x1  }
0x1d0: {  	[tilespmem:v1+s17+$0x0] =	vst.idx.add.f32.msk vm0, v2  }
0x1d1: {  	_ =	swait.ge [sflag:s24], $0x2000  }
0x1d2: {  	[sflag:s24] =	ssyncset.done $0x0  }
0x1d3: {  	[sflag:s24] =	ssyncadd.s32 $0xFFFFE000  }
0x1d4: {  	[bflag:$0x0] =	sbarrier.arrive $0xFFFF  }
0x1d5: {  	[tilespmem:s31], [sflag:$0x9] =	stream.linear.gather [spmem:s8], $0x2800, $0x38;
	[tilespmem:$0x1BBA0] =	vst v63  }
0x1d6: {  	_ =	swait.ge [sflag:s29], $0x2800  }
0x1d7: {  	[sflag:s29] =	ssyncset.done $0x0  }
0x1d8: {  	s26 =	rddreg [dreg:$0x6];
	[sflag:s29] =	ssyncadd.s32 $0xFFFFD800  }
0x1d9: {  	[hbm4b:s26+s7] =	stream.strided.scatter [tilespmem:s31], [sflag:$0x9], $0x2800, s0, s7, $0x38;
	[tilespmem:$0x1BBA0] =	vst v63  }
0x1da: {  	_ =	swait.ge [sflag:s29], $0x2800  }
0x1db: {  	[sflag:s29] =	ssyncset.done $0x0  }
0x1dc: {  	[sflag:s29] =	ssyncadd.s32 $0xFFFFD800  }
0x1dd: {  	[tilespmem:s31], [sflag:$0x9] =	stream.linear.gather [spmem:s9], $0x2800, $0x38;
	[tilespmem:$0x1BBA0] =	vst v63  }
0x1de: {  	_ =	swait.ge [sflag:s29], $0x2800  }
0x1df: {  	[sflag:s29] =	ssyncset.done $0x0  }
0x1e0: {  	s28 =	rddreg [dreg:$0x7];
	[sflag:s29] =	ssyncadd.s32 $0xFFFFD800  }
0x1e1: {  	[hbm4b:s28+s7] =	stream.strided.scatter [tilespmem:s31], [sflag:$0x9], $0x2800, s0, s7, $0x38;
	[tilespmem:$0x1BBA0] =	vst v63  }
0x1e2: {  	_ =	swait.ge [sflag:s29], $0x2800  }
0x1e3: {  	[sflag:s29] =	ssyncset.done $0x0  }
0x1e4: {  	[sflag:s29] =	ssyncadd.s32 $0xFFFFD800  }
0x1e5: {  	[tilespmem:s31], [sflag:$0x9] =	stream.linear.gather [spmem:s10], $0x2800, $0x38;
	[tilespmem:$0x1BBA0] =	vst v63  }
0x1e6: {  	_ =	swait.ge [sflag:s29], $0x2800  }
0x1e7: {  	[sflag:s29] =	ssyncset.done $0x0  }
0x1e8: {  	s23 =	rddreg [dreg:$0x8];
	[sflag:s29] =	ssyncadd.s32 $0xFFFFD800  }
0x1e9: {  	[hbm4b:s23+s7] =	stream.strided.scatter [tilespmem:s31], [sflag:$0x9], $0x2800, s0, s7, $0x38;
	[tilespmem:$0x1BBA0] =	vst v63  }
0x1ea: {  	_ =	swait.ge [sflag:s29], $0x2800  }
0x1eb: {  	[sflag:s29] =	ssyncset.done $0x0  }
0x1ec: {  	[sflag:s29] =	ssyncadd.s32 $0xFFFFD800  }
0x1ed: {  	[tilespmem:s31], [sflag:$0x9] =	stream.linear.gather [spmem:s11], $0x2800, $0x38;
	[tilespmem:$0x1BBA0] =	vst v63  }
0x1ee: {  	_ =	swait.ge [sflag:s29], $0x2800  }
0x1ef: {  	[sflag:s29] =	ssyncset.done $0x0  }
0x1f0: {  	s26 =	rddreg [dreg:$0x9];
	[sflag:s29] =	ssyncadd.s32 $0xFFFFD800  }
0x1f1: {  	[hbm4b:s26+s7] =	stream.strided.scatter [tilespmem:s31], [sflag:$0x9], $0x2800, s0, s7, $0x38;
	[tilespmem:$0x1BBA0] =	vst v63  }
0x1f2: {  	_ =	swait.ge [sflag:s29], $0x2800  }
0x1f3: {  	[sflag:s29] =	ssyncset.done $0x0  }
0x1f4: {  	s14 =	simm.s32 $0x0;
	s23 =	rddreg [dreg:$0xf];
	[sflag:s29] =	ssyncadd.s32 $0xFFFFD800  }
0x1f5: {  	[hbm4b:s23+s14] =	stream.linear.scatter [tilespmem:s17], [sflag:$0x9], $0x2710, $0x38;
	[tilespmem:$0x1BBA0] =	vst v63  }
0x1f6: {  	s28 =	sand.u32 $0xFF00, s14;
	_ =	swait.ge [sflag:s29], $0x2710  }
0x1f7: {  	s26 =	sand.u32 $0x30, s14;
	s23 =	sshrl.u32 s28, $0x2;
	[sflag:s29] =	ssyncset.done $0x0  }
0x1f8: {  	s26 =	sor.u32 s26, s23;
	s23 =	simm.s32 $0x40;
	[sflag:s29] =	ssyncadd.s32 $0xFFFFD8F0  }
.LBB2_8:
0x1f9: {  	p0 =	sne.s32 s23, $0x9FC0  }
0x1fa: {  	[tilespmem:s26+$0x5000] =	vst v0;
	s14 =	sadd.s32 $0x10, s14;
	s26 =	smov.u32 s23;
	s23 =	sadd.s32 $0x40, s23  }
.Ltmp3:
0x1fb: {  	(pc) =	sbr.rel @p0 .LBB2_8-.Ltmp3, $4  }
0x1fc: {  	_ = 	snop  }
0x1fd: {  	s26 =	sand.u32 $0xFF00, s26  }
0x1fe: {  	s28 =	sand.u32 $0x30, s14;
	s26 =	sshrl.u32 s26, $0x2  }
0x1ff: {  	s26 =	sor.u32 s28, s26  }
0x200: {  	[tilespmem:s26+$0x5000] =	vst v0  }
0x201: {  	[spmem:s8] =	stream.linear.scatter [tilespmem:s31], [sflag:$0x9], $0x2800, $0x38;
	[tilespmem:$0x1BBA0] =	vst v63  }
0x202: {  	_ =	swait.ge [sflag:s29], $0x2800  }
0x203: {  	[sflag:s29] =	ssyncset.done $0x0  }
0x204: {  	[sflag:s29] =	ssyncadd.s32 $0xFFFFD800  }
0x205: {  	[spmem:s9] =	stream.linear.scatter [tilespmem:s31], [sflag:$0x9], $0x2800, $0x38;
	[tilespmem:$0x1BBA0] =	vst v63  }
0x206: {  	_ =	swait.ge [sflag:s29], $0x2800  }
0x207: {  	[sflag:s29] =	ssyncset.done $0x0  }
0x208: {  	[sflag:s29] =	ssyncadd.s32 $0xFFFFD800  }
0x209: {  	[spmem:s10] =	stream.linear.scatter [tilespmem:s31], [sflag:$0x9], $0x2800, $0x38;
	[tilespmem:$0x1BBA0] =	vst v63  }
0x20a: {  	_ =	swait.ge [sflag:s29], $0x2800  }
0x20b: {  	[sflag:s29] =	ssyncset.done $0x0  }
0x20c: {  	[sflag:s29] =	ssyncadd.s32 $0xFFFFD800  }
0x20d: {  	[spmem:s11] =	stream.linear.scatter [tilespmem:s31], [sflag:$0x9], $0x2800, $0x38;
	[tilespmem:$0x1BBA0] =	vst v63  }
0x20e: {  	_ =	swait.ge [sflag:s29], $0x2800  }
0x20f: {  	[sflag:s29] =	ssyncset.done $0x0  }
0x210: {  	[sflag:s29] =	ssyncadd.s32 $0xFFFFD800  }
0x211: {  	s14 =	simm.s32 $0x0;
	[bflag:$0x0] =	sbarrier.arrive $0xFFFF  }
0x212: {  	[tilespmem:s1], [sflag:$0x1] =	stream.indirect.gather [hbm4b:s5+s0], $0x40, s14, s0, $0xb8;
	[tilespmem:$0x1BBA0] =	vst v63  }
0x213: {  	_ = 	snop  }
0x214: {  	[tilespmem:s30], [sflag:$0x2] =	stream.indirect.gather [hbm4b:s5+s0], $0x40, s0, s0, $0xb8;
	[tilespmem:$0x1BBA0] =	vst v63  }
0x215: {  	s23 =	simm.s32 $0x100  }
0x216: {  	[tilespmem:s6], [sflag:$0x3] =	stream.indirect.gather [hbm4b:s5+s0], $0x40, s23, s0, $0xb8;
	[tilespmem:$0x1BBA0] =	vst v63  }
0x217: {  	s26 =	simm.s32 $0x180  }
0x218: {  	[tilespmem:s15], [sflag:$0x4] =	stream.indirect.gather [hbm4b:s5+s0], $0x40, s26, s0, $0xb8;
	[tilespmem:$0x1BBA0] =	vst v63  }
0x219: {  	_ =	swait.ge [sflag:s16], $0x2000  }
0x21a: {  	[sflag:s16] =	ssyncset.done $0x0  }
0x21b: {  	s28 =	simm.s32 $0x2800;
	[sflag:s16] =	ssyncadd.s32 $0xFFFFE000  }
0x21c: {  	[spmem:s2] =	stream.indirect.scatter.add.f32 [tilespmem:s1], [sflag:$0x9], $0x40, s28, s0, $0xb8;
	[tilespmem:$0x1BBA0] =	vst v63  }
0x21d: {  	_ =	swait.ge [sflag:s29], $0x2000  }
0x21e: {  	[sflag:s29] =	ssyncset.done $0x0  }
0x21f: {  	s23 =	simm.s32 $0x200;
	[sflag:s29] =	ssyncadd.s32 $0xFFFFE000  }
0x220: {  	[tilespmem:s1], [sflag:$0x1] =	stream.indirect.gather [hbm4b:s5+s0], $0x40, s23, s0, $0xb8;
	[tilespmem:$0x1BBA0] =	vst v63  }
0x221: {  	_ =	swait.ge [sflag:s19], $0x2000  }
0x222: {  	[sflag:s19] =	ssyncset.done $0x0  }
0x223: {  	s26 =	simm.s32 $0x2880;
	[sflag:s19] =	ssyncadd.s32 $0xFFFFE000  }
0x224: {  	[spmem:s2] =	stream.indirect.scatter.add.f32 [tilespmem:s30], [sflag:$0x9], $0x40, s26, s0, $0xb8;
	[tilespmem:$0x1BBA0] =	vst v63  }
0x225: {  	_ =	swait.ge [sflag:s29], $0x2000  }
0x226: {  	[sflag:s29] =	ssyncset.done $0x0  }
0x227: {  	s28 =	simm.s32 $0x280;
	[sflag:s29] =	ssyncadd.s32 $0xFFFFE000  }
0x228: {  	[tilespmem:s30], [sflag:$0x2] =	stream.indirect.gather [hbm4b:s5+s0], $0x40, s28, s0, $0xb8;
	[tilespmem:$0x1BBA0] =	vst v63  }
0x229: {  	_ =	swait.ge [sflag:s21], $0x2000  }
0x22a: {  	[sflag:s21] =	ssyncset.done $0x0  }
0x22b: {  	s23 =	simm.s32 $0x2900;
	[sflag:s21] =	ssyncadd.s32 $0xFFFFE000  }
0x22c: {  	[spmem:s2] =	stream.indirect.scatter.add.f32 [tilespmem:s6], [sflag:$0x9], $0x40, s23, s0, $0xb8;
	[tilespmem:$0x1BBA0] =	vst v63  }
0x22d: {  	_ =	swait.ge [sflag:s29], $0x2000  }
0x22e: {  	[sflag:s29] =	ssyncset.done $0x0  }
0x22f: {  	s26 =	simm.s32 $0x300;
	[sflag:s29] =	ssyncadd.s32 $0xFFFFE000  }
0x230: {  	[tilespmem:s6], [sflag:$0x3] =	stream.indirect.gather [hbm4b:s5+s0], $0x40, s26, s0, $0xb8;
	[tilespmem:$0x1BBA0] =	vst v63  }
0x231: {  	_ =	swait.ge [sflag:s3], $0x2000  }
0x232: {  	p0 =	sgt.u32 s12, $0x1;
	[sflag:s3] =	ssyncset.done $0x0  }
.Ltmp4:
0x233: {  	s28 =	simm.s32 $0x2980;
	[sflag:s3] =	ssyncadd.s32 $0xFFFFE000;
	(pc) =	sbr.rel @!p0 .LBB2_11-.Ltmp4, $4  }
0x234: {  	[spmem:s2] =	stream.indirect.scatter.add.f32 [tilespmem:s15], [sflag:$0x9], $0x40, s28, s0, $0xb8;
	[tilespmem:$0x1BBA0] =	vst v63  }
0x235: {  	_ =	swait.ge [sflag:s29], $0x2000  }
0x236: {  	s14 =	simm.s32 $0x1;
	[sflag:s29] =	ssyncset.done $0x0  }
0x237: {  	s23 =	simm.s32 $0x800;
	s26 =	simm.s32 $0x380;
	[sflag:s29] =	ssyncadd.s32 $0xFFFFE000  }
.LBB2_10:
0x238: {  	[tilespmem:s15], [sflag:$0x4] =	stream.indirect.gather [hbm4b:s5+s0], $0x40, s26, s0, $0xb8;
	[tilespmem:$0x1BBA0] =	vst v63  }
0x239: {  	s14 =	sadd.s32 $0x1, s14;
	_ =	swait.ge [sflag:s16], $0x2000  }
0x23a: {  	s26 =	sshra.s32 s23, $0x2;
	p0 =	slt.u32 s14, s12;
	[sflag:s16] =	ssyncset.done $0x0  }
0x23b: {  	s28 =	sadd.s32 $0x2800, s26;
	[sflag:s16] =	ssyncadd.s32 $0xFFFFE000  }
0x23c: {  	[spmem:s2] =	stream.indirect.scatter.add.f32 [tilespmem:s1], [sflag:$0x9], $0x40, s28, s0, $0xb8;
	[tilespmem:$0x1BBA0] =	vst v63  }
0x23d: {  	_ =	swait.ge [sflag:s29], $0x2000  }
0x23e: {  	[sflag:s29] =	ssyncset.done $0x0  }
0x23f: {  	s28 =	sadd.s32 $0x200, s26;
	[sflag:s29] =	ssyncadd.s32 $0xFFFFE000  }
0x240: {  	[tilespmem:s1], [sflag:$0x1] =	stream.indirect.gather [hbm4b:s5+s0], $0x40, s28, s0, $0xb8;
	[tilespmem:$0x1BBA0] =	vst v63  }
0x241: {  	_ =	swait.ge [sflag:s19], $0x2000  }
0x242: {  	[sflag:s19] =	ssyncset.done $0x0  }
0x243: {  	s28 =	sadd.s32 $0x2880, s26;
	[sflag:s19] =	ssyncadd.s32 $0xFFFFE000  }
0x244: {  	[spmem:s2] =	stream.indirect.scatter.add.f32 [tilespmem:s30], [sflag:$0x9], $0x40, s28, s0, $0xb8;
	[tilespmem:$0x1BBA0] =	vst v63  }
0x245: {  	_ =	swait.ge [sflag:s29], $0x2000  }
0x246: {  	[sflag:s29] =	ssyncset.done $0x0  }
0x247: {  	s28 =	sadd.s32 $0x280, s26;
	[sflag:s29] =	ssyncadd.s32 $0xFFFFE000  }
0x248: {  	[tilespmem:s30], [sflag:$0x2] =	stream.indirect.gather [hbm4b:s5+s0], $0x40, s28, s0, $0xb8;
	[tilespmem:$0x1BBA0] =	vst v63  }
0x249: {  	_ =	swait.ge [sflag:s21], $0x2000  }
0x24a: {  	[sflag:s21] =	ssyncset.done $0x0  }
0x24b: {  	s28 =	sadd.s32 $0x2900, s26;
	[sflag:s21] =	ssyncadd.s32 $0xFFFFE000  }
0x24c: {  	[spmem:s2] =	stream.indirect.scatter.add.f32 [tilespmem:s6], [sflag:$0x9], $0x40, s28, s0, $0xb8;
	[tilespmem:$0x1BBA0] =	vst v63  }
0x24d: {  	_ =	swait.ge [sflag:s29], $0x2000  }
0x24e: {  	[sflag:s29] =	ssyncset.done $0x0  }
0x24f: {  	s28 =	sadd.s32 $0x300, s26;
	[sflag:s29] =	ssyncadd.s32 $0xFFFFE000  }
0x250: {  	[tilespmem:s6], [sflag:$0x3] =	stream.indirect.gather [hbm4b:s5+s0], $0x40, s28, s0, $0xb8;
	[tilespmem:$0x1BBA0] =	vst v63  }
0x251: {  	_ =	swait.ge [sflag:s3], $0x2000  }
0x252: {  	[sflag:s3] =	ssyncset.done $0x0  }
.Ltmp5:
0x253: {  	s28 =	sadd.s32 $0x2980, s26;
	[sflag:s3] =	ssyncadd.s32 $0xFFFFE000;
	(pc) =	sbr.rel @p0 .LBB2_10-.Ltmp5, $4  }
0x254: {  	[spmem:s2] =	stream.indirect.scatter.add.f32 [tilespmem:s15], [sflag:$0x9], $0x40, s28, s0, $0xb8;
	[tilespmem:$0x1BBA0] =	vst v63  }
0x255: {  	_ =	swait.ge [sflag:s29], $0x2000  }
0x256: {  	[sflag:s29] =	ssyncset.done $0x0  }
0x257: {  	s23 =	sadd.s32 $0x800, s23;
	s26 =	sadd.s32 $0x380, s26;
	[sflag:s29] =	ssyncadd.s32 $0xFFFFE000  }
.LBB2_11:
0x258: {  	[tilespmem:s15], [sflag:$0x4] =	stream.indirect.gather [hbm4b:s5+s0], $0x40, s26, s0, $0xb8;
	[tilespmem:$0x1BBA0] =	vst v63  }
0x259: {  	_ =	swait.ge [sflag:s16], $0x2000  }
0x25a: {  	[sflag:s16] =	ssyncset.done $0x0  }
0x25b: {  	s14 =	rddreg [dreg:$0x5];
	[sflag:s16] =	ssyncadd.s32 $0xFFFFE000  }
0x25c: {  	[spmem:s2] =	stream.indirect.scatter.add.f32 [tilespmem:s1], [sflag:$0x9], $0x40, s14, s0, $0xb8;
	[tilespmem:$0x1BBA0] =	vst v63  }
0x25d: {  	_ =	swait.ge [sflag:s29], $0x2000  }
0x25e: {  	[sflag:s29] =	ssyncset.done $0x0  }
0x25f: {  	[sflag:s29] =	ssyncadd.s32 $0xFFFFE000  }
0x260: {  	_ =	swait.ge [sflag:s19], $0x2000  }
0x261: {  	[sflag:s19] =	ssyncset.done $0x0  }
0x262: {  	s26 =	rddreg [dreg:$0xe];
	[sflag:s19] =	ssyncadd.s32 $0xFFFFE000  }
0x263: {  	[spmem:s2] =	stream.indirect.scatter.add.f32 [tilespmem:s30], [sflag:$0x9], $0x40, s26, s0, $0xb8;
	[tilespmem:$0x1BBA0] =	vst v63  }
0x264: {  	_ =	swait.ge [sflag:s29], $0x2000  }
0x265: {  	[sflag:s29] =	ssyncset.done $0x0  }
0x266: {  	[sflag:s29] =	ssyncadd.s32 $0xFFFFE000  }
0x267: {  	_ =	swait.ge [sflag:s21], $0x2000  }
0x268: {  	[sflag:s21] =	ssyncset.done $0x0  }
0x269: {  	s28 =	rddreg [dreg:$0x11];
	[sflag:s21] =	ssyncadd.s32 $0xFFFFE000  }
0x26a: {  	[spmem:s2] =	stream.indirect.scatter.add.f32 [tilespmem:s6], [sflag:$0x9], $0x40, s28, s0, $0xb8;
	[tilespmem:$0x1BBA0] =	vst v63  }
0x26b: {  	_ =	swait.ge [sflag:s29], $0x2000  }
0x26c: {  	[sflag:s29] =	ssyncset.done $0x0  }
0x26d: {  	[sflag:s29] =	ssyncadd.s32 $0xFFFFE000  }
0x26e: {  	_ =	swait.ge [sflag:s3], $0x2000  }
0x26f: {  	[sflag:s3] =	ssyncset.done $0x0  }
0x270: {  	s23 =	rddreg [dreg:$0x12];
	[sflag:s3] =	ssyncadd.s32 $0xFFFFE000  }
0x271: {  	[spmem:s2] =	stream.indirect.scatter.add.f32 [tilespmem:s15], [sflag:$0x9], $0x40, s23, s0, $0xb8;
	[tilespmem:$0x1BBA0] =	vst v63  }
0x272: {  	_ =	swait.ge [sflag:s29], $0x2000  }
0x273: {  	[sflag:s29] =	ssyncset.done $0x0  }
0x274: {  	[sflag:s29] =	ssyncadd.s32 $0xFFFFE000  }
0x275: {  	[bflag:$0x0] =	sbarrier.arrive $0xFFFF  }
0x276: {  	[tilespmem:s31], [sflag:$0x9] =	stream.linear.gather [spmem:s8], $0x2800, $0x38;
	[tilespmem:$0x1BBA0] =	vst v63  }
0x277: {  	_ =	swait.ge [sflag:s29], $0x2800  }
0x278: {  	[sflag:s29] =	ssyncset.done $0x0  }
0x279: {  	s26 =	rddreg [dreg:$0xa];
	[sflag:s29] =	ssyncadd.s32 $0xFFFFD800  }
0x27a: {  	[hbm4b:s26+s7] =	stream.strided.scatter [tilespmem:s31], [sflag:$0x9], $0x2800, s0, s7, $0x38;
	[tilespmem:$0x1BBA0] =	vst v63  }
0x27b: {  	_ =	swait.ge [sflag:s29], $0x2800  }
0x27c: {  	[sflag:s29] =	ssyncset.done $0x0  }
0x27d: {  	[sflag:s29] =	ssyncadd.s32 $0xFFFFD800  }
0x27e: {  	[tilespmem:s31], [sflag:$0x9] =	stream.linear.gather [spmem:s9], $0x2800, $0x38;
	[tilespmem:$0x1BBA0] =	vst v63  }
0x27f: {  	_ =	swait.ge [sflag:s29], $0x2800  }
0x280: {  	[sflag:s29] =	ssyncset.done $0x0  }
0x281: {  	s28 =	rddreg [dreg:$0xb];
	[sflag:s29] =	ssyncadd.s32 $0xFFFFD800  }
0x282: {  	[hbm4b:s28+s7] =	stream.strided.scatter [tilespmem:s31], [sflag:$0x9], $0x2800, s0, s7, $0x38;
	[tilespmem:$0x1BBA0] =	vst v63  }
0x283: {  	_ =	swait.ge [sflag:s29], $0x2800  }
0x284: {  	[sflag:s29] =	ssyncset.done $0x0  }
0x285: {  	[sflag:s29] =	ssyncadd.s32 $0xFFFFD800  }
0x286: {  	[tilespmem:s31], [sflag:$0x9] =	stream.linear.gather [spmem:s10], $0x2800, $0x38;
	[tilespmem:$0x1BBA0] =	vst v63  }
0x287: {  	_ =	swait.ge [sflag:s29], $0x2800  }
0x288: {  	[sflag:s29] =	ssyncset.done $0x0  }
0x289: {  	s23 =	rddreg [dreg:$0xc];
	[sflag:s29] =	ssyncadd.s32 $0xFFFFD800  }
0x28a: {  	[hbm4b:s23+s7] =	stream.strided.scatter [tilespmem:s31], [sflag:$0x9], $0x2800, s0, s7, $0x38;
	[tilespmem:$0x1BBA0] =	vst v63  }
0x28b: {  	_ =	swait.ge [sflag:s29], $0x2800  }
0x28c: {  	[sflag:s29] =	ssyncset.done $0x0  }
0x28d: {  	[sflag:s29] =	ssyncadd.s32 $0xFFFFD800  }
0x28e: {  	[tilespmem:s31], [sflag:$0x9] =	stream.linear.gather [spmem:s11], $0x2800, $0x38;
	[tilespmem:$0x1BBA0] =	vst v63  }
0x28f: {  	_ =	swait.ge [sflag:s29], $0x2800  }
0x290: {  	[sflag:s29] =	ssyncset.done $0x0  }
0x291: {  	s26 =	rddreg [dreg:$0xd];
	[sflag:s29] =	ssyncadd.s32 $0xFFFFD800  }
0x292: {  	[hbm4b:s26+s7] =	stream.strided.scatter [tilespmem:s31], [sflag:$0x9], $0x2800, s0, s7, $0x38;
	[tilespmem:$0x1BBA0] =	vst v63  }
0x293: {  	_ =	swait.ge [sflag:s29], $0x2800  }
0x294: {  	s25 =	sadd.s32 $0x1, s25;
	s28 =	rddreg [dreg:$0x10]  }
0x295: {  	p0 =	sne.s32 s25, s28  }
.Ltmp6:
0x296: {  	_ = 	snop;
	(pc) =	sbr.rel @p0 .LBB2_1-.Ltmp6, $3  }
0x297: {  	_ =	sdelay $0x1  }
0x298: {  	[sflag:s29] =	ssyncset.done $0x0  }
0x299: {  	[sflag:s29] =	ssyncadd.s32 $0xFFFFD800  }
0x29a: {  	_ =	sfence.sel $0x180000  }
0x29b: {  	[bflag:$0x0] =	sbarrier.arrive $0xFFFF  }
0x29c: {  	_ =	strace $0x90000047  }
0x29d: {  	s0 =	stileid.u32;
	[bflag:$0x2] =	sbarrier.arrive $0xFFFF  }
0x29e: {  	p0 =	sne.s32 s0, $0x0;
	s0 =	rddreg [dreg:$0x2]  }
0x29f: {  	s0 =	sadd.s32 @!p0 $0x100000, s0  }
0x2a0: {  	[sflag:s0] =	ssyncadd.tile.s32 @!p0 $0x1;
	_ =	shalt  }
.Lfunc_end2:
_tile_overlayer_lowered:
.L_overlay_start_2:
0x2a1: {  	(tag) =	ssettag $0x2  }
0x2a2: {  	s0 =	rddreg [dreg:$0x0];
	s2 =	stileid.u32  }
0x2a3: {  	s1 =	rddreg [dreg:$0x1];
	p0 =	sne.s32 s2, $0x0  }
0x2a4: {  	s3 =	rddreg [dreg:$0x2];
	[bflag:$0x3] =	sbarrier.arrive $0xFFFF;
	s2 =	simm.s32 @!p0 $0x1C09  }
0x2a5: {  	[timem:s3], [sflag:s2] =	dma.local @!p0 [hbm:s0], s1  }
0x2a6: {  	s0 =	simm.s32 @!p0 $0x9  }
0x2a7: {  	_ =	swait.ge @!p0 [sflag:s0], s1  }
0x2a8: {  	s1 =	ssub.s32 @!p0 $0x0, s1;
	[sflag:s0] =	ssyncset.done @!p0 $0x0  }
0x2a9: {  	[sflag:s0] =	ssyncadd.s32 @!p0 s1  }
0x2aa: {  	[bflag:$0x3] =	sbarrier.arrive $0xFFFF  }
0x2ab: {  	_ =	shalt  }

</sc_bundles>
